<compile_context>
chip_gen: v7x
topology: tpu7x:2x2x1
jax: 0.10.2.dev20260603
libtpu: 0.0.44.dev20260713+nightly
codegen_flags: <defaults>
</compile_context>

<pallas_src>
import jax
import jax.numpy as jnp
from jax import lax
from jax.experimental import pallas as pl
from jax.experimental.pallas import tpu as pltpu
from jax.experimental.pallas import tpu_sc as plsc

BATCH = 4096
SEQ = 200
D = 64

NC = 2
NS = 16
NW = NC * NS
L = 16

BW = BATCH // NW
PBW = BW + 1
ST = SEQ // 8
NBUF = 5


def _transpose_add(gbuf, sbuf, pos_v, b, s):
    iota = lax.iota(jnp.int32, L)
    ps = [pos_v[s, pl.ds(c * L, L)] for c in range(D // L)]
    c8v = [(c * L + iota) // 8 for c in range(D // L)]
    drv = [(c * L + iota) % 8 for c in range(D // L)]

    @plsc.parallel_loop(0, BW, unroll=2)
    def body(r):
        rv = jnp.full((L,), 0, jnp.int32) + r
        for c in range(D // L):
            y = gbuf[b, r, pl.ds(c * L, L)] + ps[c]
            plsc.store_scatter(sbuf.at[b], [c8v[c], drv[c], rv], y)


def _kernel_body(ids_hbm, tok_hbm, pos_hbm, out_hbm,
                 idx_v, pos_v, gbuf, sbuf, gs0, gs1, gs2, gs3, gs4,
                 ss0, ss1, ss2, ss3, ss4):
    gsem = (gs0, gs1, gs2, gs3, gs4)
    ssem = (ss0, ss1, ss2, ss3, ss4)
    wid = lax.axis_index("s") * NC + lax.axis_index("c")

    pltpu.sync_copy(ids_hbm.at[:, wid], idx_v)
    pltpu.sync_copy(pos_hbm, pos_v)

    def start_gather(s, b):
        pltpu.make_async_copy(
            tok_hbm.at[idx_v.at[lax.div(s, 8), lax.rem(s, 8)]],
            gbuf.at[b], gsem[b]).start()

    def wait_gather(b):
        pltpu.make_async_copy(
            tok_hbm.at[idx_v.at[0, 0]], gbuf.at[b], gsem[b]).wait()

    def start_store(s, b):
        pltpu.make_async_copy(
            sbuf.at[b, :, :, pl.ds(0, BW)],
            out_hbm.at[s, :, wid], ssem[b]).start()

    def wait_store(b):
        pltpu.make_async_copy(
            sbuf.at[b, :, :, pl.ds(0, BW)],
            out_hbm.at[0, :, wid], ssem[b]).wait()

    for g0 in range(3):
        start_gather(g0, g0)
    for s in (0, 1):
        start_gather(s + 3, s + 3)
        wait_gather(s)
        _transpose_add(gbuf, sbuf, pos_v, s, s)
        start_store(s, s)

    def group(g, carry):
        for j in range(NBUF):
            s = 2 + g * NBUF + j
            b = (2 + j) % NBUF
            wait_store(j)
            start_gather(s + 3, j)
            wait_gather(b)
            _transpose_add(gbuf, sbuf, pos_v, b, s)
            start_store(s, b)
        return carry

    lax.fori_loop(0, (SEQ - NBUF) // NBUF, group, 0)

    for s in (SEQ - 3, SEQ - 2, SEQ - 1):
        b = s % NBUF
        wait_store((s + 3) % NBUF)
        wait_gather(b)
        _transpose_add(gbuf, sbuf, pos_v, b, s)
        start_store(s, b)
    wait_store((SEQ - 2) % NBUF)
    wait_store((SEQ - 1) % NBUF)


def kernel(input_ids, token_table, pos_table):
    ids_phys = (input_ids.astype(jnp.int32).T
                .reshape(ST, 8, NW, BW).transpose(0, 2, 1, 3))
    tok = token_table.astype(jnp.float32)
    pos = pos_table.astype(jnp.float32)

    mesh = plsc.VectorSubcoreMesh(core_axis_name="c", subcore_axis_name="s")
    run = pl.kernel(
        _kernel_body,
        out_type=jax.ShapeDtypeStruct((SEQ, D // 8, NW, 8, BW), jnp.float32),
        mesh=mesh,
        compiler_params=pltpu.CompilerParams(
            use_tc_tiling_on_sc=False, needs_layout_passes=False),
        scratch_types=[
            pltpu.VMEM((ST, 8, BW), jnp.int32),
            pltpu.VMEM((SEQ, D), jnp.float32),
            pltpu.VMEM((NBUF, BW, D), jnp.float32),
            pltpu.VMEM((NBUF, D // 8, 8, PBW), jnp.float32),
            pltpu.SemaphoreType.DMA, pltpu.SemaphoreType.DMA,
            pltpu.SemaphoreType.DMA, pltpu.SemaphoreType.DMA,
            pltpu.SemaphoreType.DMA, pltpu.SemaphoreType.DMA,
            pltpu.SemaphoreType.DMA, pltpu.SemaphoreType.DMA,
            pltpu.SemaphoreType.DMA, pltpu.SemaphoreType.DMA,
        ],
    )
    out5 = run(ids_phys, tok, pos)
    return out5.transpose(2, 4, 0, 1, 3).reshape(BATCH, SEQ, D)

# --- scband reference (transcript-rebuilt; emitter-appended) ---
"""Pipeline reference for scband-embedding-7301444403623 (READ-ONLY COPY).

The authoritative reference and input builder live on the scoring server;
editing this copy changes nothing except your own understanding.
"""

import jax, jax.numpy as jnp
import numpy as np

VOCAB = 100000
EMBED = 64
MAX_POS = 200

def setup_inputs(seed: int = 0) -> dict:
    key = jax.random.key(seed)
    k1, k2, k3 = jax.random.split(key, 3)
    input_ids = jax.random.randint(k1, (4096, 200), 0, VOCAB, dtype=jnp.int64)
    token_table = jax.random.normal(k2, (VOCAB, EMBED), dtype=jnp.float32) * 0.02
    pos_table = jax.random.normal(k3, (MAX_POS, EMBED), dtype=jnp.float32) * 0.02
    return {"input_ids": input_ids, "token_table": token_table, "pos_table": pos_table}

def reference(input_ids, token_table, pos_table):
    # token embedding gather: [B, S, D]
    seq_len = input_ids.shape[1]
    tok_embed = jnp.take(token_table, input_ids, axis=0)
    # position embedding: arange over seq_len, broadcast over batch
    pos_idxs = jnp.arange(seq_len)
    pos_embed = jnp.expand_dims(jnp.take(pos_table, pos_idxs, axis=0), 0)
    # pos_enc_type == 'gpt': add positional embedding
    overall_embed = tok_embed + pos_embed
    # dropout with deterministic=True (training=False) is identity
    return overall_embed

if __name__ == "__main__":
    import jax
    _d = setup_inputs()
    print(jax.jit(kernel)(*tuple(_d.values())))

</pallas_src>

<mosaic_0001>
#map = affine_map<(d0, d1) -> (0, 0, 0, 0)>
#map1 = affine_map<(d0, d1) -> (0, 0)>
#map2 = affine_map<(d0, d1) -> (0, 0, 0, 0, 0)>
module attributes {stable_mosaic.version = 14 : i64} {
  func.func @_kernel_body(%arg0: i32, %arg1: i32, %arg2: memref<25x32x8x128xi32, #tpu.memory_space<hbm>>, %arg3: memref<100000x64xf32, #tpu.memory_space<hbm>>, %arg4: memref<200x64xf32, #tpu.memory_space<hbm>>, %arg5: memref<200x8x32x8x128xf32, #tpu.memory_space<hbm>>, %arg6: memref<25x8x128xi32, #tpu.memory_space<vmem>>, %arg7: memref<200x64xf32, #tpu.memory_space<vmem>>, %arg8: memref<5x128x64xf32, #tpu.memory_space<vmem>>, %arg9: memref<5x8x8x129xf32, #tpu.memory_space<vmem>>, %arg10: memref<!tpu.dma_semaphore, #tpu.memory_space<semaphore_mem>>, %arg11: memref<!tpu.dma_semaphore, #tpu.memory_space<semaphore_mem>>, %arg12: memref<!tpu.dma_semaphore, #tpu.memory_space<semaphore_mem>>, %arg13: memref<!tpu.dma_semaphore, #tpu.memory_space<semaphore_mem>>, %arg14: memref<!tpu.dma_semaphore, #tpu.memory_space<semaphore_mem>>, %arg15: memref<!tpu.dma_semaphore, #tpu.memory_space<semaphore_mem>>, %arg16: memref<!tpu.dma_semaphore, #tpu.memory_space<semaphore_mem>>, %arg17: memref<!tpu.dma_semaphore, #tpu.memory_space<semaphore_mem>>, %arg18: memref<!tpu.dma_semaphore, #tpu.memory_space<semaphore_mem>>, %arg19: memref<!tpu.dma_semaphore, #tpu.memory_space<semaphore_mem>>) attributes {dimension_semantics = [#tpu.dimension_semantics<core_parallel>, #tpu.dimension_semantics<subcore_parallel>], iteration_bounds = array<i64: 2, 16>, scalar_prefetch = 0 : i64, scratch_operands = 14 : i64, tpu.core_type = #tpu.core_type<sc_vector_subcore>, window_params = [{transform_indices = #map}, {transform_indices = #map1}, {transform_indices = #map1}, {transform_indices = #map2}]} {
    %mul3A = arith.constant 2 : i32
    %mul3A_0 = arith.muli %arg1, %mul3A : i32
    %add3A = arith.addi %mul3A_0, %arg0 : i32
    "tpu.region"() ({
      %run_scoped3A = tpu.sem_alloc : memref<!tpu.dma_semaphore, #tpu.memory_space<semaphore_mem>>
      %dma_start3A_1641 = arith.constant 0 : i32
      %dma_start3A_1642 = arith.constant 0 : i32
      %dma_start3A_1643 = arith.constant 0 : i32
      %dma_start3A_1644 = tpu.memref_slice %arg2[%dma_start3A_1641, %add3A, %dma_start3A_1642, %dma_start3A_1643] : memref<25x32x8x128xi32, #tpu.memory_space<hbm>> -> memref<25x1x8x128xi32, #tpu.memory_space<hbm>>
      %dma_start3A_1645 = tpu.memref_squeeze %dma_start3A_1644 : memref<25x1x8x128xi32, #tpu.memory_space<hbm>> -> memref<25x8x128xi32, #tpu.memory_space<hbm>>
      %dma_start3A_1646 = arith.constant 0 : i32
      %dma_start3A_1647 = arith.constant 0 : i32
      %dma_start3A_1648 = arith.constant 0 : i32
      %dma_start3A_1649 = tpu.memref_slice %arg2[%dma_start3A_1646, %add3A, %dma_start3A_1647, %dma_start3A_1648] : memref<25x32x8x128xi32, #tpu.memory_space<hbm>> -> memref<25x1x8x128xi32, #tpu.memory_space<hbm>>
      %dma_start3A_1650 = tpu.memref_squeeze %dma_start3A_1649 : memref<25x1x8x128xi32, #tpu.memory_space<hbm>> -> memref<25x8x128xi32, #tpu.memory_space<hbm>>
      tpu.enqueue_dma source(%dma_start3A_1650 : memref<25x8x128xi32, #tpu.memory_space<hbm>>) target(%arg6 : memref<25x8x128xi32, #tpu.memory_space<vmem>>) target_semaphore(%run_scoped3A : memref<!tpu.dma_semaphore, #tpu.memory_space<semaphore_mem>>)
      %dma_wait3A_1651 = arith.constant 0 : i32
      %dma_wait3A_1652 = arith.constant 0 : i32
      %dma_wait3A_1653 = arith.constant 0 : i32
      %dma_wait3A_1654 = tpu.memref_slice %arg2[%dma_wait3A_1651, %add3A, %dma_wait3A_1652, %dma_wait3A_1653] : memref<25x32x8x128xi32, #tpu.memory_space<hbm>> -> memref<25x1x8x128xi32, #tpu.memory_space<hbm>>
      %dma_wait3A_1655 = tpu.memref_squeeze %dma_wait3A_1654 : memref<25x1x8x128xi32, #tpu.memory_space<hbm>> -> memref<25x8x128xi32, #tpu.memory_space<hbm>>
      %dma_wait3A_1656 = arith.constant 0 : i32
      %dma_wait3A_1657 = arith.constant 0 : i32
      %dma_wait3A_1658 = arith.constant 0 : i32
      %dma_wait3A_1659 = tpu.memref_slice %arg2[%dma_wait3A_1656, %add3A, %dma_wait3A_1657, %dma_wait3A_1658] : memref<25x32x8x128xi32, #tpu.memory_space<hbm>> -> memref<25x1x8x128xi32, #tpu.memory_space<hbm>>
      %dma_wait3A_1660 = tpu.memref_squeeze %dma_wait3A_1659 : memref<25x1x8x128xi32, #tpu.memory_space<hbm>> -> memref<25x8x128xi32, #tpu.memory_space<hbm>>
      tpu.wait_dma2 semaphore(%run_scoped3A : memref<!tpu.dma_semaphore, #tpu.memory_space<semaphore_mem>>) src(%dma_wait3A_1660 : memref<25x8x128xi32, #tpu.memory_space<hbm>>) dst(%arg6 : memref<25x8x128xi32, #tpu.memory_space<vmem>>)
      tpu.yield
    }) : () -> ()
    "tpu.region"() ({
      %run_scoped3A = tpu.sem_alloc : memref<!tpu.dma_semaphore, #tpu.memory_space<semaphore_mem>>
      tpu.enqueue_dma source(%arg4 : memref<200x64xf32, #tpu.memory_space<hbm>>) target(%arg7 : memref<200x64xf32, #tpu.memory_space<vmem>>) target_semaphore(%run_scoped3A : memref<!tpu.dma_semaphore, #tpu.memory_space<semaphore_mem>>)
      tpu.wait_dma2 semaphore(%run_scoped3A : memref<!tpu.dma_semaphore, #tpu.memory_space<semaphore_mem>>) src(%arg4 : memref<200x64xf32, #tpu.memory_space<hbm>>) dst(%arg7 : memref<200x64xf32, #tpu.memory_space<vmem>>)
      tpu.yield
    }) : () -> ()
    %div3A = arith.constant 0 : i32
    %div3A_1 = arith.constant 8 : i32
    %div3A_2 = arith.divsi %div3A, %div3A_1 : i32
    %rem3A = arith.constant 0 : i32
    %rem3A_3 = arith.constant 8 : i32
    %rem3A_4 = arith.remsi %rem3A, %rem3A_3 : i32
    %dma_start3A = arith.constant 0 : i32
    %dma_start3A_5 = arith.constant 0 : i32
    %dma_start3A_6 = arith.constant 0 : i32
    %dma_start3A_7 = tpu.memref_slice %arg8[%dma_start3A, %dma_start3A_5, %dma_start3A_6] : memref<5x128x64xf32, #tpu.memory_space<vmem>> -> memref<1x128x64xf32, #tpu.memory_space<vmem>>
    %dma_start3A_8 = tpu.memref_squeeze %dma_start3A_7 : memref<1x128x64xf32, #tpu.memory_space<vmem>> -> memref<128x64xf32, #tpu.memory_space<vmem>>
    %dma_start3A_9 = arith.constant 0 : i32
    %dma_start3A_10 = tpu.memref_slice %arg6[%div3A_2, %rem3A_4, %dma_start3A_9] : memref<25x8x128xi32, #tpu.memory_space<vmem>> -> memref<1x1x128xi32, #tpu.memory_space<vmem>>
    %dma_start3A_11 = tpu.memref_squeeze %dma_start3A_10 : memref<1x1x128xi32, #tpu.memory_space<vmem>> -> memref<128xi32, #tpu.memory_space<vmem>>
    %dma_start3A_12 = arith.constant 0 : i32
    %dma_start3A_13 = arith.constant 0 : i32
    %dma_start3A_14 = tpu.memref_slice %arg3[%dma_start3A_12, %dma_start3A_13] : memref<100000x64xf32, #tpu.memory_space<hbm>> -> memref<100000x64xf32, #tpu.memory_space<hbm>>
    tpu.enqueue_indirect_dma source(%dma_start3A_14 : memref<100000x64xf32, #tpu.memory_space<hbm>>) target(%dma_start3A_8 : memref<128x64xf32, #tpu.memory_space<vmem>>) offsets(%dma_start3A_11 : memref<128xi32, #tpu.memory_space<vmem>>) semaphore(%arg10 : memref<!tpu.dma_semaphore, #tpu.memory_space<semaphore_mem>>)
    %div3A_15 = arith.constant 1 : i32
    %div3A_16 = arith.constant 8 : i32
    %div3A_17 = arith.divsi %div3A_15, %div3A_16 : i32
    %rem3A_18 = arith.constant 1 : i32
    %rem3A_19 = arith.constant 8 : i32
    %rem3A_20 = arith.remsi %rem3A_18, %rem3A_19 : i32
    %dma_start3A_21 = arith.constant 1 : i32
    %dma_start3A_22 = arith.constant 0 : i32
    %dma_start3A_23 = arith.constant 0 : i32
    %dma_start3A_24 = tpu.memref_slice %arg8[%dma_start3A_21, %dma_start3A_22, %dma_start3A_23] : memref<5x128x64xf32, #tpu.memory_space<vmem>> -> memref<1x128x64xf32, #tpu.memory_space<vmem>>
    %dma_start3A_25 = tpu.memref_squeeze %dma_start3A_24 : memref<1x128x64xf32, #tpu.memory_space<vmem>> -> memref<128x64xf32, #tpu.memory_space<vmem>>
    %dma_start3A_26 = arith.constant 0 : i32
    %dma_start3A_27 = tpu.memref_slice %arg6[%div3A_17, %rem3A_20, %dma_start3A_26] : memref<25x8x128xi32, #tpu.memory_space<vmem>> -> memref<1x1x128xi32, #tpu.memory_space<vmem>>
    %dma_start3A_28 = tpu.memref_squeeze %dma_start3A_27 : memref<1x1x128xi32, #tpu.memory_space<vmem>> -> memref<128xi32, #tpu.memory_space<vmem>>
    %dma_start3A_29 = arith.constant 0 : i32
    %dma_start3A_30 = arith.constant 0 : i32
    %dma_start3A_31 = tpu.memref_slice %arg3[%dma_start3A_29, %dma_start3A_30] : memref<100000x64xf32, #tpu.memory_space<hbm>> -> memref<100000x64xf32, #tpu.memory_space<hbm>>
    tpu.enqueue_indirect_dma source(%dma_start3A_31 : memref<100000x64xf32, #tpu.memory_space<hbm>>) target(%dma_start3A_25 : memref<128x64xf32, #tpu.memory_space<vmem>>) offsets(%dma_start3A_28 : memref<128xi32, #tpu.memory_space<vmem>>) semaphore(%arg11 : memref<!tpu.dma_semaphore, #tpu.memory_space<semaphore_mem>>)
    %div3A_32 = arith.constant 2 : i32
    %div3A_33 = arith.constant 8 : i32
    %div3A_34 = arith.divsi %div3A_32, %div3A_33 : i32
    %rem3A_35 = arith.constant 2 : i32
    %rem3A_36 = arith.constant 8 : i32
    %rem3A_37 = arith.remsi %rem3A_35, %rem3A_36 : i32
    %dma_start3A_38 = arith.constant 2 : i32
    %dma_start3A_39 = arith.constant 0 : i32
    %dma_start3A_40 = arith.constant 0 : i32
    %dma_start3A_41 = tpu.memref_slice %arg8[%dma_start3A_38, %dma_start3A_39, %dma_start3A_40] : memref<5x128x64xf32, #tpu.memory_space<vmem>> -> memref<1x128x64xf32, #tpu.memory_space<vmem>>
    %dma_start3A_42 = tpu.memref_squeeze %dma_start3A_41 : memref<1x128x64xf32, #tpu.memory_space<vmem>> -> memref<128x64xf32, #tpu.memory_space<vmem>>
    %dma_start3A_43 = arith.constant 0 : i32
    %dma_start3A_44 = tpu.memref_slice %arg6[%div3A_34, %rem3A_37, %dma_start3A_43] : memref<25x8x128xi32, #tpu.memory_space<vmem>> -> memref<1x1x128xi32, #tpu.memory_space<vmem>>
    %dma_start3A_45 = tpu.memref_squeeze %dma_start3A_44 : memref<1x1x128xi32, #tpu.memory_space<vmem>> -> memref<128xi32, #tpu.memory_space<vmem>>
    %dma_start3A_46 = arith.constant 0 : i32
    %dma_start3A_47 = arith.constant 0 : i32
    %dma_start3A_48 = tpu.memref_slice %arg3[%dma_start3A_46, %dma_start3A_47] : memref<100000x64xf32, #tpu.memory_space<hbm>> -> memref<100000x64xf32, #tpu.memory_space<hbm>>
    tpu.enqueue_indirect_dma source(%dma_start3A_48 : memref<100000x64xf32, #tpu.memory_space<hbm>>) target(%dma_start3A_42 : memref<128x64xf32, #tpu.memory_space<vmem>>) offsets(%dma_start3A_45 : memref<128xi32, #tpu.memory_space<vmem>>) semaphore(%arg12 : memref<!tpu.dma_semaphore, #tpu.memory_space<semaphore_mem>>)
    %div3A_49 = arith.constant 3 : i32
    %div3A_50 = arith.constant 8 : i32
    %div3A_51 = arith.divsi %div3A_49, %div3A_50 : i32
    %rem3A_52 = arith.constant 3 : i32
    %rem3A_53 = arith.constant 8 : i32
    %rem3A_54 = arith.remsi %rem3A_52, %rem3A_53 : i32
    %dma_start3A_55 = arith.constant 3 : i32
    %dma_start3A_56 = arith.constant 0 : i32
    %dma_start3A_57 = arith.constant 0 : i32
    %dma_start3A_58 = tpu.memref_slice %arg8[%dma_start3A_55, %dma_start3A_56, %dma_start3A_57] : memref<5x128x64xf32, #tpu.memory_space<vmem>> -> memref<1x128x64xf32, #tpu.memory_space<vmem>>
    %dma_start3A_59 = tpu.memref_squeeze %dma_start3A_58 : memref<1x128x64xf32, #tpu.memory_space<vmem>> -> memref<128x64xf32, #tpu.memory_space<vmem>>
    %dma_start3A_60 = arith.constant 0 : i32
    %dma_start3A_61 = tpu.memref_slice %arg6[%div3A_51, %rem3A_54, %dma_start3A_60] : memref<25x8x128xi32, #tpu.memory_space<vmem>> -> memref<1x1x128xi32, #tpu.memory_space<vmem>>
    %dma_start3A_62 = tpu.memref_squeeze %dma_start3A_61 : memref<1x1x128xi32, #tpu.memory_space<vmem>> -> memref<128xi32, #tpu.memory_space<vmem>>
    %dma_start3A_63 = arith.constant 0 : i32
    %dma_start3A_64 = arith.constant 0 : i32
    %dma_start3A_65 = tpu.memref_slice %arg3[%dma_start3A_63, %dma_start3A_64] : memref<100000x64xf32, #tpu.memory_space<hbm>> -> memref<100000x64xf32, #tpu.memory_space<hbm>>
    tpu.enqueue_indirect_dma source(%dma_start3A_65 : memref<100000x64xf32, #tpu.memory_space<hbm>>) target(%dma_start3A_59 : memref<128x64xf32, #tpu.memory_space<vmem>>) offsets(%dma_start3A_62 : memref<128xi32, #tpu.memory_space<vmem>>) semaphore(%arg13 : memref<!tpu.dma_semaphore, #tpu.memory_space<semaphore_mem>>)
    %dma_wait3A = arith.constant 0 : i32
    %dma_wait3A_66 = arith.constant 0 : i32
    %dma_wait3A_67 = arith.constant 0 : i32
    %dma_wait3A_68 = arith.constant 0 : i32
    %dma_wait3A_69 = arith.constant 0 : i32
    %dma_wait3A_70 = tpu.memref_slice %arg8[%dma_wait3A_67, %dma_wait3A_68, %dma_wait3A_69] : memref<5x128x64xf32, #tpu.memory_space<vmem>> -> memref<1x128x64xf32, #tpu.memory_space<vmem>>
    %dma_wait3A_71 = tpu.memref_squeeze %dma_wait3A_70 : memref<1x128x64xf32, #tpu.memory_space<vmem>> -> memref<128x64xf32, #tpu.memory_space<vmem>>
    %dma_wait3A_72 = arith.constant 0 : i32
    %dma_wait3A_73 = tpu.memref_slice %arg6[%dma_wait3A, %dma_wait3A_66, %dma_wait3A_72] : memref<25x8x128xi32, #tpu.memory_space<vmem>> -> memref<1x1x128xi32, #tpu.memory_space<vmem>>
    %dma_wait3A_74 = tpu.memref_squeeze %dma_wait3A_73 : memref<1x1x128xi32, #tpu.memory_space<vmem>> -> memref<128xi32, #tpu.memory_space<vmem>>
    %dma_wait3A_75 = arith.constant 0 : i32
    %dma_wait3A_76 = arith.constant 0 : i32
    %dma_wait3A_77 = tpu.memref_slice %arg3[%dma_wait3A_75, %dma_wait3A_76] : memref<100000x64xf32, #tpu.memory_space<hbm>> -> memref<100000x64xf32, #tpu.memory_space<hbm>>
    tpu.wait_indirect_dma semaphore(%arg10 : memref<!tpu.dma_semaphore, #tpu.memory_space<semaphore_mem>>) src(%dma_wait3A_77 : memref<100000x64xf32, #tpu.memory_space<hbm>>) dst(%dma_wait3A_71 : memref<128x64xf32, #tpu.memory_space<vmem>>)
    %iota3A = tpu.iota {dimensions = array<i32: 0>} : vector<16xi32>
    %get3A = arith.constant 0 : i32
    %get3A_78 = arith.index_cast %get3A : i32 to index
    %get3A_79 = arith.constant 0 : index
    %get3A_80 = tpu.vector_load %arg7[%get3A_78, %get3A_79] {strides = array<i32>} : memref<200x64xf32, #tpu.memory_space<vmem>>, vector<16xf32>,
    %get3A_81 = arith.constant 0 : i32
    %get3A_82 = arith.index_cast %get3A_81 : i32 to index
    %get3A_83 = arith.constant 16 : index
    %get3A_84 = tpu.vector_load %arg7[%get3A_82, %get3A_83] {strides = array<i32>} : memref<200x64xf32, #tpu.memory_space<vmem>>, vector<16xf32>,
    %get3A_85 = arith.constant 0 : i32
    %get3A_86 = arith.index_cast %get3A_85 : i32 to index
    %get3A_87 = arith.constant 32 : index
    %get3A_88 = tpu.vector_load %arg7[%get3A_86, %get3A_87] {strides = array<i32>} : memref<200x64xf32, #tpu.memory_space<vmem>>, vector<16xf32>,
    %get3A_89 = arith.constant 0 : i32
    %get3A_90 = arith.index_cast %get3A_89 : i32 to index
    %get3A_91 = arith.constant 48 : index
    %get3A_92 = tpu.vector_load %arg7[%get3A_90, %get3A_91] {strides = array<i32>} : memref<200x64xf32, #tpu.memory_space<vmem>>, vector<16xf32>,
    %add3A_93 = arith.constant 0 : i32
    %add3A_94 = vector.broadcast %add3A_93 : i32 to vector<16xi32>
    %add3A_95 = arith.addi %add3A_94, %iota3A : vector<16xi32>
    %jit3A = arith.constant 8 : i32
    %div3A_96 = vector.broadcast %jit3A : i32 to vector<16xi32>
    %div3A_97 = arith.divsi %add3A_95, %div3A_96 : vector<16xi32>
    %sign3A = arith.constant 0 : i32
    %sign3A_98 = vector.broadcast %sign3A : i32 to vector<16xi32>
    %sign3A_99 = arith.cmpi sgt, %add3A_95, %sign3A_98 : vector<16xi32>
    %sign3A_100 = arith.extui %sign3A_99 : vector<16xi1> to vector<16xi32>
    %sign3A_101 = arith.constant 0 : i32
    %sign3A_102 = vector.broadcast %sign3A_101 : i32 to vector<16xi32>
    %sign3A_103 = arith.cmpi slt, %add3A_95, %sign3A_102 : vector<16xi32>
    %sign3A_104 = arith.extui %sign3A_103 : vector<16xi1> to vector<16xi32>
    %sign3A_105 = arith.subi %sign3A_100, %sign3A_104 : vector<16xi32>
    %sign3A_106 = arith.constant 0 : i32
    %sign3A_107 = arith.cmpi sgt, %jit3A, %sign3A_106 : i32
    %sign3A_108 = arith.extui %sign3A_107 : i1 to i32
    %sign3A_109 = arith.constant 0 : i32
    %sign3A_110 = arith.cmpi slt, %jit3A, %sign3A_109 : i32
    %sign3A_111 = arith.extui %sign3A_110 : i1 to i32
    %sign3A_112 = arith.subi %sign3A_108, %sign3A_111 : i32
    %ne3A = vector.broadcast %sign3A_112 : i32 to vector<16xi32>
    %ne3A_113 = arith.cmpi ne, %sign3A_105, %ne3A : vector<16xi32>
    %rem3A_114 = vector.broadcast %jit3A : i32 to vector<16xi32>
    %rem3A_115 = arith.remsi %add3A_95, %rem3A_114 : vector<16xi32>
    %ne3A_116 = arith.constant 0 : i32
    %ne3A_117 = vector.broadcast %ne3A_116 : i32 to vector<16xi32>
    %ne3A_118 = arith.cmpi ne, %rem3A_115, %ne3A_117 : vector<16xi32>
    %and3A = arith.andi %ne3A_113, %ne3A_118 : vector<16xi1>
    %sub3A = arith.constant 1 : i32
    %sub3A_119 = vector.broadcast %sub3A : i32 to vector<16xi32>
    %sub3A_120 = arith.subi %div3A_97, %sub3A_119 : vector<16xi32>
    %select_n3A = arith.select %and3A, %sub3A_120, %div3A_97 : vector<16xi1>, vector<16xi32>
    %add3A_121 = arith.constant 16 : i32
    %add3A_122 = vector.broadcast %add3A_121 : i32 to vector<16xi32>
    %add3A_123 = arith.addi %add3A_122, %iota3A : vector<16xi32>
    %jit3A_124 = arith.constant 8 : i32
    %div3A_125 = vector.broadcast %jit3A_124 : i32 to vector<16xi32>
    %div3A_126 = arith.divsi %add3A_123, %div3A_125 : vector<16xi32>
    %sign3A_127 = arith.constant 0 : i32
    %sign3A_128 = vector.broadcast %sign3A_127 : i32 to vector<16xi32>
    %sign3A_129 = arith.cmpi sgt, %add3A_123, %sign3A_128 : vector<16xi32>
    %sign3A_130 = arith.extui %sign3A_129 : vector<16xi1> to vector<16xi32>
    %sign3A_131 = arith.constant 0 : i32
    %sign3A_132 = vector.broadcast %sign3A_131 : i32 to vector<16xi32>
    %sign3A_133 = arith.cmpi slt, %add3A_123, %sign3A_132 : vector<16xi32>
    %sign3A_134 = arith.extui %sign3A_133 : vector<16xi1> to vector<16xi32>
    %sign3A_135 = arith.subi %sign3A_130, %sign3A_134 : vector<16xi32>
    %sign3A_136 = arith.constant 0 : i32
    %sign3A_137 = arith.cmpi sgt, %jit3A_124, %sign3A_136 : i32
    %sign3A_138 = arith.extui %sign3A_137 : i1 to i32
    %sign3A_139 = arith.constant 0 : i32
    %sign3A_140 = arith.cmpi slt, %jit3A_124, %sign3A_139 : i32
    %sign3A_141 = arith.extui %sign3A_140 : i1 to i32
    %sign3A_142 = arith.subi %sign3A_138, %sign3A_141 : i32
    %ne3A_143 = vector.broadcast %sign3A_142 : i32 to vector<16xi32>
    %ne3A_144 = arith.cmpi ne, %sign3A_135, %ne3A_143 : vector<16xi32>
    %rem3A_145 = vector.broadcast %jit3A_124 : i32 to vector<16xi32>
    %rem3A_146 = arith.remsi %add3A_123, %rem3A_145 : vector<16xi32>
    %ne3A_147 = arith.constant 0 : i32
    %ne3A_148 = vector.broadcast %ne3A_147 : i32 to vector<16xi32>
    %ne3A_149 = arith.cmpi ne, %rem3A_146, %ne3A_148 : vector<16xi32>
    %and3A_150 = arith.andi %ne3A_144, %ne3A_149 : vector<16xi1>
    %sub3A_151 = arith.constant 1 : i32
    %sub3A_152 = vector.broadcast %sub3A_151 : i32 to vector<16xi32>
    %sub3A_153 = arith.subi %div3A_126, %sub3A_152 : vector<16xi32>
    %select_n3A_154 = arith.select %and3A_150, %sub3A_153, %div3A_126 : vector<16xi1>, vector<16xi32>
    %add3A_155 = arith.constant 32 : i32
    %add3A_156 = vector.broadcast %add3A_155 : i32 to vector<16xi32>
    %add3A_157 = arith.addi %add3A_156, %iota3A : vector<16xi32>
    %jit3A_158 = arith.constant 8 : i32
    %div3A_159 = vector.broadcast %jit3A_158 : i32 to vector<16xi32>
    %div3A_160 = arith.divsi %add3A_157, %div3A_159 : vector<16xi32>
    %sign3A_161 = arith.constant 0 : i32
    %sign3A_162 = vector.broadcast %sign3A_161 : i32 to vector<16xi32>
    %sign3A_163 = arith.cmpi sgt, %add3A_157, %sign3A_162 : vector<16xi32>
    %sign3A_164 = arith.extui %sign3A_163 : vector<16xi1> to vector<16xi32>
    %sign3A_165 = arith.constant 0 : i32
    %sign3A_166 = vector.broadcast %sign3A_165 : i32 to vector<16xi32>
    %sign3A_167 = arith.cmpi slt, %add3A_157, %sign3A_166 : vector<16xi32>
    %sign3A_168 = arith.extui %sign3A_167 : vector<16xi1> to vector<16xi32>
    %sign3A_169 = arith.subi %sign3A_164, %sign3A_168 : vector<16xi32>
    %sign3A_170 = arith.constant 0 : i32
    %sign3A_171 = arith.cmpi sgt, %jit3A_158, %sign3A_170 : i32
    %sign3A_172 = arith.extui %sign3A_171 : i1 to i32
    %sign3A_173 = arith.constant 0 : i32
    %sign3A_174 = arith.cmpi slt, %jit3A_158, %sign3A_173 : i32
    %sign3A_175 = arith.extui %sign3A_174 : i1 to i32
    %sign3A_176 = arith.subi %sign3A_172, %sign3A_175 : i32
    %ne3A_177 = vector.broadcast %sign3A_176 : i32 to vector<16xi32>
    %ne3A_178 = arith.cmpi ne, %sign3A_169, %ne3A_177 : vector<16xi32>
    %rem3A_179 = vector.broadcast %jit3A_158 : i32 to vector<16xi32>
    %rem3A_180 = arith.remsi %add3A_157, %rem3A_179 : vector<16xi32>
    %ne3A_181 = arith.constant 0 : i32
    %ne3A_182 = vector.broadcast %ne3A_181 : i32 to vector<16xi32>
    %ne3A_183 = arith.cmpi ne, %rem3A_180, %ne3A_182 : vector<16xi32>
    %and3A_184 = arith.andi %ne3A_178, %ne3A_183 : vector<16xi1>
    %sub3A_185 = arith.constant 1 : i32
    %sub3A_186 = vector.broadcast %sub3A_185 : i32 to vector<16xi32>
    %sub3A_187 = arith.subi %div3A_160, %sub3A_186 : vector<16xi32>
    %select_n3A_188 = arith.select %and3A_184, %sub3A_187, %div3A_160 : vector<16xi1>, vector<16xi32>
    %add3A_189 = arith.constant 48 : i32
    %add3A_190 = vector.broadcast %add3A_189 : i32 to vector<16xi32>
    %add3A_191 = arith.addi %add3A_190, %iota3A : vector<16xi32>
    %jit3A_192 = arith.constant 8 : i32
    %div3A_193 = vector.broadcast %jit3A_192 : i32 to vector<16xi32>
    %div3A_194 = arith.divsi %add3A_191, %div3A_193 : vector<16xi32>
    %sign3A_195 = arith.constant 0 : i32
    %sign3A_196 = vector.broadcast %sign3A_195 : i32 to vector<16xi32>
    %sign3A_197 = arith.cmpi sgt, %add3A_191, %sign3A_196 : vector<16xi32>
    %sign3A_198 = arith.extui %sign3A_197 : vector<16xi1> to vector<16xi32>
    %sign3A_199 = arith.constant 0 : i32
    %sign3A_200 = vector.broadcast %sign3A_199 : i32 to vector<16xi32>
    %sign3A_201 = arith.cmpi slt, %add3A_191, %sign3A_200 : vector<16xi32>
    %sign3A_202 = arith.extui %sign3A_201 : vector<16xi1> to vector<16xi32>
    %sign3A_203 = arith.subi %sign3A_198, %sign3A_202 : vector<16xi32>
    %sign3A_204 = arith.constant 0 : i32
    %sign3A_205 = arith.cmpi sgt, %jit3A_192, %sign3A_204 : i32
    %sign3A_206 = arith.extui %sign3A_205 : i1 to i32
    %sign3A_207 = arith.constant 0 : i32
    %sign3A_208 = arith.cmpi slt, %jit3A_192, %sign3A_207 : i32
    %sign3A_209 = arith.extui %sign3A_208 : i1 to i32
    %sign3A_210 = arith.subi %sign3A_206, %sign3A_209 : i32
    %ne3A_211 = vector.broadcast %sign3A_210 : i32 to vector<16xi32>
    %ne3A_212 = arith.cmpi ne, %sign3A_203, %ne3A_211 : vector<16xi32>
    %rem3A_213 = vector.broadcast %jit3A_192 : i32 to vector<16xi32>
    %rem3A_214 = arith.remsi %add3A_191, %rem3A_213 : vector<16xi32>
    %ne3A_215 = arith.constant 0 : i32
    %ne3A_216 = vector.broadcast %ne3A_215 : i32 to vector<16xi32>
    %ne3A_217 = arith.cmpi ne, %rem3A_214, %ne3A_216 : vector<16xi32>
    %and3A_218 = arith.andi %ne3A_212, %ne3A_217 : vector<16xi1>
    %sub3A_219 = arith.constant 1 : i32
    %sub3A_220 = vector.broadcast %sub3A_219 : i32 to vector<16xi32>
    %sub3A_221 = arith.subi %div3A_194, %sub3A_220 : vector<16xi32>
    %select_n3A_222 = arith.select %and3A_218, %sub3A_221, %div3A_194 : vector<16xi1>, vector<16xi32>
    %add3A_223 = arith.constant 0 : i32
    %add3A_224 = vector.broadcast %add3A_223 : i32 to vector<16xi32>
    %add3A_225 = arith.addi %add3A_224, %iota3A : vector<16xi32>
    %jit3A_226 = arith.constant 8 : i32
    %eq3A = arith.constant 0 : i32
    %eq3A_227 = arith.cmpi eq, %jit3A_226, %eq3A : i32
    %jit3A_228 = arith.constant 1 : i32
    %select_n3A_229 = arith.select %eq3A_227, %jit3A_228, %jit3A_226 : i32
    %rem3A_230 = vector.broadcast %select_n3A_229 : i32 to vector<16xi32>
    %rem3A_231 = arith.remsi %add3A_225, %rem3A_230 : vector<16xi32>
    %ne3A_232 = arith.constant 0 : i32
    %ne3A_233 = vector.broadcast %ne3A_232 : i32 to vector<16xi32>
    %ne3A_234 = arith.cmpi ne, %rem3A_231, %ne3A_233 : vector<16xi32>
    %lt3A = arith.constant 0 : i32
    %lt3A_235 = vector.broadcast %lt3A : i32 to vector<16xi32>
    %lt3A_236 = arith.cmpi slt, %rem3A_231, %lt3A_235 : vector<16xi32>
    %lt3A_237 = arith.constant 0 : i32
    %lt3A_238 = arith.cmpi slt, %select_n3A_229, %lt3A_237 : i32
    %ne3A_239 = vector.broadcast %lt3A_238 : i1 to vector<16xi1>
    %ne3A_240 = vector.broadcast %ne3A_239 : vector<16xi1> to vector<16xi1>
    %ne3A_241 = arith.xori %lt3A_236, %ne3A_240 : vector<16xi1>
    %and3A_242 = arith.andi %ne3A_241, %ne3A_234 : vector<16xi1>
    %add3A_243 = vector.broadcast %select_n3A_229 : i32 to vector<16xi32>
    %add3A_244 = arith.addi %rem3A_231, %add3A_243 : vector<16xi32>
    %select_n3A_245 = arith.select %and3A_242, %add3A_244, %rem3A_231 : vector<16xi1>, vector<16xi32>
    %add3A_246 = arith.constant 16 : i32
    %add3A_247 = vector.broadcast %add3A_246 : i32 to vector<16xi32>
    %add3A_248 = arith.addi %add3A_247, %iota3A : vector<16xi32>
    %jit3A_249 = arith.constant 8 : i32
    %eq3A_250 = arith.constant 0 : i32
    %eq3A_251 = arith.cmpi eq, %jit3A_249, %eq3A_250 : i32
    %jit3A_252 = arith.constant 1 : i32
    %select_n3A_253 = arith.select %eq3A_251, %jit3A_252, %jit3A_249 : i32
    %rem3A_254 = vector.broadcast %select_n3A_253 : i32 to vector<16xi32>
    %rem3A_255 = arith.remsi %add3A_248, %rem3A_254 : vector<16xi32>
    %ne3A_256 = arith.constant 0 : i32
    %ne3A_257 = vector.broadcast %ne3A_256 : i32 to vector<16xi32>
    %ne3A_258 = arith.cmpi ne, %rem3A_255, %ne3A_257 : vector<16xi32>
    %lt3A_259 = arith.constant 0 : i32
    %lt3A_260 = vector.broadcast %lt3A_259 : i32 to vector<16xi32>
    %lt3A_261 = arith.cmpi slt, %rem3A_255, %lt3A_260 : vector<16xi32>
    %lt3A_262 = arith.constant 0 : i32
    %lt3A_263 = arith.cmpi slt, %select_n3A_253, %lt3A_262 : i32
    %ne3A_264 = vector.broadcast %lt3A_263 : i1 to vector<16xi1>
    %ne3A_265 = vector.broadcast %ne3A_264 : vector<16xi1> to vector<16xi1>
    %ne3A_266 = arith.xori %lt3A_261, %ne3A_265 : vector<16xi1>
    %and3A_267 = arith.andi %ne3A_266, %ne3A_258 : vector<16xi1>
    %add3A_268 = vector.broadcast %select_n3A_253 : i32 to vector<16xi32>
    %add3A_269 = arith.addi %rem3A_255, %add3A_268 : vector<16xi32>
    %select_n3A_270 = arith.select %and3A_267, %add3A_269, %rem3A_255 : vector<16xi1>, vector<16xi32>
    %add3A_271 = arith.constant 32 : i32
    %add3A_272 = vector.broadcast %add3A_271 : i32 to vector<16xi32>
    %add3A_273 = arith.addi %add3A_272, %iota3A : vector<16xi32>
    %jit3A_274 = arith.constant 8 : i32
    %eq3A_275 = arith.constant 0 : i32
    %eq3A_276 = arith.cmpi eq, %jit3A_274, %eq3A_275 : i32
    %jit3A_277 = arith.constant 1 : i32
    %select_n3A_278 = arith.select %eq3A_276, %jit3A_277, %jit3A_274 : i32
    %rem3A_279 = vector.broadcast %select_n3A_278 : i32 to vector<16xi32>
    %rem3A_280 = arith.remsi %add3A_273, %rem3A_279 : vector<16xi32>
    %ne3A_281 = arith.constant 0 : i32
    %ne3A_282 = vector.broadcast %ne3A_281 : i32 to vector<16xi32>
    %ne3A_283 = arith.cmpi ne, %rem3A_280, %ne3A_282 : vector<16xi32>
    %lt3A_284 = arith.constant 0 : i32
    %lt3A_285 = vector.broadcast %lt3A_284 : i32 to vector<16xi32>
    %lt3A_286 = arith.cmpi slt, %rem3A_280, %lt3A_285 : vector<16xi32>
    %lt3A_287 = arith.constant 0 : i32
    %lt3A_288 = arith.cmpi slt, %select_n3A_278, %lt3A_287 : i32
    %ne3A_289 = vector.broadcast %lt3A_288 : i1 to vector<16xi1>
    %ne3A_290 = vector.broadcast %ne3A_289 : vector<16xi1> to vector<16xi1>
    %ne3A_291 = arith.xori %lt3A_286, %ne3A_290 : vector<16xi1>
    %and3A_292 = arith.andi %ne3A_291, %ne3A_283 : vector<16xi1>
    %add3A_293 = vector.broadcast %select_n3A_278 : i32 to vector<16xi32>
    %add3A_294 = arith.addi %rem3A_280, %add3A_293 : vector<16xi32>
    %select_n3A_295 = arith.select %and3A_292, %add3A_294, %rem3A_280 : vector<16xi1>, vector<16xi32>
    %add3A_296 = arith.constant 48 : i32
    %add3A_297 = vector.broadcast %add3A_296 : i32 to vector<16xi32>
    %add3A_298 = arith.addi %add3A_297, %iota3A : vector<16xi32>
    %jit3A_299 = arith.constant 8 : i32
    %eq3A_300 = arith.constant 0 : i32
    %eq3A_301 = arith.cmpi eq, %jit3A_299, %eq3A_300 : i32
    %jit3A_302 = arith.constant 1 : i32
    %select_n3A_303 = arith.select %eq3A_301, %jit3A_302, %jit3A_299 : i32
    %rem3A_304 = vector.broadcast %select_n3A_303 : i32 to vector<16xi32>
    %rem3A_305 = arith.remsi %add3A_298, %rem3A_304 : vector<16xi32>
    %ne3A_306 = arith.constant 0 : i32
    %ne3A_307 = vector.broadcast %ne3A_306 : i32 to vector<16xi32>
    %ne3A_308 = arith.cmpi ne, %rem3A_305, %ne3A_307 : vector<16xi32>
    %lt3A_309 = arith.constant 0 : i32
    %lt3A_310 = vector.broadcast %lt3A_309 : i32 to vector<16xi32>
    %lt3A_311 = arith.cmpi slt, %rem3A_305, %lt3A_310 : vector<16xi32>
    %lt3A_312 = arith.constant 0 : i32
    %lt3A_313 = arith.cmpi slt, %select_n3A_303, %lt3A_312 : i32
    %ne3A_314 = vector.broadcast %lt3A_313 : i1 to vector<16xi1>
    %ne3A_315 = vector.broadcast %ne3A_314 : vector<16xi1> to vector<16xi1>
    %ne3A_316 = arith.xori %lt3A_311, %ne3A_315 : vector<16xi1>
    %and3A_317 = arith.andi %ne3A_316, %ne3A_308 : vector<16xi1>
    %add3A_318 = vector.broadcast %select_n3A_303 : i32 to vector<16xi32>
    %add3A_319 = arith.addi %rem3A_305, %add3A_318 : vector<16xi32>
    %select_n3A_320 = arith.select %and3A_317, %add3A_319, %rem3A_305 : vector<16xi1>, vector<16xi32>
    %parallel_loop3A = arith.constant 0 : i32
    %parallel_loop3A_321 = arith.constant 128 : i32
    %parallel_loop3A_322 = arith.constant 1 : i32
    scf.for %parallel_loop3A_1641 = %parallel_loop3A to %parallel_loop3A_321 step %parallel_loop3A_322  : i32 {
      %parallel_loop3A_1642 = arith.constant 0 : i32
      %parallel_loop3A_1643 = vector.broadcast %parallel_loop3A_1642 : i32 to vector<16xi32>
      %parallel_loop3A_1644 = vector.broadcast %parallel_loop3A_1641 : i32 to vector<16xi32>
      %parallel_loop3A_1645 = arith.addi %parallel_loop3A_1643, %parallel_loop3A_1644 : vector<16xi32>
      %parallel_loop3A_1646 = arith.constant 0 : i32
      %parallel_loop3A_1647 = arith.index_cast %parallel_loop3A_1646 : i32 to index
      %parallel_loop3A_1648 = arith.index_cast %parallel_loop3A_1641 : i32 to index
      %parallel_loop3A_1649 = arith.constant 0 : index
      %parallel_loop3A_1650 = tpu.vector_load %arg8[%parallel_loop3A_1647, %parallel_loop3A_1648, %parallel_loop3A_1649] {strides = array<i32>} : memref<5x128x64xf32, #tpu.memory_space<vmem>>, vector<16xf32>,
      %parallel_loop3A_1651 = arith.addf %parallel_loop3A_1650, %get3A_80 : vector<16xf32>
      %parallel_loop3A_1652 = arith.constant 0 : i32
      %parallel_loop3A_1653 = arith.constant 0 : i32
      %parallel_loop3A_1654 = arith.constant 0 : i32
      %parallel_loop3A_1655 = arith.constant 0 : i32
      %parallel_loop3A_1656 = tpu.memref_slice %arg9[%parallel_loop3A_1652, %parallel_loop3A_1653, %parallel_loop3A_1654, %parallel_loop3A_1655] : memref<5x8x8x129xf32, #tpu.memory_space<vmem>> -> memref<1x8x8x129xf32, #tpu.memory_space<vmem>>
      %parallel_loop3A_1657 = tpu.memref_squeeze %parallel_loop3A_1656 : memref<1x8x8x129xf32, #tpu.memory_space<vmem>> -> memref<8x8x129xf32, #tpu.memory_space<vmem>>
      tpu.vector_store_idx %parallel_loop3A_1657[%select_n3A, %select_n3A_245, %parallel_loop3A_1645], %parallel_loop3A_1651 : memref<8x8x129xf32, #tpu.memory_space<vmem>>[vector<16xi32>, vector<16xi32>, vector<16xi32>], vector<16xf32>,
      %parallel_loop3A_1658 = arith.constant 0 : i32
      %parallel_loop3A_1659 = arith.index_cast %parallel_loop3A_1658 : i32 to index
      %parallel_loop3A_1660 = arith.index_cast %parallel_loop3A_1641 : i32 to index
      %parallel_loop3A_1661 = arith.constant 16 : index
      %parallel_loop3A_1662 = tpu.vector_load %arg8[%parallel_loop3A_1659, %parallel_loop3A_1660, %parallel_loop3A_1661] {strides = array<i32>} : memref<5x128x64xf32, #tpu.memory_space<vmem>>, vector<16xf32>,
      %parallel_loop3A_1663 = arith.addf %parallel_loop3A_1662, %get3A_84 : vector<16xf32>
      %parallel_loop3A_1664 = arith.constant 0 : i32
      %parallel_loop3A_1665 = arith.constant 0 : i32
      %parallel_loop3A_1666 = arith.constant 0 : i32
      %parallel_loop3A_1667 = arith.constant 0 : i32
      %parallel_loop3A_1668 = tpu.memref_slice %arg9[%parallel_loop3A_1664, %parallel_loop3A_1665, %parallel_loop3A_1666, %parallel_loop3A_1667] : memref<5x8x8x129xf32, #tpu.memory_space<vmem>> -> memref<1x8x8x129xf32, #tpu.memory_space<vmem>>
      %parallel_loop3A_1669 = tpu.memref_squeeze %parallel_loop3A_1668 : memref<1x8x8x129xf32, #tpu.memory_space<vmem>> -> memref<8x8x129xf32, #tpu.memory_space<vmem>>
      tpu.vector_store_idx %parallel_loop3A_1669[%select_n3A_154, %select_n3A_270, %parallel_loop3A_1645], %parallel_loop3A_1663 : memref<8x8x129xf32, #tpu.memory_space<vmem>>[vector<16xi32>, vector<16xi32>, vector<16xi32>], vector<16xf32>,
      %parallel_loop3A_1670 = arith.constant 0 : i32
      %parallel_loop3A_1671 = arith.index_cast %parallel_loop3A_1670 : i32 to index
      %parallel_loop3A_1672 = arith.index_cast %parallel_loop3A_1641 : i32 to index
      %parallel_loop3A_1673 = arith.constant 32 : index
      %parallel_loop3A_1674 = tpu.vector_load %arg8[%parallel_loop3A_1671, %parallel_loop3A_1672, %parallel_loop3A_1673] {strides = array<i32>} : memref<5x128x64xf32, #tpu.memory_space<vmem>>, vector<16xf32>,
      %parallel_loop3A_1675 = arith.addf %parallel_loop3A_1674, %get3A_88 : vector<16xf32>
      %parallel_loop3A_1676 = arith.constant 0 : i32
      %parallel_loop3A_1677 = arith.constant 0 : i32
      %parallel_loop3A_1678 = arith.constant 0 : i32
      %parallel_loop3A_1679 = arith.constant 0 : i32
      %parallel_loop3A_1680 = tpu.memref_slice %arg9[%parallel_loop3A_1676, %parallel_loop3A_1677, %parallel_loop3A_1678, %parallel_loop3A_1679] : memref<5x8x8x129xf32, #tpu.memory_space<vmem>> -> memref<1x8x8x129xf32, #tpu.memory_space<vmem>>
      %parallel_loop3A_1681 = tpu.memref_squeeze %parallel_loop3A_1680 : memref<1x8x8x129xf32, #tpu.memory_space<vmem>> -> memref<8x8x129xf32, #tpu.memory_space<vmem>>
      tpu.vector_store_idx %parallel_loop3A_1681[%select_n3A_188, %select_n3A_295, %parallel_loop3A_1645], %parallel_loop3A_1675 : memref<8x8x129xf32, #tpu.memory_space<vmem>>[vector<16xi32>, vector<16xi32>, vector<16xi32>], vector<16xf32>,
      %parallel_loop3A_1682 = arith.constant 0 : i32
      %parallel_loop3A_1683 = arith.index_cast %parallel_loop3A_1682 : i32 to index
      %parallel_loop3A_1684 = arith.index_cast %parallel_loop3A_1641 : i32 to index
      %parallel_loop3A_1685 = arith.constant 48 : index
      %parallel_loop3A_1686 = tpu.vector_load %arg8[%parallel_loop3A_1683, %parallel_loop3A_1684, %parallel_loop3A_1685] {strides = array<i32>} : memref<5x128x64xf32, #tpu.memory_space<vmem>>, vector<16xf32>,
      %parallel_loop3A_1687 = arith.addf %parallel_loop3A_1686, %get3A_92 : vector<16xf32>
      %parallel_loop3A_1688 = arith.constant 0 : i32
      %parallel_loop3A_1689 = arith.constant 0 : i32
      %parallel_loop3A_1690 = arith.constant 0 : i32
      %parallel_loop3A_1691 = arith.constant 0 : i32
      %parallel_loop3A_1692 = tpu.memref_slice %arg9[%parallel_loop3A_1688, %parallel_loop3A_1689, %parallel_loop3A_1690, %parallel_loop3A_1691] : memref<5x8x8x129xf32, #tpu.memory_space<vmem>> -> memref<1x8x8x129xf32, #tpu.memory_space<vmem>>
      %parallel_loop3A_1693 = tpu.memref_squeeze %parallel_loop3A_1692 : memref<1x8x8x129xf32, #tpu.memory_space<vmem>> -> memref<8x8x129xf32, #tpu.memory_space<vmem>>
      tpu.vector_store_idx %parallel_loop3A_1693[%select_n3A_222, %select_n3A_320, %parallel_loop3A_1645], %parallel_loop3A_1687 : memref<8x8x129xf32, #tpu.memory_space<vmem>>[vector<16xi32>, vector<16xi32>, vector<16xi32>], vector<16xf32>,
    } {sc.loop_unroll_factor = 2 : i64, sc.parallel_access}
    %dma_start3A_323 = arith.constant 0 : i32
    %dma_start3A_324 = arith.constant 0 : i32
    %dma_start3A_325 = arith.constant 0 : i32
    %dma_start3A_326 = arith.constant 0 : i32
    %dma_start3A_327 = arith.constant 0 : i32
    %dma_start3A_328 = tpu.memref_slice %arg9[%dma_start3A_323, %dma_start3A_325, %dma_start3A_326, %dma_start3A_327] : memref<5x8x8x129xf32, #tpu.memory_space<vmem>> -> memref<1x8x8x128xf32, #tpu.memory_space<vmem>>
    %dma_start3A_329 = tpu.memref_squeeze %dma_start3A_328 : memref<1x8x8x128xf32, #tpu.memory_space<vmem>> -> memref<8x8x128xf32, #tpu.memory_space<vmem>>
    %dma_start3A_330 = arith.constant 0 : i32
    %dma_start3A_331 = arith.constant 0 : i32
    %dma_start3A_332 = arith.constant 0 : i32
    %dma_start3A_333 = tpu.memref_slice %arg5[%dma_start3A_324, %dma_start3A_330, %add3A, %dma_start3A_331, %dma_start3A_332] : memref<200x8x32x8x128xf32, #tpu.memory_space<hbm>> -> memref<1x8x1x8x128xf32, #tpu.memory_space<hbm>>
    %dma_start3A_334 = tpu.memref_squeeze %dma_start3A_333 : memref<1x8x1x8x128xf32, #tpu.memory_space<hbm>> -> memref<8x8x128xf32, #tpu.memory_space<hbm>>
    %dma_start3A_335 = arith.constant 0 : i32
    %dma_start3A_336 = arith.constant 0 : i32
    %dma_start3A_337 = arith.constant 0 : i32
    %dma_start3A_338 = tpu.memref_slice %arg5[%dma_start3A_324, %dma_start3A_335, %add3A, %dma_start3A_336, %dma_start3A_337] : memref<200x8x32x8x128xf32, #tpu.memory_space<hbm>> -> memref<1x8x1x8x128xf32, #tpu.memory_space<hbm>>
    %dma_start3A_339 = tpu.memref_squeeze %dma_start3A_338 : memref<1x8x1x8x128xf32, #tpu.memory_space<hbm>> -> memref<8x8x128xf32, #tpu.memory_space<hbm>>
    %dma_start3A_340 = arith.constant 0 : i32
    %dma_start3A_341 = arith.constant 0 : i32
    %dma_start3A_342 = arith.constant 0 : i32
    %dma_start3A_343 = tpu.memref_slice %arg9[%dma_start3A_323, %dma_start3A_340, %dma_start3A_341, %dma_start3A_342] : memref<5x8x8x129xf32, #tpu.memory_space<vmem>> -> memref<1x8x8x128xf32, #tpu.memory_space<vmem>>
    %dma_start3A_344 = tpu.memref_squeeze %dma_start3A_343 : memref<1x8x8x128xf32, #tpu.memory_space<vmem>> -> memref<8x8x128xf32, #tpu.memory_space<vmem>>
    tpu.enqueue_dma source(%dma_start3A_344 : memref<8x8x128xf32, #tpu.memory_space<vmem>>) target(%dma_start3A_339 : memref<8x8x128xf32, #tpu.memory_space<hbm>>) target_semaphore(%arg15 : memref<!tpu.dma_semaphore, #tpu.memory_space<semaphore_mem>>)
    %div3A_345 = arith.constant 4 : i32
    %div3A_346 = arith.constant 8 : i32
    %div3A_347 = arith.divsi %div3A_345, %div3A_346 : i32
    %rem3A_348 = arith.constant 4 : i32
    %rem3A_349 = arith.constant 8 : i32
    %rem3A_350 = arith.remsi %rem3A_348, %rem3A_349 : i32
    %dma_start3A_351 = arith.constant 4 : i32
    %dma_start3A_352 = arith.constant 0 : i32
    %dma_start3A_353 = arith.constant 0 : i32
    %dma_start3A_354 = tpu.memref_slice %arg8[%dma_start3A_351, %dma_start3A_352, %dma_start3A_353] : memref<5x128x64xf32, #tpu.memory_space<vmem>> -> memref<1x128x64xf32, #tpu.memory_space<vmem>>
    %dma_start3A_355 = tpu.memref_squeeze %dma_start3A_354 : memref<1x128x64xf32, #tpu.memory_space<vmem>> -> memref<128x64xf32, #tpu.memory_space<vmem>>
    %dma_start3A_356 = arith.constant 0 : i32
    %dma_start3A_357 = tpu.memref_slice %arg6[%div3A_347, %rem3A_350, %dma_start3A_356] : memref<25x8x128xi32, #tpu.memory_space<vmem>> -> memref<1x1x128xi32, #tpu.memory_space<vmem>>
    %dma_start3A_358 = tpu.memref_squeeze %dma_start3A_357 : memref<1x1x128xi32, #tpu.memory_space<vmem>> -> memref<128xi32, #tpu.memory_space<vmem>>
    %dma_start3A_359 = arith.constant 0 : i32
    %dma_start3A_360 = arith.constant 0 : i32
    %dma_start3A_361 = tpu.memref_slice %arg3[%dma_start3A_359, %dma_start3A_360] : memref<100000x64xf32, #tpu.memory_space<hbm>> -> memref<100000x64xf32, #tpu.memory_space<hbm>>
    tpu.enqueue_indirect_dma source(%dma_start3A_361 : memref<100000x64xf32, #tpu.memory_space<hbm>>) target(%dma_start3A_355 : memref<128x64xf32, #tpu.memory_space<vmem>>) offsets(%dma_start3A_358 : memref<128xi32, #tpu.memory_space<vmem>>) semaphore(%arg14 : memref<!tpu.dma_semaphore, #tpu.memory_space<semaphore_mem>>)
    %dma_wait3A_362 = arith.constant 0 : i32
    %dma_wait3A_363 = arith.constant 0 : i32
    %dma_wait3A_364 = arith.constant 1 : i32
    %dma_wait3A_365 = arith.constant 0 : i32
    %dma_wait3A_366 = arith.constant 0 : i32
    %dma_wait3A_367 = tpu.memref_slice %arg8[%dma_wait3A_364, %dma_wait3A_365, %dma_wait3A_366] : memref<5x128x64xf32, #tpu.memory_space<vmem>> -> memref<1x128x64xf32, #tpu.memory_space<vmem>>
    %dma_wait3A_368 = tpu.memref_squeeze %dma_wait3A_367 : memref<1x128x64xf32, #tpu.memory_space<vmem>> -> memref<128x64xf32, #tpu.memory_space<vmem>>
    %dma_wait3A_369 = arith.constant 0 : i32
    %dma_wait3A_370 = tpu.memref_slice %arg6[%dma_wait3A_362, %dma_wait3A_363, %dma_wait3A_369] : memref<25x8x128xi32, #tpu.memory_space<vmem>> -> memref<1x1x128xi32, #tpu.memory_space<vmem>>
    %dma_wait3A_371 = tpu.memref_squeeze %dma_wait3A_370 : memref<1x1x128xi32, #tpu.memory_space<vmem>> -> memref<128xi32, #tpu.memory_space<vmem>>
    %dma_wait3A_372 = arith.constant 0 : i32
    %dma_wait3A_373 = arith.constant 0 : i32
    %dma_wait3A_374 = tpu.memref_slice %arg3[%dma_wait3A_372, %dma_wait3A_373] : memref<100000x64xf32, #tpu.memory_space<hbm>> -> memref<100000x64xf32, #tpu.memory_space<hbm>>
    tpu.wait_indirect_dma semaphore(%arg11 : memref<!tpu.dma_semaphore, #tpu.memory_space<semaphore_mem>>) src(%dma_wait3A_374 : memref<100000x64xf32, #tpu.memory_space<hbm>>) dst(%dma_wait3A_368 : memref<128x64xf32, #tpu.memory_space<vmem>>)
    %iota3A_375 = tpu.iota {dimensions = array<i32: 0>} : vector<16xi32>
    %get3A_376 = arith.constant 1 : i32
    %get3A_377 = arith.index_cast %get3A_376 : i32 to index
    %get3A_378 = arith.constant 0 : index
    %get3A_379 = tpu.vector_load %arg7[%get3A_377, %get3A_378] {strides = array<i32>} : memref<200x64xf32, #tpu.memory_space<vmem>>, vector<16xf32>,
    %get3A_380 = arith.constant 1 : i32
    %get3A_381 = arith.index_cast %get3A_380 : i32 to index
    %get3A_382 = arith.constant 16 : index
    %get3A_383 = tpu.vector_load %arg7[%get3A_381, %get3A_382] {strides = array<i32>} : memref<200x64xf32, #tpu.memory_space<vmem>>, vector<16xf32>,
    %get3A_384 = arith.constant 1 : i32
    %get3A_385 = arith.index_cast %get3A_384 : i32 to index
    %get3A_386 = arith.constant 32 : index
    %get3A_387 = tpu.vector_load %arg7[%get3A_385, %get3A_386] {strides = array<i32>} : memref<200x64xf32, #tpu.memory_space<vmem>>, vector<16xf32>,
    %get3A_388 = arith.constant 1 : i32
    %get3A_389 = arith.index_cast %get3A_388 : i32 to index
    %get3A_390 = arith.constant 48 : index
    %get3A_391 = tpu.vector_load %arg7[%get3A_389, %get3A_390] {strides = array<i32>} : memref<200x64xf32, #tpu.memory_space<vmem>>, vector<16xf32>,
    %add3A_392 = arith.constant 0 : i32
    %add3A_393 = vector.broadcast %add3A_392 : i32 to vector<16xi32>
    %add3A_394 = arith.addi %add3A_393, %iota3A_375 : vector<16xi32>
    %jit3A_395 = arith.constant 8 : i32
    %div3A_396 = vector.broadcast %jit3A_395 : i32 to vector<16xi32>
    %div3A_397 = arith.divsi %add3A_394, %div3A_396 : vector<16xi32>
    %sign3A_398 = arith.constant 0 : i32
    %sign3A_399 = vector.broadcast %sign3A_398 : i32 to vector<16xi32>
    %sign3A_400 = arith.cmpi sgt, %add3A_394, %sign3A_399 : vector<16xi32>
    %sign3A_401 = arith.extui %sign3A_400 : vector<16xi1> to vector<16xi32>
    %sign3A_402 = arith.constant 0 : i32
    %sign3A_403 = vector.broadcast %sign3A_402 : i32 to vector<16xi32>
    %sign3A_404 = arith.cmpi slt, %add3A_394, %sign3A_403 : vector<16xi32>
    %sign3A_405 = arith.extui %sign3A_404 : vector<16xi1> to vector<16xi32>
    %sign3A_406 = arith.subi %sign3A_401, %sign3A_405 : vector<16xi32>
    %sign3A_407 = arith.constant 0 : i32
    %sign3A_408 = arith.cmpi sgt, %jit3A_395, %sign3A_407 : i32
    %sign3A_409 = arith.extui %sign3A_408 : i1 to i32
    %sign3A_410 = arith.constant 0 : i32
    %sign3A_411 = arith.cmpi slt, %jit3A_395, %sign3A_410 : i32
    %sign3A_412 = arith.extui %sign3A_411 : i1 to i32
    %sign3A_413 = arith.subi %sign3A_409, %sign3A_412 : i32
    %ne3A_414 = vector.broadcast %sign3A_413 : i32 to vector<16xi32>
    %ne3A_415 = arith.cmpi ne, %sign3A_406, %ne3A_414 : vector<16xi32>
    %rem3A_416 = vector.broadcast %jit3A_395 : i32 to vector<16xi32>
    %rem3A_417 = arith.remsi %add3A_394, %rem3A_416 : vector<16xi32>
    %ne3A_418 = arith.constant 0 : i32
    %ne3A_419 = vector.broadcast %ne3A_418 : i32 to vector<16xi32>
    %ne3A_420 = arith.cmpi ne, %rem3A_417, %ne3A_419 : vector<16xi32>
    %and3A_421 = arith.andi %ne3A_415, %ne3A_420 : vector<16xi1>
    %sub3A_422 = arith.constant 1 : i32
    %sub3A_423 = vector.broadcast %sub3A_422 : i32 to vector<16xi32>
    %sub3A_424 = arith.subi %div3A_397, %sub3A_423 : vector<16xi32>
    %select_n3A_425 = arith.select %and3A_421, %sub3A_424, %div3A_397 : vector<16xi1>, vector<16xi32>
    %add3A_426 = arith.constant 16 : i32
    %add3A_427 = vector.broadcast %add3A_426 : i32 to vector<16xi32>
    %add3A_428 = arith.addi %add3A_427, %iota3A_375 : vector<16xi32>
    %jit3A_429 = arith.constant 8 : i32
    %div3A_430 = vector.broadcast %jit3A_429 : i32 to vector<16xi32>
    %div3A_431 = arith.divsi %add3A_428, %div3A_430 : vector<16xi32>
    %sign3A_432 = arith.constant 0 : i32
    %sign3A_433 = vector.broadcast %sign3A_432 : i32 to vector<16xi32>
    %sign3A_434 = arith.cmpi sgt, %add3A_428, %sign3A_433 : vector<16xi32>
    %sign3A_435 = arith.extui %sign3A_434 : vector<16xi1> to vector<16xi32>
    %sign3A_436 = arith.constant 0 : i32
    %sign3A_437 = vector.broadcast %sign3A_436 : i32 to vector<16xi32>
    %sign3A_438 = arith.cmpi slt, %add3A_428, %sign3A_437 : vector<16xi32>
    %sign3A_439 = arith.extui %sign3A_438 : vector<16xi1> to vector<16xi32>
    %sign3A_440 = arith.subi %sign3A_435, %sign3A_439 : vector<16xi32>
    %sign3A_441 = arith.constant 0 : i32
    %sign3A_442 = arith.cmpi sgt, %jit3A_429, %sign3A_441 : i32
    %sign3A_443 = arith.extui %sign3A_442 : i1 to i32
    %sign3A_444 = arith.constant 0 : i32
    %sign3A_445 = arith.cmpi slt, %jit3A_429, %sign3A_444 : i32
    %sign3A_446 = arith.extui %sign3A_445 : i1 to i32
    %sign3A_447 = arith.subi %sign3A_443, %sign3A_446 : i32
    %ne3A_448 = vector.broadcast %sign3A_447 : i32 to vector<16xi32>
    %ne3A_449 = arith.cmpi ne, %sign3A_440, %ne3A_448 : vector<16xi32>
    %rem3A_450 = vector.broadcast %jit3A_429 : i32 to vector<16xi32>
    %rem3A_451 = arith.remsi %add3A_428, %rem3A_450 : vector<16xi32>
    %ne3A_452 = arith.constant 0 : i32
    %ne3A_453 = vector.broadcast %ne3A_452 : i32 to vector<16xi32>
    %ne3A_454 = arith.cmpi ne, %rem3A_451, %ne3A_453 : vector<16xi32>
    %and3A_455 = arith.andi %ne3A_449, %ne3A_454 : vector<16xi1>
    %sub3A_456 = arith.constant 1 : i32
    %sub3A_457 = vector.broadcast %sub3A_456 : i32 to vector<16xi32>
    %sub3A_458 = arith.subi %div3A_431, %sub3A_457 : vector<16xi32>
    %select_n3A_459 = arith.select %and3A_455, %sub3A_458, %div3A_431 : vector<16xi1>, vector<16xi32>
    %add3A_460 = arith.constant 32 : i32
    %add3A_461 = vector.broadcast %add3A_460 : i32 to vector<16xi32>
    %add3A_462 = arith.addi %add3A_461, %iota3A_375 : vector<16xi32>
    %jit3A_463 = arith.constant 8 : i32
    %div3A_464 = vector.broadcast %jit3A_463 : i32 to vector<16xi32>
    %div3A_465 = arith.divsi %add3A_462, %div3A_464 : vector<16xi32>
    %sign3A_466 = arith.constant 0 : i32
    %sign3A_467 = vector.broadcast %sign3A_466 : i32 to vector<16xi32>
    %sign3A_468 = arith.cmpi sgt, %add3A_462, %sign3A_467 : vector<16xi32>
    %sign3A_469 = arith.extui %sign3A_468 : vector<16xi1> to vector<16xi32>
    %sign3A_470 = arith.constant 0 : i32
    %sign3A_471 = vector.broadcast %sign3A_470 : i32 to vector<16xi32>
    %sign3A_472 = arith.cmpi slt, %add3A_462, %sign3A_471 : vector<16xi32>
    %sign3A_473 = arith.extui %sign3A_472 : vector<16xi1> to vector<16xi32>
    %sign3A_474 = arith.subi %sign3A_469, %sign3A_473 : vector<16xi32>
    %sign3A_475 = arith.constant 0 : i32
    %sign3A_476 = arith.cmpi sgt, %jit3A_463, %sign3A_475 : i32
    %sign3A_477 = arith.extui %sign3A_476 : i1 to i32
    %sign3A_478 = arith.constant 0 : i32
    %sign3A_479 = arith.cmpi slt, %jit3A_463, %sign3A_478 : i32
    %sign3A_480 = arith.extui %sign3A_479 : i1 to i32
    %sign3A_481 = arith.subi %sign3A_477, %sign3A_480 : i32
    %ne3A_482 = vector.broadcast %sign3A_481 : i32 to vector<16xi32>
    %ne3A_483 = arith.cmpi ne, %sign3A_474, %ne3A_482 : vector<16xi32>
    %rem3A_484 = vector.broadcast %jit3A_463 : i32 to vector<16xi32>
    %rem3A_485 = arith.remsi %add3A_462, %rem3A_484 : vector<16xi32>
    %ne3A_486 = arith.constant 0 : i32
    %ne3A_487 = vector.broadcast %ne3A_486 : i32 to vector<16xi32>
    %ne3A_488 = arith.cmpi ne, %rem3A_485, %ne3A_487 : vector<16xi32>
    %and3A_489 = arith.andi %ne3A_483, %ne3A_488 : vector<16xi1>
    %sub3A_490 = arith.constant 1 : i32
    %sub3A_491 = vector.broadcast %sub3A_490 : i32 to vector<16xi32>
    %sub3A_492 = arith.subi %div3A_465, %sub3A_491 : vector<16xi32>
    %select_n3A_493 = arith.select %and3A_489, %sub3A_492, %div3A_465 : vector<16xi1>, vector<16xi32>
    %add3A_494 = arith.constant 48 : i32
    %add3A_495 = vector.broadcast %add3A_494 : i32 to vector<16xi32>
    %add3A_496 = arith.addi %add3A_495, %iota3A_375 : vector<16xi32>
    %jit3A_497 = arith.constant 8 : i32
    %div3A_498 = vector.broadcast %jit3A_497 : i32 to vector<16xi32>
    %div3A_499 = arith.divsi %add3A_496, %div3A_498 : vector<16xi32>
    %sign3A_500 = arith.constant 0 : i32
    %sign3A_501 = vector.broadcast %sign3A_500 : i32 to vector<16xi32>
    %sign3A_502 = arith.cmpi sgt, %add3A_496, %sign3A_501 : vector<16xi32>
    %sign3A_503 = arith.extui %sign3A_502 : vector<16xi1> to vector<16xi32>
    %sign3A_504 = arith.constant 0 : i32
    %sign3A_505 = vector.broadcast %sign3A_504 : i32 to vector<16xi32>
    %sign3A_506 = arith.cmpi slt, %add3A_496, %sign3A_505 : vector<16xi32>
    %sign3A_507 = arith.extui %sign3A_506 : vector<16xi1> to vector<16xi32>
    %sign3A_508 = arith.subi %sign3A_503, %sign3A_507 : vector<16xi32>
    %sign3A_509 = arith.constant 0 : i32
    %sign3A_510 = arith.cmpi sgt, %jit3A_497, %sign3A_509 : i32
    %sign3A_511 = arith.extui %sign3A_510 : i1 to i32
    %sign3A_512 = arith.constant 0 : i32
    %sign3A_513 = arith.cmpi slt, %jit3A_497, %sign3A_512 : i32
    %sign3A_514 = arith.extui %sign3A_513 : i1 to i32
    %sign3A_515 = arith.subi %sign3A_511, %sign3A_514 : i32
    %ne3A_516 = vector.broadcast %sign3A_515 : i32 to vector<16xi32>
    %ne3A_517 = arith.cmpi ne, %sign3A_508, %ne3A_516 : vector<16xi32>
    %rem3A_518 = vector.broadcast %jit3A_497 : i32 to vector<16xi32>
    %rem3A_519 = arith.remsi %add3A_496, %rem3A_518 : vector<16xi32>
    %ne3A_520 = arith.constant 0 : i32
    %ne3A_521 = vector.broadcast %ne3A_520 : i32 to vector<16xi32>
    %ne3A_522 = arith.cmpi ne, %rem3A_519, %ne3A_521 : vector<16xi32>
    %and3A_523 = arith.andi %ne3A_517, %ne3A_522 : vector<16xi1>
    %sub3A_524 = arith.constant 1 : i32
    %sub3A_525 = vector.broadcast %sub3A_524 : i32 to vector<16xi32>
    %sub3A_526 = arith.subi %div3A_499, %sub3A_525 : vector<16xi32>
    %select_n3A_527 = arith.select %and3A_523, %sub3A_526, %div3A_499 : vector<16xi1>, vector<16xi32>
    %add3A_528 = arith.constant 0 : i32
    %add3A_529 = vector.broadcast %add3A_528 : i32 to vector<16xi32>
    %add3A_530 = arith.addi %add3A_529, %iota3A_375 : vector<16xi32>
    %jit3A_531 = arith.constant 8 : i32
    %eq3A_532 = arith.constant 0 : i32
    %eq3A_533 = arith.cmpi eq, %jit3A_531, %eq3A_532 : i32
    %jit3A_534 = arith.constant 1 : i32
    %select_n3A_535 = arith.select %eq3A_533, %jit3A_534, %jit3A_531 : i32
    %rem3A_536 = vector.broadcast %select_n3A_535 : i32 to vector<16xi32>
    %rem3A_537 = arith.remsi %add3A_530, %rem3A_536 : vector<16xi32>
    %ne3A_538 = arith.constant 0 : i32
    %ne3A_539 = vector.broadcast %ne3A_538 : i32 to vector<16xi32>
    %ne3A_540 = arith.cmpi ne, %rem3A_537, %ne3A_539 : vector<16xi32>
    %lt3A_541 = arith.constant 0 : i32
    %lt3A_542 = vector.broadcast %lt3A_541 : i32 to vector<16xi32>
    %lt3A_543 = arith.cmpi slt, %rem3A_537, %lt3A_542 : vector<16xi32>
    %lt3A_544 = arith.constant 0 : i32
    %lt3A_545 = arith.cmpi slt, %select_n3A_535, %lt3A_544 : i32
    %ne3A_546 = vector.broadcast %lt3A_545 : i1 to vector<16xi1>
    %ne3A_547 = vector.broadcast %ne3A_546 : vector<16xi1> to vector<16xi1>
    %ne3A_548 = arith.xori %lt3A_543, %ne3A_547 : vector<16xi1>
    %and3A_549 = arith.andi %ne3A_548, %ne3A_540 : vector<16xi1>
    %add3A_550 = vector.broadcast %select_n3A_535 : i32 to vector<16xi32>
    %add3A_551 = arith.addi %rem3A_537, %add3A_550 : vector<16xi32>
    %select_n3A_552 = arith.select %and3A_549, %add3A_551, %rem3A_537 : vector<16xi1>, vector<16xi32>
    %add3A_553 = arith.constant 16 : i32
    %add3A_554 = vector.broadcast %add3A_553 : i32 to vector<16xi32>
    %add3A_555 = arith.addi %add3A_554, %iota3A_375 : vector<16xi32>
    %jit3A_556 = arith.constant 8 : i32
    %eq3A_557 = arith.constant 0 : i32
    %eq3A_558 = arith.cmpi eq, %jit3A_556, %eq3A_557 : i32
    %jit3A_559 = arith.constant 1 : i32
    %select_n3A_560 = arith.select %eq3A_558, %jit3A_559, %jit3A_556 : i32
    %rem3A_561 = vector.broadcast %select_n3A_560 : i32 to vector<16xi32>
    %rem3A_562 = arith.remsi %add3A_555, %rem3A_561 : vector<16xi32>
    %ne3A_563 = arith.constant 0 : i32
    %ne3A_564 = vector.broadcast %ne3A_563 : i32 to vector<16xi32>
    %ne3A_565 = arith.cmpi ne, %rem3A_562, %ne3A_564 : vector<16xi32>
    %lt3A_566 = arith.constant 0 : i32
    %lt3A_567 = vector.broadcast %lt3A_566 : i32 to vector<16xi32>
    %lt3A_568 = arith.cmpi slt, %rem3A_562, %lt3A_567 : vector<16xi32>
    %lt3A_569 = arith.constant 0 : i32
    %lt3A_570 = arith.cmpi slt, %select_n3A_560, %lt3A_569 : i32
    %ne3A_571 = vector.broadcast %lt3A_570 : i1 to vector<16xi1>
    %ne3A_572 = vector.broadcast %ne3A_571 : vector<16xi1> to vector<16xi1>
    %ne3A_573 = arith.xori %lt3A_568, %ne3A_572 : vector<16xi1>
    %and3A_574 = arith.andi %ne3A_573, %ne3A_565 : vector<16xi1>
    %add3A_575 = vector.broadcast %select_n3A_560 : i32 to vector<16xi32>
    %add3A_576 = arith.addi %rem3A_562, %add3A_575 : vector<16xi32>
    %select_n3A_577 = arith.select %and3A_574, %add3A_576, %rem3A_562 : vector<16xi1>, vector<16xi32>
    %add3A_578 = arith.constant 32 : i32
    %add3A_579 = vector.broadcast %add3A_578 : i32 to vector<16xi32>
    %add3A_580 = arith.addi %add3A_579, %iota3A_375 : vector<16xi32>
    %jit3A_581 = arith.constant 8 : i32
    %eq3A_582 = arith.constant 0 : i32
    %eq3A_583 = arith.cmpi eq, %jit3A_581, %eq3A_582 : i32
    %jit3A_584 = arith.constant 1 : i32
    %select_n3A_585 = arith.select %eq3A_583, %jit3A_584, %jit3A_581 : i32
    %rem3A_586 = vector.broadcast %select_n3A_585 : i32 to vector<16xi32>
    %rem3A_587 = arith.remsi %add3A_580, %rem3A_586 : vector<16xi32>
    %ne3A_588 = arith.constant 0 : i32
    %ne3A_589 = vector.broadcast %ne3A_588 : i32 to vector<16xi32>
    %ne3A_590 = arith.cmpi ne, %rem3A_587, %ne3A_589 : vector<16xi32>
    %lt3A_591 = arith.constant 0 : i32
    %lt3A_592 = vector.broadcast %lt3A_591 : i32 to vector<16xi32>
    %lt3A_593 = arith.cmpi slt, %rem3A_587, %lt3A_592 : vector<16xi32>
    %lt3A_594 = arith.constant 0 : i32
    %lt3A_595 = arith.cmpi slt, %select_n3A_585, %lt3A_594 : i32
    %ne3A_596 = vector.broadcast %lt3A_595 : i1 to vector<16xi1>
    %ne3A_597 = vector.broadcast %ne3A_596 : vector<16xi1> to vector<16xi1>
    %ne3A_598 = arith.xori %lt3A_593, %ne3A_597 : vector<16xi1>
    %and3A_599 = arith.andi %ne3A_598, %ne3A_590 : vector<16xi1>
    %add3A_600 = vector.broadcast %select_n3A_585 : i32 to vector<16xi32>
    %add3A_601 = arith.addi %rem3A_587, %add3A_600 : vector<16xi32>
    %select_n3A_602 = arith.select %and3A_599, %add3A_601, %rem3A_587 : vector<16xi1>, vector<16xi32>
    %add3A_603 = arith.constant 48 : i32
    %add3A_604 = vector.broadcast %add3A_603 : i32 to vector<16xi32>
    %add3A_605 = arith.addi %add3A_604, %iota3A_375 : vector<16xi32>
    %jit3A_606 = arith.constant 8 : i32
    %eq3A_607 = arith.constant 0 : i32
    %eq3A_608 = arith.cmpi eq, %jit3A_606, %eq3A_607 : i32
    %jit3A_609 = arith.constant 1 : i32
    %select_n3A_610 = arith.select %eq3A_608, %jit3A_609, %jit3A_606 : i32
    %rem3A_611 = vector.broadcast %select_n3A_610 : i32 to vector<16xi32>
    %rem3A_612 = arith.remsi %add3A_605, %rem3A_611 : vector<16xi32>
    %ne3A_613 = arith.constant 0 : i32
    %ne3A_614 = vector.broadcast %ne3A_613 : i32 to vector<16xi32>
    %ne3A_615 = arith.cmpi ne, %rem3A_612, %ne3A_614 : vector<16xi32>
    %lt3A_616 = arith.constant 0 : i32
    %lt3A_617 = vector.broadcast %lt3A_616 : i32 to vector<16xi32>
    %lt3A_618 = arith.cmpi slt, %rem3A_612, %lt3A_617 : vector<16xi32>
    %lt3A_619 = arith.constant 0 : i32
    %lt3A_620 = arith.cmpi slt, %select_n3A_610, %lt3A_619 : i32
    %ne3A_621 = vector.broadcast %lt3A_620 : i1 to vector<16xi1>
    %ne3A_622 = vector.broadcast %ne3A_621 : vector<16xi1> to vector<16xi1>
    %ne3A_623 = arith.xori %lt3A_618, %ne3A_622 : vector<16xi1>
    %and3A_624 = arith.andi %ne3A_623, %ne3A_615 : vector<16xi1>
    %add3A_625 = vector.broadcast %select_n3A_610 : i32 to vector<16xi32>
    %add3A_626 = arith.addi %rem3A_612, %add3A_625 : vector<16xi32>
    %select_n3A_627 = arith.select %and3A_624, %add3A_626, %rem3A_612 : vector<16xi1>, vector<16xi32>
    %parallel_loop3A_628 = arith.constant 0 : i32
    %parallel_loop3A_629 = arith.constant 128 : i32
    %parallel_loop3A_630 = arith.constant 1 : i32
    scf.for %parallel_loop3A_1641 = %parallel_loop3A_628 to %parallel_loop3A_629 step %parallel_loop3A_630  : i32 {
      %parallel_loop3A_1642 = arith.constant 0 : i32
      %parallel_loop3A_1643 = vector.broadcast %parallel_loop3A_1642 : i32 to vector<16xi32>
      %parallel_loop3A_1644 = vector.broadcast %parallel_loop3A_1641 : i32 to vector<16xi32>
      %parallel_loop3A_1645 = arith.addi %parallel_loop3A_1643, %parallel_loop3A_1644 : vector<16xi32>
      %parallel_loop3A_1646 = arith.constant 1 : i32
      %parallel_loop3A_1647 = arith.index_cast %parallel_loop3A_1646 : i32 to index
      %parallel_loop3A_1648 = arith.index_cast %parallel_loop3A_1641 : i32 to index
      %parallel_loop3A_1649 = arith.constant 0 : index
      %parallel_loop3A_1650 = tpu.vector_load %arg8[%parallel_loop3A_1647, %parallel_loop3A_1648, %parallel_loop3A_1649] {strides = array<i32>} : memref<5x128x64xf32, #tpu.memory_space<vmem>>, vector<16xf32>,
      %parallel_loop3A_1651 = arith.addf %parallel_loop3A_1650, %get3A_379 : vector<16xf32>
      %parallel_loop3A_1652 = arith.constant 1 : i32
      %parallel_loop3A_1653 = arith.constant 0 : i32
      %parallel_loop3A_1654 = arith.constant 0 : i32
      %parallel_loop3A_1655 = arith.constant 0 : i32
      %parallel_loop3A_1656 = tpu.memref_slice %arg9[%parallel_loop3A_1652, %parallel_loop3A_1653, %parallel_loop3A_1654, %parallel_loop3A_1655] : memref<5x8x8x129xf32, #tpu.memory_space<vmem>> -> memref<1x8x8x129xf32, #tpu.memory_space<vmem>>
      %parallel_loop3A_1657 = tpu.memref_squeeze %parallel_loop3A_1656 : memref<1x8x8x129xf32, #tpu.memory_space<vmem>> -> memref<8x8x129xf32, #tpu.memory_space<vmem>>
      tpu.vector_store_idx %parallel_loop3A_1657[%select_n3A_425, %select_n3A_552, %parallel_loop3A_1645], %parallel_loop3A_1651 : memref<8x8x129xf32, #tpu.memory_space<vmem>>[vector<16xi32>, vector<16xi32>, vector<16xi32>], vector<16xf32>,
      %parallel_loop3A_1658 = arith.constant 1 : i32
      %parallel_loop3A_1659 = arith.index_cast %parallel_loop3A_1658 : i32 to index
      %parallel_loop3A_1660 = arith.index_cast %parallel_loop3A_1641 : i32 to index
      %parallel_loop3A_1661 = arith.constant 16 : index
      %parallel_loop3A_1662 = tpu.vector_load %arg8[%parallel_loop3A_1659, %parallel_loop3A_1660, %parallel_loop3A_1661] {strides = array<i32>} : memref<5x128x64xf32, #tpu.memory_space<vmem>>, vector<16xf32>,
      %parallel_loop3A_1663 = arith.addf %parallel_loop3A_1662, %get3A_383 : vector<16xf32>
      %parallel_loop3A_1664 = arith.constant 1 : i32
      %parallel_loop3A_1665 = arith.constant 0 : i32
      %parallel_loop3A_1666 = arith.constant 0 : i32
      %parallel_loop3A_1667 = arith.constant 0 : i32
      %parallel_loop3A_1668 = tpu.memref_slice %arg9[%parallel_loop3A_1664, %parallel_loop3A_1665, %parallel_loop3A_1666, %parallel_loop3A_1667] : memref<5x8x8x129xf32, #tpu.memory_space<vmem>> -> memref<1x8x8x129xf32, #tpu.memory_space<vmem>>
      %parallel_loop3A_1669 = tpu.memref_squeeze %parallel_loop3A_1668 : memref<1x8x8x129xf32, #tpu.memory_space<vmem>> -> memref<8x8x129xf32, #tpu.memory_space<vmem>>
      tpu.vector_store_idx %parallel_loop3A_1669[%select_n3A_459, %select_n3A_577, %parallel_loop3A_1645], %parallel_loop3A_1663 : memref<8x8x129xf32, #tpu.memory_space<vmem>>[vector<16xi32>, vector<16xi32>, vector<16xi32>], vector<16xf32>,
      %parallel_loop3A_1670 = arith.constant 1 : i32
      %parallel_loop3A_1671 = arith.index_cast %parallel_loop3A_1670 : i32 to index
      %parallel_loop3A_1672 = arith.index_cast %parallel_loop3A_1641 : i32 to index
      %parallel_loop3A_1673 = arith.constant 32 : index
      %parallel_loop3A_1674 = tpu.vector_load %arg8[%parallel_loop3A_1671, %parallel_loop3A_1672, %parallel_loop3A_1673] {strides = array<i32>} : memref<5x128x64xf32, #tpu.memory_space<vmem>>, vector<16xf32>,
      %parallel_loop3A_1675 = arith.addf %parallel_loop3A_1674, %get3A_387 : vector<16xf32>
      %parallel_loop3A_1676 = arith.constant 1 : i32
      %parallel_loop3A_1677 = arith.constant 0 : i32
      %parallel_loop3A_1678 = arith.constant 0 : i32
      %parallel_loop3A_1679 = arith.constant 0 : i32
      %parallel_loop3A_1680 = tpu.memref_slice %arg9[%parallel_loop3A_1676, %parallel_loop3A_1677, %parallel_loop3A_1678, %parallel_loop3A_1679] : memref<5x8x8x129xf32, #tpu.memory_space<vmem>> -> memref<1x8x8x129xf32, #tpu.memory_space<vmem>>
      %parallel_loop3A_1681 = tpu.memref_squeeze %parallel_loop3A_1680 : memref<1x8x8x129xf32, #tpu.memory_space<vmem>> -> memref<8x8x129xf32, #tpu.memory_space<vmem>>
      tpu.vector_store_idx %parallel_loop3A_1681[%select_n3A_493, %select_n3A_602, %parallel_loop3A_1645], %parallel_loop3A_1675 : memref<8x8x129xf32, #tpu.memory_space<vmem>>[vector<16xi32>, vector<16xi32>, vector<16xi32>], vector<16xf32>,
      %parallel_loop3A_1682 = arith.constant 1 : i32
      %parallel_loop3A_1683 = arith.index_cast %parallel_loop3A_1682 : i32 to index
      %parallel_loop3A_1684 = arith.index_cast %parallel_loop3A_1641 : i32 to index
      %parallel_loop3A_1685 = arith.constant 48 : index
      %parallel_loop3A_1686 = tpu.vector_load %arg8[%parallel_loop3A_1683, %parallel_loop3A_1684, %parallel_loop3A_1685] {strides = array<i32>} : memref<5x128x64xf32, #tpu.memory_space<vmem>>, vector<16xf32>,
      %parallel_loop3A_1687 = arith.addf %parallel_loop3A_1686, %get3A_391 : vector<16xf32>
      %parallel_loop3A_1688 = arith.constant 1 : i32
      %parallel_loop3A_1689 = arith.constant 0 : i32
      %parallel_loop3A_1690 = arith.constant 0 : i32
      %parallel_loop3A_1691 = arith.constant 0 : i32
      %parallel_loop3A_1692 = tpu.memref_slice %arg9[%parallel_loop3A_1688, %parallel_loop3A_1689, %parallel_loop3A_1690, %parallel_loop3A_1691] : memref<5x8x8x129xf32, #tpu.memory_space<vmem>> -> memref<1x8x8x129xf32, #tpu.memory_space<vmem>>
      %parallel_loop3A_1693 = tpu.memref_squeeze %parallel_loop3A_1692 : memref<1x8x8x129xf32, #tpu.memory_space<vmem>> -> memref<8x8x129xf32, #tpu.memory_space<vmem>>
      tpu.vector_store_idx %parallel_loop3A_1693[%select_n3A_527, %select_n3A_627, %parallel_loop3A_1645], %parallel_loop3A_1687 : memref<8x8x129xf32, #tpu.memory_space<vmem>>[vector<16xi32>, vector<16xi32>, vector<16xi32>], vector<16xf32>,
    } {sc.loop_unroll_factor = 2 : i64, sc.parallel_access}
    %dma_start3A_631 = arith.constant 1 : i32
    %dma_start3A_632 = arith.constant 1 : i32
    %dma_start3A_633 = arith.constant 0 : i32
    %dma_start3A_634 = arith.constant 0 : i32
    %dma_start3A_635 = arith.constant 0 : i32
    %dma_start3A_636 = tpu.memref_slice %arg9[%dma_start3A_631, %dma_start3A_633, %dma_start3A_634, %dma_start3A_635] : memref<5x8x8x129xf32, #tpu.memory_space<vmem>> -> memref<1x8x8x128xf32, #tpu.memory_space<vmem>>
    %dma_start3A_637 = tpu.memref_squeeze %dma_start3A_636 : memref<1x8x8x128xf32, #tpu.memory_space<vmem>> -> memref<8x8x128xf32, #tpu.memory_space<vmem>>
    %dma_start3A_638 = arith.constant 0 : i32
    %dma_start3A_639 = arith.constant 0 : i32
    %dma_start3A_640 = arith.constant 0 : i32
    %dma_start3A_641 = tpu.memref_slice %arg5[%dma_start3A_632, %dma_start3A_638, %add3A, %dma_start3A_639, %dma_start3A_640] : memref<200x8x32x8x128xf32, #tpu.memory_space<hbm>> -> memref<1x8x1x8x128xf32, #tpu.memory_space<hbm>>
    %dma_start3A_642 = tpu.memref_squeeze %dma_start3A_641 : memref<1x8x1x8x128xf32, #tpu.memory_space<hbm>> -> memref<8x8x128xf32, #tpu.memory_space<hbm>>
    %dma_start3A_643 = arith.constant 0 : i32
    %dma_start3A_644 = arith.constant 0 : i32
    %dma_start3A_645 = arith.constant 0 : i32
    %dma_start3A_646 = tpu.memref_slice %arg5[%dma_start3A_632, %dma_start3A_643, %add3A, %dma_start3A_644, %dma_start3A_645] : memref<200x8x32x8x128xf32, #tpu.memory_space<hbm>> -> memref<1x8x1x8x128xf32, #tpu.memory_space<hbm>>
    %dma_start3A_647 = tpu.memref_squeeze %dma_start3A_646 : memref<1x8x1x8x128xf32, #tpu.memory_space<hbm>> -> memref<8x8x128xf32, #tpu.memory_space<hbm>>
    %dma_start3A_648 = arith.constant 0 : i32
    %dma_start3A_649 = arith.constant 0 : i32
    %dma_start3A_650 = arith.constant 0 : i32
    %dma_start3A_651 = tpu.memref_slice %arg9[%dma_start3A_631, %dma_start3A_648, %dma_start3A_649, %dma_start3A_650] : memref<5x8x8x129xf32, #tpu.memory_space<vmem>> -> memref<1x8x8x128xf32, #tpu.memory_space<vmem>>
    %dma_start3A_652 = tpu.memref_squeeze %dma_start3A_651 : memref<1x8x8x128xf32, #tpu.memory_space<vmem>> -> memref<8x8x128xf32, #tpu.memory_space<vmem>>
    tpu.enqueue_dma source(%dma_start3A_652 : memref<8x8x128xf32, #tpu.memory_space<vmem>>) target(%dma_start3A_647 : memref<8x8x128xf32, #tpu.memory_space<hbm>>) target_semaphore(%arg16 : memref<!tpu.dma_semaphore, #tpu.memory_space<semaphore_mem>>)
    %scan3A = arith.constant 0 : i32
    %scan3A_653 = arith.constant 0 : i32
    %scan3A_654 = arith.constant 39 : i32
    %scan3A_655 = arith.addi %scan3A_653, %scan3A_654 : i32
    %scan3A_656 = arith.constant 1 : i32
    scf.for %scan3A_1641 = %scan3A_653 to %scan3A_655 step %scan3A_656  : i32 {
      %mul3A_1642 = arith.constant 5 : i32
      %mul3A_1643 = arith.muli %scan3A_1641, %mul3A_1642 : i32
      %add3A_1644 = arith.constant 2 : i32
      %add3A_1645 = arith.addi %add3A_1644, %mul3A_1643 : i32
      %add3A_1646 = arith.constant 0 : i32
      %add3A_1647 = arith.addi %add3A_1645, %add3A_1646 : i32
      %dma_wait3A_1648 = arith.constant 0 : i32
      %dma_wait3A_1649 = arith.constant 0 : i32
      %dma_wait3A_1650 = arith.constant 0 : i32
      %dma_wait3A_1651 = arith.constant 0 : i32
      %dma_wait3A_1652 = arith.constant 0 : i32
      %dma_wait3A_1653 = tpu.memref_slice %arg9[%dma_wait3A_1648, %dma_wait3A_1650, %dma_wait3A_1651, %dma_wait3A_1652] : memref<5x8x8x129xf32, #tpu.memory_space<vmem>> -> memref<1x8x8x128xf32, #tpu.memory_space<vmem>>
      %dma_wait3A_1654 = tpu.memref_squeeze %dma_wait3A_1653 : memref<1x8x8x128xf32, #tpu.memory_space<vmem>> -> memref<8x8x128xf32, #tpu.memory_space<vmem>>
      %dma_wait3A_1655 = arith.constant 0 : i32
      %dma_wait3A_1656 = arith.constant 0 : i32
      %dma_wait3A_1657 = arith.constant 0 : i32
      %dma_wait3A_1658 = tpu.memref_slice %arg5[%dma_wait3A_1649, %dma_wait3A_1655, %add3A, %dma_wait3A_1656, %dma_wait3A_1657] : memref<200x8x32x8x128xf32, #tpu.memory_space<hbm>> -> memref<1x8x1x8x128xf32, #tpu.memory_space<hbm>>
      %dma_wait3A_1659 = tpu.memref_squeeze %dma_wait3A_1658 : memref<1x8x1x8x128xf32, #tpu.memory_space<hbm>> -> memref<8x8x128xf32, #tpu.memory_space<hbm>>
      %dma_wait3A_1660 = arith.constant 0 : i32
      %dma_wait3A_1661 = arith.constant 0 : i32
      %dma_wait3A_1662 = arith.constant 0 : i32
      %dma_wait3A_1663 = tpu.memref_slice %arg5[%dma_wait3A_1649, %dma_wait3A_1660, %add3A, %dma_wait3A_1661, %dma_wait3A_1662] : memref<200x8x32x8x128xf32, #tpu.memory_space<hbm>> -> memref<1x8x1x8x128xf32, #tpu.memory_space<hbm>>
      %dma_wait3A_1664 = tpu.memref_squeeze %dma_wait3A_1663 : memref<1x8x1x8x128xf32, #tpu.memory_space<hbm>> -> memref<8x8x128xf32, #tpu.memory_space<hbm>>
      %dma_wait3A_1665 = arith.constant 0 : i32
      %dma_wait3A_1666 = arith.constant 0 : i32
      %dma_wait3A_1667 = arith.constant 0 : i32
      %dma_wait3A_1668 = tpu.memref_slice %arg9[%dma_wait3A_1648, %dma_wait3A_1665, %dma_wait3A_1666, %dma_wait3A_1667] : memref<5x8x8x129xf32, #tpu.memory_space<vmem>> -> memref<1x8x8x128xf32, #tpu.memory_space<vmem>>
      %dma_wait3A_1669 = tpu.memref_squeeze %dma_wait3A_1668 : memref<1x8x8x128xf32, #tpu.memory_space<vmem>> -> memref<8x8x128xf32, #tpu.memory_space<vmem>>
      tpu.wait_dma2 semaphore(%arg15 : memref<!tpu.dma_semaphore, #tpu.memory_space<semaphore_mem>>) src(%dma_wait3A_1669 : memref<8x8x128xf32, #tpu.memory_space<vmem>>) dst(%dma_wait3A_1664 : memref<8x8x128xf32, #tpu.memory_space<hbm>>)
      %add3A_1670 = arith.constant 3 : i32
      %add3A_1671 = arith.addi %add3A_1647, %add3A_1670 : i32
      %div3A_1672 = arith.constant 8 : i32
      %div3A_1673 = arith.divsi %add3A_1671, %div3A_1672 : i32
      %rem3A_1674 = arith.constant 8 : i32
      %rem3A_1675 = arith.remsi %add3A_1671, %rem3A_1674 : i32
      %dma_start3A_1676 = arith.constant 0 : i32
      %dma_start3A_1677 = arith.constant 0 : i32
      %dma_start3A_1678 = arith.constant 0 : i32
      %dma_start3A_1679 = tpu.memref_slice %arg8[%dma_start3A_1676, %dma_start3A_1677, %dma_start3A_1678] : memref<5x128x64xf32, #tpu.memory_space<vmem>> -> memref<1x128x64xf32, #tpu.memory_space<vmem>>
      %dma_start3A_1680 = tpu.memref_squeeze %dma_start3A_1679 : memref<1x128x64xf32, #tpu.memory_space<vmem>> -> memref<128x64xf32, #tpu.memory_space<vmem>>
      %dma_start3A_1681 = arith.constant 0 : i32
      %dma_start3A_1682 = tpu.memref_slice %arg6[%div3A_1673, %rem3A_1675, %dma_start3A_1681] : memref<25x8x128xi32, #tpu.memory_space<vmem>> -> memref<1x1x128xi32, #tpu.memory_space<vmem>>
      %dma_start3A_1683 = tpu.memref_squeeze %dma_start3A_1682 : memref<1x1x128xi32, #tpu.memory_space<vmem>> -> memref<128xi32, #tpu.memory_space<vmem>>
      %dma_start3A_1684 = arith.constant 0 : i32
      %dma_start3A_1685 = arith.constant 0 : i32
      %dma_start3A_1686 = tpu.memref_slice %arg3[%dma_start3A_1684, %dma_start3A_1685] : memref<100000x64xf32, #tpu.memory_space<hbm>> -> memref<100000x64xf32, #tpu.memory_space<hbm>>
      tpu.enqueue_indirect_dma source(%dma_start3A_1686 : memref<100000x64xf32, #tpu.memory_space<hbm>>) target(%dma_start3A_1680 : memref<128x64xf32, #tpu.memory_space<vmem>>) offsets(%dma_start3A_1683 : memref<128xi32, #tpu.memory_space<vmem>>) semaphore(%arg10 : memref<!tpu.dma_semaphore, #tpu.memory_space<semaphore_mem>>)
      %dma_wait3A_1687 = arith.constant 0 : i32
      %dma_wait3A_1688 = arith.constant 0 : i32
      %dma_wait3A_1689 = arith.constant 2 : i32
      %dma_wait3A_1690 = arith.constant 0 : i32
      %dma_wait3A_1691 = arith.constant 0 : i32
      %dma_wait3A_1692 = tpu.memref_slice %arg8[%dma_wait3A_1689, %dma_wait3A_1690, %dma_wait3A_1691] : memref<5x128x64xf32, #tpu.memory_space<vmem>> -> memref<1x128x64xf32, #tpu.memory_space<vmem>>
      %dma_wait3A_1693 = tpu.memref_squeeze %dma_wait3A_1692 : memref<1x128x64xf32, #tpu.memory_space<vmem>> -> memref<128x64xf32, #tpu.memory_space<vmem>>
      %dma_wait3A_1694 = arith.constant 0 : i32
      %dma_wait3A_1695 = tpu.memref_slice %arg6[%dma_wait3A_1687, %dma_wait3A_1688, %dma_wait3A_1694] : memref<25x8x128xi32, #tpu.memory_space<vmem>> -> memref<1x1x128xi32, #tpu.memory_space<vmem>>
      %dma_wait3A_1696 = tpu.memref_squeeze %dma_wait3A_1695 : memref<1x1x128xi32, #tpu.memory_space<vmem>> -> memref<128xi32, #tpu.memory_space<vmem>>
      %dma_wait3A_1697 = arith.constant 0 : i32
      %dma_wait3A_1698 = arith.constant 0 : i32
      %dma_wait3A_1699 = tpu.memref_slice %arg3[%dma_wait3A_1697, %dma_wait3A_1698] : memref<100000x64xf32, #tpu.memory_space<hbm>> -> memref<100000x64xf32, #tpu.memory_space<hbm>>
      tpu.wait_indirect_dma semaphore(%arg12 : memref<!tpu.dma_semaphore, #tpu.memory_space<semaphore_mem>>) src(%dma_wait3A_1699 : memref<100000x64xf32, #tpu.memory_space<hbm>>) dst(%dma_wait3A_1693 : memref<128x64xf32, #tpu.memory_space<vmem>>)
      %iota3A_1700 = tpu.iota {dimensions = array<i32: 0>} : vector<16xi32>
      %get3A_1701 = arith.index_cast %add3A_1647 : i32 to index
      %get3A_1702 = arith.constant 0 : index
      %get3A_1703 = tpu.vector_load %arg7[%get3A_1701, %get3A_1702] {strides = array<i32>} : memref<200x64xf32, #tpu.memory_space<vmem>>, vector<16xf32>,
      %get3A_1704 = arith.index_cast %add3A_1647 : i32 to index
      %get3A_1705 = arith.constant 16 : index
      %get3A_1706 = tpu.vector_load %arg7[%get3A_1704, %get3A_1705] {strides = array<i32>} : memref<200x64xf32, #tpu.memory_space<vmem>>, vector<16xf32>,
      %get3A_1707 = arith.index_cast %add3A_1647 : i32 to index
      %get3A_1708 = arith.constant 32 : index
      %get3A_1709 = tpu.vector_load %arg7[%get3A_1707, %get3A_1708] {strides = array<i32>} : memref<200x64xf32, #tpu.memory_space<vmem>>, vector<16xf32>,
      %get3A_1710 = arith.index_cast %add3A_1647 : i32 to index
      %get3A_1711 = arith.constant 48 : index
      %get3A_1712 = tpu.vector_load %arg7[%get3A_1710, %get3A_1711] {strides = array<i32>} : memref<200x64xf32, #tpu.memory_space<vmem>>, vector<16xf32>,
      %add3A_1713 = arith.constant 0 : i32
      %add3A_1714 = vector.broadcast %add3A_1713 : i32 to vector<16xi32>
      %add3A_1715 = arith.addi %add3A_1714, %iota3A_1700 : vector<16xi32>
      %jit3A_1716 = arith.constant 8 : i32
      %div3A_1717 = vector.broadcast %jit3A_1716 : i32 to vector<16xi32>
      %div3A_1718 = arith.divsi %add3A_1715, %div3A_1717 : vector<16xi32>
      %sign3A_1719 = arith.constant 0 : i32
      %sign3A_1720 = vector.broadcast %sign3A_1719 : i32 to vector<16xi32>
      %sign3A_1721 = arith.cmpi sgt, %add3A_1715, %sign3A_1720 : vector<16xi32>
      %sign3A_1722 = arith.extui %sign3A_1721 : vector<16xi1> to vector<16xi32>
      %sign3A_1723 = arith.constant 0 : i32
      %sign3A_1724 = vector.broadcast %sign3A_1723 : i32 to vector<16xi32>
      %sign3A_1725 = arith.cmpi slt, %add3A_1715, %sign3A_1724 : vector<16xi32>
      %sign3A_1726 = arith.extui %sign3A_1725 : vector<16xi1> to vector<16xi32>
      %sign3A_1727 = arith.subi %sign3A_1722, %sign3A_1726 : vector<16xi32>
      %sign3A_1728 = arith.constant 0 : i32
      %sign3A_1729 = arith.cmpi sgt, %jit3A_1716, %sign3A_1728 : i32
      %sign3A_1730 = arith.extui %sign3A_1729 : i1 to i32
      %sign3A_1731 = arith.constant 0 : i32
      %sign3A_1732 = arith.cmpi slt, %jit3A_1716, %sign3A_1731 : i32
      %sign3A_1733 = arith.extui %sign3A_1732 : i1 to i32
      %sign3A_1734 = arith.subi %sign3A_1730, %sign3A_1733 : i32
      %ne3A_1735 = vector.broadcast %sign3A_1734 : i32 to vector<16xi32>
      %ne3A_1736 = arith.cmpi ne, %sign3A_1727, %ne3A_1735 : vector<16xi32>
      %rem3A_1737 = vector.broadcast %jit3A_1716 : i32 to vector<16xi32>
      %rem3A_1738 = arith.remsi %add3A_1715, %rem3A_1737 : vector<16xi32>
      %ne3A_1739 = arith.constant 0 : i32
      %ne3A_1740 = vector.broadcast %ne3A_1739 : i32 to vector<16xi32>
      %ne3A_1741 = arith.cmpi ne, %rem3A_1738, %ne3A_1740 : vector<16xi32>
      %and3A_1742 = arith.andi %ne3A_1736, %ne3A_1741 : vector<16xi1>
      %sub3A_1743 = arith.constant 1 : i32
      %sub3A_1744 = vector.broadcast %sub3A_1743 : i32 to vector<16xi32>
      %sub3A_1745 = arith.subi %div3A_1718, %sub3A_1744 : vector<16xi32>
      %select_n3A_1746 = arith.select %and3A_1742, %sub3A_1745, %div3A_1718 : vector<16xi1>, vector<16xi32>
      %add3A_1747 = arith.constant 16 : i32
      %add3A_1748 = vector.broadcast %add3A_1747 : i32 to vector<16xi32>
      %add3A_1749 = arith.addi %add3A_1748, %iota3A_1700 : vector<16xi32>
      %jit3A_1750 = arith.constant 8 : i32
      %div3A_1751 = vector.broadcast %jit3A_1750 : i32 to vector<16xi32>
      %div3A_1752 = arith.divsi %add3A_1749, %div3A_1751 : vector<16xi32>
      %sign3A_1753 = arith.constant 0 : i32
      %sign3A_1754 = vector.broadcast %sign3A_1753 : i32 to vector<16xi32>
      %sign3A_1755 = arith.cmpi sgt, %add3A_1749, %sign3A_1754 : vector<16xi32>
      %sign3A_1756 = arith.extui %sign3A_1755 : vector<16xi1> to vector<16xi32>
      %sign3A_1757 = arith.constant 0 : i32
      %sign3A_1758 = vector.broadcast %sign3A_1757 : i32 to vector<16xi32>
      %sign3A_1759 = arith.cmpi slt, %add3A_1749, %sign3A_1758 : vector<16xi32>
      %sign3A_1760 = arith.extui %sign3A_1759 : vector<16xi1> to vector<16xi32>
      %sign3A_1761 = arith.subi %sign3A_1756, %sign3A_1760 : vector<16xi32>
      %sign3A_1762 = arith.constant 0 : i32
      %sign3A_1763 = arith.cmpi sgt, %jit3A_1750, %sign3A_1762 : i32
      %sign3A_1764 = arith.extui %sign3A_1763 : i1 to i32
      %sign3A_1765 = arith.constant 0 : i32
      %sign3A_1766 = arith.cmpi slt, %jit3A_1750, %sign3A_1765 : i32
      %sign3A_1767 = arith.extui %sign3A_1766 : i1 to i32
      %sign3A_1768 = arith.subi %sign3A_1764, %sign3A_1767 : i32
      %ne3A_1769 = vector.broadcast %sign3A_1768 : i32 to vector<16xi32>
      %ne3A_1770 = arith.cmpi ne, %sign3A_1761, %ne3A_1769 : vector<16xi32>
      %rem3A_1771 = vector.broadcast %jit3A_1750 : i32 to vector<16xi32>
      %rem3A_1772 = arith.remsi %add3A_1749, %rem3A_1771 : vector<16xi32>
      %ne3A_1773 = arith.constant 0 : i32
      %ne3A_1774 = vector.broadcast %ne3A_1773 : i32 to vector<16xi32>
      %ne3A_1775 = arith.cmpi ne, %rem3A_1772, %ne3A_1774 : vector<16xi32>
      %and3A_1776 = arith.andi %ne3A_1770, %ne3A_1775 : vector<16xi1>
      %sub3A_1777 = arith.constant 1 : i32
      %sub3A_1778 = vector.broadcast %sub3A_1777 : i32 to vector<16xi32>
      %sub3A_1779 = arith.subi %div3A_1752, %sub3A_1778 : vector<16xi32>
      %select_n3A_1780 = arith.select %and3A_1776, %sub3A_1779, %div3A_1752 : vector<16xi1>, vector<16xi32>
      %add3A_1781 = arith.constant 32 : i32
      %add3A_1782 = vector.broadcast %add3A_1781 : i32 to vector<16xi32>
      %add3A_1783 = arith.addi %add3A_1782, %iota3A_1700 : vector<16xi32>
      %jit3A_1784 = arith.constant 8 : i32
      %div3A_1785 = vector.broadcast %jit3A_1784 : i32 to vector<16xi32>
      %div3A_1786 = arith.divsi %add3A_1783, %div3A_1785 : vector<16xi32>
      %sign3A_1787 = arith.constant 0 : i32
      %sign3A_1788 = vector.broadcast %sign3A_1787 : i32 to vector<16xi32>
      %sign3A_1789 = arith.cmpi sgt, %add3A_1783, %sign3A_1788 : vector<16xi32>
      %sign3A_1790 = arith.extui %sign3A_1789 : vector<16xi1> to vector<16xi32>
      %sign3A_1791 = arith.constant 0 : i32
      %sign3A_1792 = vector.broadcast %sign3A_1791 : i32 to vector<16xi32>
      %sign3A_1793 = arith.cmpi slt, %add3A_1783, %sign3A_1792 : vector<16xi32>
      %sign3A_1794 = arith.extui %sign3A_1793 : vector<16xi1> to vector<16xi32>
      %sign3A_1795 = arith.subi %sign3A_1790, %sign3A_1794 : vector<16xi32>
      %sign3A_1796 = arith.constant 0 : i32
      %sign3A_1797 = arith.cmpi sgt, %jit3A_1784, %sign3A_1796 : i32
      %sign3A_1798 = arith.extui %sign3A_1797 : i1 to i32
      %sign3A_1799 = arith.constant 0 : i32
      %sign3A_1800 = arith.cmpi slt, %jit3A_1784, %sign3A_1799 : i32
      %sign3A_1801 = arith.extui %sign3A_1800 : i1 to i32
      %sign3A_1802 = arith.subi %sign3A_1798, %sign3A_1801 : i32
      %ne3A_1803 = vector.broadcast %sign3A_1802 : i32 to vector<16xi32>
      %ne3A_1804 = arith.cmpi ne, %sign3A_1795, %ne3A_1803 : vector<16xi32>
      %rem3A_1805 = vector.broadcast %jit3A_1784 : i32 to vector<16xi32>
      %rem3A_1806 = arith.remsi %add3A_1783, %rem3A_1805 : vector<16xi32>
      %ne3A_1807 = arith.constant 0 : i32
      %ne3A_1808 = vector.broadcast %ne3A_1807 : i32 to vector<16xi32>
      %ne3A_1809 = arith.cmpi ne, %rem3A_1806, %ne3A_1808 : vector<16xi32>
      %and3A_1810 = arith.andi %ne3A_1804, %ne3A_1809 : vector<16xi1>
      %sub3A_1811 = arith.constant 1 : i32
      %sub3A_1812 = vector.broadcast %sub3A_1811 : i32 to vector<16xi32>
      %sub3A_1813 = arith.subi %div3A_1786, %sub3A_1812 : vector<16xi32>
      %select_n3A_1814 = arith.select %and3A_1810, %sub3A_1813, %div3A_1786 : vector<16xi1>, vector<16xi32>
      %add3A_1815 = arith.constant 48 : i32
      %add3A_1816 = vector.broadcast %add3A_1815 : i32 to vector<16xi32>
      %add3A_1817 = arith.addi %add3A_1816, %iota3A_1700 : vector<16xi32>
      %jit3A_1818 = arith.constant 8 : i32
      %div3A_1819 = vector.broadcast %jit3A_1818 : i32 to vector<16xi32>
      %div3A_1820 = arith.divsi %add3A_1817, %div3A_1819 : vector<16xi32>
      %sign3A_1821 = arith.constant 0 : i32
      %sign3A_1822 = vector.broadcast %sign3A_1821 : i32 to vector<16xi32>
      %sign3A_1823 = arith.cmpi sgt, %add3A_1817, %sign3A_1822 : vector<16xi32>
      %sign3A_1824 = arith.extui %sign3A_1823 : vector<16xi1> to vector<16xi32>
      %sign3A_1825 = arith.constant 0 : i32
      %sign3A_1826 = vector.broadcast %sign3A_1825 : i32 to vector<16xi32>
      %sign3A_1827 = arith.cmpi slt, %add3A_1817, %sign3A_1826 : vector<16xi32>
      %sign3A_1828 = arith.extui %sign3A_1827 : vector<16xi1> to vector<16xi32>
      %sign3A_1829 = arith.subi %sign3A_1824, %sign3A_1828 : vector<16xi32>
      %sign3A_1830 = arith.constant 0 : i32
      %sign3A_1831 = arith.cmpi sgt, %jit3A_1818, %sign3A_1830 : i32
      %sign3A_1832 = arith.extui %sign3A_1831 : i1 to i32
      %sign3A_1833 = arith.constant 0 : i32
      %sign3A_1834 = arith.cmpi slt, %jit3A_1818, %sign3A_1833 : i32
      %sign3A_1835 = arith.extui %sign3A_1834 : i1 to i32
      %sign3A_1836 = arith.subi %sign3A_1832, %sign3A_1835 : i32
      %ne3A_1837 = vector.broadcast %sign3A_1836 : i32 to vector<16xi32>
      %ne3A_1838 = arith.cmpi ne, %sign3A_1829, %ne3A_1837 : vector<16xi32>
      %rem3A_1839 = vector.broadcast %jit3A_1818 : i32 to vector<16xi32>
      %rem3A_1840 = arith.remsi %add3A_1817, %rem3A_1839 : vector<16xi32>
      %ne3A_1841 = arith.constant 0 : i32
      %ne3A_1842 = vector.broadcast %ne3A_1841 : i32 to vector<16xi32>
      %ne3A_1843 = arith.cmpi ne, %rem3A_1840, %ne3A_1842 : vector<16xi32>
      %and3A_1844 = arith.andi %ne3A_1838, %ne3A_1843 : vector<16xi1>
      %sub3A_1845 = arith.constant 1 : i32
      %sub3A_1846 = vector.broadcast %sub3A_1845 : i32 to vector<16xi32>
      %sub3A_1847 = arith.subi %div3A_1820, %sub3A_1846 : vector<16xi32>
      %select_n3A_1848 = arith.select %and3A_1844, %sub3A_1847, %div3A_1820 : vector<16xi1>, vector<16xi32>
      %add3A_1849 = arith.constant 0 : i32
      %add3A_1850 = vector.broadcast %add3A_1849 : i32 to vector<16xi32>
      %add3A_1851 = arith.addi %add3A_1850, %iota3A_1700 : vector<16xi32>
      %jit3A_1852 = arith.constant 8 : i32
      %eq3A_1853 = arith.constant 0 : i32
      %eq3A_1854 = arith.cmpi eq, %jit3A_1852, %eq3A_1853 : i32
      %jit3A_1855 = arith.constant 1 : i32
      %select_n3A_1856 = arith.select %eq3A_1854, %jit3A_1855, %jit3A_1852 : i32
      %rem3A_1857 = vector.broadcast %select_n3A_1856 : i32 to vector<16xi32>
      %rem3A_1858 = arith.remsi %add3A_1851, %rem3A_1857 : vector<16xi32>
      %ne3A_1859 = arith.constant 0 : i32
      %ne3A_1860 = vector.broadcast %ne3A_1859 : i32 to vector<16xi32>
      %ne3A_1861 = arith.cmpi ne, %rem3A_1858, %ne3A_1860 : vector<16xi32>
      %lt3A_1862 = arith.constant 0 : i32
      %lt3A_1863 = vector.broadcast %lt3A_1862 : i32 to vector<16xi32>
      %lt3A_1864 = arith.cmpi slt, %rem3A_1858, %lt3A_1863 : vector<16xi32>
      %lt3A_1865 = arith.constant 0 : i32
      %lt3A_1866 = arith.cmpi slt, %select_n3A_1856, %lt3A_1865 : i32
      %ne3A_1867 = vector.broadcast %lt3A_1866 : i1 to vector<16xi1>
      %ne3A_1868 = vector.broadcast %ne3A_1867 : vector<16xi1> to vector<16xi1>
      %ne3A_1869 = arith.xori %lt3A_1864, %ne3A_1868 : vector<16xi1>
      %and3A_1870 = arith.andi %ne3A_1869, %ne3A_1861 : vector<16xi1>
      %add3A_1871 = vector.broadcast %select_n3A_1856 : i32 to vector<16xi32>
      %add3A_1872 = arith.addi %rem3A_1858, %add3A_1871 : vector<16xi32>
      %select_n3A_1873 = arith.select %and3A_1870, %add3A_1872, %rem3A_1858 : vector<16xi1>, vector<16xi32>
      %add3A_1874 = arith.constant 16 : i32
      %add3A_1875 = vector.broadcast %add3A_1874 : i32 to vector<16xi32>
      %add3A_1876 = arith.addi %add3A_1875, %iota3A_1700 : vector<16xi32>
      %jit3A_1877 = arith.constant 8 : i32
      %eq3A_1878 = arith.constant 0 : i32
      %eq3A_1879 = arith.cmpi eq, %jit3A_1877, %eq3A_1878 : i32
      %jit3A_1880 = arith.constant 1 : i32
      %select_n3A_1881 = arith.select %eq3A_1879, %jit3A_1880, %jit3A_1877 : i32
      %rem3A_1882 = vector.broadcast %select_n3A_1881 : i32 to vector<16xi32>
      %rem3A_1883 = arith.remsi %add3A_1876, %rem3A_1882 : vector<16xi32>
      %ne3A_1884 = arith.constant 0 : i32
      %ne3A_1885 = vector.broadcast %ne3A_1884 : i32 to vector<16xi32>
      %ne3A_1886 = arith.cmpi ne, %rem3A_1883, %ne3A_1885 : vector<16xi32>
      %lt3A_1887 = arith.constant 0 : i32
      %lt3A_1888 = vector.broadcast %lt3A_1887 : i32 to vector<16xi32>
      %lt3A_1889 = arith.cmpi slt, %rem3A_1883, %lt3A_1888 : vector<16xi32>
      %lt3A_1890 = arith.constant 0 : i32
      %lt3A_1891 = arith.cmpi slt, %select_n3A_1881, %lt3A_1890 : i32
      %ne3A_1892 = vector.broadcast %lt3A_1891 : i1 to vector<16xi1>
      %ne3A_1893 = vector.broadcast %ne3A_1892 : vector<16xi1> to vector<16xi1>
      %ne3A_1894 = arith.xori %lt3A_1889, %ne3A_1893 : vector<16xi1>
      %and3A_1895 = arith.andi %ne3A_1894, %ne3A_1886 : vector<16xi1>
      %add3A_1896 = vector.broadcast %select_n3A_1881 : i32 to vector<16xi32>
      %add3A_1897 = arith.addi %rem3A_1883, %add3A_1896 : vector<16xi32>
      %select_n3A_1898 = arith.select %and3A_1895, %add3A_1897, %rem3A_1883 : vector<16xi1>, vector<16xi32>
      %add3A_1899 = arith.constant 32 : i32
      %add3A_1900 = vector.broadcast %add3A_1899 : i32 to vector<16xi32>
      %add3A_1901 = arith.addi %add3A_1900, %iota3A_1700 : vector<16xi32>
      %jit3A_1902 = arith.constant 8 : i32
      %eq3A_1903 = arith.constant 0 : i32
      %eq3A_1904 = arith.cmpi eq, %jit3A_1902, %eq3A_1903 : i32
      %jit3A_1905 = arith.constant 1 : i32
      %select_n3A_1906 = arith.select %eq3A_1904, %jit3A_1905, %jit3A_1902 : i32
      %rem3A_1907 = vector.broadcast %select_n3A_1906 : i32 to vector<16xi32>
      %rem3A_1908 = arith.remsi %add3A_1901, %rem3A_1907 : vector<16xi32>
      %ne3A_1909 = arith.constant 0 : i32
      %ne3A_1910 = vector.broadcast %ne3A_1909 : i32 to vector<16xi32>
      %ne3A_1911 = arith.cmpi ne, %rem3A_1908, %ne3A_1910 : vector<16xi32>
      %lt3A_1912 = arith.constant 0 : i32
      %lt3A_1913 = vector.broadcast %lt3A_1912 : i32 to vector<16xi32>
      %lt3A_1914 = arith.cmpi slt, %rem3A_1908, %lt3A_1913 : vector<16xi32>
      %lt3A_1915 = arith.constant 0 : i32
      %lt3A_1916 = arith.cmpi slt, %select_n3A_1906, %lt3A_1915 : i32
      %ne3A_1917 = vector.broadcast %lt3A_1916 : i1 to vector<16xi1>
      %ne3A_1918 = vector.broadcast %ne3A_1917 : vector<16xi1> to vector<16xi1>
      %ne3A_1919 = arith.xori %lt3A_1914, %ne3A_1918 : vector<16xi1>
      %and3A_1920 = arith.andi %ne3A_1919, %ne3A_1911 : vector<16xi1>
      %add3A_1921 = vector.broadcast %select_n3A_1906 : i32 to vector<16xi32>
      %add3A_1922 = arith.addi %rem3A_1908, %add3A_1921 : vector<16xi32>
      %select_n3A_1923 = arith.select %and3A_1920, %add3A_1922, %rem3A_1908 : vector<16xi1>, vector<16xi32>
      %add3A_1924 = arith.constant 48 : i32
      %add3A_1925 = vector.broadcast %add3A_1924 : i32 to vector<16xi32>
      %add3A_1926 = arith.addi %add3A_1925, %iota3A_1700 : vector<16xi32>
      %jit3A_1927 = arith.constant 8 : i32
      %eq3A_1928 = arith.constant 0 : i32
      %eq3A_1929 = arith.cmpi eq, %jit3A_1927, %eq3A_1928 : i32
      %jit3A_1930 = arith.constant 1 : i32
      %select_n3A_1931 = arith.select %eq3A_1929, %jit3A_1930, %jit3A_1927 : i32
      %rem3A_1932 = vector.broadcast %select_n3A_1931 : i32 to vector<16xi32>
      %rem3A_1933 = arith.remsi %add3A_1926, %rem3A_1932 : vector<16xi32>
      %ne3A_1934 = arith.constant 0 : i32
      %ne3A_1935 = vector.broadcast %ne3A_1934 : i32 to vector<16xi32>
      %ne3A_1936 = arith.cmpi ne, %rem3A_1933, %ne3A_1935 : vector<16xi32>
      %lt3A_1937 = arith.constant 0 : i32
      %lt3A_1938 = vector.broadcast %lt3A_1937 : i32 to vector<16xi32>
      %lt3A_1939 = arith.cmpi slt, %rem3A_1933, %lt3A_1938 : vector<16xi32>
      %lt3A_1940 = arith.constant 0 : i32
      %lt3A_1941 = arith.cmpi slt, %select_n3A_1931, %lt3A_1940 : i32
      %ne3A_1942 = vector.broadcast %lt3A_1941 : i1 to vector<16xi1>
      %ne3A_1943 = vector.broadcast %ne3A_1942 : vector<16xi1> to vector<16xi1>
      %ne3A_1944 = arith.xori %lt3A_1939, %ne3A_1943 : vector<16xi1>
      %and3A_1945 = arith.andi %ne3A_1944, %ne3A_1936 : vector<16xi1>
      %add3A_1946 = vector.broadcast %select_n3A_1931 : i32 to vector<16xi32>
      %add3A_1947 = arith.addi %rem3A_1933, %add3A_1946 : vector<16xi32>
      %select_n3A_1948 = arith.select %and3A_1945, %add3A_1947, %rem3A_1933 : vector<16xi1>, vector<16xi32>
      %parallel_loop3A_1949 = arith.constant 0 : i32
      %parallel_loop3A_1950 = arith.constant 128 : i32
      %parallel_loop3A_1951 = arith.constant 1 : i32
      scf.for %parallel_loop3A_3297 = %parallel_loop3A_1949 to %parallel_loop3A_1950 step %parallel_loop3A_1951  : i32 {
        %parallel_loop3A_3298 = arith.constant 0 : i32
        %parallel_loop3A_3299 = vector.broadcast %parallel_loop3A_3298 : i32 to vector<16xi32>
        %parallel_loop3A_3300 = vector.broadcast %parallel_loop3A_3297 : i32 to vector<16xi32>
        %parallel_loop3A_3301 = arith.addi %parallel_loop3A_3299, %parallel_loop3A_3300 : vector<16xi32>
        %parallel_loop3A_3302 = arith.constant 2 : i32
        %parallel_loop3A_3303 = arith.index_cast %parallel_loop3A_3302 : i32 to index
        %parallel_loop3A_3304 = arith.index_cast %parallel_loop3A_3297 : i32 to index
        %parallel_loop3A_3305 = arith.constant 0 : index
        %parallel_loop3A_3306 = tpu.vector_load %arg8[%parallel_loop3A_3303, %parallel_loop3A_3304, %parallel_loop3A_3305] {strides = array<i32>} : memref<5x128x64xf32, #tpu.memory_space<vmem>>, vector<16xf32>,
        %parallel_loop3A_3307 = arith.addf %parallel_loop3A_3306, %get3A_1703 : vector<16xf32>
        %parallel_loop3A_3308 = arith.constant 2 : i32
        %parallel_loop3A_3309 = arith.constant 0 : i32
        %parallel_loop3A_3310 = arith.constant 0 : i32
        %parallel_loop3A_3311 = arith.constant 0 : i32
        %parallel_loop3A_3312 = tpu.memref_slice %arg9[%parallel_loop3A_3308, %parallel_loop3A_3309, %parallel_loop3A_3310, %parallel_loop3A_3311] : memref<5x8x8x129xf32, #tpu.memory_space<vmem>> -> memref<1x8x8x129xf32, #tpu.memory_space<vmem>>
        %parallel_loop3A_3313 = tpu.memref_squeeze %parallel_loop3A_3312 : memref<1x8x8x129xf32, #tpu.memory_space<vmem>> -> memref<8x8x129xf32, #tpu.memory_space<vmem>>
        tpu.vector_store_idx %parallel_loop3A_3313[%select_n3A_1746, %select_n3A_1873, %parallel_loop3A_3301], %parallel_loop3A_3307 : memref<8x8x129xf32, #tpu.memory_space<vmem>>[vector<16xi32>, vector<16xi32>, vector<16xi32>], vector<16xf32>,
        %parallel_loop3A_3314 = arith.constant 2 : i32
        %parallel_loop3A_3315 = arith.index_cast %parallel_loop3A_3314 : i32 to index
        %parallel_loop3A_3316 = arith.index_cast %parallel_loop3A_3297 : i32 to index
        %parallel_loop3A_3317 = arith.constant 16 : index
        %parallel_loop3A_3318 = tpu.vector_load %arg8[%parallel_loop3A_3315, %parallel_loop3A_3316, %parallel_loop3A_3317] {strides = array<i32>} : memref<5x128x64xf32, #tpu.memory_space<vmem>>, vector<16xf32>,
        %parallel_loop3A_3319 = arith.addf %parallel_loop3A_3318, %get3A_1706 : vector<16xf32>
        %parallel_loop3A_3320 = arith.constant 2 : i32
        %parallel_loop3A_3321 = arith.constant 0 : i32
        %parallel_loop3A_3322 = arith.constant 0 : i32
        %parallel_loop3A_3323 = arith.constant 0 : i32
        %parallel_loop3A_3324 = tpu.memref_slice %arg9[%parallel_loop3A_3320, %parallel_loop3A_3321, %parallel_loop3A_3322, %parallel_loop3A_3323] : memref<5x8x8x129xf32, #tpu.memory_space<vmem>> -> memref<1x8x8x129xf32, #tpu.memory_space<vmem>>
        %parallel_loop3A_3325 = tpu.memref_squeeze %parallel_loop3A_3324 : memref<1x8x8x129xf32, #tpu.memory_space<vmem>> -> memref<8x8x129xf32, #tpu.memory_space<vmem>>
        tpu.vector_store_idx %parallel_loop3A_3325[%select_n3A_1780, %select_n3A_1898, %parallel_loop3A_3301], %parallel_loop3A_3319 : memref<8x8x129xf32, #tpu.memory_space<vmem>>[vector<16xi32>, vector<16xi32>, vector<16xi32>], vector<16xf32>,
        %parallel_loop3A_3326 = arith.constant 2 : i32
        %parallel_loop3A_3327 = arith.index_cast %parallel_loop3A_3326 : i32 to index
        %parallel_loop3A_3328 = arith.index_cast %parallel_loop3A_3297 : i32 to index
        %parallel_loop3A_3329 = arith.constant 32 : index
        %parallel_loop3A_3330 = tpu.vector_load %arg8[%parallel_loop3A_3327, %parallel_loop3A_3328, %parallel_loop3A_3329] {strides = array<i32>} : memref<5x128x64xf32, #tpu.memory_space<vmem>>, vector<16xf32>,
        %parallel_loop3A_3331 = arith.addf %parallel_loop3A_3330, %get3A_1709 : vector<16xf32>
        %parallel_loop3A_3332 = arith.constant 2 : i32
        %parallel_loop3A_3333 = arith.constant 0 : i32
        %parallel_loop3A_3334 = arith.constant 0 : i32
        %parallel_loop3A_3335 = arith.constant 0 : i32
        %parallel_loop3A_3336 = tpu.memref_slice %arg9[%parallel_loop3A_3332, %parallel_loop3A_3333, %parallel_loop3A_3334, %parallel_loop3A_3335] : memref<5x8x8x129xf32, #tpu.memory_space<vmem>> -> memref<1x8x8x129xf32, #tpu.memory_space<vmem>>
        %parallel_loop3A_3337 = tpu.memref_squeeze %parallel_loop3A_3336 : memref<1x8x8x129xf32, #tpu.memory_space<vmem>> -> memref<8x8x129xf32, #tpu.memory_space<vmem>>
        tpu.vector_store_idx %parallel_loop3A_3337[%select_n3A_1814, %select_n3A_1923, %parallel_loop3A_3301], %parallel_loop3A_3331 : memref<8x8x129xf32, #tpu.memory_space<vmem>>[vector<16xi32>, vector<16xi32>, vector<16xi32>], vector<16xf32>,
        %parallel_loop3A_3338 = arith.constant 2 : i32
        %parallel_loop3A_3339 = arith.index_cast %parallel_loop3A_3338 : i32 to index
        %parallel_loop3A_3340 = arith.index_cast %parallel_loop3A_3297 : i32 to index
        %parallel_loop3A_3341 = arith.constant 48 : index
        %parallel_loop3A_3342 = tpu.vector_load %arg8[%parallel_loop3A_3339, %parallel_loop3A_3340, %parallel_loop3A_3341] {strides = array<i32>} : memref<5x128x64xf32, #tpu.memory_space<vmem>>, vector<16xf32>,
        %parallel_loop3A_3343 = arith.addf %parallel_loop3A_3342, %get3A_1712 : vector<16xf32>
        %parallel_loop3A_3344 = arith.constant 2 : i32
        %parallel_loop3A_3345 = arith.constant 0 : i32
        %parallel_loop3A_3346 = arith.constant 0 : i32
        %parallel_loop3A_3347 = arith.constant 0 : i32
        %parallel_loop3A_3348 = tpu.memref_slice %arg9[%parallel_loop3A_3344, %parallel_loop3A_3345, %parallel_loop3A_3346, %parallel_loop3A_3347] : memref<5x8x8x129xf32, #tpu.memory_space<vmem>> -> memref<1x8x8x129xf32, #tpu.memory_space<vmem>>
        %parallel_loop3A_3349 = tpu.memref_squeeze %parallel_loop3A_3348 : memref<1x8x8x129xf32, #tpu.memory_space<vmem>> -> memref<8x8x129xf32, #tpu.memory_space<vmem>>
        tpu.vector_store_idx %parallel_loop3A_3349[%select_n3A_1848, %select_n3A_1948, %parallel_loop3A_3301], %parallel_loop3A_3343 : memref<8x8x129xf32, #tpu.memory_space<vmem>>[vector<16xi32>, vector<16xi32>, vector<16xi32>], vector<16xf32>,
      } {sc.loop_unroll_factor = 2 : i64, sc.parallel_access}
      %dma_start3A_1952 = arith.constant 2 : i32
      %dma_start3A_1953 = arith.constant 0 : i32
      %dma_start3A_1954 = arith.constant 0 : i32
      %dma_start3A_1955 = arith.constant 0 : i32
      %dma_start3A_1956 = tpu.memref_slice %arg9[%dma_start3A_1952, %dma_start3A_1953, %dma_start3A_1954, %dma_start3A_1955] : memref<5x8x8x129xf32, #tpu.memory_space<vmem>> -> memref<1x8x8x128xf32, #tpu.memory_space<vmem>>
      %dma_start3A_1957 = tpu.memref_squeeze %dma_start3A_1956 : memref<1x8x8x128xf32, #tpu.memory_space<vmem>> -> memref<8x8x128xf32, #tpu.memory_space<vmem>>
      %dma_start3A_1958 = arith.constant 0 : i32
      %dma_start3A_1959 = arith.constant 0 : i32
      %dma_start3A_1960 = arith.constant 0 : i32
      %dma_start3A_1961 = tpu.memref_slice %arg5[%add3A_1647, %dma_start3A_1958, %add3A, %dma_start3A_1959, %dma_start3A_1960] : memref<200x8x32x8x128xf32, #tpu.memory_space<hbm>> -> memref<1x8x1x8x128xf32, #tpu.memory_space<hbm>>
      %dma_start3A_1962 = tpu.memref_squeeze %dma_start3A_1961 : memref<1x8x1x8x128xf32, #tpu.memory_space<hbm>> -> memref<8x8x128xf32, #tpu.memory_space<hbm>>
      %dma_start3A_1963 = arith.constant 0 : i32
      %dma_start3A_1964 = arith.constant 0 : i32
      %dma_start3A_1965 = arith.constant 0 : i32
      %dma_start3A_1966 = tpu.memref_slice %arg5[%add3A_1647, %dma_start3A_1963, %add3A, %dma_start3A_1964, %dma_start3A_1965] : memref<200x8x32x8x128xf32, #tpu.memory_space<hbm>> -> memref<1x8x1x8x128xf32, #tpu.memory_space<hbm>>
      %dma_start3A_1967 = tpu.memref_squeeze %dma_start3A_1966 : memref<1x8x1x8x128xf32, #tpu.memory_space<hbm>> -> memref<8x8x128xf32, #tpu.memory_space<hbm>>
      %dma_start3A_1968 = arith.constant 0 : i32
      %dma_start3A_1969 = arith.constant 0 : i32
      %dma_start3A_1970 = arith.constant 0 : i32
      %dma_start3A_1971 = tpu.memref_slice %arg9[%dma_start3A_1952, %dma_start3A_1968, %dma_start3A_1969, %dma_start3A_1970] : memref<5x8x8x129xf32, #tpu.memory_space<vmem>> -> memref<1x8x8x128xf32, #tpu.memory_space<vmem>>
      %dma_start3A_1972 = tpu.memref_squeeze %dma_start3A_1971 : memref<1x8x8x128xf32, #tpu.memory_space<vmem>> -> memref<8x8x128xf32, #tpu.memory_space<vmem>>
      tpu.enqueue_dma source(%dma_start3A_1972 : memref<8x8x128xf32, #tpu.memory_space<vmem>>) target(%dma_start3A_1967 : memref<8x8x128xf32, #tpu.memory_space<hbm>>) target_semaphore(%arg17 : memref<!tpu.dma_semaphore, #tpu.memory_space<semaphore_mem>>)
      %mul3A_1973 = arith.constant 5 : i32
      %mul3A_1974 = arith.muli %scan3A_1641, %mul3A_1973 : i32
      %add3A_1975 = arith.constant 2 : i32
      %add3A_1976 = arith.addi %add3A_1975, %mul3A_1974 : i32
      %add3A_1977 = arith.constant 1 : i32
      %add3A_1978 = arith.addi %add3A_1976, %add3A_1977 : i32
      %dma_wait3A_1979 = arith.constant 1 : i32
      %dma_wait3A_1980 = arith.constant 0 : i32
      %dma_wait3A_1981 = arith.constant 0 : i32
      %dma_wait3A_1982 = arith.constant 0 : i32
      %dma_wait3A_1983 = arith.constant 0 : i32
      %dma_wait3A_1984 = tpu.memref_slice %arg9[%dma_wait3A_1979, %dma_wait3A_1981, %dma_wait3A_1982, %dma_wait3A_1983] : memref<5x8x8x129xf32, #tpu.memory_space<vmem>> -> memref<1x8x8x128xf32, #tpu.memory_space<vmem>>
      %dma_wait3A_1985 = tpu.memref_squeeze %dma_wait3A_1984 : memref<1x8x8x128xf32, #tpu.memory_space<vmem>> -> memref<8x8x128xf32, #tpu.memory_space<vmem>>
      %dma_wait3A_1986 = arith.constant 0 : i32
      %dma_wait3A_1987 = arith.constant 0 : i32
      %dma_wait3A_1988 = arith.constant 0 : i32
      %dma_wait3A_1989 = tpu.memref_slice %arg5[%dma_wait3A_1980, %dma_wait3A_1986, %add3A, %dma_wait3A_1987, %dma_wait3A_1988] : memref<200x8x32x8x128xf32, #tpu.memory_space<hbm>> -> memref<1x8x1x8x128xf32, #tpu.memory_space<hbm>>
      %dma_wait3A_1990 = tpu.memref_squeeze %dma_wait3A_1989 : memref<1x8x1x8x128xf32, #tpu.memory_space<hbm>> -> memref<8x8x128xf32, #tpu.memory_space<hbm>>
      %dma_wait3A_1991 = arith.constant 0 : i32
      %dma_wait3A_1992 = arith.constant 0 : i32
      %dma_wait3A_1993 = arith.constant 0 : i32
      %dma_wait3A_1994 = tpu.memref_slice %arg5[%dma_wait3A_1980, %dma_wait3A_1991, %add3A, %dma_wait3A_1992, %dma_wait3A_1993] : memref<200x8x32x8x128xf32, #tpu.memory_space<hbm>> -> memref<1x8x1x8x128xf32, #tpu.memory_space<hbm>>
      %dma_wait3A_1995 = tpu.memref_squeeze %dma_wait3A_1994 : memref<1x8x1x8x128xf32, #tpu.memory_space<hbm>> -> memref<8x8x128xf32, #tpu.memory_space<hbm>>
      %dma_wait3A_1996 = arith.constant 0 : i32
      %dma_wait3A_1997 = arith.constant 0 : i32
      %dma_wait3A_1998 = arith.constant 0 : i32
      %dma_wait3A_1999 = tpu.memref_slice %arg9[%dma_wait3A_1979, %dma_wait3A_1996, %dma_wait3A_1997, %dma_wait3A_1998] : memref<5x8x8x129xf32, #tpu.memory_space<vmem>> -> memref<1x8x8x128xf32, #tpu.memory_space<vmem>>
      %dma_wait3A_2000 = tpu.memref_squeeze %dma_wait3A_1999 : memref<1x8x8x128xf32, #tpu.memory_space<vmem>> -> memref<8x8x128xf32, #tpu.memory_space<vmem>>
      tpu.wait_dma2 semaphore(%arg16 : memref<!tpu.dma_semaphore, #tpu.memory_space<semaphore_mem>>) src(%dma_wait3A_2000 : memref<8x8x128xf32, #tpu.memory_space<vmem>>) dst(%dma_wait3A_1995 : memref<8x8x128xf32, #tpu.memory_space<hbm>>)
      %add3A_2001 = arith.constant 3 : i32
      %add3A_2002 = arith.addi %add3A_1978, %add3A_2001 : i32
      %div3A_2003 = arith.constant 8 : i32
      %div3A_2004 = arith.divsi %add3A_2002, %div3A_2003 : i32
      %rem3A_2005 = arith.constant 8 : i32
      %rem3A_2006 = arith.remsi %add3A_2002, %rem3A_2005 : i32
      %dma_start3A_2007 = arith.constant 1 : i32
      %dma_start3A_2008 = arith.constant 0 : i32
      %dma_start3A_2009 = arith.constant 0 : i32
      %dma_start3A_2010 = tpu.memref_slice %arg8[%dma_start3A_2007, %dma_start3A_2008, %dma_start3A_2009] : memref<5x128x64xf32, #tpu.memory_space<vmem>> -> memref<1x128x64xf32, #tpu.memory_space<vmem>>
      %dma_start3A_2011 = tpu.memref_squeeze %dma_start3A_2010 : memref<1x128x64xf32, #tpu.memory_space<vmem>> -> memref<128x64xf32, #tpu.memory_space<vmem>>
      %dma_start3A_2012 = arith.constant 0 : i32
      %dma_start3A_2013 = tpu.memref_slice %arg6[%div3A_2004, %rem3A_2006, %dma_start3A_2012] : memref<25x8x128xi32, #tpu.memory_space<vmem>> -> memref<1x1x128xi32, #tpu.memory_space<vmem>>
      %dma_start3A_2014 = tpu.memref_squeeze %dma_start3A_2013 : memref<1x1x128xi32, #tpu.memory_space<vmem>> -> memref<128xi32, #tpu.memory_space<vmem>>
      %dma_start3A_2015 = arith.constant 0 : i32
      %dma_start3A_2016 = arith.constant 0 : i32
      %dma_start3A_2017 = tpu.memref_slice %arg3[%dma_start3A_2015, %dma_start3A_2016] : memref<100000x64xf32, #tpu.memory_space<hbm>> -> memref<100000x64xf32, #tpu.memory_space<hbm>>
      tpu.enqueue_indirect_dma source(%dma_start3A_2017 : memref<100000x64xf32, #tpu.memory_space<hbm>>) target(%dma_start3A_2011 : memref<128x64xf32, #tpu.memory_space<vmem>>) offsets(%dma_start3A_2014 : memref<128xi32, #tpu.memory_space<vmem>>) semaphore(%arg11 : memref<!tpu.dma_semaphore, #tpu.memory_space<semaphore_mem>>)
      %dma_wait3A_2018 = arith.constant 0 : i32
      %dma_wait3A_2019 = arith.constant 0 : i32
      %dma_wait3A_2020 = arith.constant 3 : i32
      %dma_wait3A_2021 = arith.constant 0 : i32
      %dma_wait3A_2022 = arith.constant 0 : i32
      %dma_wait3A_2023 = tpu.memref_slice %arg8[%dma_wait3A_2020, %dma_wait3A_2021, %dma_wait3A_2022] : memref<5x128x64xf32, #tpu.memory_space<vmem>> -> memref<1x128x64xf32, #tpu.memory_space<vmem>>
      %dma_wait3A_2024 = tpu.memref_squeeze %dma_wait3A_2023 : memref<1x128x64xf32, #tpu.memory_space<vmem>> -> memref<128x64xf32, #tpu.memory_space<vmem>>
      %dma_wait3A_2025 = arith.constant 0 : i32
      %dma_wait3A_2026 = tpu.memref_slice %arg6[%dma_wait3A_2018, %dma_wait3A_2019, %dma_wait3A_2025] : memref<25x8x128xi32, #tpu.memory_space<vmem>> -> memref<1x1x128xi32, #tpu.memory_space<vmem>>
      %dma_wait3A_2027 = tpu.memref_squeeze %dma_wait3A_2026 : memref<1x1x128xi32, #tpu.memory_space<vmem>> -> memref<128xi32, #tpu.memory_space<vmem>>
      %dma_wait3A_2028 = arith.constant 0 : i32
      %dma_wait3A_2029 = arith.constant 0 : i32
      %dma_wait3A_2030 = tpu.memref_slice %arg3[%dma_wait3A_2028, %dma_wait3A_2029] : memref<100000x64xf32, #tpu.memory_space<hbm>> -> memref<100000x64xf32, #tpu.memory_space<hbm>>
      tpu.wait_indirect_dma semaphore(%arg13 : memref<!tpu.dma_semaphore, #tpu.memory_space<semaphore_mem>>) src(%dma_wait3A_2030 : memref<100000x64xf32, #tpu.memory_space<hbm>>) dst(%dma_wait3A_2024 : memref<128x64xf32, #tpu.memory_space<vmem>>)
      %iota3A_2031 = tpu.iota {dimensions = array<i32: 0>} : vector<16xi32>
      %get3A_2032 = arith.index_cast %add3A_1978 : i32 to index
      %get3A_2033 = arith.constant 0 : index
      %get3A_2034 = tpu.vector_load %arg7[%get3A_2032, %get3A_2033] {strides = array<i32>} : memref<200x64xf32, #tpu.memory_space<vmem>>, vector<16xf32>,
      %get3A_2035 = arith.index_cast %add3A_1978 : i32 to index
      %get3A_2036 = arith.constant 16 : index
      %get3A_2037 = tpu.vector_load %arg7[%get3A_2035, %get3A_2036] {strides = array<i32>} : memref<200x64xf32, #tpu.memory_space<vmem>>, vector<16xf32>,
      %get3A_2038 = arith.index_cast %add3A_1978 : i32 to index
      %get3A_2039 = arith.constant 32 : index
      %get3A_2040 = tpu.vector_load %arg7[%get3A_2038, %get3A_2039] {strides = array<i32>} : memref<200x64xf32, #tpu.memory_space<vmem>>, vector<16xf32>,
      %get3A_2041 = arith.index_cast %add3A_1978 : i32 to index
      %get3A_2042 = arith.constant 48 : index
      %get3A_2043 = tpu.vector_load %arg7[%get3A_2041, %get3A_2042] {strides = array<i32>} : memref<200x64xf32, #tpu.memory_space<vmem>>, vector<16xf32>,
      %add3A_2044 = arith.constant 0 : i32
      %add3A_2045 = vector.broadcast %add3A_2044 : i32 to vector<16xi32>
      %add3A_2046 = arith.addi %add3A_2045, %iota3A_2031 : vector<16xi32>
      %jit3A_2047 = arith.constant 8 : i32
      %div3A_2048 = vector.broadcast %jit3A_2047 : i32 to vector<16xi32>
      %div3A_2049 = arith.divsi %add3A_2046, %div3A_2048 : vector<16xi32>
      %sign3A_2050 = arith.constant 0 : i32
      %sign3A_2051 = vector.broadcast %sign3A_2050 : i32 to vector<16xi32>
      %sign3A_2052 = arith.cmpi sgt, %add3A_2046, %sign3A_2051 : vector<16xi32>
      %sign3A_2053 = arith.extui %sign3A_2052 : vector<16xi1> to vector<16xi32>
      %sign3A_2054 = arith.constant 0 : i32
      %sign3A_2055 = vector.broadcast %sign3A_2054 : i32 to vector<16xi32>
      %sign3A_2056 = arith.cmpi slt, %add3A_2046, %sign3A_2055 : vector<16xi32>
      %sign3A_2057 = arith.extui %sign3A_2056 : vector<16xi1> to vector<16xi32>
      %sign3A_2058 = arith.subi %sign3A_2053, %sign3A_2057 : vector<16xi32>
      %sign3A_2059 = arith.constant 0 : i32
      %sign3A_2060 = arith.cmpi sgt, %jit3A_2047, %sign3A_2059 : i32
      %sign3A_2061 = arith.extui %sign3A_2060 : i1 to i32
      %sign3A_2062 = arith.constant 0 : i32
      %sign3A_2063 = arith.cmpi slt, %jit3A_2047, %sign3A_2062 : i32
      %sign3A_2064 = arith.extui %sign3A_2063 : i1 to i32
      %sign3A_2065 = arith.subi %sign3A_2061, %sign3A_2064 : i32
      %ne3A_2066 = vector.broadcast %sign3A_2065 : i32 to vector<16xi32>
      %ne3A_2067 = arith.cmpi ne, %sign3A_2058, %ne3A_2066 : vector<16xi32>
      %rem3A_2068 = vector.broadcast %jit3A_2047 : i32 to vector<16xi32>
      %rem3A_2069 = arith.remsi %add3A_2046, %rem3A_2068 : vector<16xi32>
      %ne3A_2070 = arith.constant 0 : i32
      %ne3A_2071 = vector.broadcast %ne3A_2070 : i32 to vector<16xi32>
      %ne3A_2072 = arith.cmpi ne, %rem3A_2069, %ne3A_2071 : vector<16xi32>
      %and3A_2073 = arith.andi %ne3A_2067, %ne3A_2072 : vector<16xi1>
      %sub3A_2074 = arith.constant 1 : i32
      %sub3A_2075 = vector.broadcast %sub3A_2074 : i32 to vector<16xi32>
      %sub3A_2076 = arith.subi %div3A_2049, %sub3A_2075 : vector<16xi32>
      %select_n3A_2077 = arith.select %and3A_2073, %sub3A_2076, %div3A_2049 : vector<16xi1>, vector<16xi32>
      %add3A_2078 = arith.constant 16 : i32
      %add3A_2079 = vector.broadcast %add3A_2078 : i32 to vector<16xi32>
      %add3A_2080 = arith.addi %add3A_2079, %iota3A_2031 : vector<16xi32>
      %jit3A_2081 = arith.constant 8 : i32
      %div3A_2082 = vector.broadcast %jit3A_2081 : i32 to vector<16xi32>
      %div3A_2083 = arith.divsi %add3A_2080, %div3A_2082 : vector<16xi32>
      %sign3A_2084 = arith.constant 0 : i32
      %sign3A_2085 = vector.broadcast %sign3A_2084 : i32 to vector<16xi32>
      %sign3A_2086 = arith.cmpi sgt, %add3A_2080, %sign3A_2085 : vector<16xi32>
      %sign3A_2087 = arith.extui %sign3A_2086 : vector<16xi1> to vector<16xi32>
      %sign3A_2088 = arith.constant 0 : i32
      %sign3A_2089 = vector.broadcast %sign3A_2088 : i32 to vector<16xi32>
      %sign3A_2090 = arith.cmpi slt, %add3A_2080, %sign3A_2089 : vector<16xi32>
      %sign3A_2091 = arith.extui %sign3A_2090 : vector<16xi1> to vector<16xi32>
      %sign3A_2092 = arith.subi %sign3A_2087, %sign3A_2091 : vector<16xi32>
      %sign3A_2093 = arith.constant 0 : i32
      %sign3A_2094 = arith.cmpi sgt, %jit3A_2081, %sign3A_2093 : i32
      %sign3A_2095 = arith.extui %sign3A_2094 : i1 to i32
      %sign3A_2096 = arith.constant 0 : i32
      %sign3A_2097 = arith.cmpi slt, %jit3A_2081, %sign3A_2096 : i32
      %sign3A_2098 = arith.extui %sign3A_2097 : i1 to i32
      %sign3A_2099 = arith.subi %sign3A_2095, %sign3A_2098 : i32
      %ne3A_2100 = vector.broadcast %sign3A_2099 : i32 to vector<16xi32>
      %ne3A_2101 = arith.cmpi ne, %sign3A_2092, %ne3A_2100 : vector<16xi32>
      %rem3A_2102 = vector.broadcast %jit3A_2081 : i32 to vector<16xi32>
      %rem3A_2103 = arith.remsi %add3A_2080, %rem3A_2102 : vector<16xi32>
      %ne3A_2104 = arith.constant 0 : i32
      %ne3A_2105 = vector.broadcast %ne3A_2104 : i32 to vector<16xi32>
      %ne3A_2106 = arith.cmpi ne, %rem3A_2103, %ne3A_2105 : vector<16xi32>
      %and3A_2107 = arith.andi %ne3A_2101, %ne3A_2106 : vector<16xi1>
      %sub3A_2108 = arith.constant 1 : i32
      %sub3A_2109 = vector.broadcast %sub3A_2108 : i32 to vector<16xi32>
      %sub3A_2110 = arith.subi %div3A_2083, %sub3A_2109 : vector<16xi32>
      %select_n3A_2111 = arith.select %and3A_2107, %sub3A_2110, %div3A_2083 : vector<16xi1>, vector<16xi32>
      %add3A_2112 = arith.constant 32 : i32
      %add3A_2113 = vector.broadcast %add3A_2112 : i32 to vector<16xi32>
      %add3A_2114 = arith.addi %add3A_2113, %iota3A_2031 : vector<16xi32>
      %jit3A_2115 = arith.constant 8 : i32
      %div3A_2116 = vector.broadcast %jit3A_2115 : i32 to vector<16xi32>
      %div3A_2117 = arith.divsi %add3A_2114, %div3A_2116 : vector<16xi32>
      %sign3A_2118 = arith.constant 0 : i32
      %sign3A_2119 = vector.broadcast %sign3A_2118 : i32 to vector<16xi32>
      %sign3A_2120 = arith.cmpi sgt, %add3A_2114, %sign3A_2119 : vector<16xi32>
      %sign3A_2121 = arith.extui %sign3A_2120 : vector<16xi1> to vector<16xi32>
      %sign3A_2122 = arith.constant 0 : i32
      %sign3A_2123 = vector.broadcast %sign3A_2122 : i32 to vector<16xi32>
      %sign3A_2124 = arith.cmpi slt, %add3A_2114, %sign3A_2123 : vector<16xi32>
      %sign3A_2125 = arith.extui %sign3A_2124 : vector<16xi1> to vector<16xi32>
      %sign3A_2126 = arith.subi %sign3A_2121, %sign3A_2125 : vector<16xi32>
      %sign3A_2127 = arith.constant 0 : i32
      %sign3A_2128 = arith.cmpi sgt, %jit3A_2115, %sign3A_2127 : i32
      %sign3A_2129 = arith.extui %sign3A_2128 : i1 to i32
      %sign3A_2130 = arith.constant 0 : i32
      %sign3A_2131 = arith.cmpi slt, %jit3A_2115, %sign3A_2130 : i32
      %sign3A_2132 = arith.extui %sign3A_2131 : i1 to i32
      %sign3A_2133 = arith.subi %sign3A_2129, %sign3A_2132 : i32
      %ne3A_2134 = vector.broadcast %sign3A_2133 : i32 to vector<16xi32>
      %ne3A_2135 = arith.cmpi ne, %sign3A_2126, %ne3A_2134 : vector<16xi32>
      %rem3A_2136 = vector.broadcast %jit3A_2115 : i32 to vector<16xi32>
      %rem3A_2137 = arith.remsi %add3A_2114, %rem3A_2136 : vector<16xi32>
      %ne3A_2138 = arith.constant 0 : i32
      %ne3A_2139 = vector.broadcast %ne3A_2138 : i32 to vector<16xi32>
      %ne3A_2140 = arith.cmpi ne, %rem3A_2137, %ne3A_2139 : vector<16xi32>
      %and3A_2141 = arith.andi %ne3A_2135, %ne3A_2140 : vector<16xi1>
      %sub3A_2142 = arith.constant 1 : i32
      %sub3A_2143 = vector.broadcast %sub3A_2142 : i32 to vector<16xi32>
      %sub3A_2144 = arith.subi %div3A_2117, %sub3A_2143 : vector<16xi32>
      %select_n3A_2145 = arith.select %and3A_2141, %sub3A_2144, %div3A_2117 : vector<16xi1>, vector<16xi32>
      %add3A_2146 = arith.constant 48 : i32
      %add3A_2147 = vector.broadcast %add3A_2146 : i32 to vector<16xi32>
      %add3A_2148 = arith.addi %add3A_2147, %iota3A_2031 : vector<16xi32>
      %jit3A_2149 = arith.constant 8 : i32
      %div3A_2150 = vector.broadcast %jit3A_2149 : i32 to vector<16xi32>
      %div3A_2151 = arith.divsi %add3A_2148, %div3A_2150 : vector<16xi32>
      %sign3A_2152 = arith.constant 0 : i32
      %sign3A_2153 = vector.broadcast %sign3A_2152 : i32 to vector<16xi32>
      %sign3A_2154 = arith.cmpi sgt, %add3A_2148, %sign3A_2153 : vector<16xi32>
      %sign3A_2155 = arith.extui %sign3A_2154 : vector<16xi1> to vector<16xi32>
      %sign3A_2156 = arith.constant 0 : i32
      %sign3A_2157 = vector.broadcast %sign3A_2156 : i32 to vector<16xi32>
      %sign3A_2158 = arith.cmpi slt, %add3A_2148, %sign3A_2157 : vector<16xi32>
      %sign3A_2159 = arith.extui %sign3A_2158 : vector<16xi1> to vector<16xi32>
      %sign3A_2160 = arith.subi %sign3A_2155, %sign3A_2159 : vector<16xi32>
      %sign3A_2161 = arith.constant 0 : i32
      %sign3A_2162 = arith.cmpi sgt, %jit3A_2149, %sign3A_2161 : i32
      %sign3A_2163 = arith.extui %sign3A_2162 : i1 to i32
      %sign3A_2164 = arith.constant 0 : i32
      %sign3A_2165 = arith.cmpi slt, %jit3A_2149, %sign3A_2164 : i32
      %sign3A_2166 = arith.extui %sign3A_2165 : i1 to i32
      %sign3A_2167 = arith.subi %sign3A_2163, %sign3A_2166 : i32
      %ne3A_2168 = vector.broadcast %sign3A_2167 : i32 to vector<16xi32>
      %ne3A_2169 = arith.cmpi ne, %sign3A_2160, %ne3A_2168 : vector<16xi32>
      %rem3A_2170 = vector.broadcast %jit3A_2149 : i32 to vector<16xi32>
      %rem3A_2171 = arith.remsi %add3A_2148, %rem3A_2170 : vector<16xi32>
      %ne3A_2172 = arith.constant 0 : i32
      %ne3A_2173 = vector.broadcast %ne3A_2172 : i32 to vector<16xi32>
      %ne3A_2174 = arith.cmpi ne, %rem3A_2171, %ne3A_2173 : vector<16xi32>
      %and3A_2175 = arith.andi %ne3A_2169, %ne3A_2174 : vector<16xi1>
      %sub3A_2176 = arith.constant 1 : i32
      %sub3A_2177 = vector.broadcast %sub3A_2176 : i32 to vector<16xi32>
      %sub3A_2178 = arith.subi %div3A_2151, %sub3A_2177 : vector<16xi32>
      %select_n3A_2179 = arith.select %and3A_2175, %sub3A_2178, %div3A_2151 : vector<16xi1>, vector<16xi32>
      %add3A_2180 = arith.constant 0 : i32
      %add3A_2181 = vector.broadcast %add3A_2180 : i32 to vector<16xi32>
      %add3A_2182 = arith.addi %add3A_2181, %iota3A_2031 : vector<16xi32>
      %jit3A_2183 = arith.constant 8 : i32
      %eq3A_2184 = arith.constant 0 : i32
      %eq3A_2185 = arith.cmpi eq, %jit3A_2183, %eq3A_2184 : i32
      %jit3A_2186 = arith.constant 1 : i32
      %select_n3A_2187 = arith.select %eq3A_2185, %jit3A_2186, %jit3A_2183 : i32
      %rem3A_2188 = vector.broadcast %select_n3A_2187 : i32 to vector<16xi32>
      %rem3A_2189 = arith.remsi %add3A_2182, %rem3A_2188 : vector<16xi32>
      %ne3A_2190 = arith.constant 0 : i32
      %ne3A_2191 = vector.broadcast %ne3A_2190 : i32 to vector<16xi32>
      %ne3A_2192 = arith.cmpi ne, %rem3A_2189, %ne3A_2191 : vector<16xi32>
      %lt3A_2193 = arith.constant 0 : i32
      %lt3A_2194 = vector.broadcast %lt3A_2193 : i32 to vector<16xi32>
      %lt3A_2195 = arith.cmpi slt, %rem3A_2189, %lt3A_2194 : vector<16xi32>
      %lt3A_2196 = arith.constant 0 : i32
      %lt3A_2197 = arith.cmpi slt, %select_n3A_2187, %lt3A_2196 : i32
      %ne3A_2198 = vector.broadcast %lt3A_2197 : i1 to vector<16xi1>
      %ne3A_2199 = vector.broadcast %ne3A_2198 : vector<16xi1> to vector<16xi1>
      %ne3A_2200 = arith.xori %lt3A_2195, %ne3A_2199 : vector<16xi1>
      %and3A_2201 = arith.andi %ne3A_2200, %ne3A_2192 : vector<16xi1>
      %add3A_2202 = vector.broadcast %select_n3A_2187 : i32 to vector<16xi32>
      %add3A_2203 = arith.addi %rem3A_2189, %add3A_2202 : vector<16xi32>
      %select_n3A_2204 = arith.select %and3A_2201, %add3A_2203, %rem3A_2189 : vector<16xi1>, vector<16xi32>
      %add3A_2205 = arith.constant 16 : i32
      %add3A_2206 = vector.broadcast %add3A_2205 : i32 to vector<16xi32>
      %add3A_2207 = arith.addi %add3A_2206, %iota3A_2031 : vector<16xi32>
      %jit3A_2208 = arith.constant 8 : i32
      %eq3A_2209 = arith.constant 0 : i32
      %eq3A_2210 = arith.cmpi eq, %jit3A_2208, %eq3A_2209 : i32
      %jit3A_2211 = arith.constant 1 : i32
      %select_n3A_2212 = arith.select %eq3A_2210, %jit3A_2211, %jit3A_2208 : i32
      %rem3A_2213 = vector.broadcast %select_n3A_2212 : i32 to vector<16xi32>
      %rem3A_2214 = arith.remsi %add3A_2207, %rem3A_2213 : vector<16xi32>
      %ne3A_2215 = arith.constant 0 : i32
      %ne3A_2216 = vector.broadcast %ne3A_2215 : i32 to vector<16xi32>
      %ne3A_2217 = arith.cmpi ne, %rem3A_2214, %ne3A_2216 : vector<16xi32>
      %lt3A_2218 = arith.constant 0 : i32
      %lt3A_2219 = vector.broadcast %lt3A_2218 : i32 to vector<16xi32>
      %lt3A_2220 = arith.cmpi slt, %rem3A_2214, %lt3A_2219 : vector<16xi32>
      %lt3A_2221 = arith.constant 0 : i32
      %lt3A_2222 = arith.cmpi slt, %select_n3A_2212, %lt3A_2221 : i32
      %ne3A_2223 = vector.broadcast %lt3A_2222 : i1 to vector<16xi1>
      %ne3A_2224 = vector.broadcast %ne3A_2223 : vector<16xi1> to vector<16xi1>
      %ne3A_2225 = arith.xori %lt3A_2220, %ne3A_2224 : vector<16xi1>
      %and3A_2226 = arith.andi %ne3A_2225, %ne3A_2217 : vector<16xi1>
      %add3A_2227 = vector.broadcast %select_n3A_2212 : i32 to vector<16xi32>
      %add3A_2228 = arith.addi %rem3A_2214, %add3A_2227 : vector<16xi32>
      %select_n3A_2229 = arith.select %and3A_2226, %add3A_2228, %rem3A_2214 : vector<16xi1>, vector<16xi32>
      %add3A_2230 = arith.constant 32 : i32
      %add3A_2231 = vector.broadcast %add3A_2230 : i32 to vector<16xi32>
      %add3A_2232 = arith.addi %add3A_2231, %iota3A_2031 : vector<16xi32>
      %jit3A_2233 = arith.constant 8 : i32
      %eq3A_2234 = arith.constant 0 : i32
      %eq3A_2235 = arith.cmpi eq, %jit3A_2233, %eq3A_2234 : i32
      %jit3A_2236 = arith.constant 1 : i32
      %select_n3A_2237 = arith.select %eq3A_2235, %jit3A_2236, %jit3A_2233 : i32
      %rem3A_2238 = vector.broadcast %select_n3A_2237 : i32 to vector<16xi32>
      %rem3A_2239 = arith.remsi %add3A_2232, %rem3A_2238 : vector<16xi32>
      %ne3A_2240 = arith.constant 0 : i32
      %ne3A_2241 = vector.broadcast %ne3A_2240 : i32 to vector<16xi32>
      %ne3A_2242 = arith.cmpi ne, %rem3A_2239, %ne3A_2241 : vector<16xi32>
      %lt3A_2243 = arith.constant 0 : i32
      %lt3A_2244 = vector.broadcast %lt3A_2243 : i32 to vector<16xi32>
      %lt3A_2245 = arith.cmpi slt, %rem3A_2239, %lt3A_2244 : vector<16xi32>
      %lt3A_2246 = arith.constant 0 : i32
      %lt3A_2247 = arith.cmpi slt, %select_n3A_2237, %lt3A_2246 : i32
      %ne3A_2248 = vector.broadcast %lt3A_2247 : i1 to vector<16xi1>
      %ne3A_2249 = vector.broadcast %ne3A_2248 : vector<16xi1> to vector<16xi1>
      %ne3A_2250 = arith.xori %lt3A_2245, %ne3A_2249 : vector<16xi1>
      %and3A_2251 = arith.andi %ne3A_2250, %ne3A_2242 : vector<16xi1>
      %add3A_2252 = vector.broadcast %select_n3A_2237 : i32 to vector<16xi32>
      %add3A_2253 = arith.addi %rem3A_2239, %add3A_2252 : vector<16xi32>
      %select_n3A_2254 = arith.select %and3A_2251, %add3A_2253, %rem3A_2239 : vector<16xi1>, vector<16xi32>
      %add3A_2255 = arith.constant 48 : i32
      %add3A_2256 = vector.broadcast %add3A_2255 : i32 to vector<16xi32>
      %add3A_2257 = arith.addi %add3A_2256, %iota3A_2031 : vector<16xi32>
      %jit3A_2258 = arith.constant 8 : i32
      %eq3A_2259 = arith.constant 0 : i32
      %eq3A_2260 = arith.cmpi eq, %jit3A_2258, %eq3A_2259 : i32
      %jit3A_2261 = arith.constant 1 : i32
      %select_n3A_2262 = arith.select %eq3A_2260, %jit3A_2261, %jit3A_2258 : i32
      %rem3A_2263 = vector.broadcast %select_n3A_2262 : i32 to vector<16xi32>
      %rem3A_2264 = arith.remsi %add3A_2257, %rem3A_2263 : vector<16xi32>
      %ne3A_2265 = arith.constant 0 : i32
      %ne3A_2266 = vector.broadcast %ne3A_2265 : i32 to vector<16xi32>
      %ne3A_2267 = arith.cmpi ne, %rem3A_2264, %ne3A_2266 : vector<16xi32>
      %lt3A_2268 = arith.constant 0 : i32
      %lt3A_2269 = vector.broadcast %lt3A_2268 : i32 to vector<16xi32>
      %lt3A_2270 = arith.cmpi slt, %rem3A_2264, %lt3A_2269 : vector<16xi32>
      %lt3A_2271 = arith.constant 0 : i32
      %lt3A_2272 = arith.cmpi slt, %select_n3A_2262, %lt3A_2271 : i32
      %ne3A_2273 = vector.broadcast %lt3A_2272 : i1 to vector<16xi1>
      %ne3A_2274 = vector.broadcast %ne3A_2273 : vector<16xi1> to vector<16xi1>
      %ne3A_2275 = arith.xori %lt3A_2270, %ne3A_2274 : vector<16xi1>
      %and3A_2276 = arith.andi %ne3A_2275, %ne3A_2267 : vector<16xi1>
      %add3A_2277 = vector.broadcast %select_n3A_2262 : i32 to vector<16xi32>
      %add3A_2278 = arith.addi %rem3A_2264, %add3A_2277 : vector<16xi32>
      %select_n3A_2279 = arith.select %and3A_2276, %add3A_2278, %rem3A_2264 : vector<16xi1>, vector<16xi32>
      %parallel_loop3A_2280 = arith.constant 0 : i32
      %parallel_loop3A_2281 = arith.constant 128 : i32
      %parallel_loop3A_2282 = arith.constant 1 : i32
      scf.for %parallel_loop3A_3297 = %parallel_loop3A_2280 to %parallel_loop3A_2281 step %parallel_loop3A_2282  : i32 {
        %parallel_loop3A_3298 = arith.constant 0 : i32
        %parallel_loop3A_3299 = vector.broadcast %parallel_loop3A_3298 : i32 to vector<16xi32>
        %parallel_loop3A_3300 = vector.broadcast %parallel_loop3A_3297 : i32 to vector<16xi32>
        %parallel_loop3A_3301 = arith.addi %parallel_loop3A_3299, %parallel_loop3A_3300 : vector<16xi32>
        %parallel_loop3A_3302 = arith.constant 3 : i32
        %parallel_loop3A_3303 = arith.index_cast %parallel_loop3A_3302 : i32 to index
        %parallel_loop3A_3304 = arith.index_cast %parallel_loop3A_3297 : i32 to index
        %parallel_loop3A_3305 = arith.constant 0 : index
        %parallel_loop3A_3306 = tpu.vector_load %arg8[%parallel_loop3A_3303, %parallel_loop3A_3304, %parallel_loop3A_3305] {strides = array<i32>} : memref<5x128x64xf32, #tpu.memory_space<vmem>>, vector<16xf32>,
        %parallel_loop3A_3307 = arith.addf %parallel_loop3A_3306, %get3A_2034 : vector<16xf32>
        %parallel_loop3A_3308 = arith.constant 3 : i32
        %parallel_loop3A_3309 = arith.constant 0 : i32
        %parallel_loop3A_3310 = arith.constant 0 : i32
        %parallel_loop3A_3311 = arith.constant 0 : i32
        %parallel_loop3A_3312 = tpu.memref_slice %arg9[%parallel_loop3A_3308, %parallel_loop3A_3309, %parallel_loop3A_3310, %parallel_loop3A_3311] : memref<5x8x8x129xf32, #tpu.memory_space<vmem>> -> memref<1x8x8x129xf32, #tpu.memory_space<vmem>>
        %parallel_loop3A_3313 = tpu.memref_squeeze %parallel_loop3A_3312 : memref<1x8x8x129xf32, #tpu.memory_space<vmem>> -> memref<8x8x129xf32, #tpu.memory_space<vmem>>
        tpu.vector_store_idx %parallel_loop3A_3313[%select_n3A_2077, %select_n3A_2204, %parallel_loop3A_3301], %parallel_loop3A_3307 : memref<8x8x129xf32, #tpu.memory_space<vmem>>[vector<16xi32>, vector<16xi32>, vector<16xi32>], vector<16xf32>,
        %parallel_loop3A_3314 = arith.constant 3 : i32
        %parallel_loop3A_3315 = arith.index_cast %parallel_loop3A_3314 : i32 to index
        %parallel_loop3A_3316 = arith.index_cast %parallel_loop3A_3297 : i32 to index
        %parallel_loop3A_3317 = arith.constant 16 : index
        %parallel_loop3A_3318 = tpu.vector_load %arg8[%parallel_loop3A_3315, %parallel_loop3A_3316, %parallel_loop3A_3317] {strides = array<i32>} : memref<5x128x64xf32, #tpu.memory_space<vmem>>, vector<16xf32>,
        %parallel_loop3A_3319 = arith.addf %parallel_loop3A_3318, %get3A_2037 : vector<16xf32>
        %parallel_loop3A_3320 = arith.constant 3 : i32
        %parallel_loop3A_3321 = arith.constant 0 : i32
        %parallel_loop3A_3322 = arith.constant 0 : i32
        %parallel_loop3A_3323 = arith.constant 0 : i32
        %parallel_loop3A_3324 = tpu.memref_slice %arg9[%parallel_loop3A_3320, %parallel_loop3A_3321, %parallel_loop3A_3322, %parallel_loop3A_3323] : memref<5x8x8x129xf32, #tpu.memory_space<vmem>> -> memref<1x8x8x129xf32, #tpu.memory_space<vmem>>
        %parallel_loop3A_3325 = tpu.memref_squeeze %parallel_loop3A_3324 : memref<1x8x8x129xf32, #tpu.memory_space<vmem>> -> memref<8x8x129xf32, #tpu.memory_space<vmem>>
        tpu.vector_store_idx %parallel_loop3A_3325[%select_n3A_2111, %select_n3A_2229, %parallel_loop3A_3301], %parallel_loop3A_3319 : memref<8x8x129xf32, #tpu.memory_space<vmem>>[vector<16xi32>, vector<16xi32>, vector<16xi32>], vector<16xf32>,
        %parallel_loop3A_3326 = arith.constant 3 : i32
        %parallel_loop3A_3327 = arith.index_cast %parallel_loop3A_3326 : i32 to index
        %parallel_loop3A_3328 = arith.index_cast %parallel_loop3A_3297 : i32 to index
        %parallel_loop3A_3329 = arith.constant 32 : index
        %parallel_loop3A_3330 = tpu.vector_load %arg8[%parallel_loop3A_3327, %parallel_loop3A_3328, %parallel_loop3A_3329] {strides = array<i32>} : memref<5x128x64xf32, #tpu.memory_space<vmem>>, vector<16xf32>,
        %parallel_loop3A_3331 = arith.addf %parallel_loop3A_3330, %get3A_2040 : vector<16xf32>
        %parallel_loop3A_3332 = arith.constant 3 : i32
        %parallel_loop3A_3333 = arith.constant 0 : i32
        %parallel_loop3A_3334 = arith.constant 0 : i32
        %parallel_loop3A_3335 = arith.constant 0 : i32
        %parallel_loop3A_3336 = tpu.memref_slice %arg9[%parallel_loop3A_3332, %parallel_loop3A_3333, %parallel_loop3A_3334, %parallel_loop3A_3335] : memref<5x8x8x129xf32, #tpu.memory_space<vmem>> -> memref<1x8x8x129xf32, #tpu.memory_space<vmem>>
        %parallel_loop3A_3337 = tpu.memref_squeeze %parallel_loop3A_3336 : memref<1x8x8x129xf32, #tpu.memory_space<vmem>> -> memref<8x8x129xf32, #tpu.memory_space<vmem>>
        tpu.vector_store_idx %parallel_loop3A_3337[%select_n3A_2145, %select_n3A_2254, %parallel_loop3A_3301], %parallel_loop3A_3331 : memref<8x8x129xf32, #tpu.memory_space<vmem>>[vector<16xi32>, vector<16xi32>, vector<16xi32>], vector<16xf32>,
        %parallel_loop3A_3338 = arith.constant 3 : i32
        %parallel_loop3A_3339 = arith.index_cast %parallel_loop3A_3338 : i32 to index
        %parallel_loop3A_3340 = arith.index_cast %parallel_loop3A_3297 : i32 to index
        %parallel_loop3A_3341 = arith.constant 48 : index
        %parallel_loop3A_3342 = tpu.vector_load %arg8[%parallel_loop3A_3339, %parallel_loop3A_3340, %parallel_loop3A_3341] {strides = array<i32>} : memref<5x128x64xf32, #tpu.memory_space<vmem>>, vector<16xf32>,
        %parallel_loop3A_3343 = arith.addf %parallel_loop3A_3342, %get3A_2043 : vector<16xf32>
        %parallel_loop3A_3344 = arith.constant 3 : i32
        %parallel_loop3A_3345 = arith.constant 0 : i32
        %parallel_loop3A_3346 = arith.constant 0 : i32
        %parallel_loop3A_3347 = arith.constant 0 : i32
        %parallel_loop3A_3348 = tpu.memref_slice %arg9[%parallel_loop3A_3344, %parallel_loop3A_3345, %parallel_loop3A_3346, %parallel_loop3A_3347] : memref<5x8x8x129xf32, #tpu.memory_space<vmem>> -> memref<1x8x8x129xf32, #tpu.memory_space<vmem>>
        %parallel_loop3A_3349 = tpu.memref_squeeze %parallel_loop3A_3348 : memref<1x8x8x129xf32, #tpu.memory_space<vmem>> -> memref<8x8x129xf32, #tpu.memory_space<vmem>>
        tpu.vector_store_idx %parallel_loop3A_3349[%select_n3A_2179, %select_n3A_2279, %parallel_loop3A_3301], %parallel_loop3A_3343 : memref<8x8x129xf32, #tpu.memory_space<vmem>>[vector<16xi32>, vector<16xi32>, vector<16xi32>], vector<16xf32>,
      } {sc.loop_unroll_factor = 2 : i64, sc.parallel_access}
      %dma_start3A_2283 = arith.constant 3 : i32
      %dma_start3A_2284 = arith.constant 0 : i32
      %dma_start3A_2285 = arith.constant 0 : i32
      %dma_start3A_2286 = arith.constant 0 : i32
      %dma_start3A_2287 = tpu.memref_slice %arg9[%dma_start3A_2283, %dma_start3A_2284, %dma_start3A_2285, %dma_start3A_2286] : memref<5x8x8x129xf32, #tpu.memory_space<vmem>> -> memref<1x8x8x128xf32, #tpu.memory_space<vmem>>
      %dma_start3A_2288 = tpu.memref_squeeze %dma_start3A_2287 : memref<1x8x8x128xf32, #tpu.memory_space<vmem>> -> memref<8x8x128xf32, #tpu.memory_space<vmem>>
      %dma_start3A_2289 = arith.constant 0 : i32
      %dma_start3A_2290 = arith.constant 0 : i32
      %dma_start3A_2291 = arith.constant 0 : i32
      %dma_start3A_2292 = tpu.memref_slice %arg5[%add3A_1978, %dma_start3A_2289, %add3A, %dma_start3A_2290, %dma_start3A_2291] : memref<200x8x32x8x128xf32, #tpu.memory_space<hbm>> -> memref<1x8x1x8x128xf32, #tpu.memory_space<hbm>>
      %dma_start3A_2293 = tpu.memref_squeeze %dma_start3A_2292 : memref<1x8x1x8x128xf32, #tpu.memory_space<hbm>> -> memref<8x8x128xf32, #tpu.memory_space<hbm>>
      %dma_start3A_2294 = arith.constant 0 : i32
      %dma_start3A_2295 = arith.constant 0 : i32
      %dma_start3A_2296 = arith.constant 0 : i32
      %dma_start3A_2297 = tpu.memref_slice %arg5[%add3A_1978, %dma_start3A_2294, %add3A, %dma_start3A_2295, %dma_start3A_2296] : memref<200x8x32x8x128xf32, #tpu.memory_space<hbm>> -> memref<1x8x1x8x128xf32, #tpu.memory_space<hbm>>
      %dma_start3A_2298 = tpu.memref_squeeze %dma_start3A_2297 : memref<1x8x1x8x128xf32, #tpu.memory_space<hbm>> -> memref<8x8x128xf32, #tpu.memory_space<hbm>>
      %dma_start3A_2299 = arith.constant 0 : i32
      %dma_start3A_2300 = arith.constant 0 : i32
      %dma_start3A_2301 = arith.constant 0 : i32
      %dma_start3A_2302 = tpu.memref_slice %arg9[%dma_start3A_2283, %dma_start3A_2299, %dma_start3A_2300, %dma_start3A_2301] : memref<5x8x8x129xf32, #tpu.memory_space<vmem>> -> memref<1x8x8x128xf32, #tpu.memory_space<vmem>>
      %dma_start3A_2303 = tpu.memref_squeeze %dma_start3A_2302 : memref<1x8x8x128xf32, #tpu.memory_space<vmem>> -> memref<8x8x128xf32, #tpu.memory_space<vmem>>
      tpu.enqueue_dma source(%dma_start3A_2303 : memref<8x8x128xf32, #tpu.memory_space<vmem>>) target(%dma_start3A_2298 : memref<8x8x128xf32, #tpu.memory_space<hbm>>) target_semaphore(%arg18 : memref<!tpu.dma_semaphore, #tpu.memory_space<semaphore_mem>>)
      %mul3A_2304 = arith.constant 5 : i32
      %mul3A_2305 = arith.muli %scan3A_1641, %mul3A_2304 : i32
      %add3A_2306 = arith.constant 2 : i32
      %add3A_2307 = arith.addi %add3A_2306, %mul3A_2305 : i32
      %add3A_2308 = arith.constant 2 : i32
      %add3A_2309 = arith.addi %add3A_2307, %add3A_2308 : i32
      %dma_wait3A_2310 = arith.constant 2 : i32
      %dma_wait3A_2311 = arith.constant 0 : i32
      %dma_wait3A_2312 = arith.constant 0 : i32
      %dma_wait3A_2313 = arith.constant 0 : i32
      %dma_wait3A_2314 = arith.constant 0 : i32
      %dma_wait3A_2315 = tpu.memref_slice %arg9[%dma_wait3A_2310, %dma_wait3A_2312, %dma_wait3A_2313, %dma_wait3A_2314] : memref<5x8x8x129xf32, #tpu.memory_space<vmem>> -> memref<1x8x8x128xf32, #tpu.memory_space<vmem>>
      %dma_wait3A_2316 = tpu.memref_squeeze %dma_wait3A_2315 : memref<1x8x8x128xf32, #tpu.memory_space<vmem>> -> memref<8x8x128xf32, #tpu.memory_space<vmem>>
      %dma_wait3A_2317 = arith.constant 0 : i32
      %dma_wait3A_2318 = arith.constant 0 : i32
      %dma_wait3A_2319 = arith.constant 0 : i32
      %dma_wait3A_2320 = tpu.memref_slice %arg5[%dma_wait3A_2311, %dma_wait3A_2317, %add3A, %dma_wait3A_2318, %dma_wait3A_2319] : memref<200x8x32x8x128xf32, #tpu.memory_space<hbm>> -> memref<1x8x1x8x128xf32, #tpu.memory_space<hbm>>
      %dma_wait3A_2321 = tpu.memref_squeeze %dma_wait3A_2320 : memref<1x8x1x8x128xf32, #tpu.memory_space<hbm>> -> memref<8x8x128xf32, #tpu.memory_space<hbm>>
      %dma_wait3A_2322 = arith.constant 0 : i32
      %dma_wait3A_2323 = arith.constant 0 : i32
      %dma_wait3A_2324 = arith.constant 0 : i32
      %dma_wait3A_2325 = tpu.memref_slice %arg5[%dma_wait3A_2311, %dma_wait3A_2322, %add3A, %dma_wait3A_2323, %dma_wait3A_2324] : memref<200x8x32x8x128xf32, #tpu.memory_space<hbm>> -> memref<1x8x1x8x128xf32, #tpu.memory_space<hbm>>
      %dma_wait3A_2326 = tpu.memref_squeeze %dma_wait3A_2325 : memref<1x8x1x8x128xf32, #tpu.memory_space<hbm>> -> memref<8x8x128xf32, #tpu.memory_space<hbm>>
      %dma_wait3A_2327 = arith.constant 0 : i32
      %dma_wait3A_2328 = arith.constant 0 : i32
      %dma_wait3A_2329 = arith.constant 0 : i32
      %dma_wait3A_2330 = tpu.memref_slice %arg9[%dma_wait3A_2310, %dma_wait3A_2327, %dma_wait3A_2328, %dma_wait3A_2329] : memref<5x8x8x129xf32, #tpu.memory_space<vmem>> -> memref<1x8x8x128xf32, #tpu.memory_space<vmem>>
      %dma_wait3A_2331 = tpu.memref_squeeze %dma_wait3A_2330 : memref<1x8x8x128xf32, #tpu.memory_space<vmem>> -> memref<8x8x128xf32, #tpu.memory_space<vmem>>
      tpu.wait_dma2 semaphore(%arg17 : memref<!tpu.dma_semaphore, #tpu.memory_space<semaphore_mem>>) src(%dma_wait3A_2331 : memref<8x8x128xf32, #tpu.memory_space<vmem>>) dst(%dma_wait3A_2326 : memref<8x8x128xf32, #tpu.memory_space<hbm>>)
      %add3A_2332 = arith.constant 3 : i32
      %add3A_2333 = arith.addi %add3A_2309, %add3A_2332 : i32
      %div3A_2334 = arith.constant 8 : i32
      %div3A_2335 = arith.divsi %add3A_2333, %div3A_2334 : i32
      %rem3A_2336 = arith.constant 8 : i32
      %rem3A_2337 = arith.remsi %add3A_2333, %rem3A_2336 : i32
      %dma_start3A_2338 = arith.constant 2 : i32
      %dma_start3A_2339 = arith.constant 0 : i32
      %dma_start3A_2340 = arith.constant 0 : i32
      %dma_start3A_2341 = tpu.memref_slice %arg8[%dma_start3A_2338, %dma_start3A_2339, %dma_start3A_2340] : memref<5x128x64xf32, #tpu.memory_space<vmem>> -> memref<1x128x64xf32, #tpu.memory_space<vmem>>
      %dma_start3A_2342 = tpu.memref_squeeze %dma_start3A_2341 : memref<1x128x64xf32, #tpu.memory_space<vmem>> -> memref<128x64xf32, #tpu.memory_space<vmem>>
      %dma_start3A_2343 = arith.constant 0 : i32
      %dma_start3A_2344 = tpu.memref_slice %arg6[%div3A_2335, %rem3A_2337, %dma_start3A_2343] : memref<25x8x128xi32, #tpu.memory_space<vmem>> -> memref<1x1x128xi32, #tpu.memory_space<vmem>>
      %dma_start3A_2345 = tpu.memref_squeeze %dma_start3A_2344 : memref<1x1x128xi32, #tpu.memory_space<vmem>> -> memref<128xi32, #tpu.memory_space<vmem>>
      %dma_start3A_2346 = arith.constant 0 : i32
      %dma_start3A_2347 = arith.constant 0 : i32
      %dma_start3A_2348 = tpu.memref_slice %arg3[%dma_start3A_2346, %dma_start3A_2347] : memref<100000x64xf32, #tpu.memory_space<hbm>> -> memref<100000x64xf32, #tpu.memory_space<hbm>>
      tpu.enqueue_indirect_dma source(%dma_start3A_2348 : memref<100000x64xf32, #tpu.memory_space<hbm>>) target(%dma_start3A_2342 : memref<128x64xf32, #tpu.memory_space<vmem>>) offsets(%dma_start3A_2345 : memref<128xi32, #tpu.memory_space<vmem>>) semaphore(%arg12 : memref<!tpu.dma_semaphore, #tpu.memory_space<semaphore_mem>>)
      %dma_wait3A_2349 = arith.constant 0 : i32
      %dma_wait3A_2350 = arith.constant 0 : i32
      %dma_wait3A_2351 = arith.constant 4 : i32
      %dma_wait3A_2352 = arith.constant 0 : i32
      %dma_wait3A_2353 = arith.constant 0 : i32
      %dma_wait3A_2354 = tpu.memref_slice %arg8[%dma_wait3A_2351, %dma_wait3A_2352, %dma_wait3A_2353] : memref<5x128x64xf32, #tpu.memory_space<vmem>> -> memref<1x128x64xf32, #tpu.memory_space<vmem>>
      %dma_wait3A_2355 = tpu.memref_squeeze %dma_wait3A_2354 : memref<1x128x64xf32, #tpu.memory_space<vmem>> -> memref<128x64xf32, #tpu.memory_space<vmem>>
      %dma_wait3A_2356 = arith.constant 0 : i32
      %dma_wait3A_2357 = tpu.memref_slice %arg6[%dma_wait3A_2349, %dma_wait3A_2350, %dma_wait3A_2356] : memref<25x8x128xi32, #tpu.memory_space<vmem>> -> memref<1x1x128xi32, #tpu.memory_space<vmem>>
      %dma_wait3A_2358 = tpu.memref_squeeze %dma_wait3A_2357 : memref<1x1x128xi32, #tpu.memory_space<vmem>> -> memref<128xi32, #tpu.memory_space<vmem>>
      %dma_wait3A_2359 = arith.constant 0 : i32
      %dma_wait3A_2360 = arith.constant 0 : i32
      %dma_wait3A_2361 = tpu.memref_slice %arg3[%dma_wait3A_2359, %dma_wait3A_2360] : memref<100000x64xf32, #tpu.memory_space<hbm>> -> memref<100000x64xf32, #tpu.memory_space<hbm>>
      tpu.wait_indirect_dma semaphore(%arg14 : memref<!tpu.dma_semaphore, #tpu.memory_space<semaphore_mem>>) src(%dma_wait3A_2361 : memref<100000x64xf32, #tpu.memory_space<hbm>>) dst(%dma_wait3A_2355 : memref<128x64xf32, #tpu.memory_space<vmem>>)
      %iota3A_2362 = tpu.iota {dimensions = array<i32: 0>} : vector<16xi32>
      %get3A_2363 = arith.index_cast %add3A_2309 : i32 to index
      %get3A_2364 = arith.constant 0 : index
      %get3A_2365 = tpu.vector_load %arg7[%get3A_2363, %get3A_2364] {strides = array<i32>} : memref<200x64xf32, #tpu.memory_space<vmem>>, vector<16xf32>,
      %get3A_2366 = arith.index_cast %add3A_2309 : i32 to index
      %get3A_2367 = arith.constant 16 : index
      %get3A_2368 = tpu.vector_load %arg7[%get3A_2366, %get3A_2367] {strides = array<i32>} : memref<200x64xf32, #tpu.memory_space<vmem>>, vector<16xf32>,
      %get3A_2369 = arith.index_cast %add3A_2309 : i32 to index
      %get3A_2370 = arith.constant 32 : index
      %get3A_2371 = tpu.vector_load %arg7[%get3A_2369, %get3A_2370] {strides = array<i32>} : memref<200x64xf32, #tpu.memory_space<vmem>>, vector<16xf32>,
      %get3A_2372 = arith.index_cast %add3A_2309 : i32 to index
      %get3A_2373 = arith.constant 48 : index
      %get3A_2374 = tpu.vector_load %arg7[%get3A_2372, %get3A_2373] {strides = array<i32>} : memref<200x64xf32, #tpu.memory_space<vmem>>, vector<16xf32>,
      %add3A_2375 = arith.constant 0 : i32
      %add3A_2376 = vector.broadcast %add3A_2375 : i32 to vector<16xi32>
      %add3A_2377 = arith.addi %add3A_2376, %iota3A_2362 : vector<16xi32>
      %jit3A_2378 = arith.constant 8 : i32
      %div3A_2379 = vector.broadcast %jit3A_2378 : i32 to vector<16xi32>
      %div3A_2380 = arith.divsi %add3A_2377, %div3A_2379 : vector<16xi32>
      %sign3A_2381 = arith.constant 0 : i32
      %sign3A_2382 = vector.broadcast %sign3A_2381 : i32 to vector<16xi32>
      %sign3A_2383 = arith.cmpi sgt, %add3A_2377, %sign3A_2382 : vector<16xi32>
      %sign3A_2384 = arith.extui %sign3A_2383 : vector<16xi1> to vector<16xi32>
      %sign3A_2385 = arith.constant 0 : i32
      %sign3A_2386 = vector.broadcast %sign3A_2385 : i32 to vector<16xi32>
      %sign3A_2387 = arith.cmpi slt, %add3A_2377, %sign3A_2386 : vector<16xi32>
      %sign3A_2388 = arith.extui %sign3A_2387 : vector<16xi1> to vector<16xi32>
      %sign3A_2389 = arith.subi %sign3A_2384, %sign3A_2388 : vector<16xi32>
      %sign3A_2390 = arith.constant 0 : i32
      %sign3A_2391 = arith.cmpi sgt, %jit3A_2378, %sign3A_2390 : i32
      %sign3A_2392 = arith.extui %sign3A_2391 : i1 to i32
      %sign3A_2393 = arith.constant 0 : i32
      %sign3A_2394 = arith.cmpi slt, %jit3A_2378, %sign3A_2393 : i32
      %sign3A_2395 = arith.extui %sign3A_2394 : i1 to i32
      %sign3A_2396 = arith.subi %sign3A_2392, %sign3A_2395 : i32
      %ne3A_2397 = vector.broadcast %sign3A_2396 : i32 to vector<16xi32>
      %ne3A_2398 = arith.cmpi ne, %sign3A_2389, %ne3A_2397 : vector<16xi32>
      %rem3A_2399 = vector.broadcast %jit3A_2378 : i32 to vector<16xi32>
      %rem3A_2400 = arith.remsi %add3A_2377, %rem3A_2399 : vector<16xi32>
      %ne3A_2401 = arith.constant 0 : i32
      %ne3A_2402 = vector.broadcast %ne3A_2401 : i32 to vector<16xi32>
      %ne3A_2403 = arith.cmpi ne, %rem3A_2400, %ne3A_2402 : vector<16xi32>
      %and3A_2404 = arith.andi %ne3A_2398, %ne3A_2403 : vector<16xi1>
      %sub3A_2405 = arith.constant 1 : i32
      %sub3A_2406 = vector.broadcast %sub3A_2405 : i32 to vector<16xi32>
      %sub3A_2407 = arith.subi %div3A_2380, %sub3A_2406 : vector<16xi32>
      %select_n3A_2408 = arith.select %and3A_2404, %sub3A_2407, %div3A_2380 : vector<16xi1>, vector<16xi32>
      %add3A_2409 = arith.constant 16 : i32
      %add3A_2410 = vector.broadcast %add3A_2409 : i32 to vector<16xi32>
      %add3A_2411 = arith.addi %add3A_2410, %iota3A_2362 : vector<16xi32>
      %jit3A_2412 = arith.constant 8 : i32
      %div3A_2413 = vector.broadcast %jit3A_2412 : i32 to vector<16xi32>
      %div3A_2414 = arith.divsi %add3A_2411, %div3A_2413 : vector<16xi32>
      %sign3A_2415 = arith.constant 0 : i32
      %sign3A_2416 = vector.broadcast %sign3A_2415 : i32 to vector<16xi32>
      %sign3A_2417 = arith.cmpi sgt, %add3A_2411, %sign3A_2416 : vector<16xi32>
      %sign3A_2418 = arith.extui %sign3A_2417 : vector<16xi1> to vector<16xi32>
      %sign3A_2419 = arith.constant 0 : i32
      %sign3A_2420 = vector.broadcast %sign3A_2419 : i32 to vector<16xi32>
      %sign3A_2421 = arith.cmpi slt, %add3A_2411, %sign3A_2420 : vector<16xi32>
      %sign3A_2422 = arith.extui %sign3A_2421 : vector<16xi1> to vector<16xi32>
      %sign3A_2423 = arith.subi %sign3A_2418, %sign3A_2422 : vector<16xi32>
      %sign3A_2424 = arith.constant 0 : i32
      %sign3A_2425 = arith.cmpi sgt, %jit3A_2412, %sign3A_2424 : i32
      %sign3A_2426 = arith.extui %sign3A_2425 : i1 to i32
      %sign3A_2427 = arith.constant 0 : i32
      %sign3A_2428 = arith.cmpi slt, %jit3A_2412, %sign3A_2427 : i32
      %sign3A_2429 = arith.extui %sign3A_2428 : i1 to i32
      %sign3A_2430 = arith.subi %sign3A_2426, %sign3A_2429 : i32
      %ne3A_2431 = vector.broadcast %sign3A_2430 : i32 to vector<16xi32>
      %ne3A_2432 = arith.cmpi ne, %sign3A_2423, %ne3A_2431 : vector<16xi32>
      %rem3A_2433 = vector.broadcast %jit3A_2412 : i32 to vector<16xi32>
      %rem3A_2434 = arith.remsi %add3A_2411, %rem3A_2433 : vector<16xi32>
      %ne3A_2435 = arith.constant 0 : i32
      %ne3A_2436 = vector.broadcast %ne3A_2435 : i32 to vector<16xi32>
      %ne3A_2437 = arith.cmpi ne, %rem3A_2434, %ne3A_2436 : vector<16xi32>
      %and3A_2438 = arith.andi %ne3A_2432, %ne3A_2437 : vector<16xi1>
      %sub3A_2439 = arith.constant 1 : i32
      %sub3A_2440 = vector.broadcast %sub3A_2439 : i32 to vector<16xi32>
      %sub3A_2441 = arith.subi %div3A_2414, %sub3A_2440 : vector<16xi32>
      %select_n3A_2442 = arith.select %and3A_2438, %sub3A_2441, %div3A_2414 : vector<16xi1>, vector<16xi32>
      %add3A_2443 = arith.constant 32 : i32
      %add3A_2444 = vector.broadcast %add3A_2443 : i32 to vector<16xi32>
      %add3A_2445 = arith.addi %add3A_2444, %iota3A_2362 : vector<16xi32>
      %jit3A_2446 = arith.constant 8 : i32
      %div3A_2447 = vector.broadcast %jit3A_2446 : i32 to vector<16xi32>
      %div3A_2448 = arith.divsi %add3A_2445, %div3A_2447 : vector<16xi32>
      %sign3A_2449 = arith.constant 0 : i32
      %sign3A_2450 = vector.broadcast %sign3A_2449 : i32 to vector<16xi32>
      %sign3A_2451 = arith.cmpi sgt, %add3A_2445, %sign3A_2450 : vector<16xi32>
      %sign3A_2452 = arith.extui %sign3A_2451 : vector<16xi1> to vector<16xi32>
      %sign3A_2453 = arith.constant 0 : i32
      %sign3A_2454 = vector.broadcast %sign3A_2453 : i32 to vector<16xi32>
      %sign3A_2455 = arith.cmpi slt, %add3A_2445, %sign3A_2454 : vector<16xi32>
      %sign3A_2456 = arith.extui %sign3A_2455 : vector<16xi1> to vector<16xi32>
      %sign3A_2457 = arith.subi %sign3A_2452, %sign3A_2456 : vector<16xi32>
      %sign3A_2458 = arith.constant 0 : i32
      %sign3A_2459 = arith.cmpi sgt, %jit3A_2446, %sign3A_2458 : i32
      %sign3A_2460 = arith.extui %sign3A_2459 : i1 to i32
      %sign3A_2461 = arith.constant 0 : i32
      %sign3A_2462 = arith.cmpi slt, %jit3A_2446, %sign3A_2461 : i32
      %sign3A_2463 = arith.extui %sign3A_2462 : i1 to i32
      %sign3A_2464 = arith.subi %sign3A_2460, %sign3A_2463 : i32
      %ne3A_2465 = vector.broadcast %sign3A_2464 : i32 to vector<16xi32>
      %ne3A_2466 = arith.cmpi ne, %sign3A_2457, %ne3A_2465 : vector<16xi32>
      %rem3A_2467 = vector.broadcast %jit3A_2446 : i32 to vector<16xi32>
      %rem3A_2468 = arith.remsi %add3A_2445, %rem3A_2467 : vector<16xi32>
      %ne3A_2469 = arith.constant 0 : i32
      %ne3A_2470 = vector.broadcast %ne3A_2469 : i32 to vector<16xi32>
      %ne3A_2471 = arith.cmpi ne, %rem3A_2468, %ne3A_2470 : vector<16xi32>
      %and3A_2472 = arith.andi %ne3A_2466, %ne3A_2471 : vector<16xi1>
      %sub3A_2473 = arith.constant 1 : i32
      %sub3A_2474 = vector.broadcast %sub3A_2473 : i32 to vector<16xi32>
      %sub3A_2475 = arith.subi %div3A_2448, %sub3A_2474 : vector<16xi32>
      %select_n3A_2476 = arith.select %and3A_2472, %sub3A_2475, %div3A_2448 : vector<16xi1>, vector<16xi32>
      %add3A_2477 = arith.constant 48 : i32
      %add3A_2478 = vector.broadcast %add3A_2477 : i32 to vector<16xi32>
      %add3A_2479 = arith.addi %add3A_2478, %iota3A_2362 : vector<16xi32>
      %jit3A_2480 = arith.constant 8 : i32
      %div3A_2481 = vector.broadcast %jit3A_2480 : i32 to vector<16xi32>
      %div3A_2482 = arith.divsi %add3A_2479, %div3A_2481 : vector<16xi32>
      %sign3A_2483 = arith.constant 0 : i32
      %sign3A_2484 = vector.broadcast %sign3A_2483 : i32 to vector<16xi32>
      %sign3A_2485 = arith.cmpi sgt, %add3A_2479, %sign3A_2484 : vector<16xi32>
      %sign3A_2486 = arith.extui %sign3A_2485 : vector<16xi1> to vector<16xi32>
      %sign3A_2487 = arith.constant 0 : i32
      %sign3A_2488 = vector.broadcast %sign3A_2487 : i32 to vector<16xi32>
      %sign3A_2489 = arith.cmpi slt, %add3A_2479, %sign3A_2488 : vector<16xi32>
      %sign3A_2490 = arith.extui %sign3A_2489 : vector<16xi1> to vector<16xi32>
      %sign3A_2491 = arith.subi %sign3A_2486, %sign3A_2490 : vector<16xi32>
      %sign3A_2492 = arith.constant 0 : i32
      %sign3A_2493 = arith.cmpi sgt, %jit3A_2480, %sign3A_2492 : i32
      %sign3A_2494 = arith.extui %sign3A_2493 : i1 to i32
      %sign3A_2495 = arith.constant 0 : i32
      %sign3A_2496 = arith.cmpi slt, %jit3A_2480, %sign3A_2495 : i32
      %sign3A_2497 = arith.extui %sign3A_2496 : i1 to i32
      %sign3A_2498 = arith.subi %sign3A_2494, %sign3A_2497 : i32
      %ne3A_2499 = vector.broadcast %sign3A_2498 : i32 to vector<16xi32>
      %ne3A_2500 = arith.cmpi ne, %sign3A_2491, %ne3A_2499 : vector<16xi32>
      %rem3A_2501 = vector.broadcast %jit3A_2480 : i32 to vector<16xi32>
      %rem3A_2502 = arith.remsi %add3A_2479, %rem3A_2501 : vector<16xi32>
      %ne3A_2503 = arith.constant 0 : i32
      %ne3A_2504 = vector.broadcast %ne3A_2503 : i32 to vector<16xi32>
      %ne3A_2505 = arith.cmpi ne, %rem3A_2502, %ne3A_2504 : vector<16xi32>
      %and3A_2506 = arith.andi %ne3A_2500, %ne3A_2505 : vector<16xi1>
      %sub3A_2507 = arith.constant 1 : i32
      %sub3A_2508 = vector.broadcast %sub3A_2507 : i32 to vector<16xi32>
      %sub3A_2509 = arith.subi %div3A_2482, %sub3A_2508 : vector<16xi32>
      %select_n3A_2510 = arith.select %and3A_2506, %sub3A_2509, %div3A_2482 : vector<16xi1>, vector<16xi32>
      %add3A_2511 = arith.constant 0 : i32
      %add3A_2512 = vector.broadcast %add3A_2511 : i32 to vector<16xi32>
      %add3A_2513 = arith.addi %add3A_2512, %iota3A_2362 : vector<16xi32>
      %jit3A_2514 = arith.constant 8 : i32
      %eq3A_2515 = arith.constant 0 : i32
      %eq3A_2516 = arith.cmpi eq, %jit3A_2514, %eq3A_2515 : i32
      %jit3A_2517 = arith.constant 1 : i32
      %select_n3A_2518 = arith.select %eq3A_2516, %jit3A_2517, %jit3A_2514 : i32
      %rem3A_2519 = vector.broadcast %select_n3A_2518 : i32 to vector<16xi32>
      %rem3A_2520 = arith.remsi %add3A_2513, %rem3A_2519 : vector<16xi32>
      %ne3A_2521 = arith.constant 0 : i32
      %ne3A_2522 = vector.broadcast %ne3A_2521 : i32 to vector<16xi32>
      %ne3A_2523 = arith.cmpi ne, %rem3A_2520, %ne3A_2522 : vector<16xi32>
      %lt3A_2524 = arith.constant 0 : i32
      %lt3A_2525 = vector.broadcast %lt3A_2524 : i32 to vector<16xi32>
      %lt3A_2526 = arith.cmpi slt, %rem3A_2520, %lt3A_2525 : vector<16xi32>
      %lt3A_2527 = arith.constant 0 : i32
      %lt3A_2528 = arith.cmpi slt, %select_n3A_2518, %lt3A_2527 : i32
      %ne3A_2529 = vector.broadcast %lt3A_2528 : i1 to vector<16xi1>
      %ne3A_2530 = vector.broadcast %ne3A_2529 : vector<16xi1> to vector<16xi1>
      %ne3A_2531 = arith.xori %lt3A_2526, %ne3A_2530 : vector<16xi1>
      %and3A_2532 = arith.andi %ne3A_2531, %ne3A_2523 : vector<16xi1>
      %add3A_2533 = vector.broadcast %select_n3A_2518 : i32 to vector<16xi32>
      %add3A_2534 = arith.addi %rem3A_2520, %add3A_2533 : vector<16xi32>
      %select_n3A_2535 = arith.select %and3A_2532, %add3A_2534, %rem3A_2520 : vector<16xi1>, vector<16xi32>
      %add3A_2536 = arith.constant 16 : i32
      %add3A_2537 = vector.broadcast %add3A_2536 : i32 to vector<16xi32>
      %add3A_2538 = arith.addi %add3A_2537, %iota3A_2362 : vector<16xi32>
      %jit3A_2539 = arith.constant 8 : i32
      %eq3A_2540 = arith.constant 0 : i32
      %eq3A_2541 = arith.cmpi eq, %jit3A_2539, %eq3A_2540 : i32
      %jit3A_2542 = arith.constant 1 : i32
      %select_n3A_2543 = arith.select %eq3A_2541, %jit3A_2542, %jit3A_2539 : i32
      %rem3A_2544 = vector.broadcast %select_n3A_2543 : i32 to vector<16xi32>
      %rem3A_2545 = arith.remsi %add3A_2538, %rem3A_2544 : vector<16xi32>
      %ne3A_2546 = arith.constant 0 : i32
      %ne3A_2547 = vector.broadcast %ne3A_2546 : i32 to vector<16xi32>
      %ne3A_2548 = arith.cmpi ne, %rem3A_2545, %ne3A_2547 : vector<16xi32>
      %lt3A_2549 = arith.constant 0 : i32
      %lt3A_2550 = vector.broadcast %lt3A_2549 : i32 to vector<16xi32>
      %lt3A_2551 = arith.cmpi slt, %rem3A_2545, %lt3A_2550 : vector<16xi32>
      %lt3A_2552 = arith.constant 0 : i32
      %lt3A_2553 = arith.cmpi slt, %select_n3A_2543, %lt3A_2552 : i32
      %ne3A_2554 = vector.broadcast %lt3A_2553 : i1 to vector<16xi1>
      %ne3A_2555 = vector.broadcast %ne3A_2554 : vector<16xi1> to vector<16xi1>
      %ne3A_2556 = arith.xori %lt3A_2551, %ne3A_2555 : vector<16xi1>
      %and3A_2557 = arith.andi %ne3A_2556, %ne3A_2548 : vector<16xi1>
      %add3A_2558 = vector.broadcast %select_n3A_2543 : i32 to vector<16xi32>
      %add3A_2559 = arith.addi %rem3A_2545, %add3A_2558 : vector<16xi32>
      %select_n3A_2560 = arith.select %and3A_2557, %add3A_2559, %rem3A_2545 : vector<16xi1>, vector<16xi32>
      %add3A_2561 = arith.constant 32 : i32
      %add3A_2562 = vector.broadcast %add3A_2561 : i32 to vector<16xi32>
      %add3A_2563 = arith.addi %add3A_2562, %iota3A_2362 : vector<16xi32>
      %jit3A_2564 = arith.constant 8 : i32
      %eq3A_2565 = arith.constant 0 : i32
      %eq3A_2566 = arith.cmpi eq, %jit3A_2564, %eq3A_2565 : i32
      %jit3A_2567 = arith.constant 1 : i32
      %select_n3A_2568 = arith.select %eq3A_2566, %jit3A_2567, %jit3A_2564 : i32
      %rem3A_2569 = vector.broadcast %select_n3A_2568 : i32 to vector<16xi32>
      %rem3A_2570 = arith.remsi %add3A_2563, %rem3A_2569 : vector<16xi32>
      %ne3A_2571 = arith.constant 0 : i32
      %ne3A_2572 = vector.broadcast %ne3A_2571 : i32 to vector<16xi32>
      %ne3A_2573 = arith.cmpi ne, %rem3A_2570, %ne3A_2572 : vector<16xi32>
      %lt3A_2574 = arith.constant 0 : i32
      %lt3A_2575 = vector.broadcast %lt3A_2574 : i32 to vector<16xi32>
      %lt3A_2576 = arith.cmpi slt, %rem3A_2570, %lt3A_2575 : vector<16xi32>
      %lt3A_2577 = arith.constant 0 : i32
      %lt3A_2578 = arith.cmpi slt, %select_n3A_2568, %lt3A_2577 : i32
      %ne3A_2579 = vector.broadcast %lt3A_2578 : i1 to vector<16xi1>
      %ne3A_2580 = vector.broadcast %ne3A_2579 : vector<16xi1> to vector<16xi1>
      %ne3A_2581 = arith.xori %lt3A_2576, %ne3A_2580 : vector<16xi1>
      %and3A_2582 = arith.andi %ne3A_2581, %ne3A_2573 : vector<16xi1>
      %add3A_2583 = vector.broadcast %select_n3A_2568 : i32 to vector<16xi32>
      %add3A_2584 = arith.addi %rem3A_2570, %add3A_2583 : vector<16xi32>
      %select_n3A_2585 = arith.select %and3A_2582, %add3A_2584, %rem3A_2570 : vector<16xi1>, vector<16xi32>
      %add3A_2586 = arith.constant 48 : i32
      %add3A_2587 = vector.broadcast %add3A_2586 : i32 to vector<16xi32>
      %add3A_2588 = arith.addi %add3A_2587, %iota3A_2362 : vector<16xi32>
      %jit3A_2589 = arith.constant 8 : i32
      %eq3A_2590 = arith.constant 0 : i32
      %eq3A_2591 = arith.cmpi eq, %jit3A_2589, %eq3A_2590 : i32
      %jit3A_2592 = arith.constant 1 : i32
      %select_n3A_2593 = arith.select %eq3A_2591, %jit3A_2592, %jit3A_2589 : i32
      %rem3A_2594 = vector.broadcast %select_n3A_2593 : i32 to vector<16xi32>
      %rem3A_2595 = arith.remsi %add3A_2588, %rem3A_2594 : vector<16xi32>
      %ne3A_2596 = arith.constant 0 : i32
      %ne3A_2597 = vector.broadcast %ne3A_2596 : i32 to vector<16xi32>
      %ne3A_2598 = arith.cmpi ne, %rem3A_2595, %ne3A_2597 : vector<16xi32>
      %lt3A_2599 = arith.constant 0 : i32
      %lt3A_2600 = vector.broadcast %lt3A_2599 : i32 to vector<16xi32>
      %lt3A_2601 = arith.cmpi slt, %rem3A_2595, %lt3A_2600 : vector<16xi32>
      %lt3A_2602 = arith.constant 0 : i32
      %lt3A_2603 = arith.cmpi slt, %select_n3A_2593, %lt3A_2602 : i32
      %ne3A_2604 = vector.broadcast %lt3A_2603 : i1 to vector<16xi1>
      %ne3A_2605 = vector.broadcast %ne3A_2604 : vector<16xi1> to vector<16xi1>
      %ne3A_2606 = arith.xori %lt3A_2601, %ne3A_2605 : vector<16xi1>
      %and3A_2607 = arith.andi %ne3A_2606, %ne3A_2598 : vector<16xi1>
      %add3A_2608 = vector.broadcast %select_n3A_2593 : i32 to vector<16xi32>
      %add3A_2609 = arith.addi %rem3A_2595, %add3A_2608 : vector<16xi32>
      %select_n3A_2610 = arith.select %and3A_2607, %add3A_2609, %rem3A_2595 : vector<16xi1>, vector<16xi32>
      %parallel_loop3A_2611 = arith.constant 0 : i32
      %parallel_loop3A_2612 = arith.constant 128 : i32
      %parallel_loop3A_2613 = arith.constant 1 : i32
      scf.for %parallel_loop3A_3297 = %parallel_loop3A_2611 to %parallel_loop3A_2612 step %parallel_loop3A_2613  : i32 {
        %parallel_loop3A_3298 = arith.constant 0 : i32
        %parallel_loop3A_3299 = vector.broadcast %parallel_loop3A_3298 : i32 to vector<16xi32>
        %parallel_loop3A_3300 = vector.broadcast %parallel_loop3A_3297 : i32 to vector<16xi32>
        %parallel_loop3A_3301 = arith.addi %parallel_loop3A_3299, %parallel_loop3A_3300 : vector<16xi32>
        %parallel_loop3A_3302 = arith.constant 4 : i32
        %parallel_loop3A_3303 = arith.index_cast %parallel_loop3A_3302 : i32 to index
        %parallel_loop3A_3304 = arith.index_cast %parallel_loop3A_3297 : i32 to index
        %parallel_loop3A_3305 = arith.constant 0 : index
        %parallel_loop3A_3306 = tpu.vector_load %arg8[%parallel_loop3A_3303, %parallel_loop3A_3304, %parallel_loop3A_3305] {strides = array<i32>} : memref<5x128x64xf32, #tpu.memory_space<vmem>>, vector<16xf32>,
        %parallel_loop3A_3307 = arith.addf %parallel_loop3A_3306, %get3A_2365 : vector<16xf32>
        %parallel_loop3A_3308 = arith.constant 4 : i32
        %parallel_loop3A_3309 = arith.constant 0 : i32
        %parallel_loop3A_3310 = arith.constant 0 : i32
        %parallel_loop3A_3311 = arith.constant 0 : i32
        %parallel_loop3A_3312 = tpu.memref_slice %arg9[%parallel_loop3A_3308, %parallel_loop3A_3309, %parallel_loop3A_3310, %parallel_loop3A_3311] : memref<5x8x8x129xf32, #tpu.memory_space<vmem>> -> memref<1x8x8x129xf32, #tpu.memory_space<vmem>>
        %parallel_loop3A_3313 = tpu.memref_squeeze %parallel_loop3A_3312 : memref<1x8x8x129xf32, #tpu.memory_space<vmem>> -> memref<8x8x129xf32, #tpu.memory_space<vmem>>
        tpu.vector_store_idx %parallel_loop3A_3313[%select_n3A_2408, %select_n3A_2535, %parallel_loop3A_3301], %parallel_loop3A_3307 : memref<8x8x129xf32, #tpu.memory_space<vmem>>[vector<16xi32>, vector<16xi32>, vector<16xi32>], vector<16xf32>,
        %parallel_loop3A_3314 = arith.constant 4 : i32
        %parallel_loop3A_3315 = arith.index_cast %parallel_loop3A_3314 : i32 to index
        %parallel_loop3A_3316 = arith.index_cast %parallel_loop3A_3297 : i32 to index
        %parallel_loop3A_3317 = arith.constant 16 : index
        %parallel_loop3A_3318 = tpu.vector_load %arg8[%parallel_loop3A_3315, %parallel_loop3A_3316, %parallel_loop3A_3317] {strides = array<i32>} : memref<5x128x64xf32, #tpu.memory_space<vmem>>, vector<16xf32>,
        %parallel_loop3A_3319 = arith.addf %parallel_loop3A_3318, %get3A_2368 : vector<16xf32>
        %parallel_loop3A_3320 = arith.constant 4 : i32
        %parallel_loop3A_3321 = arith.constant 0 : i32
        %parallel_loop3A_3322 = arith.constant 0 : i32
        %parallel_loop3A_3323 = arith.constant 0 : i32
        %parallel_loop3A_3324 = tpu.memref_slice %arg9[%parallel_loop3A_3320, %parallel_loop3A_3321, %parallel_loop3A_3322, %parallel_loop3A_3323] : memref<5x8x8x129xf32, #tpu.memory_space<vmem>> -> memref<1x8x8x129xf32, #tpu.memory_space<vmem>>
        %parallel_loop3A_3325 = tpu.memref_squeeze %parallel_loop3A_3324 : memref<1x8x8x129xf32, #tpu.memory_space<vmem>> -> memref<8x8x129xf32, #tpu.memory_space<vmem>>
        tpu.vector_store_idx %parallel_loop3A_3325[%select_n3A_2442, %select_n3A_2560, %parallel_loop3A_3301], %parallel_loop3A_3319 : memref<8x8x129xf32, #tpu.memory_space<vmem>>[vector<16xi32>, vector<16xi32>, vector<16xi32>], vector<16xf32>,
        %parallel_loop3A_3326 = arith.constant 4 : i32
        %parallel_loop3A_3327 = arith.index_cast %parallel_loop3A_3326 : i32 to index
        %parallel_loop3A_3328 = arith.index_cast %parallel_loop3A_3297 : i32 to index
        %parallel_loop3A_3329 = arith.constant 32 : index
        %parallel_loop3A_3330 = tpu.vector_load %arg8[%parallel_loop3A_3327, %parallel_loop3A_3328, %parallel_loop3A_3329] {strides = array<i32>} : memref<5x128x64xf32, #tpu.memory_space<vmem>>, vector<16xf32>,
        %parallel_loop3A_3331 = arith.addf %parallel_loop3A_3330, %get3A_2371 : vector<16xf32>
        %parallel_loop3A_3332 = arith.constant 4 : i32
        %parallel_loop3A_3333 = arith.constant 0 : i32
        %parallel_loop3A_3334 = arith.constant 0 : i32
        %parallel_loop3A_3335 = arith.constant 0 : i32
        %parallel_loop3A_3336 = tpu.memref_slice %arg9[%parallel_loop3A_3332, %parallel_loop3A_3333, %parallel_loop3A_3334, %parallel_loop3A_3335] : memref<5x8x8x129xf32, #tpu.memory_space<vmem>> -> memref<1x8x8x129xf32, #tpu.memory_space<vmem>>
        %parallel_loop3A_3337 = tpu.memref_squeeze %parallel_loop3A_3336 : memref<1x8x8x129xf32, #tpu.memory_space<vmem>> -> memref<8x8x129xf32, #tpu.memory_space<vmem>>
        tpu.vector_store_idx %parallel_loop3A_3337[%select_n3A_2476, %select_n3A_2585, %parallel_loop3A_3301], %parallel_loop3A_3331 : memref<8x8x129xf32, #tpu.memory_space<vmem>>[vector<16xi32>, vector<16xi32>, vector<16xi32>], vector<16xf32>,
        %parallel_loop3A_3338 = arith.constant 4 : i32
        %parallel_loop3A_3339 = arith.index_cast %parallel_loop3A_3338 : i32 to index
        %parallel_loop3A_3340 = arith.index_cast %parallel_loop3A_3297 : i32 to index
        %parallel_loop3A_3341 = arith.constant 48 : index
        %parallel_loop3A_3342 = tpu.vector_load %arg8[%parallel_loop3A_3339, %parallel_loop3A_3340, %parallel_loop3A_3341] {strides = array<i32>} : memref<5x128x64xf32, #tpu.memory_space<vmem>>, vector<16xf32>,
        %parallel_loop3A_3343 = arith.addf %parallel_loop3A_3342, %get3A_2374 : vector<16xf32>
        %parallel_loop3A_3344 = arith.constant 4 : i32
        %parallel_loop3A_3345 = arith.constant 0 : i32
        %parallel_loop3A_3346 = arith.constant 0 : i32
        %parallel_loop3A_3347 = arith.constant 0 : i32
        %parallel_loop3A_3348 = tpu.memref_slice %arg9[%parallel_loop3A_3344, %parallel_loop3A_3345, %parallel_loop3A_3346, %parallel_loop3A_3347] : memref<5x8x8x129xf32, #tpu.memory_space<vmem>> -> memref<1x8x8x129xf32, #tpu.memory_space<vmem>>
        %parallel_loop3A_3349 = tpu.memref_squeeze %parallel_loop3A_3348 : memref<1x8x8x129xf32, #tpu.memory_space<vmem>> -> memref<8x8x129xf32, #tpu.memory_space<vmem>>
        tpu.vector_store_idx %parallel_loop3A_3349[%select_n3A_2510, %select_n3A_2610, %parallel_loop3A_3301], %parallel_loop3A_3343 : memref<8x8x129xf32, #tpu.memory_space<vmem>>[vector<16xi32>, vector<16xi32>, vector<16xi32>], vector<16xf32>,
      } {sc.loop_unroll_factor = 2 : i64, sc.parallel_access}
      %dma_start3A_2614 = arith.constant 4 : i32
      %dma_start3A_2615 = arith.constant 0 : i32
      %dma_start3A_2616 = arith.constant 0 : i32
      %dma_start3A_2617 = arith.constant 0 : i32
      %dma_start3A_2618 = tpu.memref_slice %arg9[%dma_start3A_2614, %dma_start3A_2615, %dma_start3A_2616, %dma_start3A_2617] : memref<5x8x8x129xf32, #tpu.memory_space<vmem>> -> memref<1x8x8x128xf32, #tpu.memory_space<vmem>>
      %dma_start3A_2619 = tpu.memref_squeeze %dma_start3A_2618 : memref<1x8x8x128xf32, #tpu.memory_space<vmem>> -> memref<8x8x128xf32, #tpu.memory_space<vmem>>
      %dma_start3A_2620 = arith.constant 0 : i32
      %dma_start3A_2621 = arith.constant 0 : i32
      %dma_start3A_2622 = arith.constant 0 : i32
      %dma_start3A_2623 = tpu.memref_slice %arg5[%add3A_2309, %dma_start3A_2620, %add3A, %dma_start3A_2621, %dma_start3A_2622] : memref<200x8x32x8x128xf32, #tpu.memory_space<hbm>> -> memref<1x8x1x8x128xf32, #tpu.memory_space<hbm>>
      %dma_start3A_2624 = tpu.memref_squeeze %dma_start3A_2623 : memref<1x8x1x8x128xf32, #tpu.memory_space<hbm>> -> memref<8x8x128xf32, #tpu.memory_space<hbm>>
      %dma_start3A_2625 = arith.constant 0 : i32
      %dma_start3A_2626 = arith.constant 0 : i32
      %dma_start3A_2627 = arith.constant 0 : i32
      %dma_start3A_2628 = tpu.memref_slice %arg5[%add3A_2309, %dma_start3A_2625, %add3A, %dma_start3A_2626, %dma_start3A_2627] : memref<200x8x32x8x128xf32, #tpu.memory_space<hbm>> -> memref<1x8x1x8x128xf32, #tpu.memory_space<hbm>>
      %dma_start3A_2629 = tpu.memref_squeeze %dma_start3A_2628 : memref<1x8x1x8x128xf32, #tpu.memory_space<hbm>> -> memref<8x8x128xf32, #tpu.memory_space<hbm>>
      %dma_start3A_2630 = arith.constant 0 : i32
      %dma_start3A_2631 = arith.constant 0 : i32
      %dma_start3A_2632 = arith.constant 0 : i32
      %dma_start3A_2633 = tpu.memref_slice %arg9[%dma_start3A_2614, %dma_start3A_2630, %dma_start3A_2631, %dma_start3A_2632] : memref<5x8x8x129xf32, #tpu.memory_space<vmem>> -> memref<1x8x8x128xf32, #tpu.memory_space<vmem>>
      %dma_start3A_2634 = tpu.memref_squeeze %dma_start3A_2633 : memref<1x8x8x128xf32, #tpu.memory_space<vmem>> -> memref<8x8x128xf32, #tpu.memory_space<vmem>>
      tpu.enqueue_dma source(%dma_start3A_2634 : memref<8x8x128xf32, #tpu.memory_space<vmem>>) target(%dma_start3A_2629 : memref<8x8x128xf32, #tpu.memory_space<hbm>>) target_semaphore(%arg19 : memref<!tpu.dma_semaphore, #tpu.memory_space<semaphore_mem>>)
      %mul3A_2635 = arith.constant 5 : i32
      %mul3A_2636 = arith.muli %scan3A_1641, %mul3A_2635 : i32
      %add3A_2637 = arith.constant 2 : i32
      %add3A_2638 = arith.addi %add3A_2637, %mul3A_2636 : i32
      %add3A_2639 = arith.constant 3 : i32
      %add3A_2640 = arith.addi %add3A_2638, %add3A_2639 : i32
      %dma_wait3A_2641 = arith.constant 3 : i32
      %dma_wait3A_2642 = arith.constant 0 : i32
      %dma_wait3A_2643 = arith.constant 0 : i32
      %dma_wait3A_2644 = arith.constant 0 : i32
      %dma_wait3A_2645 = arith.constant 0 : i32
      %dma_wait3A_2646 = tpu.memref_slice %arg9[%dma_wait3A_2641, %dma_wait3A_2643, %dma_wait3A_2644, %dma_wait3A_2645] : memref<5x8x8x129xf32, #tpu.memory_space<vmem>> -> memref<1x8x8x128xf32, #tpu.memory_space<vmem>>
      %dma_wait3A_2647 = tpu.memref_squeeze %dma_wait3A_2646 : memref<1x8x8x128xf32, #tpu.memory_space<vmem>> -> memref<8x8x128xf32, #tpu.memory_space<vmem>>
      %dma_wait3A_2648 = arith.constant 0 : i32
      %dma_wait3A_2649 = arith.constant 0 : i32
      %dma_wait3A_2650 = arith.constant 0 : i32
      %dma_wait3A_2651 = tpu.memref_slice %arg5[%dma_wait3A_2642, %dma_wait3A_2648, %add3A, %dma_wait3A_2649, %dma_wait3A_2650] : memref<200x8x32x8x128xf32, #tpu.memory_space<hbm>> -> memref<1x8x1x8x128xf32, #tpu.memory_space<hbm>>
      %dma_wait3A_2652 = tpu.memref_squeeze %dma_wait3A_2651 : memref<1x8x1x8x128xf32, #tpu.memory_space<hbm>> -> memref<8x8x128xf32, #tpu.memory_space<hbm>>
      %dma_wait3A_2653 = arith.constant 0 : i32
      %dma_wait3A_2654 = arith.constant 0 : i32
      %dma_wait3A_2655 = arith.constant 0 : i32
      %dma_wait3A_2656 = tpu.memref_slice %arg5[%dma_wait3A_2642, %dma_wait3A_2653, %add3A, %dma_wait3A_2654, %dma_wait3A_2655] : memref<200x8x32x8x128xf32, #tpu.memory_space<hbm>> -> memref<1x8x1x8x128xf32, #tpu.memory_space<hbm>>
      %dma_wait3A_2657 = tpu.memref_squeeze %dma_wait3A_2656 : memref<1x8x1x8x128xf32, #tpu.memory_space<hbm>> -> memref<8x8x128xf32, #tpu.memory_space<hbm>>
      %dma_wait3A_2658 = arith.constant 0 : i32
      %dma_wait3A_2659 = arith.constant 0 : i32
      %dma_wait3A_2660 = arith.constant 0 : i32
      %dma_wait3A_2661 = tpu.memref_slice %arg9[%dma_wait3A_2641, %dma_wait3A_2658, %dma_wait3A_2659, %dma_wait3A_2660] : memref<5x8x8x129xf32, #tpu.memory_space<vmem>> -> memref<1x8x8x128xf32, #tpu.memory_space<vmem>>
      %dma_wait3A_2662 = tpu.memref_squeeze %dma_wait3A_2661 : memref<1x8x8x128xf32, #tpu.memory_space<vmem>> -> memref<8x8x128xf32, #tpu.memory_space<vmem>>
      tpu.wait_dma2 semaphore(%arg18 : memref<!tpu.dma_semaphore, #tpu.memory_space<semaphore_mem>>) src(%dma_wait3A_2662 : memref<8x8x128xf32, #tpu.memory_space<vmem>>) dst(%dma_wait3A_2657 : memref<8x8x128xf32, #tpu.memory_space<hbm>>)
      %add3A_2663 = arith.constant 3 : i32
      %add3A_2664 = arith.addi %add3A_2640, %add3A_2663 : i32
      %div3A_2665 = arith.constant 8 : i32
      %div3A_2666 = arith.divsi %add3A_2664, %div3A_2665 : i32
      %rem3A_2667 = arith.constant 8 : i32
      %rem3A_2668 = arith.remsi %add3A_2664, %rem3A_2667 : i32
      %dma_start3A_2669 = arith.constant 3 : i32
      %dma_start3A_2670 = arith.constant 0 : i32
      %dma_start3A_2671 = arith.constant 0 : i32
      %dma_start3A_2672 = tpu.memref_slice %arg8[%dma_start3A_2669, %dma_start3A_2670, %dma_start3A_2671] : memref<5x128x64xf32, #tpu.memory_space<vmem>> -> memref<1x128x64xf32, #tpu.memory_space<vmem>>
      %dma_start3A_2673 = tpu.memref_squeeze %dma_start3A_2672 : memref<1x128x64xf32, #tpu.memory_space<vmem>> -> memref<128x64xf32, #tpu.memory_space<vmem>>
      %dma_start3A_2674 = arith.constant 0 : i32
      %dma_start3A_2675 = tpu.memref_slice %arg6[%div3A_2666, %rem3A_2668, %dma_start3A_2674] : memref<25x8x128xi32, #tpu.memory_space<vmem>> -> memref<1x1x128xi32, #tpu.memory_space<vmem>>
      %dma_start3A_2676 = tpu.memref_squeeze %dma_start3A_2675 : memref<1x1x128xi32, #tpu.memory_space<vmem>> -> memref<128xi32, #tpu.memory_space<vmem>>
      %dma_start3A_2677 = arith.constant 0 : i32
      %dma_start3A_2678 = arith.constant 0 : i32
      %dma_start3A_2679 = tpu.memref_slice %arg3[%dma_start3A_2677, %dma_start3A_2678] : memref<100000x64xf32, #tpu.memory_space<hbm>> -> memref<100000x64xf32, #tpu.memory_space<hbm>>
      tpu.enqueue_indirect_dma source(%dma_start3A_2679 : memref<100000x64xf32, #tpu.memory_space<hbm>>) target(%dma_start3A_2673 : memref<128x64xf32, #tpu.memory_space<vmem>>) offsets(%dma_start3A_2676 : memref<128xi32, #tpu.memory_space<vmem>>) semaphore(%arg13 : memref<!tpu.dma_semaphore, #tpu.memory_space<semaphore_mem>>)
      %dma_wait3A_2680 = arith.constant 0 : i32
      %dma_wait3A_2681 = arith.constant 0 : i32
      %dma_wait3A_2682 = arith.constant 0 : i32
      %dma_wait3A_2683 = arith.constant 0 : i32
      %dma_wait3A_2684 = arith.constant 0 : i32
      %dma_wait3A_2685 = tpu.memref_slice %arg8[%dma_wait3A_2682, %dma_wait3A_2683, %dma_wait3A_2684] : memref<5x128x64xf32, #tpu.memory_space<vmem>> -> memref<1x128x64xf32, #tpu.memory_space<vmem>>
      %dma_wait3A_2686 = tpu.memref_squeeze %dma_wait3A_2685 : memref<1x128x64xf32, #tpu.memory_space<vmem>> -> memref<128x64xf32, #tpu.memory_space<vmem>>
      %dma_wait3A_2687 = arith.constant 0 : i32
      %dma_wait3A_2688 = tpu.memref_slice %arg6[%dma_wait3A_2680, %dma_wait3A_2681, %dma_wait3A_2687] : memref<25x8x128xi32, #tpu.memory_space<vmem>> -> memref<1x1x128xi32, #tpu.memory_space<vmem>>
      %dma_wait3A_2689 = tpu.memref_squeeze %dma_wait3A_2688 : memref<1x1x128xi32, #tpu.memory_space<vmem>> -> memref<128xi32, #tpu.memory_space<vmem>>
      %dma_wait3A_2690 = arith.constant 0 : i32
      %dma_wait3A_2691 = arith.constant 0 : i32
      %dma_wait3A_2692 = tpu.memref_slice %arg3[%dma_wait3A_2690, %dma_wait3A_2691] : memref<100000x64xf32, #tpu.memory_space<hbm>> -> memref<100000x64xf32, #tpu.memory_space<hbm>>
      tpu.wait_indirect_dma semaphore(%arg10 : memref<!tpu.dma_semaphore, #tpu.memory_space<semaphore_mem>>) src(%dma_wait3A_2692 : memref<100000x64xf32, #tpu.memory_space<hbm>>) dst(%dma_wait3A_2686 : memref<128x64xf32, #tpu.memory_space<vmem>>)
      %iota3A_2693 = tpu.iota {dimensions = array<i32: 0>} : vector<16xi32>
      %get3A_2694 = arith.index_cast %add3A_2640 : i32 to index
      %get3A_2695 = arith.constant 0 : index
      %get3A_2696 = tpu.vector_load %arg7[%get3A_2694, %get3A_2695] {strides = array<i32>} : memref<200x64xf32, #tpu.memory_space<vmem>>, vector<16xf32>,
      %get3A_2697 = arith.index_cast %add3A_2640 : i32 to index
      %get3A_2698 = arith.constant 16 : index
      %get3A_2699 = tpu.vector_load %arg7[%get3A_2697, %get3A_2698] {strides = array<i32>} : memref<200x64xf32, #tpu.memory_space<vmem>>, vector<16xf32>,
      %get3A_2700 = arith.index_cast %add3A_2640 : i32 to index
      %get3A_2701 = arith.constant 32 : index
      %get3A_2702 = tpu.vector_load %arg7[%get3A_2700, %get3A_2701] {strides = array<i32>} : memref<200x64xf32, #tpu.memory_space<vmem>>, vector<16xf32>,
      %get3A_2703 = arith.index_cast %add3A_2640 : i32 to index
      %get3A_2704 = arith.constant 48 : index
      %get3A_2705 = tpu.vector_load %arg7[%get3A_2703, %get3A_2704] {strides = array<i32>} : memref<200x64xf32, #tpu.memory_space<vmem>>, vector<16xf32>,
      %add3A_2706 = arith.constant 0 : i32
      %add3A_2707 = vector.broadcast %add3A_2706 : i32 to vector<16xi32>
      %add3A_2708 = arith.addi %add3A_2707, %iota3A_2693 : vector<16xi32>
      %jit3A_2709 = arith.constant 8 : i32
      %div3A_2710 = vector.broadcast %jit3A_2709 : i32 to vector<16xi32>
      %div3A_2711 = arith.divsi %add3A_2708, %div3A_2710 : vector<16xi32>
      %sign3A_2712 = arith.constant 0 : i32
      %sign3A_2713 = vector.broadcast %sign3A_2712 : i32 to vector<16xi32>
      %sign3A_2714 = arith.cmpi sgt, %add3A_2708, %sign3A_2713 : vector<16xi32>
      %sign3A_2715 = arith.extui %sign3A_2714 : vector<16xi1> to vector<16xi32>
      %sign3A_2716 = arith.constant 0 : i32
      %sign3A_2717 = vector.broadcast %sign3A_2716 : i32 to vector<16xi32>
      %sign3A_2718 = arith.cmpi slt, %add3A_2708, %sign3A_2717 : vector<16xi32>
      %sign3A_2719 = arith.extui %sign3A_2718 : vector<16xi1> to vector<16xi32>
      %sign3A_2720 = arith.subi %sign3A_2715, %sign3A_2719 : vector<16xi32>
      %sign3A_2721 = arith.constant 0 : i32
      %sign3A_2722 = arith.cmpi sgt, %jit3A_2709, %sign3A_2721 : i32
      %sign3A_2723 = arith.extui %sign3A_2722 : i1 to i32
      %sign3A_2724 = arith.constant 0 : i32
      %sign3A_2725 = arith.cmpi slt, %jit3A_2709, %sign3A_2724 : i32
      %sign3A_2726 = arith.extui %sign3A_2725 : i1 to i32
      %sign3A_2727 = arith.subi %sign3A_2723, %sign3A_2726 : i32
      %ne3A_2728 = vector.broadcast %sign3A_2727 : i32 to vector<16xi32>
      %ne3A_2729 = arith.cmpi ne, %sign3A_2720, %ne3A_2728 : vector<16xi32>
      %rem3A_2730 = vector.broadcast %jit3A_2709 : i32 to vector<16xi32>
      %rem3A_2731 = arith.remsi %add3A_2708, %rem3A_2730 : vector<16xi32>
      %ne3A_2732 = arith.constant 0 : i32
      %ne3A_2733 = vector.broadcast %ne3A_2732 : i32 to vector<16xi32>
      %ne3A_2734 = arith.cmpi ne, %rem3A_2731, %ne3A_2733 : vector<16xi32>
      %and3A_2735 = arith.andi %ne3A_2729, %ne3A_2734 : vector<16xi1>
      %sub3A_2736 = arith.constant 1 : i32
      %sub3A_2737 = vector.broadcast %sub3A_2736 : i32 to vector<16xi32>
      %sub3A_2738 = arith.subi %div3A_2711, %sub3A_2737 : vector<16xi32>
      %select_n3A_2739 = arith.select %and3A_2735, %sub3A_2738, %div3A_2711 : vector<16xi1>, vector<16xi32>
      %add3A_2740 = arith.constant 16 : i32
      %add3A_2741 = vector.broadcast %add3A_2740 : i32 to vector<16xi32>
      %add3A_2742 = arith.addi %add3A_2741, %iota3A_2693 : vector<16xi32>
      %jit3A_2743 = arith.constant 8 : i32
      %div3A_2744 = vector.broadcast %jit3A_2743 : i32 to vector<16xi32>
      %div3A_2745 = arith.divsi %add3A_2742, %div3A_2744 : vector<16xi32>
      %sign3A_2746 = arith.constant 0 : i32
      %sign3A_2747 = vector.broadcast %sign3A_2746 : i32 to vector<16xi32>
      %sign3A_2748 = arith.cmpi sgt, %add3A_2742, %sign3A_2747 : vector<16xi32>
      %sign3A_2749 = arith.extui %sign3A_2748 : vector<16xi1> to vector<16xi32>
      %sign3A_2750 = arith.constant 0 : i32
      %sign3A_2751 = vector.broadcast %sign3A_2750 : i32 to vector<16xi32>
      %sign3A_2752 = arith.cmpi slt, %add3A_2742, %sign3A_2751 : vector<16xi32>
      %sign3A_2753 = arith.extui %sign3A_2752 : vector<16xi1> to vector<16xi32>
      %sign3A_2754 = arith.subi %sign3A_2749, %sign3A_2753 : vector<16xi32>
      %sign3A_2755 = arith.constant 0 : i32
      %sign3A_2756 = arith.cmpi sgt, %jit3A_2743, %sign3A_2755 : i32
      %sign3A_2757 = arith.extui %sign3A_2756 : i1 to i32
      %sign3A_2758 = arith.constant 0 : i32
      %sign3A_2759 = arith.cmpi slt, %jit3A_2743, %sign3A_2758 : i32
      %sign3A_2760 = arith.extui %sign3A_2759 : i1 to i32
      %sign3A_2761 = arith.subi %sign3A_2757, %sign3A_2760 : i32
      %ne3A_2762 = vector.broadcast %sign3A_2761 : i32 to vector<16xi32>
      %ne3A_2763 = arith.cmpi ne, %sign3A_2754, %ne3A_2762 : vector<16xi32>
      %rem3A_2764 = vector.broadcast %jit3A_2743 : i32 to vector<16xi32>
      %rem3A_2765 = arith.remsi %add3A_2742, %rem3A_2764 : vector<16xi32>
      %ne3A_2766 = arith.constant 0 : i32
      %ne3A_2767 = vector.broadcast %ne3A_2766 : i32 to vector<16xi32>
      %ne3A_2768 = arith.cmpi ne, %rem3A_2765, %ne3A_2767 : vector<16xi32>
      %and3A_2769 = arith.andi %ne3A_2763, %ne3A_2768 : vector<16xi1>
      %sub3A_2770 = arith.constant 1 : i32
      %sub3A_2771 = vector.broadcast %sub3A_2770 : i32 to vector<16xi32>
      %sub3A_2772 = arith.subi %div3A_2745, %sub3A_2771 : vector<16xi32>
      %select_n3A_2773 = arith.select %and3A_2769, %sub3A_2772, %div3A_2745 : vector<16xi1>, vector<16xi32>
      %add3A_2774 = arith.constant 32 : i32
      %add3A_2775 = vector.broadcast %add3A_2774 : i32 to vector<16xi32>
      %add3A_2776 = arith.addi %add3A_2775, %iota3A_2693 : vector<16xi32>
      %jit3A_2777 = arith.constant 8 : i32
      %div3A_2778 = vector.broadcast %jit3A_2777 : i32 to vector<16xi32>
      %div3A_2779 = arith.divsi %add3A_2776, %div3A_2778 : vector<16xi32>
      %sign3A_2780 = arith.constant 0 : i32
      %sign3A_2781 = vector.broadcast %sign3A_2780 : i32 to vector<16xi32>
      %sign3A_2782 = arith.cmpi sgt, %add3A_2776, %sign3A_2781 : vector<16xi32>
      %sign3A_2783 = arith.extui %sign3A_2782 : vector<16xi1> to vector<16xi32>
      %sign3A_2784 = arith.constant 0 : i32
      %sign3A_2785 = vector.broadcast %sign3A_2784 : i32 to vector<16xi32>
      %sign3A_2786 = arith.cmpi slt, %add3A_2776, %sign3A_2785 : vector<16xi32>
      %sign3A_2787 = arith.extui %sign3A_2786 : vector<16xi1> to vector<16xi32>
      %sign3A_2788 = arith.subi %sign3A_2783, %sign3A_2787 : vector<16xi32>
      %sign3A_2789 = arith.constant 0 : i32
      %sign3A_2790 = arith.cmpi sgt, %jit3A_2777, %sign3A_2789 : i32
      %sign3A_2791 = arith.extui %sign3A_2790 : i1 to i32
      %sign3A_2792 = arith.constant 0 : i32
      %sign3A_2793 = arith.cmpi slt, %jit3A_2777, %sign3A_2792 : i32
      %sign3A_2794 = arith.extui %sign3A_2793 : i1 to i32
      %sign3A_2795 = arith.subi %sign3A_2791, %sign3A_2794 : i32
      %ne3A_2796 = vector.broadcast %sign3A_2795 : i32 to vector<16xi32>
      %ne3A_2797 = arith.cmpi ne, %sign3A_2788, %ne3A_2796 : vector<16xi32>
      %rem3A_2798 = vector.broadcast %jit3A_2777 : i32 to vector<16xi32>
      %rem3A_2799 = arith.remsi %add3A_2776, %rem3A_2798 : vector<16xi32>
      %ne3A_2800 = arith.constant 0 : i32
      %ne3A_2801 = vector.broadcast %ne3A_2800 : i32 to vector<16xi32>
      %ne3A_2802 = arith.cmpi ne, %rem3A_2799, %ne3A_2801 : vector<16xi32>
      %and3A_2803 = arith.andi %ne3A_2797, %ne3A_2802 : vector<16xi1>
      %sub3A_2804 = arith.constant 1 : i32
      %sub3A_2805 = vector.broadcast %sub3A_2804 : i32 to vector<16xi32>
      %sub3A_2806 = arith.subi %div3A_2779, %sub3A_2805 : vector<16xi32>
      %select_n3A_2807 = arith.select %and3A_2803, %sub3A_2806, %div3A_2779 : vector<16xi1>, vector<16xi32>
      %add3A_2808 = arith.constant 48 : i32
      %add3A_2809 = vector.broadcast %add3A_2808 : i32 to vector<16xi32>
      %add3A_2810 = arith.addi %add3A_2809, %iota3A_2693 : vector<16xi32>
      %jit3A_2811 = arith.constant 8 : i32
      %div3A_2812 = vector.broadcast %jit3A_2811 : i32 to vector<16xi32>
      %div3A_2813 = arith.divsi %add3A_2810, %div3A_2812 : vector<16xi32>
      %sign3A_2814 = arith.constant 0 : i32
      %sign3A_2815 = vector.broadcast %sign3A_2814 : i32 to vector<16xi32>
      %sign3A_2816 = arith.cmpi sgt, %add3A_2810, %sign3A_2815 : vector<16xi32>
      %sign3A_2817 = arith.extui %sign3A_2816 : vector<16xi1> to vector<16xi32>
      %sign3A_2818 = arith.constant 0 : i32
      %sign3A_2819 = vector.broadcast %sign3A_2818 : i32 to vector<16xi32>
      %sign3A_2820 = arith.cmpi slt, %add3A_2810, %sign3A_2819 : vector<16xi32>
      %sign3A_2821 = arith.extui %sign3A_2820 : vector<16xi1> to vector<16xi32>
      %sign3A_2822 = arith.subi %sign3A_2817, %sign3A_2821 : vector<16xi32>
      %sign3A_2823 = arith.constant 0 : i32
      %sign3A_2824 = arith.cmpi sgt, %jit3A_2811, %sign3A_2823 : i32
      %sign3A_2825 = arith.extui %sign3A_2824 : i1 to i32
      %sign3A_2826 = arith.constant 0 : i32
      %sign3A_2827 = arith.cmpi slt, %jit3A_2811, %sign3A_2826 : i32
      %sign3A_2828 = arith.extui %sign3A_2827 : i1 to i32
      %sign3A_2829 = arith.subi %sign3A_2825, %sign3A_2828 : i32
      %ne3A_2830 = vector.broadcast %sign3A_2829 : i32 to vector<16xi32>
      %ne3A_2831 = arith.cmpi ne, %sign3A_2822, %ne3A_2830 : vector<16xi32>
      %rem3A_2832 = vector.broadcast %jit3A_2811 : i32 to vector<16xi32>
      %rem3A_2833 = arith.remsi %add3A_2810, %rem3A_2832 : vector<16xi32>
      %ne3A_2834 = arith.constant 0 : i32
      %ne3A_2835 = vector.broadcast %ne3A_2834 : i32 to vector<16xi32>
      %ne3A_2836 = arith.cmpi ne, %rem3A_2833, %ne3A_2835 : vector<16xi32>
      %and3A_2837 = arith.andi %ne3A_2831, %ne3A_2836 : vector<16xi1>
      %sub3A_2838 = arith.constant 1 : i32
      %sub3A_2839 = vector.broadcast %sub3A_2838 : i32 to vector<16xi32>
      %sub3A_2840 = arith.subi %div3A_2813, %sub3A_2839 : vector<16xi32>
      %select_n3A_2841 = arith.select %and3A_2837, %sub3A_2840, %div3A_2813 : vector<16xi1>, vector<16xi32>
      %add3A_2842 = arith.constant 0 : i32
      %add3A_2843 = vector.broadcast %add3A_2842 : i32 to vector<16xi32>
      %add3A_2844 = arith.addi %add3A_2843, %iota3A_2693 : vector<16xi32>
      %jit3A_2845 = arith.constant 8 : i32
      %eq3A_2846 = arith.constant 0 : i32
      %eq3A_2847 = arith.cmpi eq, %jit3A_2845, %eq3A_2846 : i32
      %jit3A_2848 = arith.constant 1 : i32
      %select_n3A_2849 = arith.select %eq3A_2847, %jit3A_2848, %jit3A_2845 : i32
      %rem3A_2850 = vector.broadcast %select_n3A_2849 : i32 to vector<16xi32>
      %rem3A_2851 = arith.remsi %add3A_2844, %rem3A_2850 : vector<16xi32>
      %ne3A_2852 = arith.constant 0 : i32
      %ne3A_2853 = vector.broadcast %ne3A_2852 : i32 to vector<16xi32>
      %ne3A_2854 = arith.cmpi ne, %rem3A_2851, %ne3A_2853 : vector<16xi32>
      %lt3A_2855 = arith.constant 0 : i32
      %lt3A_2856 = vector.broadcast %lt3A_2855 : i32 to vector<16xi32>
      %lt3A_2857 = arith.cmpi slt, %rem3A_2851, %lt3A_2856 : vector<16xi32>
      %lt3A_2858 = arith.constant 0 : i32
      %lt3A_2859 = arith.cmpi slt, %select_n3A_2849, %lt3A_2858 : i32
      %ne3A_2860 = vector.broadcast %lt3A_2859 : i1 to vector<16xi1>
      %ne3A_2861 = vector.broadcast %ne3A_2860 : vector<16xi1> to vector<16xi1>
      %ne3A_2862 = arith.xori %lt3A_2857, %ne3A_2861 : vector<16xi1>
      %and3A_2863 = arith.andi %ne3A_2862, %ne3A_2854 : vector<16xi1>
      %add3A_2864 = vector.broadcast %select_n3A_2849 : i32 to vector<16xi32>
      %add3A_2865 = arith.addi %rem3A_2851, %add3A_2864 : vector<16xi32>
      %select_n3A_2866 = arith.select %and3A_2863, %add3A_2865, %rem3A_2851 : vector<16xi1>, vector<16xi32>
      %add3A_2867 = arith.constant 16 : i32
      %add3A_2868 = vector.broadcast %add3A_2867 : i32 to vector<16xi32>
      %add3A_2869 = arith.addi %add3A_2868, %iota3A_2693 : vector<16xi32>
      %jit3A_2870 = arith.constant 8 : i32
      %eq3A_2871 = arith.constant 0 : i32
      %eq3A_2872 = arith.cmpi eq, %jit3A_2870, %eq3A_2871 : i32
      %jit3A_2873 = arith.constant 1 : i32
      %select_n3A_2874 = arith.select %eq3A_2872, %jit3A_2873, %jit3A_2870 : i32
      %rem3A_2875 = vector.broadcast %select_n3A_2874 : i32 to vector<16xi32>
      %rem3A_2876 = arith.remsi %add3A_2869, %rem3A_2875 : vector<16xi32>
      %ne3A_2877 = arith.constant 0 : i32
      %ne3A_2878 = vector.broadcast %ne3A_2877 : i32 to vector<16xi32>
      %ne3A_2879 = arith.cmpi ne, %rem3A_2876, %ne3A_2878 : vector<16xi32>
      %lt3A_2880 = arith.constant 0 : i32
      %lt3A_2881 = vector.broadcast %lt3A_2880 : i32 to vector<16xi32>
      %lt3A_2882 = arith.cmpi slt, %rem3A_2876, %lt3A_2881 : vector<16xi32>
      %lt3A_2883 = arith.constant 0 : i32
      %lt3A_2884 = arith.cmpi slt, %select_n3A_2874, %lt3A_2883 : i32
      %ne3A_2885 = vector.broadcast %lt3A_2884 : i1 to vector<16xi1>
      %ne3A_2886 = vector.broadcast %ne3A_2885 : vector<16xi1> to vector<16xi1>
      %ne3A_2887 = arith.xori %lt3A_2882, %ne3A_2886 : vector<16xi1>
      %and3A_2888 = arith.andi %ne3A_2887, %ne3A_2879 : vector<16xi1>
      %add3A_2889 = vector.broadcast %select_n3A_2874 : i32 to vector<16xi32>
      %add3A_2890 = arith.addi %rem3A_2876, %add3A_2889 : vector<16xi32>
      %select_n3A_2891 = arith.select %and3A_2888, %add3A_2890, %rem3A_2876 : vector<16xi1>, vector<16xi32>
      %add3A_2892 = arith.constant 32 : i32
      %add3A_2893 = vector.broadcast %add3A_2892 : i32 to vector<16xi32>
      %add3A_2894 = arith.addi %add3A_2893, %iota3A_2693 : vector<16xi32>
      %jit3A_2895 = arith.constant 8 : i32
      %eq3A_2896 = arith.constant 0 : i32
      %eq3A_2897 = arith.cmpi eq, %jit3A_2895, %eq3A_2896 : i32
      %jit3A_2898 = arith.constant 1 : i32
      %select_n3A_2899 = arith.select %eq3A_2897, %jit3A_2898, %jit3A_2895 : i32
      %rem3A_2900 = vector.broadcast %select_n3A_2899 : i32 to vector<16xi32>
      %rem3A_2901 = arith.remsi %add3A_2894, %rem3A_2900 : vector<16xi32>
      %ne3A_2902 = arith.constant 0 : i32
      %ne3A_2903 = vector.broadcast %ne3A_2902 : i32 to vector<16xi32>
      %ne3A_2904 = arith.cmpi ne, %rem3A_2901, %ne3A_2903 : vector<16xi32>
      %lt3A_2905 = arith.constant 0 : i32
      %lt3A_2906 = vector.broadcast %lt3A_2905 : i32 to vector<16xi32>
      %lt3A_2907 = arith.cmpi slt, %rem3A_2901, %lt3A_2906 : vector<16xi32>
      %lt3A_2908 = arith.constant 0 : i32
      %lt3A_2909 = arith.cmpi slt, %select_n3A_2899, %lt3A_2908 : i32
      %ne3A_2910 = vector.broadcast %lt3A_2909 : i1 to vector<16xi1>
      %ne3A_2911 = vector.broadcast %ne3A_2910 : vector<16xi1> to vector<16xi1>
      %ne3A_2912 = arith.xori %lt3A_2907, %ne3A_2911 : vector<16xi1>
      %and3A_2913 = arith.andi %ne3A_2912, %ne3A_2904 : vector<16xi1>
      %add3A_2914 = vector.broadcast %select_n3A_2899 : i32 to vector<16xi32>
      %add3A_2915 = arith.addi %rem3A_2901, %add3A_2914 : vector<16xi32>
      %select_n3A_2916 = arith.select %and3A_2913, %add3A_2915, %rem3A_2901 : vector<16xi1>, vector<16xi32>
      %add3A_2917 = arith.constant 48 : i32
      %add3A_2918 = vector.broadcast %add3A_2917 : i32 to vector<16xi32>
      %add3A_2919 = arith.addi %add3A_2918, %iota3A_2693 : vector<16xi32>
      %jit3A_2920 = arith.constant 8 : i32
      %eq3A_2921 = arith.constant 0 : i32
      %eq3A_2922 = arith.cmpi eq, %jit3A_2920, %eq3A_2921 : i32
      %jit3A_2923 = arith.constant 1 : i32
      %select_n3A_2924 = arith.select %eq3A_2922, %jit3A_2923, %jit3A_2920 : i32
      %rem3A_2925 = vector.broadcast %select_n3A_2924 : i32 to vector<16xi32>
      %rem3A_2926 = arith.remsi %add3A_2919, %rem3A_2925 : vector<16xi32>
      %ne3A_2927 = arith.constant 0 : i32
      %ne3A_2928 = vector.broadcast %ne3A_2927 : i32 to vector<16xi32>
      %ne3A_2929 = arith.cmpi ne, %rem3A_2926, %ne3A_2928 : vector<16xi32>
      %lt3A_2930 = arith.constant 0 : i32
      %lt3A_2931 = vector.broadcast %lt3A_2930 : i32 to vector<16xi32>
      %lt3A_2932 = arith.cmpi slt, %rem3A_2926, %lt3A_2931 : vector<16xi32>
      %lt3A_2933 = arith.constant 0 : i32
      %lt3A_2934 = arith.cmpi slt, %select_n3A_2924, %lt3A_2933 : i32
      %ne3A_2935 = vector.broadcast %lt3A_2934 : i1 to vector<16xi1>
      %ne3A_2936 = vector.broadcast %ne3A_2935 : vector<16xi1> to vector<16xi1>
      %ne3A_2937 = arith.xori %lt3A_2932, %ne3A_2936 : vector<16xi1>
      %and3A_2938 = arith.andi %ne3A_2937, %ne3A_2929 : vector<16xi1>
      %add3A_2939 = vector.broadcast %select_n3A_2924 : i32 to vector<16xi32>
      %add3A_2940 = arith.addi %rem3A_2926, %add3A_2939 : vector<16xi32>
      %select_n3A_2941 = arith.select %and3A_2938, %add3A_2940, %rem3A_2926 : vector<16xi1>, vector<16xi32>
      %parallel_loop3A_2942 = arith.constant 0 : i32
      %parallel_loop3A_2943 = arith.constant 128 : i32
      %parallel_loop3A_2944 = arith.constant 1 : i32
      scf.for %parallel_loop3A_3297 = %parallel_loop3A_2942 to %parallel_loop3A_2943 step %parallel_loop3A_2944  : i32 {
        %parallel_loop3A_3298 = arith.constant 0 : i32
        %parallel_loop3A_3299 = vector.broadcast %parallel_loop3A_3298 : i32 to vector<16xi32>
        %parallel_loop3A_3300 = vector.broadcast %parallel_loop3A_3297 : i32 to vector<16xi32>
        %parallel_loop3A_3301 = arith.addi %parallel_loop3A_3299, %parallel_loop3A_3300 : vector<16xi32>
        %parallel_loop3A_3302 = arith.constant 0 : i32
        %parallel_loop3A_3303 = arith.index_cast %parallel_loop3A_3302 : i32 to index
        %parallel_loop3A_3304 = arith.index_cast %parallel_loop3A_3297 : i32 to index
        %parallel_loop3A_3305 = arith.constant 0 : index
        %parallel_loop3A_3306 = tpu.vector_load %arg8[%parallel_loop3A_3303, %parallel_loop3A_3304, %parallel_loop3A_3305] {strides = array<i32>} : memref<5x128x64xf32, #tpu.memory_space<vmem>>, vector<16xf32>,
        %parallel_loop3A_3307 = arith.addf %parallel_loop3A_3306, %get3A_2696 : vector<16xf32>
        %parallel_loop3A_3308 = arith.constant 0 : i32
        %parallel_loop3A_3309 = arith.constant 0 : i32
        %parallel_loop3A_3310 = arith.constant 0 : i32
        %parallel_loop3A_3311 = arith.constant 0 : i32
        %parallel_loop3A_3312 = tpu.memref_slice %arg9[%parallel_loop3A_3308, %parallel_loop3A_3309, %parallel_loop3A_3310, %parallel_loop3A_3311] : memref<5x8x8x129xf32, #tpu.memory_space<vmem>> -> memref<1x8x8x129xf32, #tpu.memory_space<vmem>>
        %parallel_loop3A_3313 = tpu.memref_squeeze %parallel_loop3A_3312 : memref<1x8x8x129xf32, #tpu.memory_space<vmem>> -> memref<8x8x129xf32, #tpu.memory_space<vmem>>
        tpu.vector_store_idx %parallel_loop3A_3313[%select_n3A_2739, %select_n3A_2866, %parallel_loop3A_3301], %parallel_loop3A_3307 : memref<8x8x129xf32, #tpu.memory_space<vmem>>[vector<16xi32>, vector<16xi32>, vector<16xi32>], vector<16xf32>,
        %parallel_loop3A_3314 = arith.constant 0 : i32
        %parallel_loop3A_3315 = arith.index_cast %parallel_loop3A_3314 : i32 to index
        %parallel_loop3A_3316 = arith.index_cast %parallel_loop3A_3297 : i32 to index
        %parallel_loop3A_3317 = arith.constant 16 : index
        %parallel_loop3A_3318 = tpu.vector_load %arg8[%parallel_loop3A_3315, %parallel_loop3A_3316, %parallel_loop3A_3317] {strides = array<i32>} : memref<5x128x64xf32, #tpu.memory_space<vmem>>, vector<16xf32>,
        %parallel_loop3A_3319 = arith.addf %parallel_loop3A_3318, %get3A_2699 : vector<16xf32>
        %parallel_loop3A_3320 = arith.constant 0 : i32
        %parallel_loop3A_3321 = arith.constant 0 : i32
        %parallel_loop3A_3322 = arith.constant 0 : i32
        %parallel_loop3A_3323 = arith.constant 0 : i32
        %parallel_loop3A_3324 = tpu.memref_slice %arg9[%parallel_loop3A_3320, %parallel_loop3A_3321, %parallel_loop3A_3322, %parallel_loop3A_3323] : memref<5x8x8x129xf32, #tpu.memory_space<vmem>> -> memref<1x8x8x129xf32, #tpu.memory_space<vmem>>
        %parallel_loop3A_3325 = tpu.memref_squeeze %parallel_loop3A_3324 : memref<1x8x8x129xf32, #tpu.memory_space<vmem>> -> memref<8x8x129xf32, #tpu.memory_space<vmem>>
        tpu.vector_store_idx %parallel_loop3A_3325[%select_n3A_2773, %select_n3A_2891, %parallel_loop3A_3301], %parallel_loop3A_3319 : memref<8x8x129xf32, #tpu.memory_space<vmem>>[vector<16xi32>, vector<16xi32>, vector<16xi32>], vector<16xf32>,
        %parallel_loop3A_3326 = arith.constant 0 : i32
        %parallel_loop3A_3327 = arith.index_cast %parallel_loop3A_3326 : i32 to index
        %parallel_loop3A_3328 = arith.index_cast %parallel_loop3A_3297 : i32 to index
        %parallel_loop3A_3329 = arith.constant 32 : index
        %parallel_loop3A_3330 = tpu.vector_load %arg8[%parallel_loop3A_3327, %parallel_loop3A_3328, %parallel_loop3A_3329] {strides = array<i32>} : memref<5x128x64xf32, #tpu.memory_space<vmem>>, vector<16xf32>,
        %parallel_loop3A_3331 = arith.addf %parallel_loop3A_3330, %get3A_2702 : vector<16xf32>
        %parallel_loop3A_3332 = arith.constant 0 : i32
        %parallel_loop3A_3333 = arith.constant 0 : i32
        %parallel_loop3A_3334 = arith.constant 0 : i32
        %parallel_loop3A_3335 = arith.constant 0 : i32
        %parallel_loop3A_3336 = tpu.memref_slice %arg9[%parallel_loop3A_3332, %parallel_loop3A_3333, %parallel_loop3A_3334, %parallel_loop3A_3335] : memref<5x8x8x129xf32, #tpu.memory_space<vmem>> -> memref<1x8x8x129xf32, #tpu.memory_space<vmem>>
        %parallel_loop3A_3337 = tpu.memref_squeeze %parallel_loop3A_3336 : memref<1x8x8x129xf32, #tpu.memory_space<vmem>> -> memref<8x8x129xf32, #tpu.memory_space<vmem>>
        tpu.vector_store_idx %parallel_loop3A_3337[%select_n3A_2807, %select_n3A_2916, %parallel_loop3A_3301], %parallel_loop3A_3331 : memref<8x8x129xf32, #tpu.memory_space<vmem>>[vector<16xi32>, vector<16xi32>, vector<16xi32>], vector<16xf32>,
        %parallel_loop3A_3338 = arith.constant 0 : i32
        %parallel_loop3A_3339 = arith.index_cast %parallel_loop3A_3338 : i32 to index
        %parallel_loop3A_3340 = arith.index_cast %parallel_loop3A_3297 : i32 to index
        %parallel_loop3A_3341 = arith.constant 48 : index
        %parallel_loop3A_3342 = tpu.vector_load %arg8[%parallel_loop3A_3339, %parallel_loop3A_3340, %parallel_loop3A_3341] {strides = array<i32>} : memref<5x128x64xf32, #tpu.memory_space<vmem>>, vector<16xf32>,
        %parallel_loop3A_3343 = arith.addf %parallel_loop3A_3342, %get3A_2705 : vector<16xf32>
        %parallel_loop3A_3344 = arith.constant 0 : i32
        %parallel_loop3A_3345 = arith.constant 0 : i32
        %parallel_loop3A_3346 = arith.constant 0 : i32
        %parallel_loop3A_3347 = arith.constant 0 : i32
        %parallel_loop3A_3348 = tpu.memref_slice %arg9[%parallel_loop3A_3344, %parallel_loop3A_3345, %parallel_loop3A_3346, %parallel_loop3A_3347] : memref<5x8x8x129xf32, #tpu.memory_space<vmem>> -> memref<1x8x8x129xf32, #tpu.memory_space<vmem>>
        %parallel_loop3A_3349 = tpu.memref_squeeze %parallel_loop3A_3348 : memref<1x8x8x129xf32, #tpu.memory_space<vmem>> -> memref<8x8x129xf32, #tpu.memory_space<vmem>>
        tpu.vector_store_idx %parallel_loop3A_3349[%select_n3A_2841, %select_n3A_2941, %parallel_loop3A_3301], %parallel_loop3A_3343 : memref<8x8x129xf32, #tpu.memory_space<vmem>>[vector<16xi32>, vector<16xi32>, vector<16xi32>], vector<16xf32>,
      } {sc.loop_unroll_factor = 2 : i64, sc.parallel_access}
      %dma_start3A_2945 = arith.constant 0 : i32
      %dma_start3A_2946 = arith.constant 0 : i32
      %dma_start3A_2947 = arith.constant 0 : i32
      %dma_start3A_2948 = arith.constant 0 : i32
      %dma_start3A_2949 = tpu.memref_slice %arg9[%dma_start3A_2945, %dma_start3A_2946, %dma_start3A_2947, %dma_start3A_2948] : memref<5x8x8x129xf32, #tpu.memory_space<vmem>> -> memref<1x8x8x128xf32, #tpu.memory_space<vmem>>
      %dma_start3A_2950 = tpu.memref_squeeze %dma_start3A_2949 : memref<1x8x8x128xf32, #tpu.memory_space<vmem>> -> memref<8x8x128xf32, #tpu.memory_space<vmem>>
      %dma_start3A_2951 = arith.constant 0 : i32
      %dma_start3A_2952 = arith.constant 0 : i32
      %dma_start3A_2953 = arith.constant 0 : i32
      %dma_start3A_2954 = tpu.memref_slice %arg5[%add3A_2640, %dma_start3A_2951, %add3A, %dma_start3A_2952, %dma_start3A_2953] : memref<200x8x32x8x128xf32, #tpu.memory_space<hbm>> -> memref<1x8x1x8x128xf32, #tpu.memory_space<hbm>>
      %dma_start3A_2955 = tpu.memref_squeeze %dma_start3A_2954 : memref<1x8x1x8x128xf32, #tpu.memory_space<hbm>> -> memref<8x8x128xf32, #tpu.memory_space<hbm>>
      %dma_start3A_2956 = arith.constant 0 : i32
      %dma_start3A_2957 = arith.constant 0 : i32
      %dma_start3A_2958 = arith.constant 0 : i32
      %dma_start3A_2959 = tpu.memref_slice %arg5[%add3A_2640, %dma_start3A_2956, %add3A, %dma_start3A_2957, %dma_start3A_2958] : memref<200x8x32x8x128xf32, #tpu.memory_space<hbm>> -> memref<1x8x1x8x128xf32, #tpu.memory_space<hbm>>
      %dma_start3A_2960 = tpu.memref_squeeze %dma_start3A_2959 : memref<1x8x1x8x128xf32, #tpu.memory_space<hbm>> -> memref<8x8x128xf32, #tpu.memory_space<hbm>>
      %dma_start3A_2961 = arith.constant 0 : i32
      %dma_start3A_2962 = arith.constant 0 : i32
      %dma_start3A_2963 = arith.constant 0 : i32
      %dma_start3A_2964 = tpu.memref_slice %arg9[%dma_start3A_2945, %dma_start3A_2961, %dma_start3A_2962, %dma_start3A_2963] : memref<5x8x8x129xf32, #tpu.memory_space<vmem>> -> memref<1x8x8x128xf32, #tpu.memory_space<vmem>>
      %dma_start3A_2965 = tpu.memref_squeeze %dma_start3A_2964 : memref<1x8x8x128xf32, #tpu.memory_space<vmem>> -> memref<8x8x128xf32, #tpu.memory_space<vmem>>
      tpu.enqueue_dma source(%dma_start3A_2965 : memref<8x8x128xf32, #tpu.memory_space<vmem>>) target(%dma_start3A_2960 : memref<8x8x128xf32, #tpu.memory_space<hbm>>) target_semaphore(%arg15 : memref<!tpu.dma_semaphore, #tpu.memory_space<semaphore_mem>>)
      %mul3A_2966 = arith.constant 5 : i32
      %mul3A_2967 = arith.muli %scan3A_1641, %mul3A_2966 : i32
      %add3A_2968 = arith.constant 2 : i32
      %add3A_2969 = arith.addi %add3A_2968, %mul3A_2967 : i32
      %add3A_2970 = arith.constant 4 : i32
      %add3A_2971 = arith.addi %add3A_2969, %add3A_2970 : i32
      %dma_wait3A_2972 = arith.constant 4 : i32
      %dma_wait3A_2973 = arith.constant 0 : i32
      %dma_wait3A_2974 = arith.constant 0 : i32
      %dma_wait3A_2975 = arith.constant 0 : i32
      %dma_wait3A_2976 = arith.constant 0 : i32
      %dma_wait3A_2977 = tpu.memref_slice %arg9[%dma_wait3A_2972, %dma_wait3A_2974, %dma_wait3A_2975, %dma_wait3A_2976] : memref<5x8x8x129xf32, #tpu.memory_space<vmem>> -> memref<1x8x8x128xf32, #tpu.memory_space<vmem>>
      %dma_wait3A_2978 = tpu.memref_squeeze %dma_wait3A_2977 : memref<1x8x8x128xf32, #tpu.memory_space<vmem>> -> memref<8x8x128xf32, #tpu.memory_space<vmem>>
      %dma_wait3A_2979 = arith.constant 0 : i32
      %dma_wait3A_2980 = arith.constant 0 : i32
      %dma_wait3A_2981 = arith.constant 0 : i32
      %dma_wait3A_2982 = tpu.memref_slice %arg5[%dma_wait3A_2973, %dma_wait3A_2979, %add3A, %dma_wait3A_2980, %dma_wait3A_2981] : memref<200x8x32x8x128xf32, #tpu.memory_space<hbm>> -> memref<1x8x1x8x128xf32, #tpu.memory_space<hbm>>
      %dma_wait3A_2983 = tpu.memref_squeeze %dma_wait3A_2982 : memref<1x8x1x8x128xf32, #tpu.memory_space<hbm>> -> memref<8x8x128xf32, #tpu.memory_space<hbm>>
      %dma_wait3A_2984 = arith.constant 0 : i32
      %dma_wait3A_2985 = arith.constant 0 : i32
      %dma_wait3A_2986 = arith.constant 0 : i32
      %dma_wait3A_2987 = tpu.memref_slice %arg5[%dma_wait3A_2973, %dma_wait3A_2984, %add3A, %dma_wait3A_2985, %dma_wait3A_2986] : memref<200x8x32x8x128xf32, #tpu.memory_space<hbm>> -> memref<1x8x1x8x128xf32, #tpu.memory_space<hbm>>
      %dma_wait3A_2988 = tpu.memref_squeeze %dma_wait3A_2987 : memref<1x8x1x8x128xf32, #tpu.memory_space<hbm>> -> memref<8x8x128xf32, #tpu.memory_space<hbm>>
      %dma_wait3A_2989 = arith.constant 0 : i32
      %dma_wait3A_2990 = arith.constant 0 : i32
      %dma_wait3A_2991 = arith.constant 0 : i32
      %dma_wait3A_2992 = tpu.memref_slice %arg9[%dma_wait3A_2972, %dma_wait3A_2989, %dma_wait3A_2990, %dma_wait3A_2991] : memref<5x8x8x129xf32, #tpu.memory_space<vmem>> -> memref<1x8x8x128xf32, #tpu.memory_space<vmem>>
      %dma_wait3A_2993 = tpu.memref_squeeze %dma_wait3A_2992 : memref<1x8x8x128xf32, #tpu.memory_space<vmem>> -> memref<8x8x128xf32, #tpu.memory_space<vmem>>
      tpu.wait_dma2 semaphore(%arg19 : memref<!tpu.dma_semaphore, #tpu.memory_space<semaphore_mem>>) src(%dma_wait3A_2993 : memref<8x8x128xf32, #tpu.memory_space<vmem>>) dst(%dma_wait3A_2988 : memref<8x8x128xf32, #tpu.memory_space<hbm>>)
      %add3A_2994 = arith.constant 3 : i32
      %add3A_2995 = arith.addi %add3A_2971, %add3A_2994 : i32
      %div3A_2996 = arith.constant 8 : i32
      %div3A_2997 = arith.divsi %add3A_2995, %div3A_2996 : i32
      %rem3A_2998 = arith.constant 8 : i32
      %rem3A_2999 = arith.remsi %add3A_2995, %rem3A_2998 : i32
      %dma_start3A_3000 = arith.constant 4 : i32
      %dma_start3A_3001 = arith.constant 0 : i32
      %dma_start3A_3002 = arith.constant 0 : i32
      %dma_start3A_3003 = tpu.memref_slice %arg8[%dma_start3A_3000, %dma_start3A_3001, %dma_start3A_3002] : memref<5x128x64xf32, #tpu.memory_space<vmem>> -> memref<1x128x64xf32, #tpu.memory_space<vmem>>
      %dma_start3A_3004 = tpu.memref_squeeze %dma_start3A_3003 : memref<1x128x64xf32, #tpu.memory_space<vmem>> -> memref<128x64xf32, #tpu.memory_space<vmem>>
      %dma_start3A_3005 = arith.constant 0 : i32
      %dma_start3A_3006 = tpu.memref_slice %arg6[%div3A_2997, %rem3A_2999, %dma_start3A_3005] : memref<25x8x128xi32, #tpu.memory_space<vmem>> -> memref<1x1x128xi32, #tpu.memory_space<vmem>>
      %dma_start3A_3007 = tpu.memref_squeeze %dma_start3A_3006 : memref<1x1x128xi32, #tpu.memory_space<vmem>> -> memref<128xi32, #tpu.memory_space<vmem>>
      %dma_start3A_3008 = arith.constant 0 : i32
      %dma_start3A_3009 = arith.constant 0 : i32
      %dma_start3A_3010 = tpu.memref_slice %arg3[%dma_start3A_3008, %dma_start3A_3009] : memref<100000x64xf32, #tpu.memory_space<hbm>> -> memref<100000x64xf32, #tpu.memory_space<hbm>>
      tpu.enqueue_indirect_dma source(%dma_start3A_3010 : memref<100000x64xf32, #tpu.memory_space<hbm>>) target(%dma_start3A_3004 : memref<128x64xf32, #tpu.memory_space<vmem>>) offsets(%dma_start3A_3007 : memref<128xi32, #tpu.memory_space<vmem>>) semaphore(%arg14 : memref<!tpu.dma_semaphore, #tpu.memory_space<semaphore_mem>>)
      %dma_wait3A_3011 = arith.constant 0 : i32
      %dma_wait3A_3012 = arith.constant 0 : i32
      %dma_wait3A_3013 = arith.constant 1 : i32
      %dma_wait3A_3014 = arith.constant 0 : i32
      %dma_wait3A_3015 = arith.constant 0 : i32
      %dma_wait3A_3016 = tpu.memref_slice %arg8[%dma_wait3A_3013, %dma_wait3A_3014, %dma_wait3A_3015] : memref<5x128x64xf32, #tpu.memory_space<vmem>> -> memref<1x128x64xf32, #tpu.memory_space<vmem>>
      %dma_wait3A_3017 = tpu.memref_squeeze %dma_wait3A_3016 : memref<1x128x64xf32, #tpu.memory_space<vmem>> -> memref<128x64xf32, #tpu.memory_space<vmem>>
      %dma_wait3A_3018 = arith.constant 0 : i32
      %dma_wait3A_3019 = tpu.memref_slice %arg6[%dma_wait3A_3011, %dma_wait3A_3012, %dma_wait3A_3018] : memref<25x8x128xi32, #tpu.memory_space<vmem>> -> memref<1x1x128xi32, #tpu.memory_space<vmem>>
      %dma_wait3A_3020 = tpu.memref_squeeze %dma_wait3A_3019 : memref<1x1x128xi32, #tpu.memory_space<vmem>> -> memref<128xi32, #tpu.memory_space<vmem>>
      %dma_wait3A_3021 = arith.constant 0 : i32
      %dma_wait3A_3022 = arith.constant 0 : i32
      %dma_wait3A_3023 = tpu.memref_slice %arg3[%dma_wait3A_3021, %dma_wait3A_3022] : memref<100000x64xf32, #tpu.memory_space<hbm>> -> memref<100000x64xf32, #tpu.memory_space<hbm>>
      tpu.wait_indirect_dma semaphore(%arg11 : memref<!tpu.dma_semaphore, #tpu.memory_space<semaphore_mem>>) src(%dma_wait3A_3023 : memref<100000x64xf32, #tpu.memory_space<hbm>>) dst(%dma_wait3A_3017 : memref<128x64xf32, #tpu.memory_space<vmem>>)
      %iota3A_3024 = tpu.iota {dimensions = array<i32: 0>} : vector<16xi32>
      %get3A_3025 = arith.index_cast %add3A_2971 : i32 to index
      %get3A_3026 = arith.constant 0 : index
      %get3A_3027 = tpu.vector_load %arg7[%get3A_3025, %get3A_3026] {strides = array<i32>} : memref<200x64xf32, #tpu.memory_space<vmem>>, vector<16xf32>,
      %get3A_3028 = arith.index_cast %add3A_2971 : i32 to index
      %get3A_3029 = arith.constant 16 : index
      %get3A_3030 = tpu.vector_load %arg7[%get3A_3028, %get3A_3029] {strides = array<i32>} : memref<200x64xf32, #tpu.memory_space<vmem>>, vector<16xf32>,
      %get3A_3031 = arith.index_cast %add3A_2971 : i32 to index
      %get3A_3032 = arith.constant 32 : index
      %get3A_3033 = tpu.vector_load %arg7[%get3A_3031, %get3A_3032] {strides = array<i32>} : memref<200x64xf32, #tpu.memory_space<vmem>>, vector<16xf32>,
      %get3A_3034 = arith.index_cast %add3A_2971 : i32 to index
      %get3A_3035 = arith.constant 48 : index
      %get3A_3036 = tpu.vector_load %arg7[%get3A_3034, %get3A_3035] {strides = array<i32>} : memref<200x64xf32, #tpu.memory_space<vmem>>, vector<16xf32>,
      %add3A_3037 = arith.constant 0 : i32
      %add3A_3038 = vector.broadcast %add3A_3037 : i32 to vector<16xi32>
      %add3A_3039 = arith.addi %add3A_3038, %iota3A_3024 : vector<16xi32>
      %jit3A_3040 = arith.constant 8 : i32
      %div3A_3041 = vector.broadcast %jit3A_3040 : i32 to vector<16xi32>
      %div3A_3042 = arith.divsi %add3A_3039, %div3A_3041 : vector<16xi32>
      %sign3A_3043 = arith.constant 0 : i32
      %sign3A_3044 = vector.broadcast %sign3A_3043 : i32 to vector<16xi32>
      %sign3A_3045 = arith.cmpi sgt, %add3A_3039, %sign3A_3044 : vector<16xi32>
      %sign3A_3046 = arith.extui %sign3A_3045 : vector<16xi1> to vector<16xi32>
      %sign3A_3047 = arith.constant 0 : i32
      %sign3A_3048 = vector.broadcast %sign3A_3047 : i32 to vector<16xi32>
      %sign3A_3049 = arith.cmpi slt, %add3A_3039, %sign3A_3048 : vector<16xi32>
      %sign3A_3050 = arith.extui %sign3A_3049 : vector<16xi1> to vector<16xi32>
      %sign3A_3051 = arith.subi %sign3A_3046, %sign3A_3050 : vector<16xi32>
      %sign3A_3052 = arith.constant 0 : i32
      %sign3A_3053 = arith.cmpi sgt, %jit3A_3040, %sign3A_3052 : i32
      %sign3A_3054 = arith.extui %sign3A_3053 : i1 to i32
      %sign3A_3055 = arith.constant 0 : i32
      %sign3A_3056 = arith.cmpi slt, %jit3A_3040, %sign3A_3055 : i32
      %sign3A_3057 = arith.extui %sign3A_3056 : i1 to i32
      %sign3A_3058 = arith.subi %sign3A_3054, %sign3A_3057 : i32
      %ne3A_3059 = vector.broadcast %sign3A_3058 : i32 to vector<16xi32>
      %ne3A_3060 = arith.cmpi ne, %sign3A_3051, %ne3A_3059 : vector<16xi32>
      %rem3A_3061 = vector.broadcast %jit3A_3040 : i32 to vector<16xi32>
      %rem3A_3062 = arith.remsi %add3A_3039, %rem3A_3061 : vector<16xi32>
      %ne3A_3063 = arith.constant 0 : i32
      %ne3A_3064 = vector.broadcast %ne3A_3063 : i32 to vector<16xi32>
      %ne3A_3065 = arith.cmpi ne, %rem3A_3062, %ne3A_3064 : vector<16xi32>
      %and3A_3066 = arith.andi %ne3A_3060, %ne3A_3065 : vector<16xi1>
      %sub3A_3067 = arith.constant 1 : i32
      %sub3A_3068 = vector.broadcast %sub3A_3067 : i32 to vector<16xi32>
      %sub3A_3069 = arith.subi %div3A_3042, %sub3A_3068 : vector<16xi32>
      %select_n3A_3070 = arith.select %and3A_3066, %sub3A_3069, %div3A_3042 : vector<16xi1>, vector<16xi32>
      %add3A_3071 = arith.constant 16 : i32
      %add3A_3072 = vector.broadcast %add3A_3071 : i32 to vector<16xi32>
      %add3A_3073 = arith.addi %add3A_3072, %iota3A_3024 : vector<16xi32>
      %jit3A_3074 = arith.constant 8 : i32
      %div3A_3075 = vector.broadcast %jit3A_3074 : i32 to vector<16xi32>
      %div3A_3076 = arith.divsi %add3A_3073, %div3A_3075 : vector<16xi32>
      %sign3A_3077 = arith.constant 0 : i32
      %sign3A_3078 = vector.broadcast %sign3A_3077 : i32 to vector<16xi32>
      %sign3A_3079 = arith.cmpi sgt, %add3A_3073, %sign3A_3078 : vector<16xi32>
      %sign3A_3080 = arith.extui %sign3A_3079 : vector<16xi1> to vector<16xi32>
      %sign3A_3081 = arith.constant 0 : i32
      %sign3A_3082 = vector.broadcast %sign3A_3081 : i32 to vector<16xi32>
      %sign3A_3083 = arith.cmpi slt, %add3A_3073, %sign3A_3082 : vector<16xi32>
      %sign3A_3084 = arith.extui %sign3A_3083 : vector<16xi1> to vector<16xi32>
      %sign3A_3085 = arith.subi %sign3A_3080, %sign3A_3084 : vector<16xi32>
      %sign3A_3086 = arith.constant 0 : i32
      %sign3A_3087 = arith.cmpi sgt, %jit3A_3074, %sign3A_3086 : i32
      %sign3A_3088 = arith.extui %sign3A_3087 : i1 to i32
      %sign3A_3089 = arith.constant 0 : i32
      %sign3A_3090 = arith.cmpi slt, %jit3A_3074, %sign3A_3089 : i32
      %sign3A_3091 = arith.extui %sign3A_3090 : i1 to i32
      %sign3A_3092 = arith.subi %sign3A_3088, %sign3A_3091 : i32
      %ne3A_3093 = vector.broadcast %sign3A_3092 : i32 to vector<16xi32>
      %ne3A_3094 = arith.cmpi ne, %sign3A_3085, %ne3A_3093 : vector<16xi32>
      %rem3A_3095 = vector.broadcast %jit3A_3074 : i32 to vector<16xi32>
      %rem3A_3096 = arith.remsi %add3A_3073, %rem3A_3095 : vector<16xi32>
      %ne3A_3097 = arith.constant 0 : i32
      %ne3A_3098 = vector.broadcast %ne3A_3097 : i32 to vector<16xi32>
      %ne3A_3099 = arith.cmpi ne, %rem3A_3096, %ne3A_3098 : vector<16xi32>
      %and3A_3100 = arith.andi %ne3A_3094, %ne3A_3099 : vector<16xi1>
      %sub3A_3101 = arith.constant 1 : i32
      %sub3A_3102 = vector.broadcast %sub3A_3101 : i32 to vector<16xi32>
      %sub3A_3103 = arith.subi %div3A_3076, %sub3A_3102 : vector<16xi32>
      %select_n3A_3104 = arith.select %and3A_3100, %sub3A_3103, %div3A_3076 : vector<16xi1>, vector<16xi32>
      %add3A_3105 = arith.constant 32 : i32
      %add3A_3106 = vector.broadcast %add3A_3105 : i32 to vector<16xi32>
      %add3A_3107 = arith.addi %add3A_3106, %iota3A_3024 : vector<16xi32>
      %jit3A_3108 = arith.constant 8 : i32
      %div3A_3109 = vector.broadcast %jit3A_3108 : i32 to vector<16xi32>
      %div3A_3110 = arith.divsi %add3A_3107, %div3A_3109 : vector<16xi32>
      %sign3A_3111 = arith.constant 0 : i32
      %sign3A_3112 = vector.broadcast %sign3A_3111 : i32 to vector<16xi32>
      %sign3A_3113 = arith.cmpi sgt, %add3A_3107, %sign3A_3112 : vector<16xi32>
      %sign3A_3114 = arith.extui %sign3A_3113 : vector<16xi1> to vector<16xi32>
      %sign3A_3115 = arith.constant 0 : i32
      %sign3A_3116 = vector.broadcast %sign3A_3115 : i32 to vector<16xi32>
      %sign3A_3117 = arith.cmpi slt, %add3A_3107, %sign3A_3116 : vector<16xi32>
      %sign3A_3118 = arith.extui %sign3A_3117 : vector<16xi1> to vector<16xi32>
      %sign3A_3119 = arith.subi %sign3A_3114, %sign3A_3118 : vector<16xi32>
      %sign3A_3120 = arith.constant 0 : i32
      %sign3A_3121 = arith.cmpi sgt, %jit3A_3108, %sign3A_3120 : i32
      %sign3A_3122 = arith.extui %sign3A_3121 : i1 to i32
      %sign3A_3123 = arith.constant 0 : i32
      %sign3A_3124 = arith.cmpi slt, %jit3A_3108, %sign3A_3123 : i32
      %sign3A_3125 = arith.extui %sign3A_3124 : i1 to i32
      %sign3A_3126 = arith.subi %sign3A_3122, %sign3A_3125 : i32
      %ne3A_3127 = vector.broadcast %sign3A_3126 : i32 to vector<16xi32>
      %ne3A_3128 = arith.cmpi ne, %sign3A_3119, %ne3A_3127 : vector<16xi32>
      %rem3A_3129 = vector.broadcast %jit3A_3108 : i32 to vector<16xi32>
      %rem3A_3130 = arith.remsi %add3A_3107, %rem3A_3129 : vector<16xi32>
      %ne3A_3131 = arith.constant 0 : i32
      %ne3A_3132 = vector.broadcast %ne3A_3131 : i32 to vector<16xi32>
      %ne3A_3133 = arith.cmpi ne, %rem3A_3130, %ne3A_3132 : vector<16xi32>
      %and3A_3134 = arith.andi %ne3A_3128, %ne3A_3133 : vector<16xi1>
      %sub3A_3135 = arith.constant 1 : i32
      %sub3A_3136 = vector.broadcast %sub3A_3135 : i32 to vector<16xi32>
      %sub3A_3137 = arith.subi %div3A_3110, %sub3A_3136 : vector<16xi32>
      %select_n3A_3138 = arith.select %and3A_3134, %sub3A_3137, %div3A_3110 : vector<16xi1>, vector<16xi32>
      %add3A_3139 = arith.constant 48 : i32
      %add3A_3140 = vector.broadcast %add3A_3139 : i32 to vector<16xi32>
      %add3A_3141 = arith.addi %add3A_3140, %iota3A_3024 : vector<16xi32>
      %jit3A_3142 = arith.constant 8 : i32
      %div3A_3143 = vector.broadcast %jit3A_3142 : i32 to vector<16xi32>
      %div3A_3144 = arith.divsi %add3A_3141, %div3A_3143 : vector<16xi32>
      %sign3A_3145 = arith.constant 0 : i32
      %sign3A_3146 = vector.broadcast %sign3A_3145 : i32 to vector<16xi32>
      %sign3A_3147 = arith.cmpi sgt, %add3A_3141, %sign3A_3146 : vector<16xi32>
      %sign3A_3148 = arith.extui %sign3A_3147 : vector<16xi1> to vector<16xi32>
      %sign3A_3149 = arith.constant 0 : i32
      %sign3A_3150 = vector.broadcast %sign3A_3149 : i32 to vector<16xi32>
      %sign3A_3151 = arith.cmpi slt, %add3A_3141, %sign3A_3150 : vector<16xi32>
      %sign3A_3152 = arith.extui %sign3A_3151 : vector<16xi1> to vector<16xi32>
      %sign3A_3153 = arith.subi %sign3A_3148, %sign3A_3152 : vector<16xi32>
      %sign3A_3154 = arith.constant 0 : i32
      %sign3A_3155 = arith.cmpi sgt, %jit3A_3142, %sign3A_3154 : i32
      %sign3A_3156 = arith.extui %sign3A_3155 : i1 to i32
      %sign3A_3157 = arith.constant 0 : i32
      %sign3A_3158 = arith.cmpi slt, %jit3A_3142, %sign3A_3157 : i32
      %sign3A_3159 = arith.extui %sign3A_3158 : i1 to i32
      %sign3A_3160 = arith.subi %sign3A_3156, %sign3A_3159 : i32
      %ne3A_3161 = vector.broadcast %sign3A_3160 : i32 to vector<16xi32>
      %ne3A_3162 = arith.cmpi ne, %sign3A_3153, %ne3A_3161 : vector<16xi32>
      %rem3A_3163 = vector.broadcast %jit3A_3142 : i32 to vector<16xi32>
      %rem3A_3164 = arith.remsi %add3A_3141, %rem3A_3163 : vector<16xi32>
      %ne3A_3165 = arith.constant 0 : i32
      %ne3A_3166 = vector.broadcast %ne3A_3165 : i32 to vector<16xi32>
      %ne3A_3167 = arith.cmpi ne, %rem3A_3164, %ne3A_3166 : vector<16xi32>
      %and3A_3168 = arith.andi %ne3A_3162, %ne3A_3167 : vector<16xi1>
      %sub3A_3169 = arith.constant 1 : i32
      %sub3A_3170 = vector.broadcast %sub3A_3169 : i32 to vector<16xi32>
      %sub3A_3171 = arith.subi %div3A_3144, %sub3A_3170 : vector<16xi32>
      %select_n3A_3172 = arith.select %and3A_3168, %sub3A_3171, %div3A_3144 : vector<16xi1>, vector<16xi32>
      %add3A_3173 = arith.constant 0 : i32
      %add3A_3174 = vector.broadcast %add3A_3173 : i32 to vector<16xi32>
      %add3A_3175 = arith.addi %add3A_3174, %iota3A_3024 : vector<16xi32>
      %jit3A_3176 = arith.constant 8 : i32
      %eq3A_3177 = arith.constant 0 : i32
      %eq3A_3178 = arith.cmpi eq, %jit3A_3176, %eq3A_3177 : i32
      %jit3A_3179 = arith.constant 1 : i32
      %select_n3A_3180 = arith.select %eq3A_3178, %jit3A_3179, %jit3A_3176 : i32
      %rem3A_3181 = vector.broadcast %select_n3A_3180 : i32 to vector<16xi32>
      %rem3A_3182 = arith.remsi %add3A_3175, %rem3A_3181 : vector<16xi32>
      %ne3A_3183 = arith.constant 0 : i32
      %ne3A_3184 = vector.broadcast %ne3A_3183 : i32 to vector<16xi32>
      %ne3A_3185 = arith.cmpi ne, %rem3A_3182, %ne3A_3184 : vector<16xi32>
      %lt3A_3186 = arith.constant 0 : i32
      %lt3A_3187 = vector.broadcast %lt3A_3186 : i32 to vector<16xi32>
      %lt3A_3188 = arith.cmpi slt, %rem3A_3182, %lt3A_3187 : vector<16xi32>
      %lt3A_3189 = arith.constant 0 : i32
      %lt3A_3190 = arith.cmpi slt, %select_n3A_3180, %lt3A_3189 : i32
      %ne3A_3191 = vector.broadcast %lt3A_3190 : i1 to vector<16xi1>
      %ne3A_3192 = vector.broadcast %ne3A_3191 : vector<16xi1> to vector<16xi1>
      %ne3A_3193 = arith.xori %lt3A_3188, %ne3A_3192 : vector<16xi1>
      %and3A_3194 = arith.andi %ne3A_3193, %ne3A_3185 : vector<16xi1>
      %add3A_3195 = vector.broadcast %select_n3A_3180 : i32 to vector<16xi32>
      %add3A_3196 = arith.addi %rem3A_3182, %add3A_3195 : vector<16xi32>
      %select_n3A_3197 = arith.select %and3A_3194, %add3A_3196, %rem3A_3182 : vector<16xi1>, vector<16xi32>
      %add3A_3198 = arith.constant 16 : i32
      %add3A_3199 = vector.broadcast %add3A_3198 : i32 to vector<16xi32>
      %add3A_3200 = arith.addi %add3A_3199, %iota3A_3024 : vector<16xi32>
      %jit3A_3201 = arith.constant 8 : i32
      %eq3A_3202 = arith.constant 0 : i32
      %eq3A_3203 = arith.cmpi eq, %jit3A_3201, %eq3A_3202 : i32
      %jit3A_3204 = arith.constant 1 : i32
      %select_n3A_3205 = arith.select %eq3A_3203, %jit3A_3204, %jit3A_3201 : i32
      %rem3A_3206 = vector.broadcast %select_n3A_3205 : i32 to vector<16xi32>
      %rem3A_3207 = arith.remsi %add3A_3200, %rem3A_3206 : vector<16xi32>
      %ne3A_3208 = arith.constant 0 : i32
      %ne3A_3209 = vector.broadcast %ne3A_3208 : i32 to vector<16xi32>
      %ne3A_3210 = arith.cmpi ne, %rem3A_3207, %ne3A_3209 : vector<16xi32>
      %lt3A_3211 = arith.constant 0 : i32
      %lt3A_3212 = vector.broadcast %lt3A_3211 : i32 to vector<16xi32>
      %lt3A_3213 = arith.cmpi slt, %rem3A_3207, %lt3A_3212 : vector<16xi32>
      %lt3A_3214 = arith.constant 0 : i32
      %lt3A_3215 = arith.cmpi slt, %select_n3A_3205, %lt3A_3214 : i32
      %ne3A_3216 = vector.broadcast %lt3A_3215 : i1 to vector<16xi1>
      %ne3A_3217 = vector.broadcast %ne3A_3216 : vector<16xi1> to vector<16xi1>
      %ne3A_3218 = arith.xori %lt3A_3213, %ne3A_3217 : vector<16xi1>
      %and3A_3219 = arith.andi %ne3A_3218, %ne3A_3210 : vector<16xi1>
      %add3A_3220 = vector.broadcast %select_n3A_3205 : i32 to vector<16xi32>
      %add3A_3221 = arith.addi %rem3A_3207, %add3A_3220 : vector<16xi32>
      %select_n3A_3222 = arith.select %and3A_3219, %add3A_3221, %rem3A_3207 : vector<16xi1>, vector<16xi32>
      %add3A_3223 = arith.constant 32 : i32
      %add3A_3224 = vector.broadcast %add3A_3223 : i32 to vector<16xi32>
      %add3A_3225 = arith.addi %add3A_3224, %iota3A_3024 : vector<16xi32>
      %jit3A_3226 = arith.constant 8 : i32
      %eq3A_3227 = arith.constant 0 : i32
      %eq3A_3228 = arith.cmpi eq, %jit3A_3226, %eq3A_3227 : i32
      %jit3A_3229 = arith.constant 1 : i32
      %select_n3A_3230 = arith.select %eq3A_3228, %jit3A_3229, %jit3A_3226 : i32
      %rem3A_3231 = vector.broadcast %select_n3A_3230 : i32 to vector<16xi32>
      %rem3A_3232 = arith.remsi %add3A_3225, %rem3A_3231 : vector<16xi32>
      %ne3A_3233 = arith.constant 0 : i32
      %ne3A_3234 = vector.broadcast %ne3A_3233 : i32 to vector<16xi32>
      %ne3A_3235 = arith.cmpi ne, %rem3A_3232, %ne3A_3234 : vector<16xi32>
      %lt3A_3236 = arith.constant 0 : i32
      %lt3A_3237 = vector.broadcast %lt3A_3236 : i32 to vector<16xi32>
      %lt3A_3238 = arith.cmpi slt, %rem3A_3232, %lt3A_3237 : vector<16xi32>
      %lt3A_3239 = arith.constant 0 : i32
      %lt3A_3240 = arith.cmpi slt, %select_n3A_3230, %lt3A_3239 : i32
      %ne3A_3241 = vector.broadcast %lt3A_3240 : i1 to vector<16xi1>
      %ne3A_3242 = vector.broadcast %ne3A_3241 : vector<16xi1> to vector<16xi1>
      %ne3A_3243 = arith.xori %lt3A_3238, %ne3A_3242 : vector<16xi1>
      %and3A_3244 = arith.andi %ne3A_3243, %ne3A_3235 : vector<16xi1>
      %add3A_3245 = vector.broadcast %select_n3A_3230 : i32 to vector<16xi32>
      %add3A_3246 = arith.addi %rem3A_3232, %add3A_3245 : vector<16xi32>
      %select_n3A_3247 = arith.select %and3A_3244, %add3A_3246, %rem3A_3232 : vector<16xi1>, vector<16xi32>
      %add3A_3248 = arith.constant 48 : i32
      %add3A_3249 = vector.broadcast %add3A_3248 : i32 to vector<16xi32>
      %add3A_3250 = arith.addi %add3A_3249, %iota3A_3024 : vector<16xi32>
      %jit3A_3251 = arith.constant 8 : i32
      %eq3A_3252 = arith.constant 0 : i32
      %eq3A_3253 = arith.cmpi eq, %jit3A_3251, %eq3A_3252 : i32
      %jit3A_3254 = arith.constant 1 : i32
      %select_n3A_3255 = arith.select %eq3A_3253, %jit3A_3254, %jit3A_3251 : i32
      %rem3A_3256 = vector.broadcast %select_n3A_3255 : i32 to vector<16xi32>
      %rem3A_3257 = arith.remsi %add3A_3250, %rem3A_3256 : vector<16xi32>
      %ne3A_3258 = arith.constant 0 : i32
      %ne3A_3259 = vector.broadcast %ne3A_3258 : i32 to vector<16xi32>
      %ne3A_3260 = arith.cmpi ne, %rem3A_3257, %ne3A_3259 : vector<16xi32>
      %lt3A_3261 = arith.constant 0 : i32
      %lt3A_3262 = vector.broadcast %lt3A_3261 : i32 to vector<16xi32>
      %lt3A_3263 = arith.cmpi slt, %rem3A_3257, %lt3A_3262 : vector<16xi32>
      %lt3A_3264 = arith.constant 0 : i32
      %lt3A_3265 = arith.cmpi slt, %select_n3A_3255, %lt3A_3264 : i32
      %ne3A_3266 = vector.broadcast %lt3A_3265 : i1 to vector<16xi1>
      %ne3A_3267 = vector.broadcast %ne3A_3266 : vector<16xi1> to vector<16xi1>
      %ne3A_3268 = arith.xori %lt3A_3263, %ne3A_3267 : vector<16xi1>
      %and3A_3269 = arith.andi %ne3A_3268, %ne3A_3260 : vector<16xi1>
      %add3A_3270 = vector.broadcast %select_n3A_3255 : i32 to vector<16xi32>
      %add3A_3271 = arith.addi %rem3A_3257, %add3A_3270 : vector<16xi32>
      %select_n3A_3272 = arith.select %and3A_3269, %add3A_3271, %rem3A_3257 : vector<16xi1>, vector<16xi32>
      %parallel_loop3A_3273 = arith.constant 0 : i32
      %parallel_loop3A_3274 = arith.constant 128 : i32
      %parallel_loop3A_3275 = arith.constant 1 : i32
      scf.for %parallel_loop3A_3297 = %parallel_loop3A_3273 to %parallel_loop3A_3274 step %parallel_loop3A_3275  : i32 {
        %parallel_loop3A_3298 = arith.constant 0 : i32
        %parallel_loop3A_3299 = vector.broadcast %parallel_loop3A_3298 : i32 to vector<16xi32>
        %parallel_loop3A_3300 = vector.broadcast %parallel_loop3A_3297 : i32 to vector<16xi32>
        %parallel_loop3A_3301 = arith.addi %parallel_loop3A_3299, %parallel_loop3A_3300 : vector<16xi32>
        %parallel_loop3A_3302 = arith.constant 1 : i32
        %parallel_loop3A_3303 = arith.index_cast %parallel_loop3A_3302 : i32 to index
        %parallel_loop3A_3304 = arith.index_cast %parallel_loop3A_3297 : i32 to index
        %parallel_loop3A_3305 = arith.constant 0 : index
        %parallel_loop3A_3306 = tpu.vector_load %arg8[%parallel_loop3A_3303, %parallel_loop3A_3304, %parallel_loop3A_3305] {strides = array<i32>} : memref<5x128x64xf32, #tpu.memory_space<vmem>>, vector<16xf32>,
        %parallel_loop3A_3307 = arith.addf %parallel_loop3A_3306, %get3A_3027 : vector<16xf32>
        %parallel_loop3A_3308 = arith.constant 1 : i32
        %parallel_loop3A_3309 = arith.constant 0 : i32
        %parallel_loop3A_3310 = arith.constant 0 : i32
        %parallel_loop3A_3311 = arith.constant 0 : i32
        %parallel_loop3A_3312 = tpu.memref_slice %arg9[%parallel_loop3A_3308, %parallel_loop3A_3309, %parallel_loop3A_3310, %parallel_loop3A_3311] : memref<5x8x8x129xf32, #tpu.memory_space<vmem>> -> memref<1x8x8x129xf32, #tpu.memory_space<vmem>>
        %parallel_loop3A_3313 = tpu.memref_squeeze %parallel_loop3A_3312 : memref<1x8x8x129xf32, #tpu.memory_space<vmem>> -> memref<8x8x129xf32, #tpu.memory_space<vmem>>
        tpu.vector_store_idx %parallel_loop3A_3313[%select_n3A_3070, %select_n3A_3197, %parallel_loop3A_3301], %parallel_loop3A_3307 : memref<8x8x129xf32, #tpu.memory_space<vmem>>[vector<16xi32>, vector<16xi32>, vector<16xi32>], vector<16xf32>,
        %parallel_loop3A_3314 = arith.constant 1 : i32
        %parallel_loop3A_3315 = arith.index_cast %parallel_loop3A_3314 : i32 to index
        %parallel_loop3A_3316 = arith.index_cast %parallel_loop3A_3297 : i32 to index
        %parallel_loop3A_3317 = arith.constant 16 : index
        %parallel_loop3A_3318 = tpu.vector_load %arg8[%parallel_loop3A_3315, %parallel_loop3A_3316, %parallel_loop3A_3317] {strides = array<i32>} : memref<5x128x64xf32, #tpu.memory_space<vmem>>, vector<16xf32>,
        %parallel_loop3A_3319 = arith.addf %parallel_loop3A_3318, %get3A_3030 : vector<16xf32>
        %parallel_loop3A_3320 = arith.constant 1 : i32
        %parallel_loop3A_3321 = arith.constant 0 : i32
        %parallel_loop3A_3322 = arith.constant 0 : i32
        %parallel_loop3A_3323 = arith.constant 0 : i32
        %parallel_loop3A_3324 = tpu.memref_slice %arg9[%parallel_loop3A_3320, %parallel_loop3A_3321, %parallel_loop3A_3322, %parallel_loop3A_3323] : memref<5x8x8x129xf32, #tpu.memory_space<vmem>> -> memref<1x8x8x129xf32, #tpu.memory_space<vmem>>
        %parallel_loop3A_3325 = tpu.memref_squeeze %parallel_loop3A_3324 : memref<1x8x8x129xf32, #tpu.memory_space<vmem>> -> memref<8x8x129xf32, #tpu.memory_space<vmem>>
        tpu.vector_store_idx %parallel_loop3A_3325[%select_n3A_3104, %select_n3A_3222, %parallel_loop3A_3301], %parallel_loop3A_3319 : memref<8x8x129xf32, #tpu.memory_space<vmem>>[vector<16xi32>, vector<16xi32>, vector<16xi32>], vector<16xf32>,
        %parallel_loop3A_3326 = arith.constant 1 : i32
        %parallel_loop3A_3327 = arith.index_cast %parallel_loop3A_3326 : i32 to index
        %parallel_loop3A_3328 = arith.index_cast %parallel_loop3A_3297 : i32 to index
        %parallel_loop3A_3329 = arith.constant 32 : index
        %parallel_loop3A_3330 = tpu.vector_load %arg8[%parallel_loop3A_3327, %parallel_loop3A_3328, %parallel_loop3A_3329] {strides = array<i32>} : memref<5x128x64xf32, #tpu.memory_space<vmem>>, vector<16xf32>,
        %parallel_loop3A_3331 = arith.addf %parallel_loop3A_3330, %get3A_3033 : vector<16xf32>
        %parallel_loop3A_3332 = arith.constant 1 : i32
        %parallel_loop3A_3333 = arith.constant 0 : i32
        %parallel_loop3A_3334 = arith.constant 0 : i32
        %parallel_loop3A_3335 = arith.constant 0 : i32
        %parallel_loop3A_3336 = tpu.memref_slice %arg9[%parallel_loop3A_3332, %parallel_loop3A_3333, %parallel_loop3A_3334, %parallel_loop3A_3335] : memref<5x8x8x129xf32, #tpu.memory_space<vmem>> -> memref<1x8x8x129xf32, #tpu.memory_space<vmem>>
        %parallel_loop3A_3337 = tpu.memref_squeeze %parallel_loop3A_3336 : memref<1x8x8x129xf32, #tpu.memory_space<vmem>> -> memref<8x8x129xf32, #tpu.memory_space<vmem>>
        tpu.vector_store_idx %parallel_loop3A_3337[%select_n3A_3138, %select_n3A_3247, %parallel_loop3A_3301], %parallel_loop3A_3331 : memref<8x8x129xf32, #tpu.memory_space<vmem>>[vector<16xi32>, vector<16xi32>, vector<16xi32>], vector<16xf32>,
        %parallel_loop3A_3338 = arith.constant 1 : i32
        %parallel_loop3A_3339 = arith.index_cast %parallel_loop3A_3338 : i32 to index
        %parallel_loop3A_3340 = arith.index_cast %parallel_loop3A_3297 : i32 to index
        %parallel_loop3A_3341 = arith.constant 48 : index
        %parallel_loop3A_3342 = tpu.vector_load %arg8[%parallel_loop3A_3339, %parallel_loop3A_3340, %parallel_loop3A_3341] {strides = array<i32>} : memref<5x128x64xf32, #tpu.memory_space<vmem>>, vector<16xf32>,
        %parallel_loop3A_3343 = arith.addf %parallel_loop3A_3342, %get3A_3036 : vector<16xf32>
        %parallel_loop3A_3344 = arith.constant 1 : i32
        %parallel_loop3A_3345 = arith.constant 0 : i32
        %parallel_loop3A_3346 = arith.constant 0 : i32
        %parallel_loop3A_3347 = arith.constant 0 : i32
        %parallel_loop3A_3348 = tpu.memref_slice %arg9[%parallel_loop3A_3344, %parallel_loop3A_3345, %parallel_loop3A_3346, %parallel_loop3A_3347] : memref<5x8x8x129xf32, #tpu.memory_space<vmem>> -> memref<1x8x8x129xf32, #tpu.memory_space<vmem>>
        %parallel_loop3A_3349 = tpu.memref_squeeze %parallel_loop3A_3348 : memref<1x8x8x129xf32, #tpu.memory_space<vmem>> -> memref<8x8x129xf32, #tpu.memory_space<vmem>>
        tpu.vector_store_idx %parallel_loop3A_3349[%select_n3A_3172, %select_n3A_3272, %parallel_loop3A_3301], %parallel_loop3A_3343 : memref<8x8x129xf32, #tpu.memory_space<vmem>>[vector<16xi32>, vector<16xi32>, vector<16xi32>], vector<16xf32>,
      } {sc.loop_unroll_factor = 2 : i64, sc.parallel_access}
      %dma_start3A_3276 = arith.constant 1 : i32
      %dma_start3A_3277 = arith.constant 0 : i32
      %dma_start3A_3278 = arith.constant 0 : i32
      %dma_start3A_3279 = arith.constant 0 : i32
      %dma_start3A_3280 = tpu.memref_slice %arg9[%dma_start3A_3276, %dma_start3A_3277, %dma_start3A_3278, %dma_start3A_3279] : memref<5x8x8x129xf32, #tpu.memory_space<vmem>> -> memref<1x8x8x128xf32, #tpu.memory_space<vmem>>
      %dma_start3A_3281 = tpu.memref_squeeze %dma_start3A_3280 : memref<1x8x8x128xf32, #tpu.memory_space<vmem>> -> memref<8x8x128xf32, #tpu.memory_space<vmem>>
      %dma_start3A_3282 = arith.constant 0 : i32
      %dma_start3A_3283 = arith.constant 0 : i32
      %dma_start3A_3284 = arith.constant 0 : i32
      %dma_start3A_3285 = tpu.memref_slice %arg5[%add3A_2971, %dma_start3A_3282, %add3A, %dma_start3A_3283, %dma_start3A_3284] : memref<200x8x32x8x128xf32, #tpu.memory_space<hbm>> -> memref<1x8x1x8x128xf32, #tpu.memory_space<hbm>>
      %dma_start3A_3286 = tpu.memref_squeeze %dma_start3A_3285 : memref<1x8x1x8x128xf32, #tpu.memory_space<hbm>> -> memref<8x8x128xf32, #tpu.memory_space<hbm>>
      %dma_start3A_3287 = arith.constant 0 : i32
      %dma_start3A_3288 = arith.constant 0 : i32
      %dma_start3A_3289 = arith.constant 0 : i32
      %dma_start3A_3290 = tpu.memref_slice %arg5[%add3A_2971, %dma_start3A_3287, %add3A, %dma_start3A_3288, %dma_start3A_3289] : memref<200x8x32x8x128xf32, #tpu.memory_space<hbm>> -> memref<1x8x1x8x128xf32, #tpu.memory_space<hbm>>
      %dma_start3A_3291 = tpu.memref_squeeze %dma_start3A_3290 : memref<1x8x1x8x128xf32, #tpu.memory_space<hbm>> -> memref<8x8x128xf32, #tpu.memory_space<hbm>>
      %dma_start3A_3292 = arith.constant 0 : i32
      %dma_start3A_3293 = arith.constant 0 : i32
      %dma_start3A_3294 = arith.constant 0 : i32
      %dma_start3A_3295 = tpu.memref_slice %arg9[%dma_start3A_3276, %dma_start3A_3292, %dma_start3A_3293, %dma_start3A_3294] : memref<5x8x8x129xf32, #tpu.memory_space<vmem>> -> memref<1x8x8x128xf32, #tpu.memory_space<vmem>>
      %dma_start3A_3296 = tpu.memref_squeeze %dma_start3A_3295 : memref<1x8x8x128xf32, #tpu.memory_space<vmem>> -> memref<8x8x128xf32, #tpu.memory_space<vmem>>
      tpu.enqueue_dma source(%dma_start3A_3296 : memref<8x8x128xf32, #tpu.memory_space<vmem>>) target(%dma_start3A_3291 : memref<8x8x128xf32, #tpu.memory_space<hbm>>) target_semaphore(%arg16 : memref<!tpu.dma_semaphore, #tpu.memory_space<semaphore_mem>>)
    }
    %scan3A_657 = arith.constant 39 : i32
    %dma_wait3A_658 = arith.constant 0 : i32
    %dma_wait3A_659 = arith.constant 0 : i32
    %dma_wait3A_660 = arith.constant 0 : i32
    %dma_wait3A_661 = arith.constant 0 : i32
    %dma_wait3A_662 = arith.constant 0 : i32
    %dma_wait3A_663 = tpu.memref_slice %arg9[%dma_wait3A_658, %dma_wait3A_660, %dma_wait3A_661, %dma_wait3A_662] : memref<5x8x8x129xf32, #tpu.memory_space<vmem>> -> memref<1x8x8x128xf32, #tpu.memory_space<vmem>>
    %dma_wait3A_664 = tpu.memref_squeeze %dma_wait3A_663 : memref<1x8x8x128xf32, #tpu.memory_space<vmem>> -> memref<8x8x128xf32, #tpu.memory_space<vmem>>
    %dma_wait3A_665 = arith.constant 0 : i32
    %dma_wait3A_666 = arith.constant 0 : i32
    %dma_wait3A_667 = arith.constant 0 : i32
    %dma_wait3A_668 = tpu.memref_slice %arg5[%dma_wait3A_659, %dma_wait3A_665, %add3A, %dma_wait3A_666, %dma_wait3A_667] : memref<200x8x32x8x128xf32, #tpu.memory_space<hbm>> -> memref<1x8x1x8x128xf32, #tpu.memory_space<hbm>>
    %dma_wait3A_669 = tpu.memref_squeeze %dma_wait3A_668 : memref<1x8x1x8x128xf32, #tpu.memory_space<hbm>> -> memref<8x8x128xf32, #tpu.memory_space<hbm>>
    %dma_wait3A_670 = arith.constant 0 : i32
    %dma_wait3A_671 = arith.constant 0 : i32
    %dma_wait3A_672 = arith.constant 0 : i32
    %dma_wait3A_673 = tpu.memref_slice %arg5[%dma_wait3A_659, %dma_wait3A_670, %add3A, %dma_wait3A_671, %dma_wait3A_672] : memref<200x8x32x8x128xf32, #tpu.memory_space<hbm>> -> memref<1x8x1x8x128xf32, #tpu.memory_space<hbm>>
    %dma_wait3A_674 = tpu.memref_squeeze %dma_wait3A_673 : memref<1x8x1x8x128xf32, #tpu.memory_space<hbm>> -> memref<8x8x128xf32, #tpu.memory_space<hbm>>
    %dma_wait3A_675 = arith.constant 0 : i32
    %dma_wait3A_676 = arith.constant 0 : i32
    %dma_wait3A_677 = arith.constant 0 : i32
    %dma_wait3A_678 = tpu.memref_slice %arg9[%dma_wait3A_658, %dma_wait3A_675, %dma_wait3A_676, %dma_wait3A_677] : memref<5x8x8x129xf32, #tpu.memory_space<vmem>> -> memref<1x8x8x128xf32, #tpu.memory_space<vmem>>
    %dma_wait3A_679 = tpu.memref_squeeze %dma_wait3A_678 : memref<1x8x8x128xf32, #tpu.memory_space<vmem>> -> memref<8x8x128xf32, #tpu.memory_space<vmem>>
    tpu.wait_dma2 semaphore(%arg15 : memref<!tpu.dma_semaphore, #tpu.memory_space<semaphore_mem>>) src(%dma_wait3A_679 : memref<8x8x128xf32, #tpu.memory_space<vmem>>) dst(%dma_wait3A_674 : memref<8x8x128xf32, #tpu.memory_space<hbm>>)
    %dma_wait3A_680 = arith.constant 0 : i32
    %dma_wait3A_681 = arith.constant 0 : i32
    %dma_wait3A_682 = arith.constant 2 : i32
    %dma_wait3A_683 = arith.constant 0 : i32
    %dma_wait3A_684 = arith.constant 0 : i32
    %dma_wait3A_685 = tpu.memref_slice %arg8[%dma_wait3A_682, %dma_wait3A_683, %dma_wait3A_684] : memref<5x128x64xf32, #tpu.memory_space<vmem>> -> memref<1x128x64xf32, #tpu.memory_space<vmem>>
    %dma_wait3A_686 = tpu.memref_squeeze %dma_wait3A_685 : memref<1x128x64xf32, #tpu.memory_space<vmem>> -> memref<128x64xf32, #tpu.memory_space<vmem>>
    %dma_wait3A_687 = arith.constant 0 : i32
    %dma_wait3A_688 = tpu.memref_slice %arg6[%dma_wait3A_680, %dma_wait3A_681, %dma_wait3A_687] : memref<25x8x128xi32, #tpu.memory_space<vmem>> -> memref<1x1x128xi32, #tpu.memory_space<vmem>>
    %dma_wait3A_689 = tpu.memref_squeeze %dma_wait3A_688 : memref<1x1x128xi32, #tpu.memory_space<vmem>> -> memref<128xi32, #tpu.memory_space<vmem>>
    %dma_wait3A_690 = arith.constant 0 : i32
    %dma_wait3A_691 = arith.constant 0 : i32
    %dma_wait3A_692 = tpu.memref_slice %arg3[%dma_wait3A_690, %dma_wait3A_691] : memref<100000x64xf32, #tpu.memory_space<hbm>> -> memref<100000x64xf32, #tpu.memory_space<hbm>>
    tpu.wait_indirect_dma semaphore(%arg12 : memref<!tpu.dma_semaphore, #tpu.memory_space<semaphore_mem>>) src(%dma_wait3A_692 : memref<100000x64xf32, #tpu.memory_space<hbm>>) dst(%dma_wait3A_686 : memref<128x64xf32, #tpu.memory_space<vmem>>)
    %iota3A_693 = tpu.iota {dimensions = array<i32: 0>} : vector<16xi32>
    %get3A_694 = arith.constant 197 : i32
    %get3A_695 = arith.index_cast %get3A_694 : i32 to index
    %get3A_696 = arith.constant 0 : index
    %get3A_697 = tpu.vector_load %arg7[%get3A_695, %get3A_696] {strides = array<i32>} : memref<200x64xf32, #tpu.memory_space<vmem>>, vector<16xf32>,
    %get3A_698 = arith.constant 197 : i32
    %get3A_699 = arith.index_cast %get3A_698 : i32 to index
    %get3A_700 = arith.constant 16 : index
    %get3A_701 = tpu.vector_load %arg7[%get3A_699, %get3A_700] {strides = array<i32>} : memref<200x64xf32, #tpu.memory_space<vmem>>, vector<16xf32>,
    %get3A_702 = arith.constant 197 : i32
    %get3A_703 = arith.index_cast %get3A_702 : i32 to index
    %get3A_704 = arith.constant 32 : index
    %get3A_705 = tpu.vector_load %arg7[%get3A_703, %get3A_704] {strides = array<i32>} : memref<200x64xf32, #tpu.memory_space<vmem>>, vector<16xf32>,
    %get3A_706 = arith.constant 197 : i32
    %get3A_707 = arith.index_cast %get3A_706 : i32 to index
    %get3A_708 = arith.constant 48 : index
    %get3A_709 = tpu.vector_load %arg7[%get3A_707, %get3A_708] {strides = array<i32>} : memref<200x64xf32, #tpu.memory_space<vmem>>, vector<16xf32>,
    %add3A_710 = arith.constant 0 : i32
    %add3A_711 = vector.broadcast %add3A_710 : i32 to vector<16xi32>
    %add3A_712 = arith.addi %add3A_711, %iota3A_693 : vector<16xi32>
    %jit3A_713 = arith.constant 8 : i32
    %div3A_714 = vector.broadcast %jit3A_713 : i32 to vector<16xi32>
    %div3A_715 = arith.divsi %add3A_712, %div3A_714 : vector<16xi32>
    %sign3A_716 = arith.constant 0 : i32
    %sign3A_717 = vector.broadcast %sign3A_716 : i32 to vector<16xi32>
    %sign3A_718 = arith.cmpi sgt, %add3A_712, %sign3A_717 : vector<16xi32>
    %sign3A_719 = arith.extui %sign3A_718 : vector<16xi1> to vector<16xi32>
    %sign3A_720 = arith.constant 0 : i32
    %sign3A_721 = vector.broadcast %sign3A_720 : i32 to vector<16xi32>
    %sign3A_722 = arith.cmpi slt, %add3A_712, %sign3A_721 : vector<16xi32>
    %sign3A_723 = arith.extui %sign3A_722 : vector<16xi1> to vector<16xi32>
    %sign3A_724 = arith.subi %sign3A_719, %sign3A_723 : vector<16xi32>
    %sign3A_725 = arith.constant 0 : i32
    %sign3A_726 = arith.cmpi sgt, %jit3A_713, %sign3A_725 : i32
    %sign3A_727 = arith.extui %sign3A_726 : i1 to i32
    %sign3A_728 = arith.constant 0 : i32
    %sign3A_729 = arith.cmpi slt, %jit3A_713, %sign3A_728 : i32
    %sign3A_730 = arith.extui %sign3A_729 : i1 to i32
    %sign3A_731 = arith.subi %sign3A_727, %sign3A_730 : i32
    %ne3A_732 = vector.broadcast %sign3A_731 : i32 to vector<16xi32>
    %ne3A_733 = arith.cmpi ne, %sign3A_724, %ne3A_732 : vector<16xi32>
    %rem3A_734 = vector.broadcast %jit3A_713 : i32 to vector<16xi32>
    %rem3A_735 = arith.remsi %add3A_712, %rem3A_734 : vector<16xi32>
    %ne3A_736 = arith.constant 0 : i32
    %ne3A_737 = vector.broadcast %ne3A_736 : i32 to vector<16xi32>
    %ne3A_738 = arith.cmpi ne, %rem3A_735, %ne3A_737 : vector<16xi32>
    %and3A_739 = arith.andi %ne3A_733, %ne3A_738 : vector<16xi1>
    %sub3A_740 = arith.constant 1 : i32
    %sub3A_741 = vector.broadcast %sub3A_740 : i32 to vector<16xi32>
    %sub3A_742 = arith.subi %div3A_715, %sub3A_741 : vector<16xi32>
    %select_n3A_743 = arith.select %and3A_739, %sub3A_742, %div3A_715 : vector<16xi1>, vector<16xi32>
    %add3A_744 = arith.constant 16 : i32
    %add3A_745 = vector.broadcast %add3A_744 : i32 to vector<16xi32>
    %add3A_746 = arith.addi %add3A_745, %iota3A_693 : vector<16xi32>
    %jit3A_747 = arith.constant 8 : i32
    %div3A_748 = vector.broadcast %jit3A_747 : i32 to vector<16xi32>
    %div3A_749 = arith.divsi %add3A_746, %div3A_748 : vector<16xi32>
    %sign3A_750 = arith.constant 0 : i32
    %sign3A_751 = vector.broadcast %sign3A_750 : i32 to vector<16xi32>
    %sign3A_752 = arith.cmpi sgt, %add3A_746, %sign3A_751 : vector<16xi32>
    %sign3A_753 = arith.extui %sign3A_752 : vector<16xi1> to vector<16xi32>
    %sign3A_754 = arith.constant 0 : i32
    %sign3A_755 = vector.broadcast %sign3A_754 : i32 to vector<16xi32>
    %sign3A_756 = arith.cmpi slt, %add3A_746, %sign3A_755 : vector<16xi32>
    %sign3A_757 = arith.extui %sign3A_756 : vector<16xi1> to vector<16xi32>
    %sign3A_758 = arith.subi %sign3A_753, %sign3A_757 : vector<16xi32>
    %sign3A_759 = arith.constant 0 : i32
    %sign3A_760 = arith.cmpi sgt, %jit3A_747, %sign3A_759 : i32
    %sign3A_761 = arith.extui %sign3A_760 : i1 to i32
    %sign3A_762 = arith.constant 0 : i32
    %sign3A_763 = arith.cmpi slt, %jit3A_747, %sign3A_762 : i32
    %sign3A_764 = arith.extui %sign3A_763 : i1 to i32
    %sign3A_765 = arith.subi %sign3A_761, %sign3A_764 : i32
    %ne3A_766 = vector.broadcast %sign3A_765 : i32 to vector<16xi32>
    %ne3A_767 = arith.cmpi ne, %sign3A_758, %ne3A_766 : vector<16xi32>
    %rem3A_768 = vector.broadcast %jit3A_747 : i32 to vector<16xi32>
    %rem3A_769 = arith.remsi %add3A_746, %rem3A_768 : vector<16xi32>
    %ne3A_770 = arith.constant 0 : i32
    %ne3A_771 = vector.broadcast %ne3A_770 : i32 to vector<16xi32>
    %ne3A_772 = arith.cmpi ne, %rem3A_769, %ne3A_771 : vector<16xi32>
    %and3A_773 = arith.andi %ne3A_767, %ne3A_772 : vector<16xi1>
    %sub3A_774 = arith.constant 1 : i32
    %sub3A_775 = vector.broadcast %sub3A_774 : i32 to vector<16xi32>
    %sub3A_776 = arith.subi %div3A_749, %sub3A_775 : vector<16xi32>
    %select_n3A_777 = arith.select %and3A_773, %sub3A_776, %div3A_749 : vector<16xi1>, vector<16xi32>
    %add3A_778 = arith.constant 32 : i32
    %add3A_779 = vector.broadcast %add3A_778 : i32 to vector<16xi32>
    %add3A_780 = arith.addi %add3A_779, %iota3A_693 : vector<16xi32>
    %jit3A_781 = arith.constant 8 : i32
    %div3A_782 = vector.broadcast %jit3A_781 : i32 to vector<16xi32>
    %div3A_783 = arith.divsi %add3A_780, %div3A_782 : vector<16xi32>
    %sign3A_784 = arith.constant 0 : i32
    %sign3A_785 = vector.broadcast %sign3A_784 : i32 to vector<16xi32>
    %sign3A_786 = arith.cmpi sgt, %add3A_780, %sign3A_785 : vector<16xi32>
    %sign3A_787 = arith.extui %sign3A_786 : vector<16xi1> to vector<16xi32>
    %sign3A_788 = arith.constant 0 : i32
    %sign3A_789 = vector.broadcast %sign3A_788 : i32 to vector<16xi32>
    %sign3A_790 = arith.cmpi slt, %add3A_780, %sign3A_789 : vector<16xi32>
    %sign3A_791 = arith.extui %sign3A_790 : vector<16xi1> to vector<16xi32>
    %sign3A_792 = arith.subi %sign3A_787, %sign3A_791 : vector<16xi32>
    %sign3A_793 = arith.constant 0 : i32
    %sign3A_794 = arith.cmpi sgt, %jit3A_781, %sign3A_793 : i32
    %sign3A_795 = arith.extui %sign3A_794 : i1 to i32
    %sign3A_796 = arith.constant 0 : i32
    %sign3A_797 = arith.cmpi slt, %jit3A_781, %sign3A_796 : i32
    %sign3A_798 = arith.extui %sign3A_797 : i1 to i32
    %sign3A_799 = arith.subi %sign3A_795, %sign3A_798 : i32
    %ne3A_800 = vector.broadcast %sign3A_799 : i32 to vector<16xi32>
    %ne3A_801 = arith.cmpi ne, %sign3A_792, %ne3A_800 : vector<16xi32>
    %rem3A_802 = vector.broadcast %jit3A_781 : i32 to vector<16xi32>
    %rem3A_803 = arith.remsi %add3A_780, %rem3A_802 : vector<16xi32>
    %ne3A_804 = arith.constant 0 : i32
    %ne3A_805 = vector.broadcast %ne3A_804 : i32 to vector<16xi32>
    %ne3A_806 = arith.cmpi ne, %rem3A_803, %ne3A_805 : vector<16xi32>
    %and3A_807 = arith.andi %ne3A_801, %ne3A_806 : vector<16xi1>
    %sub3A_808 = arith.constant 1 : i32
    %sub3A_809 = vector.broadcast %sub3A_808 : i32 to vector<16xi32>
    %sub3A_810 = arith.subi %div3A_783, %sub3A_809 : vector<16xi32>
    %select_n3A_811 = arith.select %and3A_807, %sub3A_810, %div3A_783 : vector<16xi1>, vector<16xi32>
    %add3A_812 = arith.constant 48 : i32
    %add3A_813 = vector.broadcast %add3A_812 : i32 to vector<16xi32>
    %add3A_814 = arith.addi %add3A_813, %iota3A_693 : vector<16xi32>
    %jit3A_815 = arith.constant 8 : i32
    %div3A_816 = vector.broadcast %jit3A_815 : i32 to vector<16xi32>
    %div3A_817 = arith.divsi %add3A_814, %div3A_816 : vector<16xi32>
    %sign3A_818 = arith.constant 0 : i32
    %sign3A_819 = vector.broadcast %sign3A_818 : i32 to vector<16xi32>
    %sign3A_820 = arith.cmpi sgt, %add3A_814, %sign3A_819 : vector<16xi32>
    %sign3A_821 = arith.extui %sign3A_820 : vector<16xi1> to vector<16xi32>
    %sign3A_822 = arith.constant 0 : i32
    %sign3A_823 = vector.broadcast %sign3A_822 : i32 to vector<16xi32>
    %sign3A_824 = arith.cmpi slt, %add3A_814, %sign3A_823 : vector<16xi32>
    %sign3A_825 = arith.extui %sign3A_824 : vector<16xi1> to vector<16xi32>
    %sign3A_826 = arith.subi %sign3A_821, %sign3A_825 : vector<16xi32>
    %sign3A_827 = arith.constant 0 : i32
    %sign3A_828 = arith.cmpi sgt, %jit3A_815, %sign3A_827 : i32
    %sign3A_829 = arith.extui %sign3A_828 : i1 to i32
    %sign3A_830 = arith.constant 0 : i32
    %sign3A_831 = arith.cmpi slt, %jit3A_815, %sign3A_830 : i32
    %sign3A_832 = arith.extui %sign3A_831 : i1 to i32
    %sign3A_833 = arith.subi %sign3A_829, %sign3A_832 : i32
    %ne3A_834 = vector.broadcast %sign3A_833 : i32 to vector<16xi32>
    %ne3A_835 = arith.cmpi ne, %sign3A_826, %ne3A_834 : vector<16xi32>
    %rem3A_836 = vector.broadcast %jit3A_815 : i32 to vector<16xi32>
    %rem3A_837 = arith.remsi %add3A_814, %rem3A_836 : vector<16xi32>
    %ne3A_838 = arith.constant 0 : i32
    %ne3A_839 = vector.broadcast %ne3A_838 : i32 to vector<16xi32>
    %ne3A_840 = arith.cmpi ne, %rem3A_837, %ne3A_839 : vector<16xi32>
    %and3A_841 = arith.andi %ne3A_835, %ne3A_840 : vector<16xi1>
    %sub3A_842 = arith.constant 1 : i32
    %sub3A_843 = vector.broadcast %sub3A_842 : i32 to vector<16xi32>
    %sub3A_844 = arith.subi %div3A_817, %sub3A_843 : vector<16xi32>
    %select_n3A_845 = arith.select %and3A_841, %sub3A_844, %div3A_817 : vector<16xi1>, vector<16xi32>
    %add3A_846 = arith.constant 0 : i32
    %add3A_847 = vector.broadcast %add3A_846 : i32 to vector<16xi32>
    %add3A_848 = arith.addi %add3A_847, %iota3A_693 : vector<16xi32>
    %jit3A_849 = arith.constant 8 : i32
    %eq3A_850 = arith.constant 0 : i32
    %eq3A_851 = arith.cmpi eq, %jit3A_849, %eq3A_850 : i32
    %jit3A_852 = arith.constant 1 : i32
    %select_n3A_853 = arith.select %eq3A_851, %jit3A_852, %jit3A_849 : i32
    %rem3A_854 = vector.broadcast %select_n3A_853 : i32 to vector<16xi32>
    %rem3A_855 = arith.remsi %add3A_848, %rem3A_854 : vector<16xi32>
    %ne3A_856 = arith.constant 0 : i32
    %ne3A_857 = vector.broadcast %ne3A_856 : i32 to vector<16xi32>
    %ne3A_858 = arith.cmpi ne, %rem3A_855, %ne3A_857 : vector<16xi32>
    %lt3A_859 = arith.constant 0 : i32
    %lt3A_860 = vector.broadcast %lt3A_859 : i32 to vector<16xi32>
    %lt3A_861 = arith.cmpi slt, %rem3A_855, %lt3A_860 : vector<16xi32>
    %lt3A_862 = arith.constant 0 : i32
    %lt3A_863 = arith.cmpi slt, %select_n3A_853, %lt3A_862 : i32
    %ne3A_864 = vector.broadcast %lt3A_863 : i1 to vector<16xi1>
    %ne3A_865 = vector.broadcast %ne3A_864 : vector<16xi1> to vector<16xi1>
    %ne3A_866 = arith.xori %lt3A_861, %ne3A_865 : vector<16xi1>
    %and3A_867 = arith.andi %ne3A_866, %ne3A_858 : vector<16xi1>
    %add3A_868 = vector.broadcast %select_n3A_853 : i32 to vector<16xi32>
    %add3A_869 = arith.addi %rem3A_855, %add3A_868 : vector<16xi32>
    %select_n3A_870 = arith.select %and3A_867, %add3A_869, %rem3A_855 : vector<16xi1>, vector<16xi32>
    %add3A_871 = arith.constant 16 : i32
    %add3A_872 = vector.broadcast %add3A_871 : i32 to vector<16xi32>
    %add3A_873 = arith.addi %add3A_872, %iota3A_693 : vector<16xi32>
    %jit3A_874 = arith.constant 8 : i32
    %eq3A_875 = arith.constant 0 : i32
    %eq3A_876 = arith.cmpi eq, %jit3A_874, %eq3A_875 : i32
    %jit3A_877 = arith.constant 1 : i32
    %select_n3A_878 = arith.select %eq3A_876, %jit3A_877, %jit3A_874 : i32
    %rem3A_879 = vector.broadcast %select_n3A_878 : i32 to vector<16xi32>
    %rem3A_880 = arith.remsi %add3A_873, %rem3A_879 : vector<16xi32>
    %ne3A_881 = arith.constant 0 : i32
    %ne3A_882 = vector.broadcast %ne3A_881 : i32 to vector<16xi32>
    %ne3A_883 = arith.cmpi ne, %rem3A_880, %ne3A_882 : vector<16xi32>
    %lt3A_884 = arith.constant 0 : i32
    %lt3A_885 = vector.broadcast %lt3A_884 : i32 to vector<16xi32>
    %lt3A_886 = arith.cmpi slt, %rem3A_880, %lt3A_885 : vector<16xi32>
    %lt3A_887 = arith.constant 0 : i32
    %lt3A_888 = arith.cmpi slt, %select_n3A_878, %lt3A_887 : i32
    %ne3A_889 = vector.broadcast %lt3A_888 : i1 to vector<16xi1>
    %ne3A_890 = vector.broadcast %ne3A_889 : vector<16xi1> to vector<16xi1>
    %ne3A_891 = arith.xori %lt3A_886, %ne3A_890 : vector<16xi1>
    %and3A_892 = arith.andi %ne3A_891, %ne3A_883 : vector<16xi1>
    %add3A_893 = vector.broadcast %select_n3A_878 : i32 to vector<16xi32>
    %add3A_894 = arith.addi %rem3A_880, %add3A_893 : vector<16xi32>
    %select_n3A_895 = arith.select %and3A_892, %add3A_894, %rem3A_880 : vector<16xi1>, vector<16xi32>
    %add3A_896 = arith.constant 32 : i32
    %add3A_897 = vector.broadcast %add3A_896 : i32 to vector<16xi32>
    %add3A_898 = arith.addi %add3A_897, %iota3A_693 : vector<16xi32>
    %jit3A_899 = arith.constant 8 : i32
    %eq3A_900 = arith.constant 0 : i32
    %eq3A_901 = arith.cmpi eq, %jit3A_899, %eq3A_900 : i32
    %jit3A_902 = arith.constant 1 : i32
    %select_n3A_903 = arith.select %eq3A_901, %jit3A_902, %jit3A_899 : i32
    %rem3A_904 = vector.broadcast %select_n3A_903 : i32 to vector<16xi32>
    %rem3A_905 = arith.remsi %add3A_898, %rem3A_904 : vector<16xi32>
    %ne3A_906 = arith.constant 0 : i32
    %ne3A_907 = vector.broadcast %ne3A_906 : i32 to vector<16xi32>
    %ne3A_908 = arith.cmpi ne, %rem3A_905, %ne3A_907 : vector<16xi32>
    %lt3A_909 = arith.constant 0 : i32
    %lt3A_910 = vector.broadcast %lt3A_909 : i32 to vector<16xi32>
    %lt3A_911 = arith.cmpi slt, %rem3A_905, %lt3A_910 : vector<16xi32>
    %lt3A_912 = arith.constant 0 : i32
    %lt3A_913 = arith.cmpi slt, %select_n3A_903, %lt3A_912 : i32
    %ne3A_914 = vector.broadcast %lt3A_913 : i1 to vector<16xi1>
    %ne3A_915 = vector.broadcast %ne3A_914 : vector<16xi1> to vector<16xi1>
    %ne3A_916 = arith.xori %lt3A_911, %ne3A_915 : vector<16xi1>
    %and3A_917 = arith.andi %ne3A_916, %ne3A_908 : vector<16xi1>
    %add3A_918 = vector.broadcast %select_n3A_903 : i32 to vector<16xi32>
    %add3A_919 = arith.addi %rem3A_905, %add3A_918 : vector<16xi32>
    %select_n3A_920 = arith.select %and3A_917, %add3A_919, %rem3A_905 : vector<16xi1>, vector<16xi32>
    %add3A_921 = arith.constant 48 : i32
    %add3A_922 = vector.broadcast %add3A_921 : i32 to vector<16xi32>
    %add3A_923 = arith.addi %add3A_922, %iota3A_693 : vector<16xi32>
    %jit3A_924 = arith.constant 8 : i32
    %eq3A_925 = arith.constant 0 : i32
    %eq3A_926 = arith.cmpi eq, %jit3A_924, %eq3A_925 : i32
    %jit3A_927 = arith.constant 1 : i32
    %select_n3A_928 = arith.select %eq3A_926, %jit3A_927, %jit3A_924 : i32
    %rem3A_929 = vector.broadcast %select_n3A_928 : i32 to vector<16xi32>
    %rem3A_930 = arith.remsi %add3A_923, %rem3A_929 : vector<16xi32>
    %ne3A_931 = arith.constant 0 : i32
    %ne3A_932 = vector.broadcast %ne3A_931 : i32 to vector<16xi32>
    %ne3A_933 = arith.cmpi ne, %rem3A_930, %ne3A_932 : vector<16xi32>
    %lt3A_934 = arith.constant 0 : i32
    %lt3A_935 = vector.broadcast %lt3A_934 : i32 to vector<16xi32>
    %lt3A_936 = arith.cmpi slt, %rem3A_930, %lt3A_935 : vector<16xi32>
    %lt3A_937 = arith.constant 0 : i32
    %lt3A_938 = arith.cmpi slt, %select_n3A_928, %lt3A_937 : i32
    %ne3A_939 = vector.broadcast %lt3A_938 : i1 to vector<16xi1>
    %ne3A_940 = vector.broadcast %ne3A_939 : vector<16xi1> to vector<16xi1>
    %ne3A_941 = arith.xori %lt3A_936, %ne3A_940 : vector<16xi1>
    %and3A_942 = arith.andi %ne3A_941, %ne3A_933 : vector<16xi1>
    %add3A_943 = vector.broadcast %select_n3A_928 : i32 to vector<16xi32>
    %add3A_944 = arith.addi %rem3A_930, %add3A_943 : vector<16xi32>
    %select_n3A_945 = arith.select %and3A_942, %add3A_944, %rem3A_930 : vector<16xi1>, vector<16xi32>
    %parallel_loop3A_946 = arith.constant 0 : i32
    %parallel_loop3A_947 = arith.constant 128 : i32
    %parallel_loop3A_948 = arith.constant 1 : i32
    scf.for %parallel_loop3A_1641 = %parallel_loop3A_946 to %parallel_loop3A_947 step %parallel_loop3A_948  : i32 {
      %parallel_loop3A_1642 = arith.constant 0 : i32
      %parallel_loop3A_1643 = vector.broadcast %parallel_loop3A_1642 : i32 to vector<16xi32>
      %parallel_loop3A_1644 = vector.broadcast %parallel_loop3A_1641 : i32 to vector<16xi32>
      %parallel_loop3A_1645 = arith.addi %parallel_loop3A_1643, %parallel_loop3A_1644 : vector<16xi32>
      %parallel_loop3A_1646 = arith.constant 2 : i32
      %parallel_loop3A_1647 = arith.index_cast %parallel_loop3A_1646 : i32 to index
      %parallel_loop3A_1648 = arith.index_cast %parallel_loop3A_1641 : i32 to index
      %parallel_loop3A_1649 = arith.constant 0 : index
      %parallel_loop3A_1650 = tpu.vector_load %arg8[%parallel_loop3A_1647, %parallel_loop3A_1648, %parallel_loop3A_1649] {strides = array<i32>} : memref<5x128x64xf32, #tpu.memory_space<vmem>>, vector<16xf32>,
      %parallel_loop3A_1651 = arith.addf %parallel_loop3A_1650, %get3A_697 : vector<16xf32>
      %parallel_loop3A_1652 = arith.constant 2 : i32
      %parallel_loop3A_1653 = arith.constant 0 : i32
      %parallel_loop3A_1654 = arith.constant 0 : i32
      %parallel_loop3A_1655 = arith.constant 0 : i32
      %parallel_loop3A_1656 = tpu.memref_slice %arg9[%parallel_loop3A_1652, %parallel_loop3A_1653, %parallel_loop3A_1654, %parallel_loop3A_1655] : memref<5x8x8x129xf32, #tpu.memory_space<vmem>> -> memref<1x8x8x129xf32, #tpu.memory_space<vmem>>
      %parallel_loop3A_1657 = tpu.memref_squeeze %parallel_loop3A_1656 : memref<1x8x8x129xf32, #tpu.memory_space<vmem>> -> memref<8x8x129xf32, #tpu.memory_space<vmem>>
      tpu.vector_store_idx %parallel_loop3A_1657[%select_n3A_743, %select_n3A_870, %parallel_loop3A_1645], %parallel_loop3A_1651 : memref<8x8x129xf32, #tpu.memory_space<vmem>>[vector<16xi32>, vector<16xi32>, vector<16xi32>], vector<16xf32>,
      %parallel_loop3A_1658 = arith.constant 2 : i32
      %parallel_loop3A_1659 = arith.index_cast %parallel_loop3A_1658 : i32 to index
      %parallel_loop3A_1660 = arith.index_cast %parallel_loop3A_1641 : i32 to index
      %parallel_loop3A_1661 = arith.constant 16 : index
      %parallel_loop3A_1662 = tpu.vector_load %arg8[%parallel_loop3A_1659, %parallel_loop3A_1660, %parallel_loop3A_1661] {strides = array<i32>} : memref<5x128x64xf32, #tpu.memory_space<vmem>>, vector<16xf32>,
      %parallel_loop3A_1663 = arith.addf %parallel_loop3A_1662, %get3A_701 : vector<16xf32>
      %parallel_loop3A_1664 = arith.constant 2 : i32
      %parallel_loop3A_1665 = arith.constant 0 : i32
      %parallel_loop3A_1666 = arith.constant 0 : i32
      %parallel_loop3A_1667 = arith.constant 0 : i32
      %parallel_loop3A_1668 = tpu.memref_slice %arg9[%parallel_loop3A_1664, %parallel_loop3A_1665, %parallel_loop3A_1666, %parallel_loop3A_1667] : memref<5x8x8x129xf32, #tpu.memory_space<vmem>> -> memref<1x8x8x129xf32, #tpu.memory_space<vmem>>
      %parallel_loop3A_1669 = tpu.memref_squeeze %parallel_loop3A_1668 : memref<1x8x8x129xf32, #tpu.memory_space<vmem>> -> memref<8x8x129xf32, #tpu.memory_space<vmem>>
      tpu.vector_store_idx %parallel_loop3A_1669[%select_n3A_777, %select_n3A_895, %parallel_loop3A_1645], %parallel_loop3A_1663 : memref<8x8x129xf32, #tpu.memory_space<vmem>>[vector<16xi32>, vector<16xi32>, vector<16xi32>], vector<16xf32>,
      %parallel_loop3A_1670 = arith.constant 2 : i32
      %parallel_loop3A_1671 = arith.index_cast %parallel_loop3A_1670 : i32 to index
      %parallel_loop3A_1672 = arith.index_cast %parallel_loop3A_1641 : i32 to index
      %parallel_loop3A_1673 = arith.constant 32 : index
      %parallel_loop3A_1674 = tpu.vector_load %arg8[%parallel_loop3A_1671, %parallel_loop3A_1672, %parallel_loop3A_1673] {strides = array<i32>} : memref<5x128x64xf32, #tpu.memory_space<vmem>>, vector<16xf32>,
      %parallel_loop3A_1675 = arith.addf %parallel_loop3A_1674, %get3A_705 : vector<16xf32>
      %parallel_loop3A_1676 = arith.constant 2 : i32
      %parallel_loop3A_1677 = arith.constant 0 : i32
      %parallel_loop3A_1678 = arith.constant 0 : i32
      %parallel_loop3A_1679 = arith.constant 0 : i32
      %parallel_loop3A_1680 = tpu.memref_slice %arg9[%parallel_loop3A_1676, %parallel_loop3A_1677, %parallel_loop3A_1678, %parallel_loop3A_1679] : memref<5x8x8x129xf32, #tpu.memory_space<vmem>> -> memref<1x8x8x129xf32, #tpu.memory_space<vmem>>
      %parallel_loop3A_1681 = tpu.memref_squeeze %parallel_loop3A_1680 : memref<1x8x8x129xf32, #tpu.memory_space<vmem>> -> memref<8x8x129xf32, #tpu.memory_space<vmem>>
      tpu.vector_store_idx %parallel_loop3A_1681[%select_n3A_811, %select_n3A_920, %parallel_loop3A_1645], %parallel_loop3A_1675 : memref<8x8x129xf32, #tpu.memory_space<vmem>>[vector<16xi32>, vector<16xi32>, vector<16xi32>], vector<16xf32>,
      %parallel_loop3A_1682 = arith.constant 2 : i32
      %parallel_loop3A_1683 = arith.index_cast %parallel_loop3A_1682 : i32 to index
      %parallel_loop3A_1684 = arith.index_cast %parallel_loop3A_1641 : i32 to index
      %parallel_loop3A_1685 = arith.constant 48 : index
      %parallel_loop3A_1686 = tpu.vector_load %arg8[%parallel_loop3A_1683, %parallel_loop3A_1684, %parallel_loop3A_1685] {strides = array<i32>} : memref<5x128x64xf32, #tpu.memory_space<vmem>>, vector<16xf32>,
      %parallel_loop3A_1687 = arith.addf %parallel_loop3A_1686, %get3A_709 : vector<16xf32>
      %parallel_loop3A_1688 = arith.constant 2 : i32
      %parallel_loop3A_1689 = arith.constant 0 : i32
      %parallel_loop3A_1690 = arith.constant 0 : i32
      %parallel_loop3A_1691 = arith.constant 0 : i32
      %parallel_loop3A_1692 = tpu.memref_slice %arg9[%parallel_loop3A_1688, %parallel_loop3A_1689, %parallel_loop3A_1690, %parallel_loop3A_1691] : memref<5x8x8x129xf32, #tpu.memory_space<vmem>> -> memref<1x8x8x129xf32, #tpu.memory_space<vmem>>
      %parallel_loop3A_1693 = tpu.memref_squeeze %parallel_loop3A_1692 : memref<1x8x8x129xf32, #tpu.memory_space<vmem>> -> memref<8x8x129xf32, #tpu.memory_space<vmem>>
      tpu.vector_store_idx %parallel_loop3A_1693[%select_n3A_845, %select_n3A_945, %parallel_loop3A_1645], %parallel_loop3A_1687 : memref<8x8x129xf32, #tpu.memory_space<vmem>>[vector<16xi32>, vector<16xi32>, vector<16xi32>], vector<16xf32>,
    } {sc.loop_unroll_factor = 2 : i64, sc.parallel_access}
    %dma_start3A_949 = arith.constant 2 : i32
    %dma_start3A_950 = arith.constant 197 : i32
    %dma_start3A_951 = arith.constant 0 : i32
    %dma_start3A_952 = arith.constant 0 : i32
    %dma_start3A_953 = arith.constant 0 : i32
    %dma_start3A_954 = tpu.memref_slice %arg9[%dma_start3A_949, %dma_start3A_951, %dma_start3A_952, %dma_start3A_953] : memref<5x8x8x129xf32, #tpu.memory_space<vmem>> -> memref<1x8x8x128xf32, #tpu.memory_space<vmem>>
    %dma_start3A_955 = tpu.memref_squeeze %dma_start3A_954 : memref<1x8x8x128xf32, #tpu.memory_space<vmem>> -> memref<8x8x128xf32, #tpu.memory_space<vmem>>
    %dma_start3A_956 = arith.constant 0 : i32
    %dma_start3A_957 = arith.constant 0 : i32
    %dma_start3A_958 = arith.constant 0 : i32
    %dma_start3A_959 = tpu.memref_slice %arg5[%dma_start3A_950, %dma_start3A_956, %add3A, %dma_start3A_957, %dma_start3A_958] : memref<200x8x32x8x128xf32, #tpu.memory_space<hbm>> -> memref<1x8x1x8x128xf32, #tpu.memory_space<hbm>>
    %dma_start3A_960 = tpu.memref_squeeze %dma_start3A_959 : memref<1x8x1x8x128xf32, #tpu.memory_space<hbm>> -> memref<8x8x128xf32, #tpu.memory_space<hbm>>
    %dma_start3A_961 = arith.constant 0 : i32
    %dma_start3A_962 = arith.constant 0 : i32
    %dma_start3A_963 = arith.constant 0 : i32
    %dma_start3A_964 = tpu.memref_slice %arg5[%dma_start3A_950, %dma_start3A_961, %add3A, %dma_start3A_962, %dma_start3A_963] : memref<200x8x32x8x128xf32, #tpu.memory_space<hbm>> -> memref<1x8x1x8x128xf32, #tpu.memory_space<hbm>>
    %dma_start3A_965 = tpu.memref_squeeze %dma_start3A_964 : memref<1x8x1x8x128xf32, #tpu.memory_space<hbm>> -> memref<8x8x128xf32, #tpu.memory_space<hbm>>
    %dma_start3A_966 = arith.constant 0 : i32
    %dma_start3A_967 = arith.constant 0 : i32
    %dma_start3A_968 = arith.constant 0 : i32
    %dma_start3A_969 = tpu.memref_slice %arg9[%dma_start3A_949, %dma_start3A_966, %dma_start3A_967, %dma_start3A_968] : memref<5x8x8x129xf32, #tpu.memory_space<vmem>> -> memref<1x8x8x128xf32, #tpu.memory_space<vmem>>
    %dma_start3A_970 = tpu.memref_squeeze %dma_start3A_969 : memref<1x8x8x128xf32, #tpu.memory_space<vmem>> -> memref<8x8x128xf32, #tpu.memory_space<vmem>>
    tpu.enqueue_dma source(%dma_start3A_970 : memref<8x8x128xf32, #tpu.memory_space<vmem>>) target(%dma_start3A_965 : memref<8x8x128xf32, #tpu.memory_space<hbm>>) target_semaphore(%arg17 : memref<!tpu.dma_semaphore, #tpu.memory_space<semaphore_mem>>)
    %dma_wait3A_971 = arith.constant 1 : i32
    %dma_wait3A_972 = arith.constant 0 : i32
    %dma_wait3A_973 = arith.constant 0 : i32
    %dma_wait3A_974 = arith.constant 0 : i32
    %dma_wait3A_975 = arith.constant 0 : i32
    %dma_wait3A_976 = tpu.memref_slice %arg9[%dma_wait3A_971, %dma_wait3A_973, %dma_wait3A_974, %dma_wait3A_975] : memref<5x8x8x129xf32, #tpu.memory_space<vmem>> -> memref<1x8x8x128xf32, #tpu.memory_space<vmem>>
    %dma_wait3A_977 = tpu.memref_squeeze %dma_wait3A_976 : memref<1x8x8x128xf32, #tpu.memory_space<vmem>> -> memref<8x8x128xf32, #tpu.memory_space<vmem>>
    %dma_wait3A_978 = arith.constant 0 : i32
    %dma_wait3A_979 = arith.constant 0 : i32
    %dma_wait3A_980 = arith.constant 0 : i32
    %dma_wait3A_981 = tpu.memref_slice %arg5[%dma_wait3A_972, %dma_wait3A_978, %add3A, %dma_wait3A_979, %dma_wait3A_980] : memref<200x8x32x8x128xf32, #tpu.memory_space<hbm>> -> memref<1x8x1x8x128xf32, #tpu.memory_space<hbm>>
    %dma_wait3A_982 = tpu.memref_squeeze %dma_wait3A_981 : memref<1x8x1x8x128xf32, #tpu.memory_space<hbm>> -> memref<8x8x128xf32, #tpu.memory_space<hbm>>
    %dma_wait3A_983 = arith.constant 0 : i32
    %dma_wait3A_984 = arith.constant 0 : i32
    %dma_wait3A_985 = arith.constant 0 : i32
    %dma_wait3A_986 = tpu.memref_slice %arg5[%dma_wait3A_972, %dma_wait3A_983, %add3A, %dma_wait3A_984, %dma_wait3A_985] : memref<200x8x32x8x128xf32, #tpu.memory_space<hbm>> -> memref<1x8x1x8x128xf32, #tpu.memory_space<hbm>>
    %dma_wait3A_987 = tpu.memref_squeeze %dma_wait3A_986 : memref<1x8x1x8x128xf32, #tpu.memory_space<hbm>> -> memref<8x8x128xf32, #tpu.memory_space<hbm>>
    %dma_wait3A_988 = arith.constant 0 : i32
    %dma_wait3A_989 = arith.constant 0 : i32
    %dma_wait3A_990 = arith.constant 0 : i32
    %dma_wait3A_991 = tpu.memref_slice %arg9[%dma_wait3A_971, %dma_wait3A_988, %dma_wait3A_989, %dma_wait3A_990] : memref<5x8x8x129xf32, #tpu.memory_space<vmem>> -> memref<1x8x8x128xf32, #tpu.memory_space<vmem>>
    %dma_wait3A_992 = tpu.memref_squeeze %dma_wait3A_991 : memref<1x8x8x128xf32, #tpu.memory_space<vmem>> -> memref<8x8x128xf32, #tpu.memory_space<vmem>>
    tpu.wait_dma2 semaphore(%arg16 : memref<!tpu.dma_semaphore, #tpu.memory_space<semaphore_mem>>) src(%dma_wait3A_992 : memref<8x8x128xf32, #tpu.memory_space<vmem>>) dst(%dma_wait3A_987 : memref<8x8x128xf32, #tpu.memory_space<hbm>>)
    %dma_wait3A_993 = arith.constant 0 : i32
    %dma_wait3A_994 = arith.constant 0 : i32
    %dma_wait3A_995 = arith.constant 3 : i32
    %dma_wait3A_996 = arith.constant 0 : i32
    %dma_wait3A_997 = arith.constant 0 : i32
    %dma_wait3A_998 = tpu.memref_slice %arg8[%dma_wait3A_995, %dma_wait3A_996, %dma_wait3A_997] : memref<5x128x64xf32, #tpu.memory_space<vmem>> -> memref<1x128x64xf32, #tpu.memory_space<vmem>>
    %dma_wait3A_999 = tpu.memref_squeeze %dma_wait3A_998 : memref<1x128x64xf32, #tpu.memory_space<vmem>> -> memref<128x64xf32, #tpu.memory_space<vmem>>
    %dma_wait3A_1000 = arith.constant 0 : i32
    %dma_wait3A_1001 = tpu.memref_slice %arg6[%dma_wait3A_993, %dma_wait3A_994, %dma_wait3A_1000] : memref<25x8x128xi32, #tpu.memory_space<vmem>> -> memref<1x1x128xi32, #tpu.memory_space<vmem>>
    %dma_wait3A_1002 = tpu.memref_squeeze %dma_wait3A_1001 : memref<1x1x128xi32, #tpu.memory_space<vmem>> -> memref<128xi32, #tpu.memory_space<vmem>>
    %dma_wait3A_1003 = arith.constant 0 : i32
    %dma_wait3A_1004 = arith.constant 0 : i32
    %dma_wait3A_1005 = tpu.memref_slice %arg3[%dma_wait3A_1003, %dma_wait3A_1004] : memref<100000x64xf32, #tpu.memory_space<hbm>> -> memref<100000x64xf32, #tpu.memory_space<hbm>>
    tpu.wait_indirect_dma semaphore(%arg13 : memref<!tpu.dma_semaphore, #tpu.memory_space<semaphore_mem>>) src(%dma_wait3A_1005 : memref<100000x64xf32, #tpu.memory_space<hbm>>) dst(%dma_wait3A_999 : memref<128x64xf32, #tpu.memory_space<vmem>>)
    %iota3A_1006 = tpu.iota {dimensions = array<i32: 0>} : vector<16xi32>
    %get3A_1007 = arith.constant 198 : i32
    %get3A_1008 = arith.index_cast %get3A_1007 : i32 to index
    %get3A_1009 = arith.constant 0 : index
    %get3A_1010 = tpu.vector_load %arg7[%get3A_1008, %get3A_1009] {strides = array<i32>} : memref<200x64xf32, #tpu.memory_space<vmem>>, vector<16xf32>,
    %get3A_1011 = arith.constant 198 : i32
    %get3A_1012 = arith.index_cast %get3A_1011 : i32 to index
    %get3A_1013 = arith.constant 16 : index
    %get3A_1014 = tpu.vector_load %arg7[%get3A_1012, %get3A_1013] {strides = array<i32>} : memref<200x64xf32, #tpu.memory_space<vmem>>, vector<16xf32>,
    %get3A_1015 = arith.constant 198 : i32
    %get3A_1016 = arith.index_cast %get3A_1015 : i32 to index
    %get3A_1017 = arith.constant 32 : index
    %get3A_1018 = tpu.vector_load %arg7[%get3A_1016, %get3A_1017] {strides = array<i32>} : memref<200x64xf32, #tpu.memory_space<vmem>>, vector<16xf32>,
    %get3A_1019 = arith.constant 198 : i32
    %get3A_1020 = arith.index_cast %get3A_1019 : i32 to index
    %get3A_1021 = arith.constant 48 : index
    %get3A_1022 = tpu.vector_load %arg7[%get3A_1020, %get3A_1021] {strides = array<i32>} : memref<200x64xf32, #tpu.memory_space<vmem>>, vector<16xf32>,
    %add3A_1023 = arith.constant 0 : i32
    %add3A_1024 = vector.broadcast %add3A_1023 : i32 to vector<16xi32>
    %add3A_1025 = arith.addi %add3A_1024, %iota3A_1006 : vector<16xi32>
    %jit3A_1026 = arith.constant 8 : i32
    %div3A_1027 = vector.broadcast %jit3A_1026 : i32 to vector<16xi32>
    %div3A_1028 = arith.divsi %add3A_1025, %div3A_1027 : vector<16xi32>
    %sign3A_1029 = arith.constant 0 : i32
    %sign3A_1030 = vector.broadcast %sign3A_1029 : i32 to vector<16xi32>
    %sign3A_1031 = arith.cmpi sgt, %add3A_1025, %sign3A_1030 : vector<16xi32>
    %sign3A_1032 = arith.extui %sign3A_1031 : vector<16xi1> to vector<16xi32>
    %sign3A_1033 = arith.constant 0 : i32
    %sign3A_1034 = vector.broadcast %sign3A_1033 : i32 to vector<16xi32>
    %sign3A_1035 = arith.cmpi slt, %add3A_1025, %sign3A_1034 : vector<16xi32>
    %sign3A_1036 = arith.extui %sign3A_1035 : vector<16xi1> to vector<16xi32>
    %sign3A_1037 = arith.subi %sign3A_1032, %sign3A_1036 : vector<16xi32>
    %sign3A_1038 = arith.constant 0 : i32
    %sign3A_1039 = arith.cmpi sgt, %jit3A_1026, %sign3A_1038 : i32
    %sign3A_1040 = arith.extui %sign3A_1039 : i1 to i32
    %sign3A_1041 = arith.constant 0 : i32
    %sign3A_1042 = arith.cmpi slt, %jit3A_1026, %sign3A_1041 : i32
    %sign3A_1043 = arith.extui %sign3A_1042 : i1 to i32
    %sign3A_1044 = arith.subi %sign3A_1040, %sign3A_1043 : i32
    %ne3A_1045 = vector.broadcast %sign3A_1044 : i32 to vector<16xi32>
    %ne3A_1046 = arith.cmpi ne, %sign3A_1037, %ne3A_1045 : vector<16xi32>
    %rem3A_1047 = vector.broadcast %jit3A_1026 : i32 to vector<16xi32>
    %rem3A_1048 = arith.remsi %add3A_1025, %rem3A_1047 : vector<16xi32>
    %ne3A_1049 = arith.constant 0 : i32
    %ne3A_1050 = vector.broadcast %ne3A_1049 : i32 to vector<16xi32>
    %ne3A_1051 = arith.cmpi ne, %rem3A_1048, %ne3A_1050 : vector<16xi32>
    %and3A_1052 = arith.andi %ne3A_1046, %ne3A_1051 : vector<16xi1>
    %sub3A_1053 = arith.constant 1 : i32
    %sub3A_1054 = vector.broadcast %sub3A_1053 : i32 to vector<16xi32>
    %sub3A_1055 = arith.subi %div3A_1028, %sub3A_1054 : vector<16xi32>
    %select_n3A_1056 = arith.select %and3A_1052, %sub3A_1055, %div3A_1028 : vector<16xi1>, vector<16xi32>
    %add3A_1057 = arith.constant 16 : i32
    %add3A_1058 = vector.broadcast %add3A_1057 : i32 to vector<16xi32>
    %add3A_1059 = arith.addi %add3A_1058, %iota3A_1006 : vector<16xi32>
    %jit3A_1060 = arith.constant 8 : i32
    %div3A_1061 = vector.broadcast %jit3A_1060 : i32 to vector<16xi32>
    %div3A_1062 = arith.divsi %add3A_1059, %div3A_1061 : vector<16xi32>
    %sign3A_1063 = arith.constant 0 : i32
    %sign3A_1064 = vector.broadcast %sign3A_1063 : i32 to vector<16xi32>
    %sign3A_1065 = arith.cmpi sgt, %add3A_1059, %sign3A_1064 : vector<16xi32>
    %sign3A_1066 = arith.extui %sign3A_1065 : vector<16xi1> to vector<16xi32>
    %sign3A_1067 = arith.constant 0 : i32
    %sign3A_1068 = vector.broadcast %sign3A_1067 : i32 to vector<16xi32>
    %sign3A_1069 = arith.cmpi slt, %add3A_1059, %sign3A_1068 : vector<16xi32>
    %sign3A_1070 = arith.extui %sign3A_1069 : vector<16xi1> to vector<16xi32>
    %sign3A_1071 = arith.subi %sign3A_1066, %sign3A_1070 : vector<16xi32>
    %sign3A_1072 = arith.constant 0 : i32
    %sign3A_1073 = arith.cmpi sgt, %jit3A_1060, %sign3A_1072 : i32
    %sign3A_1074 = arith.extui %sign3A_1073 : i1 to i32
    %sign3A_1075 = arith.constant 0 : i32
    %sign3A_1076 = arith.cmpi slt, %jit3A_1060, %sign3A_1075 : i32
    %sign3A_1077 = arith.extui %sign3A_1076 : i1 to i32
    %sign3A_1078 = arith.subi %sign3A_1074, %sign3A_1077 : i32
    %ne3A_1079 = vector.broadcast %sign3A_1078 : i32 to vector<16xi32>
    %ne3A_1080 = arith.cmpi ne, %sign3A_1071, %ne3A_1079 : vector<16xi32>
    %rem3A_1081 = vector.broadcast %jit3A_1060 : i32 to vector<16xi32>
    %rem3A_1082 = arith.remsi %add3A_1059, %rem3A_1081 : vector<16xi32>
    %ne3A_1083 = arith.constant 0 : i32
    %ne3A_1084 = vector.broadcast %ne3A_1083 : i32 to vector<16xi32>
    %ne3A_1085 = arith.cmpi ne, %rem3A_1082, %ne3A_1084 : vector<16xi32>
    %and3A_1086 = arith.andi %ne3A_1080, %ne3A_1085 : vector<16xi1>
    %sub3A_1087 = arith.constant 1 : i32
    %sub3A_1088 = vector.broadcast %sub3A_1087 : i32 to vector<16xi32>
    %sub3A_1089 = arith.subi %div3A_1062, %sub3A_1088 : vector<16xi32>
    %select_n3A_1090 = arith.select %and3A_1086, %sub3A_1089, %div3A_1062 : vector<16xi1>, vector<16xi32>
    %add3A_1091 = arith.constant 32 : i32
    %add3A_1092 = vector.broadcast %add3A_1091 : i32 to vector<16xi32>
    %add3A_1093 = arith.addi %add3A_1092, %iota3A_1006 : vector<16xi32>
    %jit3A_1094 = arith.constant 8 : i32
    %div3A_1095 = vector.broadcast %jit3A_1094 : i32 to vector<16xi32>
    %div3A_1096 = arith.divsi %add3A_1093, %div3A_1095 : vector<16xi32>
    %sign3A_1097 = arith.constant 0 : i32
    %sign3A_1098 = vector.broadcast %sign3A_1097 : i32 to vector<16xi32>
    %sign3A_1099 = arith.cmpi sgt, %add3A_1093, %sign3A_1098 : vector<16xi32>
    %sign3A_1100 = arith.extui %sign3A_1099 : vector<16xi1> to vector<16xi32>
    %sign3A_1101 = arith.constant 0 : i32
    %sign3A_1102 = vector.broadcast %sign3A_1101 : i32 to vector<16xi32>
    %sign3A_1103 = arith.cmpi slt, %add3A_1093, %sign3A_1102 : vector<16xi32>
    %sign3A_1104 = arith.extui %sign3A_1103 : vector<16xi1> to vector<16xi32>
    %sign3A_1105 = arith.subi %sign3A_1100, %sign3A_1104 : vector<16xi32>
    %sign3A_1106 = arith.constant 0 : i32
    %sign3A_1107 = arith.cmpi sgt, %jit3A_1094, %sign3A_1106 : i32
    %sign3A_1108 = arith.extui %sign3A_1107 : i1 to i32
    %sign3A_1109 = arith.constant 0 : i32
    %sign3A_1110 = arith.cmpi slt, %jit3A_1094, %sign3A_1109 : i32
    %sign3A_1111 = arith.extui %sign3A_1110 : i1 to i32
    %sign3A_1112 = arith.subi %sign3A_1108, %sign3A_1111 : i32
    %ne3A_1113 = vector.broadcast %sign3A_1112 : i32 to vector<16xi32>
    %ne3A_1114 = arith.cmpi ne, %sign3A_1105, %ne3A_1113 : vector<16xi32>
    %rem3A_1115 = vector.broadcast %jit3A_1094 : i32 to vector<16xi32>
    %rem3A_1116 = arith.remsi %add3A_1093, %rem3A_1115 : vector<16xi32>
    %ne3A_1117 = arith.constant 0 : i32
    %ne3A_1118 = vector.broadcast %ne3A_1117 : i32 to vector<16xi32>
    %ne3A_1119 = arith.cmpi ne, %rem3A_1116, %ne3A_1118 : vector<16xi32>
    %and3A_1120 = arith.andi %ne3A_1114, %ne3A_1119 : vector<16xi1>
    %sub3A_1121 = arith.constant 1 : i32
    %sub3A_1122 = vector.broadcast %sub3A_1121 : i32 to vector<16xi32>
    %sub3A_1123 = arith.subi %div3A_1096, %sub3A_1122 : vector<16xi32>
    %select_n3A_1124 = arith.select %and3A_1120, %sub3A_1123, %div3A_1096 : vector<16xi1>, vector<16xi32>
    %add3A_1125 = arith.constant 48 : i32
    %add3A_1126 = vector.broadcast %add3A_1125 : i32 to vector<16xi32>
    %add3A_1127 = arith.addi %add3A_1126, %iota3A_1006 : vector<16xi32>
    %jit3A_1128 = arith.constant 8 : i32
    %div3A_1129 = vector.broadcast %jit3A_1128 : i32 to vector<16xi32>
    %div3A_1130 = arith.divsi %add3A_1127, %div3A_1129 : vector<16xi32>
    %sign3A_1131 = arith.constant 0 : i32
    %sign3A_1132 = vector.broadcast %sign3A_1131 : i32 to vector<16xi32>
    %sign3A_1133 = arith.cmpi sgt, %add3A_1127, %sign3A_1132 : vector<16xi32>
    %sign3A_1134 = arith.extui %sign3A_1133 : vector<16xi1> to vector<16xi32>
    %sign3A_1135 = arith.constant 0 : i32
    %sign3A_1136 = vector.broadcast %sign3A_1135 : i32 to vector<16xi32>
    %sign3A_1137 = arith.cmpi slt, %add3A_1127, %sign3A_1136 : vector<16xi32>
    %sign3A_1138 = arith.extui %sign3A_1137 : vector<16xi1> to vector<16xi32>
    %sign3A_1139 = arith.subi %sign3A_1134, %sign3A_1138 : vector<16xi32>
    %sign3A_1140 = arith.constant 0 : i32
    %sign3A_1141 = arith.cmpi sgt, %jit3A_1128, %sign3A_1140 : i32
    %sign3A_1142 = arith.extui %sign3A_1141 : i1 to i32
    %sign3A_1143 = arith.constant 0 : i32
    %sign3A_1144 = arith.cmpi slt, %jit3A_1128, %sign3A_1143 : i32
    %sign3A_1145 = arith.extui %sign3A_1144 : i1 to i32
    %sign3A_1146 = arith.subi %sign3A_1142, %sign3A_1145 : i32
    %ne3A_1147 = vector.broadcast %sign3A_1146 : i32 to vector<16xi32>
    %ne3A_1148 = arith.cmpi ne, %sign3A_1139, %ne3A_1147 : vector<16xi32>
    %rem3A_1149 = vector.broadcast %jit3A_1128 : i32 to vector<16xi32>
    %rem3A_1150 = arith.remsi %add3A_1127, %rem3A_1149 : vector<16xi32>
    %ne3A_1151 = arith.constant 0 : i32
    %ne3A_1152 = vector.broadcast %ne3A_1151 : i32 to vector<16xi32>
    %ne3A_1153 = arith.cmpi ne, %rem3A_1150, %ne3A_1152 : vector<16xi32>
    %and3A_1154 = arith.andi %ne3A_1148, %ne3A_1153 : vector<16xi1>
    %sub3A_1155 = arith.constant 1 : i32
    %sub3A_1156 = vector.broadcast %sub3A_1155 : i32 to vector<16xi32>
    %sub3A_1157 = arith.subi %div3A_1130, %sub3A_1156 : vector<16xi32>
    %select_n3A_1158 = arith.select %and3A_1154, %sub3A_1157, %div3A_1130 : vector<16xi1>, vector<16xi32>
    %add3A_1159 = arith.constant 0 : i32
    %add3A_1160 = vector.broadcast %add3A_1159 : i32 to vector<16xi32>
    %add3A_1161 = arith.addi %add3A_1160, %iota3A_1006 : vector<16xi32>
    %jit3A_1162 = arith.constant 8 : i32
    %eq3A_1163 = arith.constant 0 : i32
    %eq3A_1164 = arith.cmpi eq, %jit3A_1162, %eq3A_1163 : i32
    %jit3A_1165 = arith.constant 1 : i32
    %select_n3A_1166 = arith.select %eq3A_1164, %jit3A_1165, %jit3A_1162 : i32
    %rem3A_1167 = vector.broadcast %select_n3A_1166 : i32 to vector<16xi32>
    %rem3A_1168 = arith.remsi %add3A_1161, %rem3A_1167 : vector<16xi32>
    %ne3A_1169 = arith.constant 0 : i32
    %ne3A_1170 = vector.broadcast %ne3A_1169 : i32 to vector<16xi32>
    %ne3A_1171 = arith.cmpi ne, %rem3A_1168, %ne3A_1170 : vector<16xi32>
    %lt3A_1172 = arith.constant 0 : i32
    %lt3A_1173 = vector.broadcast %lt3A_1172 : i32 to vector<16xi32>
    %lt3A_1174 = arith.cmpi slt, %rem3A_1168, %lt3A_1173 : vector<16xi32>
    %lt3A_1175 = arith.constant 0 : i32
    %lt3A_1176 = arith.cmpi slt, %select_n3A_1166, %lt3A_1175 : i32
    %ne3A_1177 = vector.broadcast %lt3A_1176 : i1 to vector<16xi1>
    %ne3A_1178 = vector.broadcast %ne3A_1177 : vector<16xi1> to vector<16xi1>
    %ne3A_1179 = arith.xori %lt3A_1174, %ne3A_1178 : vector<16xi1>
    %and3A_1180 = arith.andi %ne3A_1179, %ne3A_1171 : vector<16xi1>
    %add3A_1181 = vector.broadcast %select_n3A_1166 : i32 to vector<16xi32>
    %add3A_1182 = arith.addi %rem3A_1168, %add3A_1181 : vector<16xi32>
    %select_n3A_1183 = arith.select %and3A_1180, %add3A_1182, %rem3A_1168 : vector<16xi1>, vector<16xi32>
    %add3A_1184 = arith.constant 16 : i32
    %add3A_1185 = vector.broadcast %add3A_1184 : i32 to vector<16xi32>
    %add3A_1186 = arith.addi %add3A_1185, %iota3A_1006 : vector<16xi32>
    %jit3A_1187 = arith.constant 8 : i32
    %eq3A_1188 = arith.constant 0 : i32
    %eq3A_1189 = arith.cmpi eq, %jit3A_1187, %eq3A_1188 : i32
    %jit3A_1190 = arith.constant 1 : i32
    %select_n3A_1191 = arith.select %eq3A_1189, %jit3A_1190, %jit3A_1187 : i32
    %rem3A_1192 = vector.broadcast %select_n3A_1191 : i32 to vector<16xi32>
    %rem3A_1193 = arith.remsi %add3A_1186, %rem3A_1192 : vector<16xi32>
    %ne3A_1194 = arith.constant 0 : i32
    %ne3A_1195 = vector.broadcast %ne3A_1194 : i32 to vector<16xi32>
    %ne3A_1196 = arith.cmpi ne, %rem3A_1193, %ne3A_1195 : vector<16xi32>
    %lt3A_1197 = arith.constant 0 : i32
    %lt3A_1198 = vector.broadcast %lt3A_1197 : i32 to vector<16xi32>
    %lt3A_1199 = arith.cmpi slt, %rem3A_1193, %lt3A_1198 : vector<16xi32>
    %lt3A_1200 = arith.constant 0 : i32
    %lt3A_1201 = arith.cmpi slt, %select_n3A_1191, %lt3A_1200 : i32
    %ne3A_1202 = vector.broadcast %lt3A_1201 : i1 to vector<16xi1>
    %ne3A_1203 = vector.broadcast %ne3A_1202 : vector<16xi1> to vector<16xi1>
    %ne3A_1204 = arith.xori %lt3A_1199, %ne3A_1203 : vector<16xi1>
    %and3A_1205 = arith.andi %ne3A_1204, %ne3A_1196 : vector<16xi1>
    %add3A_1206 = vector.broadcast %select_n3A_1191 : i32 to vector<16xi32>
    %add3A_1207 = arith.addi %rem3A_1193, %add3A_1206 : vector<16xi32>
    %select_n3A_1208 = arith.select %and3A_1205, %add3A_1207, %rem3A_1193 : vector<16xi1>, vector<16xi32>
    %add3A_1209 = arith.constant 32 : i32
    %add3A_1210 = vector.broadcast %add3A_1209 : i32 to vector<16xi32>
    %add3A_1211 = arith.addi %add3A_1210, %iota3A_1006 : vector<16xi32>
    %jit3A_1212 = arith.constant 8 : i32
    %eq3A_1213 = arith.constant 0 : i32
    %eq3A_1214 = arith.cmpi eq, %jit3A_1212, %eq3A_1213 : i32
    %jit3A_1215 = arith.constant 1 : i32
    %select_n3A_1216 = arith.select %eq3A_1214, %jit3A_1215, %jit3A_1212 : i32
    %rem3A_1217 = vector.broadcast %select_n3A_1216 : i32 to vector<16xi32>
    %rem3A_1218 = arith.remsi %add3A_1211, %rem3A_1217 : vector<16xi32>
    %ne3A_1219 = arith.constant 0 : i32
    %ne3A_1220 = vector.broadcast %ne3A_1219 : i32 to vector<16xi32>
    %ne3A_1221 = arith.cmpi ne, %rem3A_1218, %ne3A_1220 : vector<16xi32>
    %lt3A_1222 = arith.constant 0 : i32
    %lt3A_1223 = vector.broadcast %lt3A_1222 : i32 to vector<16xi32>
    %lt3A_1224 = arith.cmpi slt, %rem3A_1218, %lt3A_1223 : vector<16xi32>
    %lt3A_1225 = arith.constant 0 : i32
    %lt3A_1226 = arith.cmpi slt, %select_n3A_1216, %lt3A_1225 : i32
    %ne3A_1227 = vector.broadcast %lt3A_1226 : i1 to vector<16xi1>
    %ne3A_1228 = vector.broadcast %ne3A_1227 : vector<16xi1> to vector<16xi1>
    %ne3A_1229 = arith.xori %lt3A_1224, %ne3A_1228 : vector<16xi1>
    %and3A_1230 = arith.andi %ne3A_1229, %ne3A_1221 : vector<16xi1>
    %add3A_1231 = vector.broadcast %select_n3A_1216 : i32 to vector<16xi32>
    %add3A_1232 = arith.addi %rem3A_1218, %add3A_1231 : vector<16xi32>
    %select_n3A_1233 = arith.select %and3A_1230, %add3A_1232, %rem3A_1218 : vector<16xi1>, vector<16xi32>
    %add3A_1234 = arith.constant 48 : i32
    %add3A_1235 = vector.broadcast %add3A_1234 : i32 to vector<16xi32>
    %add3A_1236 = arith.addi %add3A_1235, %iota3A_1006 : vector<16xi32>
    %jit3A_1237 = arith.constant 8 : i32
    %eq3A_1238 = arith.constant 0 : i32
    %eq3A_1239 = arith.cmpi eq, %jit3A_1237, %eq3A_1238 : i32
    %jit3A_1240 = arith.constant 1 : i32
    %select_n3A_1241 = arith.select %eq3A_1239, %jit3A_1240, %jit3A_1237 : i32
    %rem3A_1242 = vector.broadcast %select_n3A_1241 : i32 to vector<16xi32>
    %rem3A_1243 = arith.remsi %add3A_1236, %rem3A_1242 : vector<16xi32>
    %ne3A_1244 = arith.constant 0 : i32
    %ne3A_1245 = vector.broadcast %ne3A_1244 : i32 to vector<16xi32>
    %ne3A_1246 = arith.cmpi ne, %rem3A_1243, %ne3A_1245 : vector<16xi32>
    %lt3A_1247 = arith.constant 0 : i32
    %lt3A_1248 = vector.broadcast %lt3A_1247 : i32 to vector<16xi32>
    %lt3A_1249 = arith.cmpi slt, %rem3A_1243, %lt3A_1248 : vector<16xi32>
    %lt3A_1250 = arith.constant 0 : i32
    %lt3A_1251 = arith.cmpi slt, %select_n3A_1241, %lt3A_1250 : i32
    %ne3A_1252 = vector.broadcast %lt3A_1251 : i1 to vector<16xi1>
    %ne3A_1253 = vector.broadcast %ne3A_1252 : vector<16xi1> to vector<16xi1>
    %ne3A_1254 = arith.xori %lt3A_1249, %ne3A_1253 : vector<16xi1>
    %and3A_1255 = arith.andi %ne3A_1254, %ne3A_1246 : vector<16xi1>
    %add3A_1256 = vector.broadcast %select_n3A_1241 : i32 to vector<16xi32>
    %add3A_1257 = arith.addi %rem3A_1243, %add3A_1256 : vector<16xi32>
    %select_n3A_1258 = arith.select %and3A_1255, %add3A_1257, %rem3A_1243 : vector<16xi1>, vector<16xi32>
    %parallel_loop3A_1259 = arith.constant 0 : i32
    %parallel_loop3A_1260 = arith.constant 128 : i32
    %parallel_loop3A_1261 = arith.constant 1 : i32
    scf.for %parallel_loop3A_1641 = %parallel_loop3A_1259 to %parallel_loop3A_1260 step %parallel_loop3A_1261  : i32 {
      %parallel_loop3A_1642 = arith.constant 0 : i32
      %parallel_loop3A_1643 = vector.broadcast %parallel_loop3A_1642 : i32 to vector<16xi32>
      %parallel_loop3A_1644 = vector.broadcast %parallel_loop3A_1641 : i32 to vector<16xi32>
      %parallel_loop3A_1645 = arith.addi %parallel_loop3A_1643, %parallel_loop3A_1644 : vector<16xi32>
      %parallel_loop3A_1646 = arith.constant 3 : i32
      %parallel_loop3A_1647 = arith.index_cast %parallel_loop3A_1646 : i32 to index
      %parallel_loop3A_1648 = arith.index_cast %parallel_loop3A_1641 : i32 to index
      %parallel_loop3A_1649 = arith.constant 0 : index
      %parallel_loop3A_1650 = tpu.vector_load %arg8[%parallel_loop3A_1647, %parallel_loop3A_1648, %parallel_loop3A_1649] {strides = array<i32>} : memref<5x128x64xf32, #tpu.memory_space<vmem>>, vector<16xf32>,
      %parallel_loop3A_1651 = arith.addf %parallel_loop3A_1650, %get3A_1010 : vector<16xf32>
      %parallel_loop3A_1652 = arith.constant 3 : i32
      %parallel_loop3A_1653 = arith.constant 0 : i32
      %parallel_loop3A_1654 = arith.constant 0 : i32
      %parallel_loop3A_1655 = arith.constant 0 : i32
      %parallel_loop3A_1656 = tpu.memref_slice %arg9[%parallel_loop3A_1652, %parallel_loop3A_1653, %parallel_loop3A_1654, %parallel_loop3A_1655] : memref<5x8x8x129xf32, #tpu.memory_space<vmem>> -> memref<1x8x8x129xf32, #tpu.memory_space<vmem>>
      %parallel_loop3A_1657 = tpu.memref_squeeze %parallel_loop3A_1656 : memref<1x8x8x129xf32, #tpu.memory_space<vmem>> -> memref<8x8x129xf32, #tpu.memory_space<vmem>>
      tpu.vector_store_idx %parallel_loop3A_1657[%select_n3A_1056, %select_n3A_1183, %parallel_loop3A_1645], %parallel_loop3A_1651 : memref<8x8x129xf32, #tpu.memory_space<vmem>>[vector<16xi32>, vector<16xi32>, vector<16xi32>], vector<16xf32>,
      %parallel_loop3A_1658 = arith.constant 3 : i32
      %parallel_loop3A_1659 = arith.index_cast %parallel_loop3A_1658 : i32 to index
      %parallel_loop3A_1660 = arith.index_cast %parallel_loop3A_1641 : i32 to index
      %parallel_loop3A_1661 = arith.constant 16 : index
      %parallel_loop3A_1662 = tpu.vector_load %arg8[%parallel_loop3A_1659, %parallel_loop3A_1660, %parallel_loop3A_1661] {strides = array<i32>} : memref<5x128x64xf32, #tpu.memory_space<vmem>>, vector<16xf32>,
      %parallel_loop3A_1663 = arith.addf %parallel_loop3A_1662, %get3A_1014 : vector<16xf32>
      %parallel_loop3A_1664 = arith.constant 3 : i32
      %parallel_loop3A_1665 = arith.constant 0 : i32
      %parallel_loop3A_1666 = arith.constant 0 : i32
      %parallel_loop3A_1667 = arith.constant 0 : i32
      %parallel_loop3A_1668 = tpu.memref_slice %arg9[%parallel_loop3A_1664, %parallel_loop3A_1665, %parallel_loop3A_1666, %parallel_loop3A_1667] : memref<5x8x8x129xf32, #tpu.memory_space<vmem>> -> memref<1x8x8x129xf32, #tpu.memory_space<vmem>>
      %parallel_loop3A_1669 = tpu.memref_squeeze %parallel_loop3A_1668 : memref<1x8x8x129xf32, #tpu.memory_space<vmem>> -> memref<8x8x129xf32, #tpu.memory_space<vmem>>
      tpu.vector_store_idx %parallel_loop3A_1669[%select_n3A_1090, %select_n3A_1208, %parallel_loop3A_1645], %parallel_loop3A_1663 : memref<8x8x129xf32, #tpu.memory_space<vmem>>[vector<16xi32>, vector<16xi32>, vector<16xi32>], vector<16xf32>,
      %parallel_loop3A_1670 = arith.constant 3 : i32
      %parallel_loop3A_1671 = arith.index_cast %parallel_loop3A_1670 : i32 to index
      %parallel_loop3A_1672 = arith.index_cast %parallel_loop3A_1641 : i32 to index
      %parallel_loop3A_1673 = arith.constant 32 : index
      %parallel_loop3A_1674 = tpu.vector_load %arg8[%parallel_loop3A_1671, %parallel_loop3A_1672, %parallel_loop3A_1673] {strides = array<i32>} : memref<5x128x64xf32, #tpu.memory_space<vmem>>, vector<16xf32>,
      %parallel_loop3A_1675 = arith.addf %parallel_loop3A_1674, %get3A_1018 : vector<16xf32>
      %parallel_loop3A_1676 = arith.constant 3 : i32
      %parallel_loop3A_1677 = arith.constant 0 : i32
      %parallel_loop3A_1678 = arith.constant 0 : i32
      %parallel_loop3A_1679 = arith.constant 0 : i32
      %parallel_loop3A_1680 = tpu.memref_slice %arg9[%parallel_loop3A_1676, %parallel_loop3A_1677, %parallel_loop3A_1678, %parallel_loop3A_1679] : memref<5x8x8x129xf32, #tpu.memory_space<vmem>> -> memref<1x8x8x129xf32, #tpu.memory_space<vmem>>
      %parallel_loop3A_1681 = tpu.memref_squeeze %parallel_loop3A_1680 : memref<1x8x8x129xf32, #tpu.memory_space<vmem>> -> memref<8x8x129xf32, #tpu.memory_space<vmem>>
      tpu.vector_store_idx %parallel_loop3A_1681[%select_n3A_1124, %select_n3A_1233, %parallel_loop3A_1645], %parallel_loop3A_1675 : memref<8x8x129xf32, #tpu.memory_space<vmem>>[vector<16xi32>, vector<16xi32>, vector<16xi32>], vector<16xf32>,
      %parallel_loop3A_1682 = arith.constant 3 : i32
      %parallel_loop3A_1683 = arith.index_cast %parallel_loop3A_1682 : i32 to index
      %parallel_loop3A_1684 = arith.index_cast %parallel_loop3A_1641 : i32 to index
      %parallel_loop3A_1685 = arith.constant 48 : index
      %parallel_loop3A_1686 = tpu.vector_load %arg8[%parallel_loop3A_1683, %parallel_loop3A_1684, %parallel_loop3A_1685] {strides = array<i32>} : memref<5x128x64xf32, #tpu.memory_space<vmem>>, vector<16xf32>,
      %parallel_loop3A_1687 = arith.addf %parallel_loop3A_1686, %get3A_1022 : vector<16xf32>
      %parallel_loop3A_1688 = arith.constant 3 : i32
      %parallel_loop3A_1689 = arith.constant 0 : i32
      %parallel_loop3A_1690 = arith.constant 0 : i32
      %parallel_loop3A_1691 = arith.constant 0 : i32
      %parallel_loop3A_1692 = tpu.memref_slice %arg9[%parallel_loop3A_1688, %parallel_loop3A_1689, %parallel_loop3A_1690, %parallel_loop3A_1691] : memref<5x8x8x129xf32, #tpu.memory_space<vmem>> -> memref<1x8x8x129xf32, #tpu.memory_space<vmem>>
      %parallel_loop3A_1693 = tpu.memref_squeeze %parallel_loop3A_1692 : memref<1x8x8x129xf32, #tpu.memory_space<vmem>> -> memref<8x8x129xf32, #tpu.memory_space<vmem>>
      tpu.vector_store_idx %parallel_loop3A_1693[%select_n3A_1158, %select_n3A_1258, %parallel_loop3A_1645], %parallel_loop3A_1687 : memref<8x8x129xf32, #tpu.memory_space<vmem>>[vector<16xi32>, vector<16xi32>, vector<16xi32>], vector<16xf32>,
    } {sc.loop_unroll_factor = 2 : i64, sc.parallel_access}
    %dma_start3A_1262 = arith.constant 3 : i32
    %dma_start3A_1263 = arith.constant 198 : i32
    %dma_start3A_1264 = arith.constant 0 : i32
    %dma_start3A_1265 = arith.constant 0 : i32
    %dma_start3A_1266 = arith.constant 0 : i32
    %dma_start3A_1267 = tpu.memref_slice %arg9[%dma_start3A_1262, %dma_start3A_1264, %dma_start3A_1265, %dma_start3A_1266] : memref<5x8x8x129xf32, #tpu.memory_space<vmem>> -> memref<1x8x8x128xf32, #tpu.memory_space<vmem>>
    %dma_start3A_1268 = tpu.memref_squeeze %dma_start3A_1267 : memref<1x8x8x128xf32, #tpu.memory_space<vmem>> -> memref<8x8x128xf32, #tpu.memory_space<vmem>>
    %dma_start3A_1269 = arith.constant 0 : i32
    %dma_start3A_1270 = arith.constant 0 : i32
    %dma_start3A_1271 = arith.constant 0 : i32
    %dma_start3A_1272 = tpu.memref_slice %arg5[%dma_start3A_1263, %dma_start3A_1269, %add3A, %dma_start3A_1270, %dma_start3A_1271] : memref<200x8x32x8x128xf32, #tpu.memory_space<hbm>> -> memref<1x8x1x8x128xf32, #tpu.memory_space<hbm>>
    %dma_start3A_1273 = tpu.memref_squeeze %dma_start3A_1272 : memref<1x8x1x8x128xf32, #tpu.memory_space<hbm>> -> memref<8x8x128xf32, #tpu.memory_space<hbm>>
    %dma_start3A_1274 = arith.constant 0 : i32
    %dma_start3A_1275 = arith.constant 0 : i32
    %dma_start3A_1276 = arith.constant 0 : i32
    %dma_start3A_1277 = tpu.memref_slice %arg5[%dma_start3A_1263, %dma_start3A_1274, %add3A, %dma_start3A_1275, %dma_start3A_1276] : memref<200x8x32x8x128xf32, #tpu.memory_space<hbm>> -> memref<1x8x1x8x128xf32, #tpu.memory_space<hbm>>
    %dma_start3A_1278 = tpu.memref_squeeze %dma_start3A_1277 : memref<1x8x1x8x128xf32, #tpu.memory_space<hbm>> -> memref<8x8x128xf32, #tpu.memory_space<hbm>>
    %dma_start3A_1279 = arith.constant 0 : i32
    %dma_start3A_1280 = arith.constant 0 : i32
    %dma_start3A_1281 = arith.constant 0 : i32
    %dma_start3A_1282 = tpu.memref_slice %arg9[%dma_start3A_1262, %dma_start3A_1279, %dma_start3A_1280, %dma_start3A_1281] : memref<5x8x8x129xf32, #tpu.memory_space<vmem>> -> memref<1x8x8x128xf32, #tpu.memory_space<vmem>>
    %dma_start3A_1283 = tpu.memref_squeeze %dma_start3A_1282 : memref<1x8x8x128xf32, #tpu.memory_space<vmem>> -> memref<8x8x128xf32, #tpu.memory_space<vmem>>
    tpu.enqueue_dma source(%dma_start3A_1283 : memref<8x8x128xf32, #tpu.memory_space<vmem>>) target(%dma_start3A_1278 : memref<8x8x128xf32, #tpu.memory_space<hbm>>) target_semaphore(%arg18 : memref<!tpu.dma_semaphore, #tpu.memory_space<semaphore_mem>>)
    %dma_wait3A_1284 = arith.constant 2 : i32
    %dma_wait3A_1285 = arith.constant 0 : i32
    %dma_wait3A_1286 = arith.constant 0 : i32
    %dma_wait3A_1287 = arith.constant 0 : i32
    %dma_wait3A_1288 = arith.constant 0 : i32
    %dma_wait3A_1289 = tpu.memref_slice %arg9[%dma_wait3A_1284, %dma_wait3A_1286, %dma_wait3A_1287, %dma_wait3A_1288] : memref<5x8x8x129xf32, #tpu.memory_space<vmem>> -> memref<1x8x8x128xf32, #tpu.memory_space<vmem>>
    %dma_wait3A_1290 = tpu.memref_squeeze %dma_wait3A_1289 : memref<1x8x8x128xf32, #tpu.memory_space<vmem>> -> memref<8x8x128xf32, #tpu.memory_space<vmem>>
    %dma_wait3A_1291 = arith.constant 0 : i32
    %dma_wait3A_1292 = arith.constant 0 : i32
    %dma_wait3A_1293 = arith.constant 0 : i32
    %dma_wait3A_1294 = tpu.memref_slice %arg5[%dma_wait3A_1285, %dma_wait3A_1291, %add3A, %dma_wait3A_1292, %dma_wait3A_1293] : memref<200x8x32x8x128xf32, #tpu.memory_space<hbm>> -> memref<1x8x1x8x128xf32, #tpu.memory_space<hbm>>
    %dma_wait3A_1295 = tpu.memref_squeeze %dma_wait3A_1294 : memref<1x8x1x8x128xf32, #tpu.memory_space<hbm>> -> memref<8x8x128xf32, #tpu.memory_space<hbm>>
    %dma_wait3A_1296 = arith.constant 0 : i32
    %dma_wait3A_1297 = arith.constant 0 : i32
    %dma_wait3A_1298 = arith.constant 0 : i32
    %dma_wait3A_1299 = tpu.memref_slice %arg5[%dma_wait3A_1285, %dma_wait3A_1296, %add3A, %dma_wait3A_1297, %dma_wait3A_1298] : memref<200x8x32x8x128xf32, #tpu.memory_space<hbm>> -> memref<1x8x1x8x128xf32, #tpu.memory_space<hbm>>
    %dma_wait3A_1300 = tpu.memref_squeeze %dma_wait3A_1299 : memref<1x8x1x8x128xf32, #tpu.memory_space<hbm>> -> memref<8x8x128xf32, #tpu.memory_space<hbm>>
    %dma_wait3A_1301 = arith.constant 0 : i32
    %dma_wait3A_1302 = arith.constant 0 : i32
    %dma_wait3A_1303 = arith.constant 0 : i32
    %dma_wait3A_1304 = tpu.memref_slice %arg9[%dma_wait3A_1284, %dma_wait3A_1301, %dma_wait3A_1302, %dma_wait3A_1303] : memref<5x8x8x129xf32, #tpu.memory_space<vmem>> -> memref<1x8x8x128xf32, #tpu.memory_space<vmem>>
    %dma_wait3A_1305 = tpu.memref_squeeze %dma_wait3A_1304 : memref<1x8x8x128xf32, #tpu.memory_space<vmem>> -> memref<8x8x128xf32, #tpu.memory_space<vmem>>
    tpu.wait_dma2 semaphore(%arg17 : memref<!tpu.dma_semaphore, #tpu.memory_space<semaphore_mem>>) src(%dma_wait3A_1305 : memref<8x8x128xf32, #tpu.memory_space<vmem>>) dst(%dma_wait3A_1300 : memref<8x8x128xf32, #tpu.memory_space<hbm>>)
    %dma_wait3A_1306 = arith.constant 0 : i32
    %dma_wait3A_1307 = arith.constant 0 : i32
    %dma_wait3A_1308 = arith.constant 4 : i32
    %dma_wait3A_1309 = arith.constant 0 : i32
    %dma_wait3A_1310 = arith.constant 0 : i32
    %dma_wait3A_1311 = tpu.memref_slice %arg8[%dma_wait3A_1308, %dma_wait3A_1309, %dma_wait3A_1310] : memref<5x128x64xf32, #tpu.memory_space<vmem>> -> memref<1x128x64xf32, #tpu.memory_space<vmem>>
    %dma_wait3A_1312 = tpu.memref_squeeze %dma_wait3A_1311 : memref<1x128x64xf32, #tpu.memory_space<vmem>> -> memref<128x64xf32, #tpu.memory_space<vmem>>
    %dma_wait3A_1313 = arith.constant 0 : i32
    %dma_wait3A_1314 = tpu.memref_slice %arg6[%dma_wait3A_1306, %dma_wait3A_1307, %dma_wait3A_1313] : memref<25x8x128xi32, #tpu.memory_space<vmem>> -> memref<1x1x128xi32, #tpu.memory_space<vmem>>
    %dma_wait3A_1315 = tpu.memref_squeeze %dma_wait3A_1314 : memref<1x1x128xi32, #tpu.memory_space<vmem>> -> memref<128xi32, #tpu.memory_space<vmem>>
    %dma_wait3A_1316 = arith.constant 0 : i32
    %dma_wait3A_1317 = arith.constant 0 : i32
    %dma_wait3A_1318 = tpu.memref_slice %arg3[%dma_wait3A_1316, %dma_wait3A_1317] : memref<100000x64xf32, #tpu.memory_space<hbm>> -> memref<100000x64xf32, #tpu.memory_space<hbm>>
    tpu.wait_indirect_dma semaphore(%arg14 : memref<!tpu.dma_semaphore, #tpu.memory_space<semaphore_mem>>) src(%dma_wait3A_1318 : memref<100000x64xf32, #tpu.memory_space<hbm>>) dst(%dma_wait3A_1312 : memref<128x64xf32, #tpu.memory_space<vmem>>)
    %iota3A_1319 = tpu.iota {dimensions = array<i32: 0>} : vector<16xi32>
    %get3A_1320 = arith.constant 199 : i32
    %get3A_1321 = arith.index_cast %get3A_1320 : i32 to index
    %get3A_1322 = arith.constant 0 : index
    %get3A_1323 = tpu.vector_load %arg7[%get3A_1321, %get3A_1322] {strides = array<i32>} : memref<200x64xf32, #tpu.memory_space<vmem>>, vector<16xf32>,
    %get3A_1324 = arith.constant 199 : i32
    %get3A_1325 = arith.index_cast %get3A_1324 : i32 to index
    %get3A_1326 = arith.constant 16 : index
    %get3A_1327 = tpu.vector_load %arg7[%get3A_1325, %get3A_1326] {strides = array<i32>} : memref<200x64xf32, #tpu.memory_space<vmem>>, vector<16xf32>,
    %get3A_1328 = arith.constant 199 : i32
    %get3A_1329 = arith.index_cast %get3A_1328 : i32 to index
    %get3A_1330 = arith.constant 32 : index
    %get3A_1331 = tpu.vector_load %arg7[%get3A_1329, %get3A_1330] {strides = array<i32>} : memref<200x64xf32, #tpu.memory_space<vmem>>, vector<16xf32>,
    %get3A_1332 = arith.constant 199 : i32
    %get3A_1333 = arith.index_cast %get3A_1332 : i32 to index
    %get3A_1334 = arith.constant 48 : index
    %get3A_1335 = tpu.vector_load %arg7[%get3A_1333, %get3A_1334] {strides = array<i32>} : memref<200x64xf32, #tpu.memory_space<vmem>>, vector<16xf32>,
    %add3A_1336 = arith.constant 0 : i32
    %add3A_1337 = vector.broadcast %add3A_1336 : i32 to vector<16xi32>
    %add3A_1338 = arith.addi %add3A_1337, %iota3A_1319 : vector<16xi32>
    %jit3A_1339 = arith.constant 8 : i32
    %div3A_1340 = vector.broadcast %jit3A_1339 : i32 to vector<16xi32>
    %div3A_1341 = arith.divsi %add3A_1338, %div3A_1340 : vector<16xi32>
    %sign3A_1342 = arith.constant 0 : i32
    %sign3A_1343 = vector.broadcast %sign3A_1342 : i32 to vector<16xi32>
    %sign3A_1344 = arith.cmpi sgt, %add3A_1338, %sign3A_1343 : vector<16xi32>
    %sign3A_1345 = arith.extui %sign3A_1344 : vector<16xi1> to vector<16xi32>
    %sign3A_1346 = arith.constant 0 : i32
    %sign3A_1347 = vector.broadcast %sign3A_1346 : i32 to vector<16xi32>
    %sign3A_1348 = arith.cmpi slt, %add3A_1338, %sign3A_1347 : vector<16xi32>
    %sign3A_1349 = arith.extui %sign3A_1348 : vector<16xi1> to vector<16xi32>
    %sign3A_1350 = arith.subi %sign3A_1345, %sign3A_1349 : vector<16xi32>
    %sign3A_1351 = arith.constant 0 : i32
    %sign3A_1352 = arith.cmpi sgt, %jit3A_1339, %sign3A_1351 : i32
    %sign3A_1353 = arith.extui %sign3A_1352 : i1 to i32
    %sign3A_1354 = arith.constant 0 : i32
    %sign3A_1355 = arith.cmpi slt, %jit3A_1339, %sign3A_1354 : i32
    %sign3A_1356 = arith.extui %sign3A_1355 : i1 to i32
    %sign3A_1357 = arith.subi %sign3A_1353, %sign3A_1356 : i32
    %ne3A_1358 = vector.broadcast %sign3A_1357 : i32 to vector<16xi32>
    %ne3A_1359 = arith.cmpi ne, %sign3A_1350, %ne3A_1358 : vector<16xi32>
    %rem3A_1360 = vector.broadcast %jit3A_1339 : i32 to vector<16xi32>
    %rem3A_1361 = arith.remsi %add3A_1338, %rem3A_1360 : vector<16xi32>
    %ne3A_1362 = arith.constant 0 : i32
    %ne3A_1363 = vector.broadcast %ne3A_1362 : i32 to vector<16xi32>
    %ne3A_1364 = arith.cmpi ne, %rem3A_1361, %ne3A_1363 : vector<16xi32>
    %and3A_1365 = arith.andi %ne3A_1359, %ne3A_1364 : vector<16xi1>
    %sub3A_1366 = arith.constant 1 : i32
    %sub3A_1367 = vector.broadcast %sub3A_1366 : i32 to vector<16xi32>
    %sub3A_1368 = arith.subi %div3A_1341, %sub3A_1367 : vector<16xi32>
    %select_n3A_1369 = arith.select %and3A_1365, %sub3A_1368, %div3A_1341 : vector<16xi1>, vector<16xi32>
    %add3A_1370 = arith.constant 16 : i32
    %add3A_1371 = vector.broadcast %add3A_1370 : i32 to vector<16xi32>
    %add3A_1372 = arith.addi %add3A_1371, %iota3A_1319 : vector<16xi32>
    %jit3A_1373 = arith.constant 8 : i32
    %div3A_1374 = vector.broadcast %jit3A_1373 : i32 to vector<16xi32>
    %div3A_1375 = arith.divsi %add3A_1372, %div3A_1374 : vector<16xi32>
    %sign3A_1376 = arith.constant 0 : i32
    %sign3A_1377 = vector.broadcast %sign3A_1376 : i32 to vector<16xi32>
    %sign3A_1378 = arith.cmpi sgt, %add3A_1372, %sign3A_1377 : vector<16xi32>
    %sign3A_1379 = arith.extui %sign3A_1378 : vector<16xi1> to vector<16xi32>
    %sign3A_1380 = arith.constant 0 : i32
    %sign3A_1381 = vector.broadcast %sign3A_1380 : i32 to vector<16xi32>
    %sign3A_1382 = arith.cmpi slt, %add3A_1372, %sign3A_1381 : vector<16xi32>
    %sign3A_1383 = arith.extui %sign3A_1382 : vector<16xi1> to vector<16xi32>
    %sign3A_1384 = arith.subi %sign3A_1379, %sign3A_1383 : vector<16xi32>
    %sign3A_1385 = arith.constant 0 : i32
    %sign3A_1386 = arith.cmpi sgt, %jit3A_1373, %sign3A_1385 : i32
    %sign3A_1387 = arith.extui %sign3A_1386 : i1 to i32
    %sign3A_1388 = arith.constant 0 : i32
    %sign3A_1389 = arith.cmpi slt, %jit3A_1373, %sign3A_1388 : i32
    %sign3A_1390 = arith.extui %sign3A_1389 : i1 to i32
    %sign3A_1391 = arith.subi %sign3A_1387, %sign3A_1390 : i32
    %ne3A_1392 = vector.broadcast %sign3A_1391 : i32 to vector<16xi32>
    %ne3A_1393 = arith.cmpi ne, %sign3A_1384, %ne3A_1392 : vector<16xi32>
    %rem3A_1394 = vector.broadcast %jit3A_1373 : i32 to vector<16xi32>
    %rem3A_1395 = arith.remsi %add3A_1372, %rem3A_1394 : vector<16xi32>
    %ne3A_1396 = arith.constant 0 : i32
    %ne3A_1397 = vector.broadcast %ne3A_1396 : i32 to vector<16xi32>
    %ne3A_1398 = arith.cmpi ne, %rem3A_1395, %ne3A_1397 : vector<16xi32>
    %and3A_1399 = arith.andi %ne3A_1393, %ne3A_1398 : vector<16xi1>
    %sub3A_1400 = arith.constant 1 : i32
    %sub3A_1401 = vector.broadcast %sub3A_1400 : i32 to vector<16xi32>
    %sub3A_1402 = arith.subi %div3A_1375, %sub3A_1401 : vector<16xi32>
    %select_n3A_1403 = arith.select %and3A_1399, %sub3A_1402, %div3A_1375 : vector<16xi1>, vector<16xi32>
    %add3A_1404 = arith.constant 32 : i32
    %add3A_1405 = vector.broadcast %add3A_1404 : i32 to vector<16xi32>
    %add3A_1406 = arith.addi %add3A_1405, %iota3A_1319 : vector<16xi32>
    %jit3A_1407 = arith.constant 8 : i32
    %div3A_1408 = vector.broadcast %jit3A_1407 : i32 to vector<16xi32>
    %div3A_1409 = arith.divsi %add3A_1406, %div3A_1408 : vector<16xi32>
    %sign3A_1410 = arith.constant 0 : i32
    %sign3A_1411 = vector.broadcast %sign3A_1410 : i32 to vector<16xi32>
    %sign3A_1412 = arith.cmpi sgt, %add3A_1406, %sign3A_1411 : vector<16xi32>
    %sign3A_1413 = arith.extui %sign3A_1412 : vector<16xi1> to vector<16xi32>
    %sign3A_1414 = arith.constant 0 : i32
    %sign3A_1415 = vector.broadcast %sign3A_1414 : i32 to vector<16xi32>
    %sign3A_1416 = arith.cmpi slt, %add3A_1406, %sign3A_1415 : vector<16xi32>
    %sign3A_1417 = arith.extui %sign3A_1416 : vector<16xi1> to vector<16xi32>
    %sign3A_1418 = arith.subi %sign3A_1413, %sign3A_1417 : vector<16xi32>
    %sign3A_1419 = arith.constant 0 : i32
    %sign3A_1420 = arith.cmpi sgt, %jit3A_1407, %sign3A_1419 : i32
    %sign3A_1421 = arith.extui %sign3A_1420 : i1 to i32
    %sign3A_1422 = arith.constant 0 : i32
    %sign3A_1423 = arith.cmpi slt, %jit3A_1407, %sign3A_1422 : i32
    %sign3A_1424 = arith.extui %sign3A_1423 : i1 to i32
    %sign3A_1425 = arith.subi %sign3A_1421, %sign3A_1424 : i32
    %ne3A_1426 = vector.broadcast %sign3A_1425 : i32 to vector<16xi32>
    %ne3A_1427 = arith.cmpi ne, %sign3A_1418, %ne3A_1426 : vector<16xi32>
    %rem3A_1428 = vector.broadcast %jit3A_1407 : i32 to vector<16xi32>
    %rem3A_1429 = arith.remsi %add3A_1406, %rem3A_1428 : vector<16xi32>
    %ne3A_1430 = arith.constant 0 : i32
    %ne3A_1431 = vector.broadcast %ne3A_1430 : i32 to vector<16xi32>
    %ne3A_1432 = arith.cmpi ne, %rem3A_1429, %ne3A_1431 : vector<16xi32>
    %and3A_1433 = arith.andi %ne3A_1427, %ne3A_1432 : vector<16xi1>
    %sub3A_1434 = arith.constant 1 : i32
    %sub3A_1435 = vector.broadcast %sub3A_1434 : i32 to vector<16xi32>
    %sub3A_1436 = arith.subi %div3A_1409, %sub3A_1435 : vector<16xi32>
    %select_n3A_1437 = arith.select %and3A_1433, %sub3A_1436, %div3A_1409 : vector<16xi1>, vector<16xi32>
    %add3A_1438 = arith.constant 48 : i32
    %add3A_1439 = vector.broadcast %add3A_1438 : i32 to vector<16xi32>
    %add3A_1440 = arith.addi %add3A_1439, %iota3A_1319 : vector<16xi32>
    %jit3A_1441 = arith.constant 8 : i32
    %div3A_1442 = vector.broadcast %jit3A_1441 : i32 to vector<16xi32>
    %div3A_1443 = arith.divsi %add3A_1440, %div3A_1442 : vector<16xi32>
    %sign3A_1444 = arith.constant 0 : i32
    %sign3A_1445 = vector.broadcast %sign3A_1444 : i32 to vector<16xi32>
    %sign3A_1446 = arith.cmpi sgt, %add3A_1440, %sign3A_1445 : vector<16xi32>
    %sign3A_1447 = arith.extui %sign3A_1446 : vector<16xi1> to vector<16xi32>
    %sign3A_1448 = arith.constant 0 : i32
    %sign3A_1449 = vector.broadcast %sign3A_1448 : i32 to vector<16xi32>
    %sign3A_1450 = arith.cmpi slt, %add3A_1440, %sign3A_1449 : vector<16xi32>
    %sign3A_1451 = arith.extui %sign3A_1450 : vector<16xi1> to vector<16xi32>
    %sign3A_1452 = arith.subi %sign3A_1447, %sign3A_1451 : vector<16xi32>
    %sign3A_1453 = arith.constant 0 : i32
    %sign3A_1454 = arith.cmpi sgt, %jit3A_1441, %sign3A_1453 : i32
    %sign3A_1455 = arith.extui %sign3A_1454 : i1 to i32
    %sign3A_1456 = arith.constant 0 : i32
    %sign3A_1457 = arith.cmpi slt, %jit3A_1441, %sign3A_1456 : i32
    %sign3A_1458 = arith.extui %sign3A_1457 : i1 to i32
    %sign3A_1459 = arith.subi %sign3A_1455, %sign3A_1458 : i32
    %ne3A_1460 = vector.broadcast %sign3A_1459 : i32 to vector<16xi32>
    %ne3A_1461 = arith.cmpi ne, %sign3A_1452, %ne3A_1460 : vector<16xi32>
    %rem3A_1462 = vector.broadcast %jit3A_1441 : i32 to vector<16xi32>
    %rem3A_1463 = arith.remsi %add3A_1440, %rem3A_1462 : vector<16xi32>
    %ne3A_1464 = arith.constant 0 : i32
    %ne3A_1465 = vector.broadcast %ne3A_1464 : i32 to vector<16xi32>
    %ne3A_1466 = arith.cmpi ne, %rem3A_1463, %ne3A_1465 : vector<16xi32>
    %and3A_1467 = arith.andi %ne3A_1461, %ne3A_1466 : vector<16xi1>
    %sub3A_1468 = arith.constant 1 : i32
    %sub3A_1469 = vector.broadcast %sub3A_1468 : i32 to vector<16xi32>
    %sub3A_1470 = arith.subi %div3A_1443, %sub3A_1469 : vector<16xi32>
    %select_n3A_1471 = arith.select %and3A_1467, %sub3A_1470, %div3A_1443 : vector<16xi1>, vector<16xi32>
    %add3A_1472 = arith.constant 0 : i32
    %add3A_1473 = vector.broadcast %add3A_1472 : i32 to vector<16xi32>
    %add3A_1474 = arith.addi %add3A_1473, %iota3A_1319 : vector<16xi32>
    %jit3A_1475 = arith.constant 8 : i32
    %eq3A_1476 = arith.constant 0 : i32
    %eq3A_1477 = arith.cmpi eq, %jit3A_1475, %eq3A_1476 : i32
    %jit3A_1478 = arith.constant 1 : i32
    %select_n3A_1479 = arith.select %eq3A_1477, %jit3A_1478, %jit3A_1475 : i32
    %rem3A_1480 = vector.broadcast %select_n3A_1479 : i32 to vector<16xi32>
    %rem3A_1481 = arith.remsi %add3A_1474, %rem3A_1480 : vector<16xi32>
    %ne3A_1482 = arith.constant 0 : i32
    %ne3A_1483 = vector.broadcast %ne3A_1482 : i32 to vector<16xi32>
    %ne3A_1484 = arith.cmpi ne, %rem3A_1481, %ne3A_1483 : vector<16xi32>
    %lt3A_1485 = arith.constant 0 : i32
    %lt3A_1486 = vector.broadcast %lt3A_1485 : i32 to vector<16xi32>
    %lt3A_1487 = arith.cmpi slt, %rem3A_1481, %lt3A_1486 : vector<16xi32>
    %lt3A_1488 = arith.constant 0 : i32
    %lt3A_1489 = arith.cmpi slt, %select_n3A_1479, %lt3A_1488 : i32
    %ne3A_1490 = vector.broadcast %lt3A_1489 : i1 to vector<16xi1>
    %ne3A_1491 = vector.broadcast %ne3A_1490 : vector<16xi1> to vector<16xi1>
    %ne3A_1492 = arith.xori %lt3A_1487, %ne3A_1491 : vector<16xi1>
    %and3A_1493 = arith.andi %ne3A_1492, %ne3A_1484 : vector<16xi1>
    %add3A_1494 = vector.broadcast %select_n3A_1479 : i32 to vector<16xi32>
    %add3A_1495 = arith.addi %rem3A_1481, %add3A_1494 : vector<16xi32>
    %select_n3A_1496 = arith.select %and3A_1493, %add3A_1495, %rem3A_1481 : vector<16xi1>, vector<16xi32>
    %add3A_1497 = arith.constant 16 : i32
    %add3A_1498 = vector.broadcast %add3A_1497 : i32 to vector<16xi32>
    %add3A_1499 = arith.addi %add3A_1498, %iota3A_1319 : vector<16xi32>
    %jit3A_1500 = arith.constant 8 : i32
    %eq3A_1501 = arith.constant 0 : i32
    %eq3A_1502 = arith.cmpi eq, %jit3A_1500, %eq3A_1501 : i32
    %jit3A_1503 = arith.constant 1 : i32
    %select_n3A_1504 = arith.select %eq3A_1502, %jit3A_1503, %jit3A_1500 : i32
    %rem3A_1505 = vector.broadcast %select_n3A_1504 : i32 to vector<16xi32>
    %rem3A_1506 = arith.remsi %add3A_1499, %rem3A_1505 : vector<16xi32>
    %ne3A_1507 = arith.constant 0 : i32
    %ne3A_1508 = vector.broadcast %ne3A_1507 : i32 to vector<16xi32>
    %ne3A_1509 = arith.cmpi ne, %rem3A_1506, %ne3A_1508 : vector<16xi32>
    %lt3A_1510 = arith.constant 0 : i32
    %lt3A_1511 = vector.broadcast %lt3A_1510 : i32 to vector<16xi32>
    %lt3A_1512 = arith.cmpi slt, %rem3A_1506, %lt3A_1511 : vector<16xi32>
    %lt3A_1513 = arith.constant 0 : i32
    %lt3A_1514 = arith.cmpi slt, %select_n3A_1504, %lt3A_1513 : i32
    %ne3A_1515 = vector.broadcast %lt3A_1514 : i1 to vector<16xi1>
    %ne3A_1516 = vector.broadcast %ne3A_1515 : vector<16xi1> to vector<16xi1>
    %ne3A_1517 = arith.xori %lt3A_1512, %ne3A_1516 : vector<16xi1>
    %and3A_1518 = arith.andi %ne3A_1517, %ne3A_1509 : vector<16xi1>
    %add3A_1519 = vector.broadcast %select_n3A_1504 : i32 to vector<16xi32>
    %add3A_1520 = arith.addi %rem3A_1506, %add3A_1519 : vector<16xi32>
    %select_n3A_1521 = arith.select %and3A_1518, %add3A_1520, %rem3A_1506 : vector<16xi1>, vector<16xi32>
    %add3A_1522 = arith.constant 32 : i32
    %add3A_1523 = vector.broadcast %add3A_1522 : i32 to vector<16xi32>
    %add3A_1524 = arith.addi %add3A_1523, %iota3A_1319 : vector<16xi32>
    %jit3A_1525 = arith.constant 8 : i32
    %eq3A_1526 = arith.constant 0 : i32
    %eq3A_1527 = arith.cmpi eq, %jit3A_1525, %eq3A_1526 : i32
    %jit3A_1528 = arith.constant 1 : i32
    %select_n3A_1529 = arith.select %eq3A_1527, %jit3A_1528, %jit3A_1525 : i32
    %rem3A_1530 = vector.broadcast %select_n3A_1529 : i32 to vector<16xi32>
    %rem3A_1531 = arith.remsi %add3A_1524, %rem3A_1530 : vector<16xi32>
    %ne3A_1532 = arith.constant 0 : i32
    %ne3A_1533 = vector.broadcast %ne3A_1532 : i32 to vector<16xi32>
    %ne3A_1534 = arith.cmpi ne, %rem3A_1531, %ne3A_1533 : vector<16xi32>
    %lt3A_1535 = arith.constant 0 : i32
    %lt3A_1536 = vector.broadcast %lt3A_1535 : i32 to vector<16xi32>
    %lt3A_1537 = arith.cmpi slt, %rem3A_1531, %lt3A_1536 : vector<16xi32>
    %lt3A_1538 = arith.constant 0 : i32
    %lt3A_1539 = arith.cmpi slt, %select_n3A_1529, %lt3A_1538 : i32
    %ne3A_1540 = vector.broadcast %lt3A_1539 : i1 to vector<16xi1>
    %ne3A_1541 = vector.broadcast %ne3A_1540 : vector<16xi1> to vector<16xi1>
    %ne3A_1542 = arith.xori %lt3A_1537, %ne3A_1541 : vector<16xi1>
    %and3A_1543 = arith.andi %ne3A_1542, %ne3A_1534 : vector<16xi1>
    %add3A_1544 = vector.broadcast %select_n3A_1529 : i32 to vector<16xi32>
    %add3A_1545 = arith.addi %rem3A_1531, %add3A_1544 : vector<16xi32>
    %select_n3A_1546 = arith.select %and3A_1543, %add3A_1545, %rem3A_1531 : vector<16xi1>, vector<16xi32>
    %add3A_1547 = arith.constant 48 : i32
    %add3A_1548 = vector.broadcast %add3A_1547 : i32 to vector<16xi32>
    %add3A_1549 = arith.addi %add3A_1548, %iota3A_1319 : vector<16xi32>
    %jit3A_1550 = arith.constant 8 : i32
    %eq3A_1551 = arith.constant 0 : i32
    %eq3A_1552 = arith.cmpi eq, %jit3A_1550, %eq3A_1551 : i32
    %jit3A_1553 = arith.constant 1 : i32
    %select_n3A_1554 = arith.select %eq3A_1552, %jit3A_1553, %jit3A_1550 : i32
    %rem3A_1555 = vector.broadcast %select_n3A_1554 : i32 to vector<16xi32>
    %rem3A_1556 = arith.remsi %add3A_1549, %rem3A_1555 : vector<16xi32>
    %ne3A_1557 = arith.constant 0 : i32
    %ne3A_1558 = vector.broadcast %ne3A_1557 : i32 to vector<16xi32>
    %ne3A_1559 = arith.cmpi ne, %rem3A_1556, %ne3A_1558 : vector<16xi32>
    %lt3A_1560 = arith.constant 0 : i32
    %lt3A_1561 = vector.broadcast %lt3A_1560 : i32 to vector<16xi32>
    %lt3A_1562 = arith.cmpi slt, %rem3A_1556, %lt3A_1561 : vector<16xi32>
    %lt3A_1563 = arith.constant 0 : i32
    %lt3A_1564 = arith.cmpi slt, %select_n3A_1554, %lt3A_1563 : i32
    %ne3A_1565 = vector.broadcast %lt3A_1564 : i1 to vector<16xi1>
    %ne3A_1566 = vector.broadcast %ne3A_1565 : vector<16xi1> to vector<16xi1>
    %ne3A_1567 = arith.xori %lt3A_1562, %ne3A_1566 : vector<16xi1>
    %and3A_1568 = arith.andi %ne3A_1567, %ne3A_1559 : vector<16xi1>
    %add3A_1569 = vector.broadcast %select_n3A_1554 : i32 to vector<16xi32>
    %add3A_1570 = arith.addi %rem3A_1556, %add3A_1569 : vector<16xi32>
    %select_n3A_1571 = arith.select %and3A_1568, %add3A_1570, %rem3A_1556 : vector<16xi1>, vector<16xi32>
    %parallel_loop3A_1572 = arith.constant 0 : i32
    %parallel_loop3A_1573 = arith.constant 128 : i32
    %parallel_loop3A_1574 = arith.constant 1 : i32
    scf.for %parallel_loop3A_1641 = %parallel_loop3A_1572 to %parallel_loop3A_1573 step %parallel_loop3A_1574  : i32 {
      %parallel_loop3A_1642 = arith.constant 0 : i32
      %parallel_loop3A_1643 = vector.broadcast %parallel_loop3A_1642 : i32 to vector<16xi32>
      %parallel_loop3A_1644 = vector.broadcast %parallel_loop3A_1641 : i32 to vector<16xi32>
      %parallel_loop3A_1645 = arith.addi %parallel_loop3A_1643, %parallel_loop3A_1644 : vector<16xi32>
      %parallel_loop3A_1646 = arith.constant 4 : i32
      %parallel_loop3A_1647 = arith.index_cast %parallel_loop3A_1646 : i32 to index
      %parallel_loop3A_1648 = arith.index_cast %parallel_loop3A_1641 : i32 to index
      %parallel_loop3A_1649 = arith.constant 0 : index
      %parallel_loop3A_1650 = tpu.vector_load %arg8[%parallel_loop3A_1647, %parallel_loop3A_1648, %parallel_loop3A_1649] {strides = array<i32>} : memref<5x128x64xf32, #tpu.memory_space<vmem>>, vector<16xf32>,
      %parallel_loop3A_1651 = arith.addf %parallel_loop3A_1650, %get3A_1323 : vector<16xf32>
      %parallel_loop3A_1652 = arith.constant 4 : i32
      %parallel_loop3A_1653 = arith.constant 0 : i32
      %parallel_loop3A_1654 = arith.constant 0 : i32
      %parallel_loop3A_1655 = arith.constant 0 : i32
      %parallel_loop3A_1656 = tpu.memref_slice %arg9[%parallel_loop3A_1652, %parallel_loop3A_1653, %parallel_loop3A_1654, %parallel_loop3A_1655] : memref<5x8x8x129xf32, #tpu.memory_space<vmem>> -> memref<1x8x8x129xf32, #tpu.memory_space<vmem>>
      %parallel_loop3A_1657 = tpu.memref_squeeze %parallel_loop3A_1656 : memref<1x8x8x129xf32, #tpu.memory_space<vmem>> -> memref<8x8x129xf32, #tpu.memory_space<vmem>>
      tpu.vector_store_idx %parallel_loop3A_1657[%select_n3A_1369, %select_n3A_1496, %parallel_loop3A_1645], %parallel_loop3A_1651 : memref<8x8x129xf32, #tpu.memory_space<vmem>>[vector<16xi32>, vector<16xi32>, vector<16xi32>], vector<16xf32>,
      %parallel_loop3A_1658 = arith.constant 4 : i32
      %parallel_loop3A_1659 = arith.index_cast %parallel_loop3A_1658 : i32 to index
      %parallel_loop3A_1660 = arith.index_cast %parallel_loop3A_1641 : i32 to index
      %parallel_loop3A_1661 = arith.constant 16 : index
      %parallel_loop3A_1662 = tpu.vector_load %arg8[%parallel_loop3A_1659, %parallel_loop3A_1660, %parallel_loop3A_1661] {strides = array<i32>} : memref<5x128x64xf32, #tpu.memory_space<vmem>>, vector<16xf32>,
      %parallel_loop3A_1663 = arith.addf %parallel_loop3A_1662, %get3A_1327 : vector<16xf32>
      %parallel_loop3A_1664 = arith.constant 4 : i32
      %parallel_loop3A_1665 = arith.constant 0 : i32
      %parallel_loop3A_1666 = arith.constant 0 : i32
      %parallel_loop3A_1667 = arith.constant 0 : i32
      %parallel_loop3A_1668 = tpu.memref_slice %arg9[%parallel_loop3A_1664, %parallel_loop3A_1665, %parallel_loop3A_1666, %parallel_loop3A_1667] : memref<5x8x8x129xf32, #tpu.memory_space<vmem>> -> memref<1x8x8x129xf32, #tpu.memory_space<vmem>>
      %parallel_loop3A_1669 = tpu.memref_squeeze %parallel_loop3A_1668 : memref<1x8x8x129xf32, #tpu.memory_space<vmem>> -> memref<8x8x129xf32, #tpu.memory_space<vmem>>
      tpu.vector_store_idx %parallel_loop3A_1669[%select_n3A_1403, %select_n3A_1521, %parallel_loop3A_1645], %parallel_loop3A_1663 : memref<8x8x129xf32, #tpu.memory_space<vmem>>[vector<16xi32>, vector<16xi32>, vector<16xi32>], vector<16xf32>,
      %parallel_loop3A_1670 = arith.constant 4 : i32
      %parallel_loop3A_1671 = arith.index_cast %parallel_loop3A_1670 : i32 to index
      %parallel_loop3A_1672 = arith.index_cast %parallel_loop3A_1641 : i32 to index
      %parallel_loop3A_1673 = arith.constant 32 : index
      %parallel_loop3A_1674 = tpu.vector_load %arg8[%parallel_loop3A_1671, %parallel_loop3A_1672, %parallel_loop3A_1673] {strides = array<i32>} : memref<5x128x64xf32, #tpu.memory_space<vmem>>, vector<16xf32>,
      %parallel_loop3A_1675 = arith.addf %parallel_loop3A_1674, %get3A_1331 : vector<16xf32>
      %parallel_loop3A_1676 = arith.constant 4 : i32
      %parallel_loop3A_1677 = arith.constant 0 : i32
      %parallel_loop3A_1678 = arith.constant 0 : i32
      %parallel_loop3A_1679 = arith.constant 0 : i32
      %parallel_loop3A_1680 = tpu.memref_slice %arg9[%parallel_loop3A_1676, %parallel_loop3A_1677, %parallel_loop3A_1678, %parallel_loop3A_1679] : memref<5x8x8x129xf32, #tpu.memory_space<vmem>> -> memref<1x8x8x129xf32, #tpu.memory_space<vmem>>
      %parallel_loop3A_1681 = tpu.memref_squeeze %parallel_loop3A_1680 : memref<1x8x8x129xf32, #tpu.memory_space<vmem>> -> memref<8x8x129xf32, #tpu.memory_space<vmem>>
      tpu.vector_store_idx %parallel_loop3A_1681[%select_n3A_1437, %select_n3A_1546, %parallel_loop3A_1645], %parallel_loop3A_1675 : memref<8x8x129xf32, #tpu.memory_space<vmem>>[vector<16xi32>, vector<16xi32>, vector<16xi32>], vector<16xf32>,
      %parallel_loop3A_1682 = arith.constant 4 : i32
      %parallel_loop3A_1683 = arith.index_cast %parallel_loop3A_1682 : i32 to index
      %parallel_loop3A_1684 = arith.index_cast %parallel_loop3A_1641 : i32 to index
      %parallel_loop3A_1685 = arith.constant 48 : index
      %parallel_loop3A_1686 = tpu.vector_load %arg8[%parallel_loop3A_1683, %parallel_loop3A_1684, %parallel_loop3A_1685] {strides = array<i32>} : memref<5x128x64xf32, #tpu.memory_space<vmem>>, vector<16xf32>,
      %parallel_loop3A_1687 = arith.addf %parallel_loop3A_1686, %get3A_1335 : vector<16xf32>
      %parallel_loop3A_1688 = arith.constant 4 : i32
      %parallel_loop3A_1689 = arith.constant 0 : i32
      %parallel_loop3A_1690 = arith.constant 0 : i32
      %parallel_loop3A_1691 = arith.constant 0 : i32
      %parallel_loop3A_1692 = tpu.memref_slice %arg9[%parallel_loop3A_1688, %parallel_loop3A_1689, %parallel_loop3A_1690, %parallel_loop3A_1691] : memref<5x8x8x129xf32, #tpu.memory_space<vmem>> -> memref<1x8x8x129xf32, #tpu.memory_space<vmem>>
      %parallel_loop3A_1693 = tpu.memref_squeeze %parallel_loop3A_1692 : memref<1x8x8x129xf32, #tpu.memory_space<vmem>> -> memref<8x8x129xf32, #tpu.memory_space<vmem>>
      tpu.vector_store_idx %parallel_loop3A_1693[%select_n3A_1471, %select_n3A_1571, %parallel_loop3A_1645], %parallel_loop3A_1687 : memref<8x8x129xf32, #tpu.memory_space<vmem>>[vector<16xi32>, vector<16xi32>, vector<16xi32>], vector<16xf32>,
    } {sc.loop_unroll_factor = 2 : i64, sc.parallel_access}
    %dma_start3A_1575 = arith.constant 4 : i32
    %dma_start3A_1576 = arith.constant 199 : i32
    %dma_start3A_1577 = arith.constant 0 : i32
    %dma_start3A_1578 = arith.constant 0 : i32
    %dma_start3A_1579 = arith.constant 0 : i32
    %dma_start3A_1580 = tpu.memref_slice %arg9[%dma_start3A_1575, %dma_start3A_1577, %dma_start3A_1578, %dma_start3A_1579] : memref<5x8x8x129xf32, #tpu.memory_space<vmem>> -> memref<1x8x8x128xf32, #tpu.memory_space<vmem>>
    %dma_start3A_1581 = tpu.memref_squeeze %dma_start3A_1580 : memref<1x8x8x128xf32, #tpu.memory_space<vmem>> -> memref<8x8x128xf32, #tpu.memory_space<vmem>>
    %dma_start3A_1582 = arith.constant 0 : i32
    %dma_start3A_1583 = arith.constant 0 : i32
    %dma_start3A_1584 = arith.constant 0 : i32
    %dma_start3A_1585 = tpu.memref_slice %arg5[%dma_start3A_1576, %dma_start3A_1582, %add3A, %dma_start3A_1583, %dma_start3A_1584] : memref<200x8x32x8x128xf32, #tpu.memory_space<hbm>> -> memref<1x8x1x8x128xf32, #tpu.memory_space<hbm>>
    %dma_start3A_1586 = tpu.memref_squeeze %dma_start3A_1585 : memref<1x8x1x8x128xf32, #tpu.memory_space<hbm>> -> memref<8x8x128xf32, #tpu.memory_space<hbm>>
    %dma_start3A_1587 = arith.constant 0 : i32
    %dma_start3A_1588 = arith.constant 0 : i32
    %dma_start3A_1589 = arith.constant 0 : i32
    %dma_start3A_1590 = tpu.memref_slice %arg5[%dma_start3A_1576, %dma_start3A_1587, %add3A, %dma_start3A_1588, %dma_start3A_1589] : memref<200x8x32x8x128xf32, #tpu.memory_space<hbm>> -> memref<1x8x1x8x128xf32, #tpu.memory_space<hbm>>
    %dma_start3A_1591 = tpu.memref_squeeze %dma_start3A_1590 : memref<1x8x1x8x128xf32, #tpu.memory_space<hbm>> -> memref<8x8x128xf32, #tpu.memory_space<hbm>>
    %dma_start3A_1592 = arith.constant 0 : i32
    %dma_start3A_1593 = arith.constant 0 : i32
    %dma_start3A_1594 = arith.constant 0 : i32
    %dma_start3A_1595 = tpu.memref_slice %arg9[%dma_start3A_1575, %dma_start3A_1592, %dma_start3A_1593, %dma_start3A_1594] : memref<5x8x8x129xf32, #tpu.memory_space<vmem>> -> memref<1x8x8x128xf32, #tpu.memory_space<vmem>>
    %dma_start3A_1596 = tpu.memref_squeeze %dma_start3A_1595 : memref<1x8x8x128xf32, #tpu.memory_space<vmem>> -> memref<8x8x128xf32, #tpu.memory_space<vmem>>
    tpu.enqueue_dma source(%dma_start3A_1596 : memref<8x8x128xf32, #tpu.memory_space<vmem>>) target(%dma_start3A_1591 : memref<8x8x128xf32, #tpu.memory_space<hbm>>) target_semaphore(%arg19 : memref<!tpu.dma_semaphore, #tpu.memory_space<semaphore_mem>>)
    %dma_wait3A_1597 = arith.constant 3 : i32
    %dma_wait3A_1598 = arith.constant 0 : i32
    %dma_wait3A_1599 = arith.constant 0 : i32
    %dma_wait3A_1600 = arith.constant 0 : i32
    %dma_wait3A_1601 = arith.constant 0 : i32
    %dma_wait3A_1602 = tpu.memref_slice %arg9[%dma_wait3A_1597, %dma_wait3A_1599, %dma_wait3A_1600, %dma_wait3A_1601] : memref<5x8x8x129xf32, #tpu.memory_space<vmem>> -> memref<1x8x8x128xf32, #tpu.memory_space<vmem>>
    %dma_wait3A_1603 = tpu.memref_squeeze %dma_wait3A_1602 : memref<1x8x8x128xf32, #tpu.memory_space<vmem>> -> memref<8x8x128xf32, #tpu.memory_space<vmem>>
    %dma_wait3A_1604 = arith.constant 0 : i32
    %dma_wait3A_1605 = arith.constant 0 : i32
    %dma_wait3A_1606 = arith.constant 0 : i32
    %dma_wait3A_1607 = tpu.memref_slice %arg5[%dma_wait3A_1598, %dma_wait3A_1604, %add3A, %dma_wait3A_1605, %dma_wait3A_1606] : memref<200x8x32x8x128xf32, #tpu.memory_space<hbm>> -> memref<1x8x1x8x128xf32, #tpu.memory_space<hbm>>
    %dma_wait3A_1608 = tpu.memref_squeeze %dma_wait3A_1607 : memref<1x8x1x8x128xf32, #tpu.memory_space<hbm>> -> memref<8x8x128xf32, #tpu.memory_space<hbm>>
    %dma_wait3A_1609 = arith.constant 0 : i32
    %dma_wait3A_1610 = arith.constant 0 : i32
    %dma_wait3A_1611 = arith.constant 0 : i32
    %dma_wait3A_1612 = tpu.memref_slice %arg5[%dma_wait3A_1598, %dma_wait3A_1609, %add3A, %dma_wait3A_1610, %dma_wait3A_1611] : memref<200x8x32x8x128xf32, #tpu.memory_space<hbm>> -> memref<1x8x1x8x128xf32, #tpu.memory_space<hbm>>
    %dma_wait3A_1613 = tpu.memref_squeeze %dma_wait3A_1612 : memref<1x8x1x8x128xf32, #tpu.memory_space<hbm>> -> memref<8x8x128xf32, #tpu.memory_space<hbm>>
    %dma_wait3A_1614 = arith.constant 0 : i32
    %dma_wait3A_1615 = arith.constant 0 : i32
    %dma_wait3A_1616 = arith.constant 0 : i32
    %dma_wait3A_1617 = tpu.memref_slice %arg9[%dma_wait3A_1597, %dma_wait3A_1614, %dma_wait3A_1615, %dma_wait3A_1616] : memref<5x8x8x129xf32, #tpu.memory_space<vmem>> -> memref<1x8x8x128xf32, #tpu.memory_space<vmem>>
    %dma_wait3A_1618 = tpu.memref_squeeze %dma_wait3A_1617 : memref<1x8x8x128xf32, #tpu.memory_space<vmem>> -> memref<8x8x128xf32, #tpu.memory_space<vmem>>
    tpu.wait_dma2 semaphore(%arg18 : memref<!tpu.dma_semaphore, #tpu.memory_space<semaphore_mem>>) src(%dma_wait3A_1618 : memref<8x8x128xf32, #tpu.memory_space<vmem>>) dst(%dma_wait3A_1613 : memref<8x8x128xf32, #tpu.memory_space<hbm>>)
    %dma_wait3A_1619 = arith.constant 4 : i32
    %dma_wait3A_1620 = arith.constant 0 : i32
    %dma_wait3A_1621 = arith.constant 0 : i32
    %dma_wait3A_1622 = arith.constant 0 : i32
    %dma_wait3A_1623 = arith.constant 0 : i32
    %dma_wait3A_1624 = tpu.memref_slice %arg9[%dma_wait3A_1619, %dma_wait3A_1621, %dma_wait3A_1622, %dma_wait3A_1623] : memref<5x8x8x129xf32, #tpu.memory_space<vmem>> -> memref<1x8x8x128xf32, #tpu.memory_space<vmem>>
    %dma_wait3A_1625 = tpu.memref_squeeze %dma_wait3A_1624 : memref<1x8x8x128xf32, #tpu.memory_space<vmem>> -> memref<8x8x128xf32, #tpu.memory_space<vmem>>
    %dma_wait3A_1626 = arith.constant 0 : i32
    %dma_wait3A_1627 = arith.constant 0 : i32
    %dma_wait3A_1628 = arith.constant 0 : i32
    %dma_wait3A_1629 = tpu.memref_slice %arg5[%dma_wait3A_1620, %dma_wait3A_1626, %add3A, %dma_wait3A_1627, %dma_wait3A_1628] : memref<200x8x32x8x128xf32, #tpu.memory_space<hbm>> -> memref<1x8x1x8x128xf32, #tpu.memory_space<hbm>>
    %dma_wait3A_1630 = tpu.memref_squeeze %dma_wait3A_1629 : memref<1x8x1x8x128xf32, #tpu.memory_space<hbm>> -> memref<8x8x128xf32, #tpu.memory_space<hbm>>
    %dma_wait3A_1631 = arith.constant 0 : i32
    %dma_wait3A_1632 = arith.constant 0 : i32
    %dma_wait3A_1633 = arith.constant 0 : i32
    %dma_wait3A_1634 = tpu.memref_slice %arg5[%dma_wait3A_1620, %dma_wait3A_1631, %add3A, %dma_wait3A_1632, %dma_wait3A_1633] : memref<200x8x32x8x128xf32, #tpu.memory_space<hbm>> -> memref<1x8x1x8x128xf32, #tpu.memory_space<hbm>>
    %dma_wait3A_1635 = tpu.memref_squeeze %dma_wait3A_1634 : memref<1x8x1x8x128xf32, #tpu.memory_space<hbm>> -> memref<8x8x128xf32, #tpu.memory_space<hbm>>
    %dma_wait3A_1636 = arith.constant 0 : i32
    %dma_wait3A_1637 = arith.constant 0 : i32
    %dma_wait3A_1638 = arith.constant 0 : i32
    %dma_wait3A_1639 = tpu.memref_slice %arg9[%dma_wait3A_1619, %dma_wait3A_1636, %dma_wait3A_1637, %dma_wait3A_1638] : memref<5x8x8x129xf32, #tpu.memory_space<vmem>> -> memref<1x8x8x128xf32, #tpu.memory_space<vmem>>
    %dma_wait3A_1640 = tpu.memref_squeeze %dma_wait3A_1639 : memref<1x8x8x128xf32, #tpu.memory_space<vmem>> -> memref<8x8x128xf32, #tpu.memory_space<vmem>>
    tpu.wait_dma2 semaphore(%arg19 : memref<!tpu.dma_semaphore, #tpu.memory_space<semaphore_mem>>) src(%dma_wait3A_1640 : memref<8x8x128xf32, #tpu.memory_space<vmem>>) dst(%dma_wait3A_1635 : memref<8x8x128xf32, #tpu.memory_space<hbm>>)
    return
  }
}

</mosaic_0001>

<sc_bundles>
// kernel: kernel.3.cloned.1.call-start
scs
__scs_entry_jumppad:
0x0: {  	(pc) =	sbr.rel $0x88, $3  }
0x1: {  	(tag) =	ssettag $0x0;
	lr =	simm.s32 $0x1  }
0x2: {  	[smem:$0x3F9E] =	sst lr;
	_ =	strace $0xD0000000  }
0x3: {  	_ = 	snop  }
0x4: {  	_ = 	snop  }
0x5: {  	_ = 	snop  }
0x6: {  	_ = 	snop  }
0x7: {  	_ = 	snop  }
__scs_overlays_trampoline_lowered:
0x8: {  	[smem:$0x3FAD] =	sst s0  }
0x9: {  	[smem:$0x3FAE] =	sst s1  }
0xa: {  	[smem:$0x3FAF] =	sst s2  }
0xb: {  	[smem:$0x3FB0] =	sst s3  }
0xc: {  	[smem:$0x3FB1] =	sst s4  }
0xd: {  	[smem:$0x3FB2] =	sst s5  }
0xe: {  	[smem:$0x3FB3] =	sst s6  }
0xf: {  	[smem:$0x3FB4] =	sst s7  }
0x10: {  	[smem:$0x3FB5] =	sst s8  }
0x11: {  	[smem:$0x3FB6] =	sst s9;
	s0 =	simm.s32 @!p0 $0x0  }
0x12: {  	s1 =	sld [smem:$0x3F9C];
	s0 =	simm.s32 @p0 $0x1  }
0x13: {  	[smem:$0x3FB7] =	sst s0;
	s0 =	simm.s32 @!p1 $0x0  }
0x14: {  	s2 =	sld [smem:$0x3F9B];
	s0 =	simm.s32 @p1 $0x1  }
0x15: {  	[smem:$0x3FB8] =	sst s0;
	s0 =	simm.s32 @!p2 $0x0  }
0x16: {  	s3 =	sld [smem:$0x3FDB];
	s0 =	simm.s32 @p2 $0x1  }
0x17: {  	s4 =	simm.s32 $0x1BF5;
	[smem:$0x3FBA] =	sst s0  }
0x18: {  	s0 =	sld [smem:$0x3F9D];
	_ =	swait.ge [sflag:s4], $0x0  }
0x19: {  	s7 =	sld [smem:$0x3F9E]  }
0x1a: {  	s8 =	sadd.s32 $0xFFFFE003, lr  }
0x1b: {  	s9 =	sadd.s32 $0xFFFFFEF7, lr;
	s5 =	simm.s32 $0xFFFFFFFF;
	p2 =	slt.u32 s8, $0xFFFFF086  }
0x1c: {  	p1 =	slt.u32 s9, $0xF7A;
	s5 =	simm.s32 @!p2 $0x0  }
0x1d: {  	s5 =	simm.s32 @p1 $0x1;
	p0 =	seq.s32 s7, s2  }
0x1e: {  	s7 =	smul.u32 @!p0 $0xF7A, s2;
	p2 =	seq.s32 @!p0 s5, $0x0  }
0x1f: {  	s9 =	smul.u32 $0xF7A, s1;
	s8 =	simm.s32 @!p0 $0x1BF5;
	p2 =	por !p2, p0  }
0x20: {  	[sflag:s8] =	ssyncset.s32 @!p0 $0xFFFFF086;
	s6 =	sadd.s32 @!p0 s3, s7;
	s7 =	simm.s32 @!p0 $0x108  }
0x21: {  	s3 =	sadd.s32 s3, s9;
	s6 =	sadd.s32 @!p0 $0x88, s6;
	s7 =	simm.s32 @p2 $0x1082  }
0x22: {  	[simem:s7], [sflag:s8] =	dma.local @!p0 [hbm:s6], $0xF7A  }
0x23: {  	s9 =	sor.u32 $0xD0000000, s2;
	s6 =	simm.s32 $0x108;
	_ =	swait.ge @!p0 [sflag:s8], $0x0  }
0x24: {  	s3 =	sadd.s32 $0x88, s3;
	s6 =	simm.s32 @!p1 $0x1082;
	[sflag:s4] =	ssyncset.s32 $0xFFFFF086  }
0x25: {  	[simem:s6], [sflag:s4] =	dma.local [hbm:s3], $0xF7A  }
0x26: {  	[smem:$0x3F9E] =	sst s1;
	(tag) =	ssettag s2;
	_ =	strace s9  }
0x27: {  	s1 =	sld [smem:$0x3FAE]  }
0x28: {  	s2 =	sld [smem:$0x3FAF]  }
0x29: {  	s4 =	sld [smem:$0x3FB1]  }
0x2a: {  	p0 =	seq.s32 s5, $0x0;
	s5 =	sld [smem:$0x3FB2]  }
0x2b: {  	s6 =	sld [smem:$0x3FB3]  }
0x2c: {  	s7 =	sld [smem:$0x3FB4]  }
0x2d: {  	s3 =	simm.s32 $0x108;
	s8 =	sld [smem:$0x3FB5]  }
0x2e: {  	s3 =	simm.s32 @!p0 $0x1082;
	s9 =	sld [smem:$0x3FB6]  }
0x2f: {  	lr =	sadd.s32 s0, s3;
	s0 =	sld [smem:$0x3FAD]  }
0x30: {  	s3 =	sld [smem:$0x3FB0]  }
0x31: {  	[smem:$0x3FB9] =	sst s10  }
0x32: {  	s10 =	sld [smem:$0x3FB7];
	_ =	sdelay $0x3  }
0x33: {  	p0 =	seq.s32 s10, $0x1;
	s10 =	sld [smem:$0x3FB9];
	_ =	sdelay $0x3  }
0x34: {  	[smem:$0x3FB9] =	sst s10  }
0x35: {  	s10 =	sld [smem:$0x3FB8];
	_ =	sdelay $0x3  }
0x36: {  	p1 =	seq.s32 s10, $0x1;
	s10 =	sld [smem:$0x3FB9];
	_ =	sdelay $0x3  }
0x37: {  	[smem:$0x3FB9] =	sst s10  }
0x38: {  	s10 =	sld [smem:$0x3FBA]  }
0x39: {  	_ = 	snop;
	(pc) =	sbr.ind lr, $3  }
0x3a: {  	_ = 	snop  }
0x3b: {  	_ = 	snop  }
0x3c: {  	p2 =	seq.s32 s10, $0x1;
	s10 =	sld [smem:$0x3FB9]  }
0x3d: {  	_ =	shalt  }
0x3e: {  	_ =	shalt  }
0x3f: {  	_ =	shalt  }
0x40: {  	_ =	shalt  }
0x41: {  	_ =	shalt  }
0x42: {  	_ =	shalt  }
0x43: {  	_ =	shalt  }
0x44: {  	_ =	shalt  }
0x45: {  	_ =	shalt  }
0x46: {  	_ =	shalt  }
0x47: {  	_ =	shalt  }
0x48: {  	_ =	shalt  }
0x49: {  	_ =	shalt  }
0x4a: {  	_ =	shalt  }
0x4b: {  	_ =	shalt  }
0x4c: {  	_ =	shalt  }
0x4d: {  	_ =	shalt  }
0x4e: {  	_ =	shalt  }
0x4f: {  	_ =	shalt  }
0x50: {  	_ =	shalt  }
0x51: {  	_ =	shalt  }
0x52: {  	_ =	shalt  }
0x53: {  	_ =	shalt  }
0x54: {  	_ =	shalt  }
0x55: {  	_ =	shalt  }
0x56: {  	_ =	shalt  }
0x57: {  	_ =	shalt  }
0x58: {  	_ =	shalt  }
0x59: {  	_ =	shalt  }
0x5a: {  	_ =	shalt  }
0x5b: {  	_ =	shalt  }
0x5c: {  	_ =	shalt  }
0x5d: {  	_ =	shalt  }
0x5e: {  	_ =	shalt  }
0x5f: {  	_ =	shalt  }
0x60: {  	_ =	shalt  }
0x61: {  	_ =	shalt  }
0x62: {  	_ =	shalt  }
0x63: {  	_ =	shalt  }
0x64: {  	_ =	shalt  }
0x65: {  	_ =	shalt  }
0x66: {  	_ =	shalt  }
0x67: {  	_ =	shalt  }
0x68: {  	_ =	shalt  }
0x69: {  	_ =	shalt  }
0x6a: {  	_ =	shalt  }
0x6b: {  	_ =	shalt  }
0x6c: {  	_ =	shalt  }
0x6d: {  	_ =	shalt  }
0x6e: {  	_ =	shalt  }
0x6f: {  	_ =	shalt  }
0x70: {  	_ =	shalt  }
0x71: {  	_ =	shalt  }
0x72: {  	_ =	shalt  }
0x73: {  	_ =	shalt  }
0x74: {  	_ =	shalt  }
0x75: {  	_ =	shalt  }
0x76: {  	_ =	shalt  }
0x77: {  	_ =	shalt  }
0x78: {  	_ =	shalt  }
0x79: {  	_ =	shalt  }
0x7a: {  	_ =	shalt  }
0x7b: {  	_ =	shalt  }
0x7c: {  	_ =	shalt  }
0x7d: {  	_ =	shalt  }
0x7e: {  	_ =	shalt  }
0x7f: {  	_ =	shalt  }
0x80: {  	_ =	shalt  }
0x81: {  	_ =	shalt  }
0x82: {  	_ =	shalt  }
0x83: {  	_ =	shalt  }
0x84: {  	_ =	shalt  }
0x85: {  	_ =	shalt  }
0x86: {  	_ =	shalt  }
0x87: {  	_ =	shalt  }
.Lfunc_end0:
.L_simem_size_0:
called_computation_lowered:
.L_overlay_start_0:
0x88: {  	s2 =	sld [smem:$0x3FD9]  }
0x89: {  	s3 =	sld [smem:$0x3FFE];
	_ =	sdelay $0x1  }
0x8a: {  	s1 =	srdreg.scid  }
0x8b: {  	s0 =	sand.u32 $0x1, s1  }
0x8c: {  	s17 =	sshll.u32 s0, $0xA;
	s2 =	sadd.s32 s3, s2  }
0x8d: {  	s2 =	sadd.s32 s2, s17  }
0x8e: {  	[smem:$0x3FC5] =	sst s2  }
0x8f: {  	_ = 	snop  }
0x90: {  	s2 =	sld [smem:$0x3FC9]  }
0x91: {  	s18 =	sld [smem:$0x3FD0];
	(tm) =	ssettm $0x1  }
0x92: {  	s4 =	sld [smem:$0x3FFB];
	_ =	sdelay $0x3  }
0x93: {  	_ =	strace s4  }
0x94: {  	s4 =	sld [smem:$0x3FFC];
	_ =	sdelay $0x3  }
0x95: {  	_ =	strace s4  }
0x96: {  	s4 =	sld [smem:$0x3FFD];
	_ =	sdelay $0x3  }
0x97: {  	_ =	strace s4  }
0x98: {  	_ =	strace $0x8FFFFFFF  }
0x99: {  	s19 =	sld [smem:$0x3FDB];
	_ =	sdelay $0x1  }
0x9a: {  	s5 =	simm.s32 $_scs_section_size  }
0x9b: {  	s6 =	simm.s32 $_size__tile_overlayer_lowered;
	s7 =	simm.s32 $_tile_overlayer_lowered  }
0x9c: {  	s22 =	simm.s32 $0x1BFF;
	s21 =	sshll.u32 s7, $0x1;
	s4 =	sadd.s32 s5, s19  }
0x9d: {  	s8 =	simm.s32 $0x0;
	s20 =	sshll.u32 s6, $0x1;
	s6 =	sadd.s32 s21, s4  }
0x9e: {  	[timem:s8], [sflag:s22] =	dma.local [hbm:s6], s20  }
0x9f: {  	_ =	swait.ge [sflag:s22], s20  }
0xa0: {  	s5 =	ssub.s32 $0x0, s20;
	[sflag:s22] =	ssyncset.done $0x0  }
0xa1: {  	[sflag:s22] =	ssyncadd.s32 s5;
	_ =	sdelay $0x1  }
0xa2: {  	s23 =	simm.s32 $0x1B8B  }
0xa3: {  	_ =	swait.ge [sflag:s23], $0x1  }
0xa4: {  	[sflag:s23] =	ssyncset.done $0x0  }
0xa5: {  	s25 =	simm.s32 $0x1B8E;
	s24 =	sld [smem:$0x3FFE];
	[sflag:s23] =	ssyncadd.s32 $0xFFFFFFFF  }
0xa6: {  	s26 =	simm.s32 $execute0_lowered;
	[smem:$0x3FD2] =	sst s25  }
0xa7: {  	s6 =	sshll.u32 s26, $0x1;
	_ =	strace $0x80000046;
	[dreg:$0x1] =	wrdreg $0xFFFFFFFF  }
0xa8: {  	s28 =	simm.s32 $_size_execute0_lowered;
	s4 =	sadd.s32 s4, s6;
	[dreg:$0x0] =	wrdreg $0x0  }
0xa9: {  	s6 =	sshll.u32 s28, $0x1;
	[dreg:$0x2] =	wrdreg s4  }
0xaa: {  	[dreg:$0x3] =	wrdreg s6  }
0xab: {  	[dreg:$0x4] =	wrdreg $0xC0  }
0xac: {  	_ =	task [dreg:s8], $0x5FFFF  }
0xad: {  	[dreg:$0x1] =	wrdreg $0xFFFFFFFF  }
0xae: {  	[dreg:$0x0] =	wrdreg $0x60  }
0xaf: {  	[dreg:$0x2] =	wrdreg s2  }
0xb0: {  	[dreg:$0x3] =	wrdreg s24  }
0xb1: {  	[dreg:$0x4] =	wrdreg s18  }
0xb2: {  	[dreg:$0x5] =	wrdreg $0x9  }
0xb3: {  	_ =	task.clear_ibuf [dreg:s8], $0x6FFFF;
	_ =	strace $0x90000046  }
0xb4: {  	s29 =	simm.s32 $0x9;
	_ =	strace $0x80000048  }
0xb5: {  	_ =	swait.ge [sflag:s29], $0x1  }
0xb6: {  	[sflag:s29] =	ssyncadd.s32 $0xFFFFFFFF  }
0xb7: {  	_ =	strace $0x90000048  }
0xb8: {  	_ =	sfence  }
0xb9: {  	s30 =	sld [smem:$0x0];
	_ =	sdelay $0x2  }
0xba: {  	s31 =	sshll.u32 s1, $0xD;
	s1 =	sshrl.u32 s1, $0x2  }
0xbb: {  	s3 =	sand.u32 $0x4000, s31;
	s1 =	sadd.s32 s1, s30  }
0xbc: {  	s0 =	sor.u32 s3, s0;
	s1 =	sshll.u32 s1, $0x11  }
0xbd: {  	s0 =	sor.u32 s1, s0  }
0xbe: {  	s0 =	sadd.s32 $0x8F2B, s0  }
0xbf: {  	[sflag:s0] =	ssyncadd.remote.s32 $0x1  }
0xc0: {  	_ =	sfence.sel $0xFFFF  }
0xc1: {  	[dreg:$0x0] =	wrdreg $0xFFFFFFFF;
	(pc) =	sbr.abs _section_cstart, $3  }
0xc2: {  	[dreg:$0x1] =	wrdreg $0xFFFFFFFF  }
0xc3: {  	_ =	task.clear_ibuf [dreg:s8], $0x2FFFF;
	_ =	strace $0x9FFFFFFF  }
0xc4: {  	(tm) =	ssettm $0x7FFFFFFF  }
0xc5: {  	_ =	shalt  }
tec
execute0_lowered:
.L_overlay_start_1:
0x0: {  	(tag) =	ssettag $0x1  }
0x1: {  	s0 =	rddreg [dreg:$0x0]  }
0x2: {  	s1 =	rddreg [dreg:$0x1]  }
0x3: {  	s2 =	rddreg [dreg:$0x2]  }
0x4: {  	s4 =	srdreg.scid;
	s3 =	simm.s32 $0x0;
	s5 =	stileid.u32  }
0x5: {  	s18 =	simm.s32 $0x80;
	s31 =	simm.s32 $0x15800;
	s14 =	simm.s32 $0x17A00  }
0x6: {  	s15 =	simm.s32 $0x7;
	s17 =	simm.s32 $0x4;
	s28 =	simm.s32 $0x5  }
0x7: {  	s13 =	simm.s32 $0xA;
	s9 =	simm.s32 $0x0;
	s6 =	sand.u32 $0x1, s4  }
0x8: {  	[smem:$0x7FF] =	sst s3;
	s21 =	sshll.u32 s5, $0xB;
	s22 =	sshll.u32 s6, $0xA  }
0x9: {  	s5 =	sadd.s32 $0xC00, s1;
	s1 =	sadd.s32 $0x400, s1;
	s4 =	sor.u32 s22, s21  }
0xa: {  	_ =	strace $0x80000047;
	s6 =	ssub.s32 $0x2, s6;
	s7 =	sshrl.u32 s4, $0x3  }
0xb: {  	[dreg:$0x4] =	wrdreg s1;
	s23 =	sshrl.u32 s6, $0x1;
	s0 =	sadd.s32 s0, s7  }
0xc: {  	s1 =	ssub.s32 s6, s23;
	s8 =	sadd.s32 s2, s7;
	[dreg:$0x6] =	wrdreg s0  }
0xd: {  	s21 =	simm.s32 $0x19C00;
	s30 =	smax.u32 s1, $0x1;
	[dreg:$0x5] =	wrdreg s8  }
0xe: {  	s23 =	simm.s32 $0x8;
	s24 =	sadd.s32 $0x8000, s8;
	[dreg:$0xb] =	wrdreg s30  }
0xf: {  	v0 =	vlaneseq.u32;
	s6 =	simm.s32 $0x1BE00;
	s25 =	sadd.s32 $0x628000, s8;
	[dreg:$0x7] =	wrdreg s24  }
0x10: {  	v0 =	vmul.u32 $0x88, v0;
	s1 =	simm.s32 $0x3;
	s26 =	sadd.s32 $0x630000, s8;
	[dreg:$0x8] =	wrdreg s25  }
0x11: {  	s29 =	sadd.s32 $0x638000, s8;
	s0 =	simm.s32 $0x6;
	[dreg:$0x9] =	wrdreg s26  }
0x12: {  	v1 =	vadd.s32 $0x880, v0;
	v2 =	vadd.s32 $0x1100, v0;
	v3 =	vadd.s32 $0x1980, v0;
	s8 =	simm.s32 $0x9;
	[dreg:$0xa] =	wrdreg s29;
	s26 =	simm.s32 $0x13600  }
.LBB2_1:
0x13: {  	[dreg:$0xc] =	wrdreg s9  }
0x14: {  	s7 =	rddreg [dreg:$0x6]  }
0x15: {  	s22 =	simm.s32 $0x400;
	s10 =	simm.s32 $0x8000;
	s24 =	simm.s32 $0xB  }
0x16: {  	[tilespmem:s3], [sflag:$0xB] =	stream.strided.gather [hbm4b:s7+s22], $0x6400, s10, s22, $0x38;
	[tilespmem:$0x1E000] =	vst v63  }
0x17: {  	_ =	swait.ge [sflag:s24], $0x6400  }
0x18: {  	[sflag:s24] =	ssyncset.done $0x0  }
0x19: {  	s29 =	simm.s32 $0x6400;
	s25 =	rddreg [dreg:$0x4];
	[sflag:s24] =	ssyncadd.s32 $0xFFFF9C00  }
0x1a: {  	[tilespmem:s29], [sflag:$0xB] =	stream.linear.gather [hbm4b:s25+s3], $0x3200, $0x38;
	[tilespmem:$0x1E000] =	vst v63  }
0x1b: {  	_ =	swait.ge [sflag:s24], $0x3200  }
0x1c: {  	[sflag:s24] =	ssyncset.done $0x0  }
0x1d: {  	s30 =	simm.s32 $0x9600;
	[sflag:s24] =	ssyncadd.s32 $0xFFFFCE00  }
0x1e: {  	[tilespmem:s30], [sflag:$0x1] =	stream.indirect.gather [hbm4b:s5+s18], $0x40, s3, s18, $0xb8;
	[tilespmem:$0x1E000] =	vst v63  }
0x1f: {  	s9 =	simm.s32 $0xB600  }
0x20: {  	[tilespmem:s9], [sflag:$0x2] =	stream.indirect.gather [hbm4b:s5+s18], $0x40, s18, s18, $0xb8;
	[tilespmem:$0x1E000] =	vst v63  }
0x21: {  	s11 =	simm.s32 $0xD600;
	s10 =	simm.s32 $0x100  }
0x22: {  	[tilespmem:s11], [sflag:$0x3] =	stream.indirect.gather [hbm4b:s5+s18], $0x40, s10, s18, $0xb8;
	[tilespmem:$0x1E000] =	vst v63  }
0x23: {  	s12 =	simm.s32 $0x180;
	s16 =	simm.s32 $0xF600;
	s19 =	simm.s32 $0x1  }
0x24: {  	[tilespmem:s16], [sflag:$0x4] =	stream.indirect.gather [hbm4b:s5+s18], $0x40, s12, s18, $0xb8;
	[tilespmem:$0x1E000] =	vst v63  }
0x25: {  	_ =	swait.ge [sflag:s19], $0x2000  }
0x26: {  	[sflag:s19] =	ssyncset.done $0x0  }
0x27: {  	[sflag:s19] =	ssyncadd.s32 $0xFFFFE000  }
0x28: {  	s20 =	simm.s32 $0x1;
	s11 =	simm.s32 $0x9640;
	v9 =	vld [tilespmem:$0x6400]  }
0x29: {  	v4 =	vmov s20;
	v6 =	vld [tilespmem:s11+$0x0]  }
0x2a: {  	v14 =	vand.u32 $0x7F, v4  }
0x2b: {  	v8 =	vadd.s32 v0, v14  }
0x2c: {  	v7 =	vld [tilespmem:$0x6410]  }
0x2d: {  	v4 =	vmov s3;
	v10 =	vld [tilespmem:s11+$0xFFFFFFC0]  }
0x2e: {  	v18 =	vand.u32 $0x7E, v4;
	v5 =	vld [tilespmem:$0x6420];
	v6 =	vadd.f32 v6, v9  }
0x2f: {  	s22 =	simm.s32 $0x3;
	v11 =	vadd.s32 v0, v18;
	s9 =	simm.s32 $0x96C0;
	v4 =	vld [tilespmem:$0x6430]  }
0x30: {  	v12 =	vld [tilespmem:s9+$0x0];
	[tilespmem:v8+s26+$0x0] =	vst.idx.msk $0xffff, v6;
	v6 =	vmov s22  }
0x31: {  	v6 =	vand.u32 $0x7F, v6;
	v13 =	vld [tilespmem:s11+$0x10]  }
0x32: {  	v8 =	vadd.f32 v10, v9;
	v10 =	vadd.s32 v0, v6  }
0x33: {  	v15 =	vadd.s32 v1, v14;
	s24 =	simm.s32 $0x2  }
0x34: {  	[tilespmem:v11+s26+$0x0] =	vst.idx.msk $0xffff, v8;
	v8 =	vmov s24;
	v11 =	vld [tilespmem:s9+$0xFFFFFFC0]  }
0x35: {  	v12 =	vadd.f32 v12, v9;
	v8 =	vand.u32 $0x7E, v8;
	v16 =	vld [tilespmem:s11+$0xFFFFFFD0]  }
0x36: {  	s7 =	simm.s32 $0x9740;
	s25 =	simm.s32 $0x5;
	v17 =	vadd.s32 v0, v8;
	v13 =	vadd.f32 v13, v7  }
0x37: {  	v19 =	vld [tilespmem:s7+$0x0];
	[tilespmem:v10+s26+$0x0] =	vst.idx.msk $0xffff, v12;
	v12 =	vadd.s32 v1, v18;
	v10 =	vmov s25  }
0x38: {  	[tilespmem:v15+s26+$0x0] =	vst.idx.msk $0xffff, v13;
	v10 =	vand.u32 $0x7F, v10;
	v13 =	vld [tilespmem:s9+$0x10]  }
0x39: {  	v11 =	vadd.f32 v11, v9;
	v15 =	vadd.s32 v0, v10;
	v20 =	vld [tilespmem:s11+$0x20]  }
0x3a: {  	s29 =	simm.s32 $0x4;
	v21 =	vadd.s32 v1, v6;
	v16 =	vadd.f32 v16, v7  }
0x3b: {  	v22 =	vadd.s32 v2, v14;
	[tilespmem:v17+s26+$0x0] =	vst.idx.msk $0xffff, v11;
	v11 =	vmov s29;
	v17 =	vld [tilespmem:s7+$0xFFFFFFC0]  }
0x3c: {  	v11 =	vand.u32 $0x7E, v11;
	[tilespmem:v12+s26+$0x0] =	vst.idx.msk $0xffff, v16;
	v12 =	vadd.f32 v19, v9;
	v16 =	vld [tilespmem:s9+$0xFFFFFFD0]  }
0x3d: {  	s10 =	simm.s32 $0x97C0;
	s12 =	simm.s32 $0x7;
	v19 =	vadd.s32 v0, v11;
	v13 =	vadd.f32 v13, v7;
	v23 =	vld [tilespmem:s11+$0xFFFFFFE0]  }
0x3e: {  	v24 =	vld [tilespmem:s10+$0x0];
	[tilespmem:v15+s26+$0x0] =	vst.idx.msk $0xffff, v12;
	v15 =	vadd.s32 v1, v8;
	v20 =	vadd.f32 v20, v5;
	v12 =	vmov s12  }
0x3f: {  	[tilespmem:v21+s26+$0x0] =	vst.idx.msk $0xffff, v13;
	v21 =	vadd.s32 v2, v18;
	v12 =	vand.u32 $0x7F, v12;
	v25 =	vld [tilespmem:s7+$0x10]  }
0x40: {  	v13 =	vadd.f32 v17, v9;
	[tilespmem:v22+s26+$0x0] =	vst.idx.msk $0xffff, v20;
	v17 =	vadd.s32 v0, v12;
	v20 =	vld [tilespmem:s9+$0x20]  }
0x41: {  	s30 =	simm.s32 $0x6;
	v26 =	vadd.s32 v1, v10;
	v16 =	vadd.f32 v16, v7;
	v27 =	vld [tilespmem:s11+$0x30]  }
0x42: {  	v28 =	vadd.s32 v2, v6;
	[tilespmem:v19+s26+$0x0] =	vst.idx.msk $0xffff, v13;
	v13 =	vmov s30;
	v19 =	vadd.f32 v23, v5;
	v23 =	vld [tilespmem:s10+$0xFFFFFFC0]  }
0x43: {  	v30 =	vadd.s32 v3, v14;
	v13 =	vand.u32 $0x7E, v13;
	v29 =	vld [tilespmem:s7+$0xFFFFFFD0];
	[tilespmem:v15+s26+$0x0] =	vst.idx.msk $0xffff, v16;
	v16 =	vadd.f32 v24, v9  }
0x44: {  	[tilespmem:v21+s26+$0x0] =	vst.idx.msk $0xffff, v19;
	v21 =	vadd.s32 v0, v13;
	v14 =	vadd.f32 v25, v7;
	v15 =	vld [tilespmem:s9+$0xFFFFFFE0]  }
0x45: {  	s16 =	simm.s32 $0x9;
	s12 =	simm.s32 $0x9840;
	v19 =	vadd.s32 v1, v11;
	[tilespmem:v17+s26+$0x0] =	vst.idx.msk $0xffff, v16;
	v20 =	vadd.f32 v20, v5;
	v16 =	vld [tilespmem:s11+$0xFFFFFFF0]  }
0x46: {  	v22 =	vld [tilespmem:s12+$0x0];
	v24 =	vmov s16;
	v17 =	vadd.s32 v2, v8;
	[tilespmem:v26+s26+$0x0] =	vst.idx.msk $0xffff, v14;
	v27 =	vadd.f32 v27, v4  }
0x47: {  	v18 =	vadd.s32 v3, v18;
	v14 =	vand.u32 $0x7F, v24;
	v26 =	vadd.f32 v23, v9;
	v23 =	vld [tilespmem:s10+$0x10];
	[tilespmem:v28+s26+$0x0] =	vst.idx.msk $0xffff, v20  }
0x48: {  	s19 =	simm.s32 $0x8;
	s16 =	simm.s32 $0xA;
	s11 =	simm.s32 $0x9840;
	v24 =	vadd.s32 v0, v14;
	v25 =	vadd.f32 v29, v7;
	v20 =	vld [tilespmem:s7+$0x20];
	[tilespmem:v30+s26+$0x0] =	vst.idx.msk $0xffff, v27  }
.LBB2_2:
0x49: {  	p0 =	slt.u32 s16, $0x7E;
	[tilespmem:v21+s26+$0x0] =	vst.idx.msk $0xffff, v26;
	v26 =	vadd.s32 v1, v12;
	v15 =	vadd.f32 v15, v5;
	v27 =	vld [tilespmem:s9+$0x30];
	v28 =	vmov v11  }
0x4a: {  	v21 =	vmov s19;
	v11 =	vmovc v13;
	s19 =	smov.u32 s16;
	v29 =	vld [tilespmem:s12+$0xFFFFFFC0];
	[tilespmem:v19+s26+$0x0] =	vst.idx.msk $0xffff, v25;
	v25 =	vadd.s32 v2, v10;
	v16 =	vadd.f32 v16, v4  }
0x4b: {  	v31 =	vadd.s32 v3, v6;
	v13 =	vand.u32 $0x7E, v21;
	v19 =	vadd.f32 v22, v9;
	v30 =	vld [tilespmem:s10+$0xFFFFFFD0];
	[tilespmem:v17+s26+$0x0] =	vst.idx.msk $0xffff, v15  }
.Ltmp0:
0x4c: {  	v6 =	vmov v10;
	v21 =	vadd.s32 v0, v13;
	v17 =	vadd.f32 v23, v7;
	v15 =	vld [tilespmem:s7+$0xFFFFFFE0];
	[tilespmem:v18+s26+$0x0] =	vst.idx.msk $0xffff, v16;
	(pc) =	sbr.rel @p0 .LBB2_2-.Ltmp0, $4  }
0x4d: {  	s20 =	sadd.s32 $0x1, s16;
	s12 =	sadd.s32 $0x80, s12;
	v10 =	vmov v12;
	[tilespmem:v24+s26+$0x0] =	vst.idx.msk $0xffff, v19;
	v19 =	vadd.s32 v1, v11;
	v18 =	vadd.f32 v20, v5;
	v16 =	vld [tilespmem:s9+$0xFFFFFFF0];
	s9 =	smov.u32 s7  }
0x4e: {  	v12 =	vmovc v14;
	v20 =	vmov s20;
	s7 =	smov.u32 s10;
	s10 =	smov.u32 s11;
	s11 =	smov.u32 s12;
	v22 =	vld [tilespmem:s12+$0x0];
	[tilespmem:v26+s26+$0x0] =	vst.idx.msk $0xffff, v17;
	v17 =	vadd.s32 v2, v28;
	v27 =	vadd.f32 v27, v4  }
0x4f: {  	v14 =	vand.u32 $0x7F, v20;
	v26 =	vadd.f32 v29, v9;
	v23 =	vld [tilespmem:s10+$0x10];
	[tilespmem:v25+s26+$0x0] =	vst.idx.msk $0xffff, v18;
	v18 =	vadd.s32 v3, v8  }
0x50: {  	s16 =	sadd.s32 $0x2, s16;
	v24 =	vadd.s32 v0, v14;
	v8 =	vmov v28;
	v25 =	vadd.f32 v30, v7;
	v20 =	vld [tilespmem:s7+$0x20];
	[tilespmem:v31+s26+$0x0] =	vst.idx.msk $0xffff, v27  }
0x51: {  	v27 =	vmov s19;
	v28 =	vld [tilespmem:s12+$0xFFFFFFC0]  }
0x52: {  	v27 =	vand.u32 $0x7E, v27  }
0x53: {  	v29 =	vadd.s32 v0, v27;
	_ =	sdelay $0x1  }
0x54: {  	v22 =	vadd.f32 v22, v9  }
0x55: {  	[tilespmem:v21+s26+$0x0] =	vst.idx.msk $0xffff, v26;
	v57 =	vadd.f32 v28, v9  }
0x56: {  	v21 =	vld [tilespmem:s10+$0xFFFFFFD0];
	[tilespmem:v24+s26+$0x0] =	vst.idx.msk $0xffff, v22  }
0x57: {  	v58 =	vadd.s32 v1, v12;
	v24 =	vld [tilespmem:s11+$0x10];
	[tilespmem:v29+s26+$0x0] =	vst.idx.msk $0xffff, v57  }
0x58: {  	v59 =	vadd.s32 v1, v13;
	v60 =	vld [tilespmem:s11+$0xFFFFFFD0]  }
0x59: {  	v61 =	vadd.s32 v1, v14  }
0x5a: {  	v62 =	vadd.s32 v1, v27;
	v23 =	vadd.f32 v23, v7  }
0x5b: {  	[tilespmem:v19+s26+$0x0] =	vst.idx.msk $0xffff, v25;
	v63 =	vadd.f32 v21, v7  }
0x5c: {  	v30 =	vld [tilespmem:s7+$0xFFFFFFE0];
	[tilespmem:v58+s26+$0x0] =	vst.idx.msk $0xffff, v23;
	v31 =	vadd.f32 v24, v7  }
0x5d: {  	v32 =	vadd.s32 v2, v10;
	v33 =	vld [tilespmem:s10+$0x20];
	[tilespmem:v59+s26+$0x0] =	vst.idx.msk $0xffff, v63;
	v34 =	vadd.f32 v60, v7  }
0x5e: {  	v35 =	vadd.f32 v15, v5;
	v36 =	vadd.s32 v2, v11;
	v19 =	vld [tilespmem:s10+$0xFFFFFFE0];
	[tilespmem:v61+s26+$0x0] =	vst.idx.msk $0xffff, v31  }
0x5f: {  	v37 =	vadd.s32 v2, v12;
	v16 =	vadd.f32 v16, v4;
	v38 =	vld [tilespmem:s11+$0x20];
	[tilespmem:v62+s26+$0x0] =	vst.idx.msk $0xffff, v34  }
0x60: {  	v40 =	vadd.s32 v2, v13;
	[tilespmem:v17+s26+$0x0] =	vst.idx.msk $0xffff, v35;
	v39 =	vadd.f32 v20, v5;
	v41 =	vld [tilespmem:s11+$0xFFFFFFE0]  }
0x61: {  	v42 =	vld [tilespmem:s9+$0x30];
	v44 =	vadd.s32 v2, v14;
	[tilespmem:v18+s26+$0x0] =	vst.idx.msk $0xffff, v16;
	v43 =	vadd.f32 v30, v5  }
0x62: {  	v47 =	vadd.s32 v2, v27;
	v45 =	vld [tilespmem:s9+$0xFFFFFFF0];
	[tilespmem:v32+s26+$0x0] =	vst.idx.msk $0xffff, v39;
	v46 =	vadd.f32 v33, v5  }
0x63: {  	v6 =	vadd.s32 v3, v6;
	v48 =	vld [tilespmem:s7+$0x30];
	[tilespmem:v36+s26+$0x0] =	vst.idx.msk $0xffff, v43;
	v49 =	vadd.f32 v19, v5  }
0x64: {  	v8 =	vadd.s32 v3, v8;
	v16 =	vld [tilespmem:s7+$0xFFFFFFF0];
	[tilespmem:v37+s26+$0x0] =	vst.idx.msk $0xffff, v46;
	v50 =	vadd.f32 v38, v5  }
0x65: {  	v51 =	vadd.s32 v3, v10;
	v52 =	vld [tilespmem:s10+$0x30];
	[tilespmem:v40+s26+$0x0] =	vst.idx.msk $0xffff, v49;
	v5 =	vadd.f32 v41, v5  }
0x66: {  	v54 =	vadd.s32 v3, v11;
	v53 =	vadd.f32 v42, v4;
	v15 =	vld [tilespmem:s10+$0xFFFFFFF0];
	[tilespmem:v44+s26+$0x0] =	vst.idx.msk $0xffff, v50  }
0x67: {  	v56 =	vadd.s32 v3, v12;
	v55 =	vadd.f32 v45, v4;
	v57 =	vld [tilespmem:s11+$0x30];
	[tilespmem:v47+s26+$0x0] =	vst.idx.msk $0xffff, v5  }
0x68: {  	v58 =	vadd.s32 v3, v13;
	[tilespmem:v6+s26+$0x0] =	vst.idx.msk $0xffff, v53;
	v5 =	vadd.f32 v48, v4;
	v59 =	vld [tilespmem:s11+$0xFFFFFFF0]  }
0x69: {  	[tilespmem:v8+s26+$0x0] =	vst.idx.msk $0xffff, v55;
	v61 =	vadd.s32 v3, v14;
	v60 =	vadd.f32 v16, v4  }
0x6a: {  	v62 =	vadd.s32 v3, v27;
	[tilespmem:v51+s26+$0x0] =	vst.idx.msk $0xffff, v5;
	v5 =	vadd.f32 v52, v4  }
0x6b: {  	[tilespmem:v54+s26+$0x0] =	vst.idx.msk $0xffff, v60;
	v63 =	vadd.f32 v15, v4  }
0x6c: {  	[tilespmem:v56+s26+$0x0] =	vst.idx.msk $0xffff, v5;
	v5 =	vadd.f32 v57, v4  }
0x6d: {  	[tilespmem:v58+s26+$0x0] =	vst.idx.msk $0xffff, v63;
	v4 =	vadd.f32 v59, v4  }
0x6e: {  	[tilespmem:v61+s26+$0x0] =	vst.idx.msk $0xffff, v5  }
0x6f: {  	[tilespmem:v62+s26+$0x0] =	vst.idx.msk $0xffff, v4  }
0x70: {  	s25 =	simm.s32 $0x13600;
	s16 =	rddreg [dreg:$0x5]  }
0x71: {  	[hbm4b:s16+s3] =	stream.linear.scatter [tilespmem:s25], [sflag:$0x6], $0x80, $0x38;
	[tilespmem:$0x1E000] =	vst v63  }
0x72: {  	s29 =	simm.s32 $0x13688;
	s30 =	sadd.s32 $0x10, s16  }
0x73: {  	[hbm4b:s30+s3] =	stream.linear.scatter [tilespmem:s29], [sflag:$0x6], $0x80, $0x38;
	[tilespmem:$0x1E000] =	vst v63  }
0x74: {  	s12 =	simm.s32 $0x13798;
	s10 =	simm.s32 $0x13710;
	s11 =	sadd.s32 $0x20, s16  }
0x75: {  	[hbm4b:s11+s3] =	stream.linear.scatter [tilespmem:s10], [sflag:$0x6], $0x80, $0x38;
	[tilespmem:$0x1E000] =	vst v63  }
0x76: {  	s20 =	simm.s32 $0x13820;
	s24 =	simm.s32 $0x138A8;
	s19 =	sadd.s32 $0x30, s16  }
0x77: {  	[hbm4b:s19+s3] =	stream.linear.scatter [tilespmem:s12], [sflag:$0x6], $0x80, $0x38;
	[tilespmem:$0x1E000] =	vst v63  }
0x78: {  	s7 =	simm.s32 $0x440;
	s22 =	sadd.s32 $0x40, s16;
	s25 =	sadd.s32 $0x50, s16  }
0x79: {  	[hbm4b:s22+s3] =	stream.linear.scatter [tilespmem:s20], [sflag:$0x6], $0x80, $0x38;
	[tilespmem:$0x1E000] =	vst v63  }
0x7a: {  	s9 =	sadd.s32 $0x1000, s16;
	s29 =	simm.s32 $0x13930;
	s30 =	sadd.s32 $0x60, s16  }
0x7b: {  	[hbm4b:s25+s3] =	stream.linear.scatter [tilespmem:s24], [sflag:$0x6], $0x80, $0x38;
	[tilespmem:$0x1E000] =	vst v63  }
0x7c: {  	s10 =	simm.s32 $0x2200;
	s11 =	simm.s32 $0x139B8;
	s12 =	sadd.s32 $0x70, s16  }
0x7d: {  	[hbm4b:s30+s3] =	stream.linear.scatter [tilespmem:s29], [sflag:$0x6], $0x80, $0x38;
	[tilespmem:$0x1E000] =	vst v63  }
.LBB2_4:
0x7e: {  	[hbm4b:s12+s3] =	stream.linear.scatter [tilespmem:s11], [sflag:$0x6], $0x80, $0x38;
	[tilespmem:$0x1E000] =	vst v63  }
0x7f: {  	s11 =	smov.u32 s7;
	s7 =	smov.u32 s10  }
0x80: {  	s16 =	sadd.s32 $0x1100, s10;
	s7 =	sshra.s32 s7, $0x2;
	s12 =	sadd.s32 $0x13600, s11  }
0x81: {  	[hbm4b:s9+s3] =	stream.linear.scatter [tilespmem:s12], [sflag:$0x6], $0x80, $0x38;
	[tilespmem:$0x1E000] =	vst v63  }
0x82: {  	p0 =	sne.s32 s10, $0x7700;
	s10 =	sadd.s32 $0x13688, s11;
	s12 =	sadd.s32 $0x10, s9  }
0x83: {  	[hbm4b:s12+s3] =	stream.linear.scatter [tilespmem:s10], [sflag:$0x6], $0x80, $0x38;
	[tilespmem:$0x1E000] =	vst v63  }
0x84: {  	s10 =	sadd.s32 $0x13710, s11;
	s12 =	sadd.s32 $0x20, s9  }
0x85: {  	[hbm4b:s12+s3] =	stream.linear.scatter [tilespmem:s10], [sflag:$0x6], $0x80, $0x38;
	[tilespmem:$0x1E000] =	vst v63  }
0x86: {  	s10 =	sadd.s32 $0x13798, s11;
	s12 =	sadd.s32 $0x30, s9  }
0x87: {  	[hbm4b:s12+s3] =	stream.linear.scatter [tilespmem:s10], [sflag:$0x6], $0x80, $0x38;
	[tilespmem:$0x1E000] =	vst v63  }
0x88: {  	s10 =	sadd.s32 $0x13820, s11;
	s12 =	sadd.s32 $0x40, s9  }
0x89: {  	[hbm4b:s12+s3] =	stream.linear.scatter [tilespmem:s10], [sflag:$0x6], $0x80, $0x38;
	[tilespmem:$0x1E000] =	vst v63  }
.Ltmp1:
0x8a: {  	s10 =	sadd.s32 $0x138A8, s11;
	s12 =	sadd.s32 $0x50, s9;
	(pc) =	sbr.rel @p0 .LBB2_4-.Ltmp1, $4  }
0x8b: {  	[hbm4b:s12+s3] =	stream.linear.scatter [tilespmem:s10], [sflag:$0x6], $0x80, $0x38;
	[tilespmem:$0x1E000] =	vst v63  }
0x8c: {  	s10 =	sadd.s32 $0x13930, s11;
	s12 =	sadd.s32 $0x60, s9;
	s11 =	sadd.s32 $0x139B8, s11  }
0x8d: {  	[hbm4b:s12+s3] =	stream.linear.scatter [tilespmem:s10], [sflag:$0x6], $0x80, $0x38;
	[tilespmem:$0x1E000] =	vst v63  }
0x8e: {  	s12 =	sadd.s32 $0x70, s9;
	s9 =	sadd.s32 $0x1000, s9;
	s10 =	smov.u32 s16  }
0x8f: {  	[hbm4b:s12+s3] =	stream.linear.scatter [tilespmem:s11], [sflag:$0x6], $0x80, $0x38;
	[tilespmem:$0x1E000] =	vst v63  }
0x90: {  	s10 =	sadd.s32 $0x13600, s7  }
0x91: {  	[hbm4b:s9+s3] =	stream.linear.scatter [tilespmem:s10], [sflag:$0x6], $0x80, $0x38;
	[tilespmem:$0x1E000] =	vst v63  }
0x92: {  	s24 =	sadd.s32 $0x13688, s7;
	s25 =	sadd.s32 $0x10, s9  }
0x93: {  	[hbm4b:s25+s3] =	stream.linear.scatter [tilespmem:s24], [sflag:$0x6], $0x80, $0x38;
	[tilespmem:$0x1E000] =	vst v63  }
0x94: {  	s29 =	sadd.s32 $0x13710, s7;
	s30 =	sadd.s32 $0x20, s9  }
0x95: {  	[hbm4b:s30+s3] =	stream.linear.scatter [tilespmem:s29], [sflag:$0x6], $0x80, $0x38;
	[tilespmem:$0x1E000] =	vst v63  }
0x96: {  	s11 =	sadd.s32 $0x13798, s7;
	s12 =	sadd.s32 $0x30, s9  }
0x97: {  	[hbm4b:s12+s3] =	stream.linear.scatter [tilespmem:s11], [sflag:$0x6], $0x80, $0x38;
	[tilespmem:$0x1E000] =	vst v63  }
0x98: {  	s16 =	sadd.s32 $0x13820, s7;
	s19 =	sadd.s32 $0x40, s9  }
0x99: {  	[hbm4b:s19+s3] =	stream.linear.scatter [tilespmem:s16], [sflag:$0x6], $0x80, $0x38;
	[tilespmem:$0x1E000] =	vst v63  }
0x9a: {  	s20 =	sadd.s32 $0x138A8, s7;
	s22 =	sadd.s32 $0x50, s9  }
0x9b: {  	[hbm4b:s22+s3] =	stream.linear.scatter [tilespmem:s20], [sflag:$0x6], $0x80, $0x38;
	[tilespmem:$0x1E000] =	vst v63  }
0x9c: {  	s24 =	sadd.s32 $0x13930, s7;
	s25 =	sadd.s32 $0x60, s9  }
0x9d: {  	[hbm4b:s25+s3] =	stream.linear.scatter [tilespmem:s24], [sflag:$0x6], $0x80, $0x38;
	[tilespmem:$0x1E000] =	vst v63  }
0x9e: {  	s29 =	sadd.s32 $0x139B8, s7;
	s30 =	sadd.s32 $0x70, s9  }
0x9f: {  	[hbm4b:s30+s3] =	stream.linear.scatter [tilespmem:s29], [sflag:$0x6], $0x80, $0x38;
	[tilespmem:$0x1E000] =	vst v63  }
0xa0: {  	s10 =	simm.s32 $0x200;
	s11 =	simm.s32 $0x11600;
	s12 =	simm.s32 $0x2  }
0xa1: {  	[tilespmem:s11], [sflag:$0x5] =	stream.indirect.gather [hbm4b:s5+s18], $0x40, s10, s18, $0xb8;
	[tilespmem:$0x1E000] =	vst v63  }
0xa2: {  	_ =	swait.ge [sflag:s12], $0x2000  }
0xa3: {  	[sflag:s12] =	ssyncset.done $0x0  }
0xa4: {  	[sflag:s12] =	ssyncadd.s32 $0xFFFFE000  }
0xa5: {  	s16 =	simm.s32 $0x1;
	s11 =	simm.s32 $0xB670;
	v9 =	vld [tilespmem:$0x6440]  }
0xa6: {  	v4 =	vmov s16;
	v6 =	vld [tilespmem:s11+$0xFFFFFFD0]  }
0xa7: {  	v14 =	vand.u32 $0x7F, v4  }
0xa8: {  	v8 =	vadd.s32 v0, v14  }
0xa9: {  	s19 =	simm.s32 $0x0;
	v7 =	vld [tilespmem:$0x6450]  }
0xaa: {  	v4 =	vmov s19;
	v10 =	vld [tilespmem:s11+$0xFFFFFF90]  }
0xab: {  	v18 =	vand.u32 $0x7E, v4;
	v5 =	vld [tilespmem:$0x6460];
	v6 =	vadd.f32 v6, v9  }
0xac: {  	s9 =	simm.s32 $0xB6F0;
	s20 =	simm.s32 $0x3;
	v11 =	vadd.s32 v0, v18;
	v4 =	vld [tilespmem:$0x6470]  }
0xad: {  	v12 =	vld [tilespmem:s9+$0xFFFFFFD0];
	[tilespmem:v8+s31+$0x0] =	vst.idx.msk $0xffff, v6;
	v6 =	vmov s20  }
0xae: {  	v6 =	vand.u32 $0x7F, v6;
	v13 =	vld [tilespmem:s11+$0xFFFFFFE0]  }
0xaf: {  	v8 =	vadd.f32 v10, v9;
	v10 =	vadd.s32 v0, v6  }
0xb0: {  	s22 =	simm.s32 $0x2;
	v15 =	vadd.s32 v1, v14  }
0xb1: {  	[tilespmem:v11+s31+$0x0] =	vst.idx.msk $0xffff, v8;
	v8 =	vmov s22;
	v11 =	vld [tilespmem:s9+$0xFFFFFF90]  }
0xb2: {  	v12 =	vadd.f32 v12, v9;
	v8 =	vand.u32 $0x7E, v8;
	v16 =	vld [tilespmem:s11+$0xFFFFFFA0]  }
0xb3: {  	s7 =	simm.s32 $0xB770;
	s24 =	simm.s32 $0x5;
	v17 =	vadd.s32 v0, v8;
	v13 =	vadd.f32 v13, v7  }
0xb4: {  	v19 =	vld [tilespmem:s7+$0xFFFFFFD0];
	[tilespmem:v10+s31+$0x0] =	vst.idx.msk $0xffff, v12;
	v12 =	vadd.s32 v1, v18;
	v10 =	vmov s24  }
0xb5: {  	[tilespmem:v15+s31+$0x0] =	vst.idx.msk $0xffff, v13;
	v10 =	vand.u32 $0x7F, v10;
	v13 =	vld [tilespmem:s9+$0xFFFFFFE0]  }
0xb6: {  	v11 =	vadd.f32 v11, v9;
	v15 =	vadd.s32 v0, v10;
	v20 =	vld [tilespmem:s11+$0xFFFFFFF0]  }
0xb7: {  	s25 =	simm.s32 $0x4;
	v21 =	vadd.s32 v1, v6;
	v16 =	vadd.f32 v16, v7  }
0xb8: {  	v22 =	vadd.s32 v2, v14;
	[tilespmem:v17+s31+$0x0] =	vst.idx.msk $0xffff, v11;
	v11 =	vmov s25;
	v17 =	vld [tilespmem:s7+$0xFFFFFF90]  }
0xb9: {  	v11 =	vand.u32 $0x7E, v11;
	[tilespmem:v12+s31+$0x0] =	vst.idx.msk $0xffff, v16;
	v12 =	vadd.f32 v19, v9;
	v16 =	vld [tilespmem:s9+$0xFFFFFFA0]  }
0xba: {  	s29 =	simm.s32 $0x7;
	s10 =	simm.s32 $0xB7F0;
	v19 =	vadd.s32 v0, v11;
	v13 =	vadd.f32 v13, v7;
	v23 =	vld [tilespmem:s11+$0xFFFFFFB0]  }
0xbb: {  	v24 =	vld [tilespmem:s10+$0xFFFFFFD0];
	[tilespmem:v15+s31+$0x0] =	vst.idx.msk $0xffff, v12;
	v15 =	vadd.s32 v1, v8;
	v20 =	vadd.f32 v20, v5;
	v12 =	vmov s29  }
0xbc: {  	[tilespmem:v21+s31+$0x0] =	vst.idx.msk $0xffff, v13;
	v21 =	vadd.s32 v2, v18;
	v12 =	vand.u32 $0x7F, v12;
	v25 =	vld [tilespmem:s7+$0xFFFFFFE0]  }
0xbd: {  	v13 =	vadd.f32 v17, v9;
	[tilespmem:v22+s31+$0x0] =	vst.idx.msk $0xffff, v20;
	v17 =	vadd.s32 v0, v12;
	v20 =	vld [tilespmem:s9+$0xFFFFFFF0]  }
0xbe: {  	s30 =	simm.s32 $0x6;
	v26 =	vadd.s32 v1, v10;
	v16 =	vadd.f32 v16, v7;
	v27 =	vld [tilespmem:s11+$0x0]  }
0xbf: {  	v28 =	vadd.s32 v2, v6;
	[tilespmem:v19+s31+$0x0] =	vst.idx.msk $0xffff, v13;
	v13 =	vmov s30;
	v19 =	vadd.f32 v23, v5;
	v23 =	vld [tilespmem:s10+$0xFFFFFF90]  }
0xc0: {  	v30 =	vadd.s32 v3, v14;
	v13 =	vand.u32 $0x7E, v13;
	v29 =	vld [tilespmem:s7+$0xFFFFFFA0];
	[tilespmem:v15+s31+$0x0] =	vst.idx.msk $0xffff, v16;
	v16 =	vadd.f32 v24, v9  }
0xc1: {  	[tilespmem:v21+s31+$0x0] =	vst.idx.msk $0xffff, v19;
	v21 =	vadd.s32 v0, v13;
	v14 =	vadd.f32 v25, v7;
	v15 =	vld [tilespmem:s9+$0xFFFFFFB0]  }
0xc2: {  	s16 =	simm.s32 $0x9;
	s12 =	simm.s32 $0xB870;
	v19 =	vadd.s32 v1, v11;
	[tilespmem:v17+s31+$0x0] =	vst.idx.msk $0xffff, v16;
	v20 =	vadd.f32 v20, v5;
	v16 =	vld [tilespmem:s11+$0xFFFFFFC0]  }
0xc3: {  	v22 =	vld [tilespmem:s12+$0xFFFFFFD0];
	v24 =	vmov s16;
	v17 =	vadd.s32 v2, v8;
	[tilespmem:v26+s31+$0x0] =	vst.idx.msk $0xffff, v14;
	v27 =	vadd.f32 v27, v4  }
0xc4: {  	v18 =	vadd.s32 v3, v18;
	v14 =	vand.u32 $0x7F, v24;
	v26 =	vadd.f32 v23, v9;
	v23 =	vld [tilespmem:s10+$0xFFFFFFE0];
	[tilespmem:v28+s31+$0x0] =	vst.idx.msk $0xffff, v20  }
0xc5: {  	s19 =	simm.s32 $0x8;
	s16 =	simm.s32 $0xA;
	s11 =	simm.s32 $0xB870;
	v24 =	vadd.s32 v0, v14;
	v25 =	vadd.f32 v29, v7;
	v20 =	vld [tilespmem:s7+$0xFFFFFFF0];
	[tilespmem:v30+s31+$0x0] =	vst.idx.msk $0xffff, v27  }
.LBB2_6:
0xc6: {  	p0 =	slt.u32 s16, $0x7E;
	[tilespmem:v21+s31+$0x0] =	vst.idx.msk $0xffff, v26;
	v26 =	vadd.s32 v1, v12;
	v15 =	vadd.f32 v15, v5;
	v27 =	vld [tilespmem:s9+$0x0];
	v28 =	vmov v11  }
0xc7: {  	v21 =	vmov s19;
	v11 =	vmovc v13;
	s19 =	smov.u32 s16;
	v29 =	vld [tilespmem:s12+$0xFFFFFF90];
	[tilespmem:v19+s31+$0x0] =	vst.idx.msk $0xffff, v25;
	v25 =	vadd.s32 v2, v10;
	v16 =	vadd.f32 v16, v4  }
0xc8: {  	v31 =	vadd.s32 v3, v6;
	v13 =	vand.u32 $0x7E, v21;
	v19 =	vadd.f32 v22, v9;
	v30 =	vld [tilespmem:s10+$0xFFFFFFA0];
	[tilespmem:v17+s31+$0x0] =	vst.idx.msk $0xffff, v15  }
.Ltmp2:
0xc9: {  	v6 =	vmov v10;
	v21 =	vadd.s32 v0, v13;
	v17 =	vadd.f32 v23, v7;
	v15 =	vld [tilespmem:s7+$0xFFFFFFB0];
	[tilespmem:v18+s31+$0x0] =	vst.idx.msk $0xffff, v16;
	(pc) =	sbr.rel @p0 .LBB2_6-.Ltmp2, $4  }
0xca: {  	s20 =	sadd.s32 $0x1, s16;
	s12 =	sadd.s32 $0x80, s12;
	v10 =	vmov v12;
	[tilespmem:v24+s31+$0x0] =	vst.idx.msk $0xffff, v19;
	v19 =	vadd.s32 v1, v11;
	v18 =	vadd.f32 v20, v5;
	v16 =	vld [tilespmem:s9+$0xFFFFFFC0];
	s9 =	smov.u32 s7  }
0xcb: {  	v12 =	vmovc v14;
	v20 =	vmov s20;
	s7 =	smov.u32 s10;
	s10 =	smov.u32 s11;
	s11 =	smov.u32 s12;
	v22 =	vld [tilespmem:s12+$0xFFFFFFD0];
	[tilespmem:v26+s31+$0x0] =	vst.idx.msk $0xffff, v17;
	v17 =	vadd.s32 v2, v28;
	v27 =	vadd.f32 v27, v4  }
0xcc: {  	v14 =	vand.u32 $0x7F, v20;
	v26 =	vadd.f32 v29, v9;
	v23 =	vld [tilespmem:s10+$0xFFFFFFE0];
	[tilespmem:v25+s31+$0x0] =	vst.idx.msk $0xffff, v18;
	v18 =	vadd.s32 v3, v8  }
0xcd: {  	s16 =	sadd.s32 $0x2, s16;
	v24 =	vadd.s32 v0, v14;
	v8 =	vmov v28;
	v25 =	vadd.f32 v30, v7;
	v20 =	vld [tilespmem:s7+$0xFFFFFFF0];
	[tilespmem:v31+s31+$0x0] =	vst.idx.msk $0xffff, v27  }
0xce: {  	v27 =	vmov s19;
	v28 =	vld [tilespmem:s12+$0xFFFFFF90]  }
0xcf: {  	v27 =	vand.u32 $0x7E, v27  }
0xd0: {  	v29 =	vadd.s32 v0, v27;
	_ =	sdelay $0x1  }
0xd1: {  	v22 =	vadd.f32 v22, v9  }
0xd2: {  	[tilespmem:v21+s31+$0x0] =	vst.idx.msk $0xffff, v26;
	v57 =	vadd.f32 v28, v9  }
0xd3: {  	v21 =	vld [tilespmem:s10+$0xFFFFFFA0];
	[tilespmem:v24+s31+$0x0] =	vst.idx.msk $0xffff, v22  }
0xd4: {  	v58 =	vadd.s32 v1, v12;
	v24 =	vld [tilespmem:s11+$0xFFFFFFE0];
	[tilespmem:v29+s31+$0x0] =	vst.idx.msk $0xffff, v57  }
0xd5: {  	v59 =	vadd.s32 v1, v13;
	v60 =	vld [tilespmem:s11+$0xFFFFFFA0]  }
0xd6: {  	v61 =	vadd.s32 v1, v14  }
0xd7: {  	v62 =	vadd.s32 v1, v27;
	v23 =	vadd.f32 v23, v7  }
0xd8: {  	[tilespmem:v19+s31+$0x0] =	vst.idx.msk $0xffff, v25;
	v63 =	vadd.f32 v21, v7  }
0xd9: {  	v30 =	vld [tilespmem:s7+$0xFFFFFFB0];
	[tilespmem:v58+s31+$0x0] =	vst.idx.msk $0xffff, v23;
	v31 =	vadd.f32 v24, v7  }
0xda: {  	v32 =	vadd.s32 v2, v10;
	v33 =	vld [tilespmem:s10+$0xFFFFFFF0];
	[tilespmem:v59+s31+$0x0] =	vst.idx.msk $0xffff, v63;
	v34 =	vadd.f32 v60, v7  }
0xdb: {  	v35 =	vadd.f32 v15, v5;
	v36 =	vadd.s32 v2, v11;
	v19 =	vld [tilespmem:s10+$0xFFFFFFB0];
	[tilespmem:v61+s31+$0x0] =	vst.idx.msk $0xffff, v31  }
0xdc: {  	v37 =	vadd.s32 v2, v12;
	v16 =	vadd.f32 v16, v4;
	v38 =	vld [tilespmem:s11+$0xFFFFFFF0];
	[tilespmem:v62+s31+$0x0] =	vst.idx.msk $0xffff, v34  }
0xdd: {  	v40 =	vadd.s32 v2, v13;
	[tilespmem:v17+s31+$0x0] =	vst.idx.msk $0xffff, v35;
	v39 =	vadd.f32 v20, v5;
	v41 =	vld [tilespmem:s11+$0xFFFFFFB0]  }
0xde: {  	v42 =	vld [tilespmem:s9+$0x0];
	v44 =	vadd.s32 v2, v14;
	[tilespmem:v18+s31+$0x0] =	vst.idx.msk $0xffff, v16;
	v43 =	vadd.f32 v30, v5  }
0xdf: {  	v47 =	vadd.s32 v2, v27;
	v45 =	vld [tilespmem:s9+$0xFFFFFFC0];
	[tilespmem:v32+s31+$0x0] =	vst.idx.msk $0xffff, v39;
	v46 =	vadd.f32 v33, v5  }
0xe0: {  	v6 =	vadd.s32 v3, v6;
	v48 =	vld [tilespmem:s7+$0x0];
	[tilespmem:v36+s31+$0x0] =	vst.idx.msk $0xffff, v43;
	v49 =	vadd.f32 v19, v5  }
0xe1: {  	v8 =	vadd.s32 v3, v8;
	v16 =	vld [tilespmem:s7+$0xFFFFFFC0];
	[tilespmem:v37+s31+$0x0] =	vst.idx.msk $0xffff, v46;
	v50 =	vadd.f32 v38, v5  }
0xe2: {  	v51 =	vadd.s32 v3, v10;
	v52 =	vld [tilespmem:s10+$0x0];
	[tilespmem:v40+s31+$0x0] =	vst.idx.msk $0xffff, v49;
	v5 =	vadd.f32 v41, v5  }
0xe3: {  	v54 =	vadd.s32 v3, v11;
	v53 =	vadd.f32 v42, v4;
	v15 =	vld [tilespmem:s10+$0xFFFFFFC0];
	[tilespmem:v44+s31+$0x0] =	vst.idx.msk $0xffff, v50  }
0xe4: {  	v56 =	vadd.s32 v3, v12;
	v55 =	vadd.f32 v45, v4;
	v57 =	vld [tilespmem:s11+$0x0];
	[tilespmem:v47+s31+$0x0] =	vst.idx.msk $0xffff, v5  }
0xe5: {  	v58 =	vadd.s32 v3, v13;
	[tilespmem:v6+s31+$0x0] =	vst.idx.msk $0xffff, v53;
	v5 =	vadd.f32 v48, v4;
	v59 =	vld [tilespmem:s11+$0xFFFFFFC0]  }
0xe6: {  	[tilespmem:v8+s31+$0x0] =	vst.idx.msk $0xffff, v55;
	v61 =	vadd.s32 v3, v14;
	v60 =	vadd.f32 v16, v4  }
0xe7: {  	v62 =	vadd.s32 v3, v27;
	[tilespmem:v51+s31+$0x0] =	vst.idx.msk $0xffff, v5;
	v5 =	vadd.f32 v52, v4  }
0xe8: {  	[tilespmem:v54+s31+$0x0] =	vst.idx.msk $0xffff, v60;
	v63 =	vadd.f32 v15, v4  }
0xe9: {  	[tilespmem:v56+s31+$0x0] =	vst.idx.msk $0xffff, v5;
	v5 =	vadd.f32 v57, v4  }
0xea: {  	[tilespmem:v58+s31+$0x0] =	vst.idx.msk $0xffff, v63;
	v4 =	vadd.f32 v59, v4  }
0xeb: {  	[tilespmem:v61+s31+$0x0] =	vst.idx.msk $0xffff, v5  }
0xec: {  	[tilespmem:v62+s31+$0x0] =	vst.idx.msk $0xffff, v4  }
0xed: {  	s16 =	simm.s32 $0x0;
	s25 =	simm.s32 $0x15800;
	s19 =	rddreg [dreg:$0x7]  }
0xee: {  	[hbm4b:s19+s16] =	stream.linear.scatter [tilespmem:s25], [sflag:$0x7], $0x80, $0x38;
	[tilespmem:$0x1E000] =	vst v63  }
0xef: {  	s29 =	simm.s32 $0x15888;
	s30 =	sadd.s32 $0x10, s19  }
0xf0: {  	[hbm4b:s30+s16] =	stream.linear.scatter [tilespmem:s29], [sflag:$0x7], $0x80, $0x38;
	[tilespmem:$0x1E000] =	vst v63  }
0xf1: {  	s20 =	simm.s32 $0x15A20;
	s9 =	simm.s32 $0x15910;
	s10 =	sadd.s32 $0x20, s19  }
0xf2: {  	[hbm4b:s10+s16] =	stream.linear.scatter [tilespmem:s9], [sflag:$0x7], $0x80, $0x38;
	[tilespmem:$0x1E000] =	vst v63  }
0xf3: {  	s24 =	simm.s32 $0x15AA8;
	s11 =	simm.s32 $0x15998;
	s12 =	sadd.s32 $0x30, s19  }
0xf4: {  	[hbm4b:s12+s16] =	stream.linear.scatter [tilespmem:s11], [sflag:$0x7], $0x80, $0x38;
	[tilespmem:$0x1E000] =	vst v63  }
0xf5: {  	s7 =	simm.s32 $0x440;
	s22 =	sadd.s32 $0x40, s19;
	s25 =	sadd.s32 $0x50, s19  }
0xf6: {  	[hbm4b:s22+s16] =	stream.linear.scatter [tilespmem:s20], [sflag:$0x7], $0x80, $0x38;
	[tilespmem:$0x1E000] =	vst v63  }
0xf7: {  	s29 =	simm.s32 $0x15B30;
	s30 =	sadd.s32 $0x60, s19;
	s10 =	simm.s32 $0x2200  }
0xf8: {  	[hbm4b:s25+s16] =	stream.linear.scatter [tilespmem:s24], [sflag:$0x7], $0x80, $0x38;
	[tilespmem:$0x1E000] =	vst v63  }
0xf9: {  	s9 =	sadd.s32 $0x1000, s19;
	s11 =	simm.s32 $0x15BB8;
	s12 =	sadd.s32 $0x70, s19  }
0xfa: {  	[hbm4b:s30+s16] =	stream.linear.scatter [tilespmem:s29], [sflag:$0x7], $0x80, $0x38;
	[tilespmem:$0x1E000] =	vst v63  }
.LBB2_8:
0xfb: {  	[hbm4b:s12+s16] =	stream.linear.scatter [tilespmem:s11], [sflag:$0x7], $0x80, $0x38;
	[tilespmem:$0x1E000] =	vst v63  }
0xfc: {  	s11 =	smov.u32 s7;
	s7 =	smov.u32 s10  }
0xfd: {  	s19 =	sadd.s32 $0x1100, s10;
	s7 =	sshra.s32 s7, $0x2;
	s12 =	sadd.s32 $0x15800, s11  }
0xfe: {  	[hbm4b:s9+s16] =	stream.linear.scatter [tilespmem:s12], [sflag:$0x7], $0x80, $0x38;
	[tilespmem:$0x1E000] =	vst v63  }
0xff: {  	p0 =	sne.s32 s10, $0x7700;
	s10 =	sadd.s32 $0x15888, s11;
	s12 =	sadd.s32 $0x10, s9  }
0x100: {  	[hbm4b:s12+s16] =	stream.linear.scatter [tilespmem:s10], [sflag:$0x7], $0x80, $0x38;
	[tilespmem:$0x1E000] =	vst v63  }
0x101: {  	s10 =	sadd.s32 $0x15910, s11;
	s12 =	sadd.s32 $0x20, s9  }
0x102: {  	[hbm4b:s12+s16] =	stream.linear.scatter [tilespmem:s10], [sflag:$0x7], $0x80, $0x38;
	[tilespmem:$0x1E000] =	vst v63  }
0x103: {  	s10 =	sadd.s32 $0x15998, s11;
	s12 =	sadd.s32 $0x30, s9  }
0x104: {  	[hbm4b:s12+s16] =	stream.linear.scatter [tilespmem:s10], [sflag:$0x7], $0x80, $0x38;
	[tilespmem:$0x1E000] =	vst v63  }
0x105: {  	s10 =	sadd.s32 $0x15A20, s11;
	s12 =	sadd.s32 $0x40, s9  }
0x106: {  	[hbm4b:s12+s16] =	stream.linear.scatter [tilespmem:s10], [sflag:$0x7], $0x80, $0x38;
	[tilespmem:$0x1E000] =	vst v63  }
.Ltmp3:
0x107: {  	s10 =	sadd.s32 $0x15AA8, s11;
	s12 =	sadd.s32 $0x50, s9;
	(pc) =	sbr.rel @p0 .LBB2_8-.Ltmp3, $4  }
0x108: {  	[hbm4b:s12+s16] =	stream.linear.scatter [tilespmem:s10], [sflag:$0x7], $0x80, $0x38;
	[tilespmem:$0x1E000] =	vst v63  }
0x109: {  	s10 =	sadd.s32 $0x15B30, s11;
	s12 =	sadd.s32 $0x60, s9;
	s11 =	sadd.s32 $0x15BB8, s11  }
0x10a: {  	[hbm4b:s12+s16] =	stream.linear.scatter [tilespmem:s10], [sflag:$0x7], $0x80, $0x38;
	[tilespmem:$0x1E000] =	vst v63  }
0x10b: {  	s12 =	sadd.s32 $0x70, s9;
	s9 =	sadd.s32 $0x1000, s9;
	s10 =	smov.u32 s19  }
0x10c: {  	[hbm4b:s12+s16] =	stream.linear.scatter [tilespmem:s11], [sflag:$0x7], $0x80, $0x38;
	[tilespmem:$0x1E000] =	vst v63  }
0x10d: {  	s10 =	sadd.s32 $0x15800, s7  }
0x10e: {  	[hbm4b:s9+s16] =	stream.linear.scatter [tilespmem:s10], [sflag:$0x7], $0x80, $0x38;
	[tilespmem:$0x1E000] =	vst v63  }
0x10f: {  	s20 =	sadd.s32 $0x15888, s7;
	s22 =	sadd.s32 $0x10, s9  }
0x110: {  	[hbm4b:s22+s16] =	stream.linear.scatter [tilespmem:s20], [sflag:$0x7], $0x80, $0x38;
	[tilespmem:$0x1E000] =	vst v63  }
0x111: {  	s24 =	sadd.s32 $0x15910, s7;
	s25 =	sadd.s32 $0x20, s9  }
0x112: {  	[hbm4b:s25+s16] =	stream.linear.scatter [tilespmem:s24], [sflag:$0x7], $0x80, $0x38;
	[tilespmem:$0x1E000] =	vst v63  }
0x113: {  	s29 =	sadd.s32 $0x15998, s7;
	s30 =	sadd.s32 $0x30, s9  }
0x114: {  	[hbm4b:s30+s16] =	stream.linear.scatter [tilespmem:s29], [sflag:$0x7], $0x80, $0x38;
	[tilespmem:$0x1E000] =	vst v63  }
0x115: {  	s12 =	sadd.s32 $0x15A20, s7;
	s19 =	sadd.s32 $0x40, s9  }
0x116: {  	[hbm4b:s19+s16] =	stream.linear.scatter [tilespmem:s12], [sflag:$0x7], $0x80, $0x38;
	[tilespmem:$0x1E000] =	vst v63  }
0x117: {  	s20 =	sadd.s32 $0x15AA8, s7;
	s22 =	sadd.s32 $0x50, s9  }
0x118: {  	[hbm4b:s22+s16] =	stream.linear.scatter [tilespmem:s20], [sflag:$0x7], $0x80, $0x38;
	[tilespmem:$0x1E000] =	vst v63  }
0x119: {  	s24 =	sadd.s32 $0x15B30, s7;
	s25 =	sadd.s32 $0x60, s9  }
0x11a: {  	[hbm4b:s25+s16] =	stream.linear.scatter [tilespmem:s24], [sflag:$0x7], $0x80, $0x38;
	[tilespmem:$0x1E000] =	vst v63  }
0x11b: {  	s29 =	sadd.s32 $0x15BB8, s7;
	s30 =	sadd.s32 $0x70, s9  }
0x11c: {  	[hbm4b:s30+s16] =	stream.linear.scatter [tilespmem:s29], [sflag:$0x7], $0x80, $0x38;
	[tilespmem:$0x1E000] =	vst v63  }
.LBB2_10:
0x11d: {  	s11 =	smul.u32 $0x5, s16;
	_ =	sdelay $0x1  }
0x11e: {  	_ =	swait.ge [sflag:s0], $0x2000;
	s9 =	sadd.s32 $0x5, s11  }
0x11f: {  	[sflag:s0] =	ssyncset.done $0x0;
	s7 =	sshll.u32 s9, $0x7  }
0x120: {  	s10 =	simm.s32 $0x9600;
	[sflag:s0] =	ssyncadd.s32 $0xFFFFE000;
	s7 =	sand.u32 $0x1FF80, s7  }
0x121: {  	[tilespmem:s10], [sflag:$0x1] =	stream.indirect.gather [hbm4b:s5+s18], $0x40, s7, s18, $0xb8;
	[tilespmem:$0x1E000] =	vst v63  }
0x122: {  	s10 =	sadd.s32 $0x2, s11;
	_ =	swait.ge [sflag:s1], $0x2000  }
0x123: {  	s12 =	sshll.u32 s10, $0x6;
	[sflag:s1] =	ssyncset.done $0x0  }
0x124: {  	s7 =	sand.u32 $0x3FFFFFC0, s12;
	[sflag:s1] =	ssyncadd.s32 $0xFFFFE000  }
0x125: {  	s20 =	simm.s32 $0xD670;
	s12 =	simm.s32 $0x1;
	v9 =	vld [tilespmem:s7+$0x6400]  }
0x126: {  	v4 =	vmov s12;
	v6 =	vld [tilespmem:s20+$0xFFFFFFD0]  }
0x127: {  	v14 =	vand.u32 $0x7F, v4  }
0x128: {  	v8 =	vadd.s32 v0, v14  }
0x129: {  	s19 =	simm.s32 $0x0;
	v7 =	vld [tilespmem:s7+$0x6410]  }
0x12a: {  	v4 =	vmov s19;
	v10 =	vld [tilespmem:s20+$0xFFFFFF90]  }
0x12b: {  	s12 =	simm.s32 $0xD6F0;
	v5 =	vld [tilespmem:s7+$0x6420];
	v18 =	vand.u32 $0x7E, v4;
	v6 =	vadd.f32 v6, v9  }
0x12c: {  	s22 =	simm.s32 $0x3;
	v12 =	vld [tilespmem:s12+$0xFFFFFFD0];
	v11 =	vadd.s32 v0, v18  }
0x12d: {  	v4 =	vld [tilespmem:s7+$0x6430];
	[tilespmem:v8+s14+$0x0] =	vst.idx.msk $0xffff, v6;
	v6 =	vmov s22  }
0x12e: {  	v6 =	vand.u32 $0x7F, v6;
	v13 =	vld [tilespmem:s20+$0xFFFFFFE0]  }
0x12f: {  	v8 =	vadd.f32 v10, v9;
	v10 =	vadd.s32 v0, v6  }
0x130: {  	s24 =	simm.s32 $0x2;
	v15 =	vadd.s32 v1, v14  }
0x131: {  	[tilespmem:v11+s14+$0x0] =	vst.idx.msk $0xffff, v8;
	v8 =	vmov s24;
	v11 =	vld [tilespmem:s12+$0xFFFFFF90]  }
0x132: {  	v12 =	vadd.f32 v12, v9;
	v8 =	vand.u32 $0x7E, v8;
	v16 =	vld [tilespmem:s20+$0xFFFFFFA0]  }
0x133: {  	s19 =	simm.s32 $0x5;
	s7 =	simm.s32 $0xD770;
	v17 =	vadd.s32 v0, v8;
	v13 =	vadd.f32 v13, v7  }
0x134: {  	v19 =	vld [tilespmem:s7+$0xFFFFFFD0];
	[tilespmem:v10+s14+$0x0] =	vst.idx.msk $0xffff, v12;
	v12 =	vadd.s32 v1, v18;
	v10 =	vmov s19  }
0x135: {  	[tilespmem:v15+s14+$0x0] =	vst.idx.msk $0xffff, v13;
	v10 =	vand.u32 $0x7F, v10;
	v13 =	vld [tilespmem:s12+$0xFFFFFFE0]  }
0x136: {  	v11 =	vadd.f32 v11, v9;
	v15 =	vadd.s32 v0, v10;
	v20 =	vld [tilespmem:s20+$0xFFFFFFF0]  }
0x137: {  	s25 =	simm.s32 $0x4;
	v21 =	vadd.s32 v1, v6;
	v16 =	vadd.f32 v16, v7  }
0x138: {  	v22 =	vadd.s32 v2, v14;
	[tilespmem:v17+s14+$0x0] =	vst.idx.msk $0xffff, v11;
	v11 =	vmov s25;
	v17 =	vld [tilespmem:s7+$0xFFFFFF90]  }
0x139: {  	v11 =	vand.u32 $0x7E, v11;
	[tilespmem:v12+s14+$0x0] =	vst.idx.msk $0xffff, v16;
	v12 =	vadd.f32 v19, v9;
	v16 =	vld [tilespmem:s12+$0xFFFFFFA0]  }
0x13a: {  	s22 =	simm.s32 $0x7;
	s19 =	simm.s32 $0xD7F0;
	v19 =	vadd.s32 v0, v11;
	v13 =	vadd.f32 v13, v7;
	v23 =	vld [tilespmem:s20+$0xFFFFFFB0]  }
0x13b: {  	v24 =	vld [tilespmem:s19+$0xFFFFFFD0];
	[tilespmem:v15+s14+$0x0] =	vst.idx.msk $0xffff, v12;
	v15 =	vadd.s32 v1, v8;
	v20 =	vadd.f32 v20, v5;
	v12 =	vmov s22  }
0x13c: {  	[tilespmem:v21+s14+$0x0] =	vst.idx.msk $0xffff, v13;
	v21 =	vadd.s32 v2, v18;
	v12 =	vand.u32 $0x7F, v12;
	v25 =	vld [tilespmem:s7+$0xFFFFFFE0]  }
0x13d: {  	v13 =	vadd.f32 v17, v9;
	[tilespmem:v22+s14+$0x0] =	vst.idx.msk $0xffff, v20;
	v17 =	vadd.s32 v0, v12;
	v20 =	vld [tilespmem:s12+$0xFFFFFFF0]  }
0x13e: {  	s30 =	simm.s32 $0x6;
	v26 =	vadd.s32 v1, v10;
	v16 =	vadd.f32 v16, v7;
	v27 =	vld [tilespmem:s20+$0x0]  }
0x13f: {  	v28 =	vadd.s32 v2, v6;
	[tilespmem:v19+s14+$0x0] =	vst.idx.msk $0xffff, v13;
	v13 =	vmov s30;
	v19 =	vadd.f32 v23, v5;
	v23 =	vld [tilespmem:s19+$0xFFFFFF90]  }
0x140: {  	v30 =	vadd.s32 v3, v14;
	v13 =	vand.u32 $0x7E, v13;
	v29 =	vld [tilespmem:s7+$0xFFFFFFA0];
	[tilespmem:v15+s14+$0x0] =	vst.idx.msk $0xffff, v16;
	v16 =	vadd.f32 v24, v9  }
0x141: {  	[tilespmem:v21+s14+$0x0] =	vst.idx.msk $0xffff, v19;
	v21 =	vadd.s32 v0, v13;
	v14 =	vadd.f32 v25, v7;
	v15 =	vld [tilespmem:s12+$0xFFFFFFB0]  }
0x142: {  	s24 =	simm.s32 $0x9;
	s22 =	simm.s32 $0xD870;
	v19 =	vadd.s32 v1, v11;
	[tilespmem:v17+s14+$0x0] =	vst.idx.msk $0xffff, v16;
	v20 =	vadd.f32 v20, v5;
	v16 =	vld [tilespmem:s20+$0xFFFFFFC0]  }
0x143: {  	v22 =	vld [tilespmem:s22+$0xFFFFFFD0];
	v24 =	vmov s24;
	v17 =	vadd.s32 v2, v8;
	[tilespmem:v26+s14+$0x0] =	vst.idx.msk $0xffff, v14;
	v27 =	vadd.f32 v27, v4  }
0x144: {  	v18 =	vadd.s32 v3, v18;
	v14 =	vand.u32 $0x7F, v24;
	v26 =	vadd.f32 v23, v9;
	v23 =	vld [tilespmem:s19+$0xFFFFFFE0];
	[tilespmem:v28+s14+$0x0] =	vst.idx.msk $0xffff, v20  }
0x145: {  	s29 =	simm.s32 $0x8;
	s24 =	simm.s32 $0xA;
	s20 =	simm.s32 $0xD870;
	v24 =	vadd.s32 v0, v14;
	v25 =	vadd.f32 v29, v7;
	v20 =	vld [tilespmem:s7+$0xFFFFFFF0];
	[tilespmem:v30+s14+$0x0] =	vst.idx.msk $0xffff, v27  }
.LBB2_11:
0x146: {  	p0 =	slt.u32 s24, $0x7E;
	[tilespmem:v21+s14+$0x0] =	vst.idx.msk $0xffff, v26;
	v26 =	vadd.s32 v1, v12;
	v15 =	vadd.f32 v15, v5;
	v27 =	vld [tilespmem:s12+$0x0];
	v28 =	vmov v11  }
0x147: {  	v21 =	vmov s29;
	v11 =	vmovc v13;
	s29 =	smov.u32 s24;
	v29 =	vld [tilespmem:s22+$0xFFFFFF90];
	[tilespmem:v19+s14+$0x0] =	vst.idx.msk $0xffff, v25;
	v25 =	vadd.s32 v2, v10;
	v16 =	vadd.f32 v16, v4  }
0x148: {  	v31 =	vadd.s32 v3, v6;
	v13 =	vand.u32 $0x7E, v21;
	v19 =	vadd.f32 v22, v9;
	v30 =	vld [tilespmem:s19+$0xFFFFFFA0];
	[tilespmem:v17+s14+$0x0] =	vst.idx.msk $0xffff, v15  }
.Ltmp4:
0x149: {  	v6 =	vmov v10;
	v21 =	vadd.s32 v0, v13;
	v17 =	vadd.f32 v23, v7;
	v15 =	vld [tilespmem:s7+$0xFFFFFFB0];
	[tilespmem:v18+s14+$0x0] =	vst.idx.msk $0xffff, v16;
	(pc) =	sbr.rel @p0 .LBB2_11-.Ltmp4, $4  }
0x14a: {  	s25 =	sadd.s32 $0x1, s24;
	s22 =	sadd.s32 $0x80, s22;
	v10 =	vmov v12;
	[tilespmem:v24+s14+$0x0] =	vst.idx.msk $0xffff, v19;
	v19 =	vadd.s32 v1, v11;
	v18 =	vadd.f32 v20, v5;
	v16 =	vld [tilespmem:s12+$0xFFFFFFC0];
	s12 =	smov.u32 s7  }
0x14b: {  	v12 =	vmovc v14;
	v20 =	vmov s25;
	s7 =	smov.u32 s19;
	s19 =	smov.u32 s20;
	s20 =	smov.u32 s22;
	v22 =	vld [tilespmem:s22+$0xFFFFFFD0];
	[tilespmem:v26+s14+$0x0] =	vst.idx.msk $0xffff, v17;
	v17 =	vadd.s32 v2, v28;
	v27 =	vadd.f32 v27, v4  }
0x14c: {  	v14 =	vand.u32 $0x7F, v20;
	v26 =	vadd.f32 v29, v9;
	v23 =	vld [tilespmem:s19+$0xFFFFFFE0];
	[tilespmem:v25+s14+$0x0] =	vst.idx.msk $0xffff, v18;
	v18 =	vadd.s32 v3, v8  }
0x14d: {  	s24 =	sadd.s32 $0x2, s24;
	v24 =	vadd.s32 v0, v14;
	v8 =	vmov v28;
	v25 =	vadd.f32 v30, v7;
	v20 =	vld [tilespmem:s7+$0xFFFFFFF0];
	[tilespmem:v31+s14+$0x0] =	vst.idx.msk $0xffff, v27  }
0x14e: {  	v27 =	vmov s29;
	v28 =	vld [tilespmem:s22+$0xFFFFFF90]  }
0x14f: {  	v27 =	vand.u32 $0x7E, v27  }
0x150: {  	v29 =	vadd.s32 v0, v27;
	_ =	sdelay $0x1  }
0x151: {  	v22 =	vadd.f32 v22, v9  }
0x152: {  	[tilespmem:v21+s14+$0x0] =	vst.idx.msk $0xffff, v26;
	v57 =	vadd.f32 v28, v9  }
0x153: {  	v21 =	vld [tilespmem:s19+$0xFFFFFFA0];
	[tilespmem:v24+s14+$0x0] =	vst.idx.msk $0xffff, v22  }
0x154: {  	v58 =	vadd.s32 v1, v12;
	v24 =	vld [tilespmem:s20+$0xFFFFFFE0];
	[tilespmem:v29+s14+$0x0] =	vst.idx.msk $0xffff, v57  }
0x155: {  	v59 =	vadd.s32 v1, v13;
	v60 =	vld [tilespmem:s20+$0xFFFFFFA0]  }
0x156: {  	v61 =	vadd.s32 v1, v14  }
0x157: {  	v62 =	vadd.s32 v1, v27;
	v23 =	vadd.f32 v23, v7  }
0x158: {  	[tilespmem:v19+s14+$0x0] =	vst.idx.msk $0xffff, v25;
	v63 =	vadd.f32 v21, v7  }
0x159: {  	v30 =	vld [tilespmem:s7+$0xFFFFFFB0];
	[tilespmem:v58+s14+$0x0] =	vst.idx.msk $0xffff, v23;
	v31 =	vadd.f32 v24, v7  }
0x15a: {  	v32 =	vadd.s32 v2, v10;
	v33 =	vld [tilespmem:s19+$0xFFFFFFF0];
	[tilespmem:v59+s14+$0x0] =	vst.idx.msk $0xffff, v63;
	v34 =	vadd.f32 v60, v7  }
0x15b: {  	v35 =	vadd.f32 v15, v5;
	v36 =	vadd.s32 v2, v11;
	v19 =	vld [tilespmem:s19+$0xFFFFFFB0];
	[tilespmem:v61+s14+$0x0] =	vst.idx.msk $0xffff, v31  }
0x15c: {  	v37 =	vadd.s32 v2, v12;
	v16 =	vadd.f32 v16, v4;
	v38 =	vld [tilespmem:s20+$0xFFFFFFF0];
	[tilespmem:v62+s14+$0x0] =	vst.idx.msk $0xffff, v34  }
0x15d: {  	v40 =	vadd.s32 v2, v13;
	[tilespmem:v17+s14+$0x0] =	vst.idx.msk $0xffff, v35;
	v39 =	vadd.f32 v20, v5;
	v41 =	vld [tilespmem:s20+$0xFFFFFFB0]  }
0x15e: {  	v42 =	vld [tilespmem:s12+$0x0];
	v44 =	vadd.s32 v2, v14;
	[tilespmem:v18+s14+$0x0] =	vst.idx.msk $0xffff, v16;
	v43 =	vadd.f32 v30, v5  }
0x15f: {  	v47 =	vadd.s32 v2, v27;
	v45 =	vld [tilespmem:s12+$0xFFFFFFC0];
	[tilespmem:v32+s14+$0x0] =	vst.idx.msk $0xffff, v39;
	v46 =	vadd.f32 v33, v5  }
0x160: {  	v6 =	vadd.s32 v3, v6;
	v48 =	vld [tilespmem:s7+$0x0];
	[tilespmem:v36+s14+$0x0] =	vst.idx.msk $0xffff, v43;
	v49 =	vadd.f32 v19, v5  }
0x161: {  	v8 =	vadd.s32 v3, v8;
	v16 =	vld [tilespmem:s7+$0xFFFFFFC0];
	[tilespmem:v37+s14+$0x0] =	vst.idx.msk $0xffff, v46;
	v50 =	vadd.f32 v38, v5  }
0x162: {  	v51 =	vadd.s32 v3, v10;
	v52 =	vld [tilespmem:s19+$0x0];
	[tilespmem:v40+s14+$0x0] =	vst.idx.msk $0xffff, v49;
	v5 =	vadd.f32 v41, v5  }
0x163: {  	v54 =	vadd.s32 v3, v11;
	v53 =	vadd.f32 v42, v4;
	v15 =	vld [tilespmem:s19+$0xFFFFFFC0];
	[tilespmem:v44+s14+$0x0] =	vst.idx.msk $0xffff, v50  }
0x164: {  	v56 =	vadd.s32 v3, v12;
	v55 =	vadd.f32 v45, v4;
	v57 =	vld [tilespmem:s20+$0x0];
	[tilespmem:v47+s14+$0x0] =	vst.idx.msk $0xffff, v5  }
0x165: {  	v58 =	vadd.s32 v3, v13;
	[tilespmem:v6+s14+$0x0] =	vst.idx.msk $0xffff, v53;
	v5 =	vadd.f32 v48, v4;
	v59 =	vld [tilespmem:s20+$0xFFFFFFC0]  }
0x166: {  	[tilespmem:v8+s14+$0x0] =	vst.idx.msk $0xffff, v55;
	v61 =	vadd.s32 v3, v14;
	v60 =	vadd.f32 v16, v4  }
0x167: {  	v62 =	vadd.s32 v3, v27;
	[tilespmem:v51+s14+$0x0] =	vst.idx.msk $0xffff, v5;
	v5 =	vadd.f32 v52, v4  }
0x168: {  	[tilespmem:v54+s14+$0x0] =	vst.idx.msk $0xffff, v60;
	v63 =	vadd.f32 v15, v4  }
0x169: {  	s20 =	sshll.u32 s10, $0x12;
	[tilespmem:v56+s14+$0x0] =	vst.idx.msk $0xffff, v5;
	v5 =	vadd.f32 v57, v4  }
0x16a: {  	[tilespmem:v58+s14+$0x0] =	vst.idx.msk $0xffff, v63;
	s7 =	sor.u32 s4, s20;
	v4 =	vadd.f32 v59, v4  }
0x16b: {  	s7 =	sshrl.u32 s7, $0x3;
	[tilespmem:v61+s14+$0x0] =	vst.idx.msk $0xffff, v5  }
0x16c: {  	s22 =	simm.s32 $0x17A00;
	s10 =	sadd.s32 s2, s7;
	[tilespmem:v62+s14+$0x0] =	vst.idx.msk $0xffff, v4  }
0x16d: {  	[hbm4b:s10+s3] =	stream.linear.scatter [tilespmem:s22], [sflag:$0x8], $0x80, $0x38;
	[tilespmem:$0x1E000] =	vst v63  }
0x16e: {  	s24 =	simm.s32 $0x17A88;
	s25 =	sadd.s32 $0x10, s10  }
0x16f: {  	[hbm4b:s25+s3] =	stream.linear.scatter [tilespmem:s24], [sflag:$0x8], $0x80, $0x38;
	[tilespmem:$0x1E000] =	vst v63  }
0x170: {  	s29 =	simm.s32 $0x17B10;
	s12 =	simm.s32 $0x17B98;
	s30 =	sadd.s32 $0x20, s10  }
0x171: {  	[hbm4b:s30+s3] =	stream.linear.scatter [tilespmem:s29], [sflag:$0x8], $0x80, $0x38;
	[tilespmem:$0x1E000] =	vst v63  }
0x172: {  	s20 =	simm.s32 $0x17C20;
	s7 =	simm.s32 $0x440;
	s19 =	sadd.s32 $0x30, s10  }
0x173: {  	[hbm4b:s19+s3] =	stream.linear.scatter [tilespmem:s12], [sflag:$0x8], $0x80, $0x38;
	[tilespmem:$0x1E000] =	vst v63  }
0x174: {  	s22 =	sadd.s32 $0x40, s10;
	s24 =	simm.s32 $0x17CA8;
	s25 =	sadd.s32 $0x50, s10  }
0x175: {  	[hbm4b:s22+s3] =	stream.linear.scatter [tilespmem:s20], [sflag:$0x8], $0x80, $0x38;
	[tilespmem:$0x1E000] =	vst v63  }
0x176: {  	s29 =	simm.s32 $0x17D30;
	s30 =	sadd.s32 $0x60, s10;
	s12 =	simm.s32 $0x2200  }
0x177: {  	[hbm4b:s25+s3] =	stream.linear.scatter [tilespmem:s24], [sflag:$0x8], $0x80, $0x38;
	[tilespmem:$0x1E000] =	vst v63  }
0x178: {  	s19 =	simm.s32 $0x17DB8;
	s20 =	sadd.s32 $0x70, s10;
	s10 =	sadd.s32 $0x1000, s10  }
0x179: {  	[hbm4b:s30+s3] =	stream.linear.scatter [tilespmem:s29], [sflag:$0x8], $0x80, $0x38;
	[tilespmem:$0x1E000] =	vst v63  }
.LBB2_13:
0x17a: {  	[hbm4b:s20+s3] =	stream.linear.scatter [tilespmem:s19], [sflag:$0x8], $0x80, $0x38;
	[tilespmem:$0x1E000] =	vst v63  }
0x17b: {  	s19 =	smov.u32 s7;
	s7 =	smov.u32 s12  }
0x17c: {  	s22 =	sadd.s32 $0x1100, s12;
	s7 =	sshra.s32 s7, $0x2;
	s20 =	sadd.s32 $0x17A00, s19  }
0x17d: {  	[hbm4b:s10+s3] =	stream.linear.scatter [tilespmem:s20], [sflag:$0x8], $0x80, $0x38;
	[tilespmem:$0x1E000] =	vst v63  }
0x17e: {  	p0 =	sne.s32 s12, $0x7700;
	s12 =	sadd.s32 $0x17A88, s19;
	s20 =	sadd.s32 $0x10, s10  }
0x17f: {  	[hbm4b:s20+s3] =	stream.linear.scatter [tilespmem:s12], [sflag:$0x8], $0x80, $0x38;
	[tilespmem:$0x1E000] =	vst v63  }
0x180: {  	s12 =	sadd.s32 $0x17B10, s19;
	s20 =	sadd.s32 $0x20, s10  }
0x181: {  	[hbm4b:s20+s3] =	stream.linear.scatter [tilespmem:s12], [sflag:$0x8], $0x80, $0x38;
	[tilespmem:$0x1E000] =	vst v63  }
0x182: {  	s12 =	sadd.s32 $0x17B98, s19;
	s20 =	sadd.s32 $0x30, s10  }
0x183: {  	[hbm4b:s20+s3] =	stream.linear.scatter [tilespmem:s12], [sflag:$0x8], $0x80, $0x38;
	[tilespmem:$0x1E000] =	vst v63  }
0x184: {  	s12 =	sadd.s32 $0x17C20, s19;
	s20 =	sadd.s32 $0x40, s10  }
0x185: {  	[hbm4b:s20+s3] =	stream.linear.scatter [tilespmem:s12], [sflag:$0x8], $0x80, $0x38;
	[tilespmem:$0x1E000] =	vst v63  }
.Ltmp5:
0x186: {  	s12 =	sadd.s32 $0x17CA8, s19;
	s20 =	sadd.s32 $0x50, s10;
	(pc) =	sbr.rel @p0 .LBB2_13-.Ltmp5, $4  }
0x187: {  	[hbm4b:s20+s3] =	stream.linear.scatter [tilespmem:s12], [sflag:$0x8], $0x80, $0x38;
	[tilespmem:$0x1E000] =	vst v63  }
0x188: {  	s12 =	sadd.s32 $0x17D30, s19;
	s20 =	sadd.s32 $0x60, s10;
	s19 =	sadd.s32 $0x17DB8, s19  }
0x189: {  	[hbm4b:s20+s3] =	stream.linear.scatter [tilespmem:s12], [sflag:$0x8], $0x80, $0x38;
	[tilespmem:$0x1E000] =	vst v63  }
0x18a: {  	s20 =	sadd.s32 $0x70, s10;
	s10 =	sadd.s32 $0x1000, s10;
	s12 =	smov.u32 s22  }
0x18b: {  	[hbm4b:s20+s3] =	stream.linear.scatter [tilespmem:s19], [sflag:$0x8], $0x80, $0x38;
	[tilespmem:$0x1E000] =	vst v63  }
0x18c: {  	s12 =	sadd.s32 $0x17A00, s7  }
0x18d: {  	[hbm4b:s10+s3] =	stream.linear.scatter [tilespmem:s12], [sflag:$0x8], $0x80, $0x38;
	[tilespmem:$0x1E000] =	vst v63  }
0x18e: {  	s25 =	sadd.s32 $0x17A88, s7;
	s30 =	sadd.s32 $0x10, s10  }
0x18f: {  	[hbm4b:s30+s3] =	stream.linear.scatter [tilespmem:s25], [sflag:$0x8], $0x80, $0x38;
	[tilespmem:$0x1E000] =	vst v63  }
0x190: {  	s19 =	sadd.s32 $0x17B10, s7;
	s20 =	sadd.s32 $0x20, s10  }
0x191: {  	[hbm4b:s20+s3] =	stream.linear.scatter [tilespmem:s19], [sflag:$0x8], $0x80, $0x38;
	[tilespmem:$0x1E000] =	vst v63  }
0x192: {  	s22 =	sadd.s32 $0x17B98, s7;
	s24 =	sadd.s32 $0x30, s10  }
0x193: {  	[hbm4b:s24+s3] =	stream.linear.scatter [tilespmem:s22], [sflag:$0x8], $0x80, $0x38;
	[tilespmem:$0x1E000] =	vst v63  }
0x194: {  	s25 =	sadd.s32 $0x17C20, s7;
	s30 =	sadd.s32 $0x40, s10  }
0x195: {  	[hbm4b:s30+s3] =	stream.linear.scatter [tilespmem:s25], [sflag:$0x8], $0x80, $0x38;
	[tilespmem:$0x1E000] =	vst v63  }
0x196: {  	s20 =	sadd.s32 $0x17CA8, s7;
	s22 =	sadd.s32 $0x50, s10  }
0x197: {  	[hbm4b:s22+s3] =	stream.linear.scatter [tilespmem:s20], [sflag:$0x8], $0x80, $0x38;
	[tilespmem:$0x1E000] =	vst v63  }
0x198: {  	s24 =	sadd.s32 $0x17D30, s7;
	s25 =	sadd.s32 $0x60, s10  }
0x199: {  	[hbm4b:s25+s3] =	stream.linear.scatter [tilespmem:s24], [sflag:$0x8], $0x80, $0x38;
	[tilespmem:$0x1E000] =	vst v63  }
0x19a: {  	s12 =	sadd.s32 $0x70, s10;
	s30 =	sadd.s32 $0x17DB8, s7  }
0x19b: {  	[hbm4b:s12+s3] =	stream.linear.scatter [tilespmem:s30], [sflag:$0x8], $0x80, $0x38;
	[tilespmem:$0x1E000] =	vst v63  }
0x19c: {  	s10 =	sadd.s32 $0x6, s11;
	_ =	swait.ge [sflag:s15], $0x2000  }
0x19d: {  	s19 =	sshll.u32 s10, $0x7;
	[sflag:s15] =	ssyncset.done $0x0  }
0x19e: {  	s7 =	sand.u32 $0x1FF80, s19;
	s20 =	simm.s32 $0xB600;
	[sflag:s15] =	ssyncadd.s32 $0xFFFFE000  }
0x19f: {  	[tilespmem:s20], [sflag:$0x2] =	stream.indirect.gather [hbm4b:s5+s18], $0x40, s7, s18, $0xb8;
	[tilespmem:$0x1E000] =	vst v63  }
0x1a0: {  	s12 =	sadd.s32 $0x3, s11;
	_ =	swait.ge [sflag:s17], $0x2000  }
0x1a1: {  	s22 =	sshll.u32 s12, $0x6;
	[sflag:s17] =	ssyncset.done $0x0  }
0x1a2: {  	s7 =	sand.u32 $0x3FFFFFC0, s22;
	[sflag:s17] =	ssyncadd.s32 $0xFFFFE000  }
0x1a3: {  	s24 =	simm.s32 $0x1;
	s22 =	simm.s32 $0xF670;
	v9 =	vld [tilespmem:s7+$0x6400]  }
0x1a4: {  	v4 =	vmov s24;
	v6 =	vld [tilespmem:s22+$0xFFFFFFD0]  }
0x1a5: {  	v14 =	vand.u32 $0x7F, v4  }
0x1a6: {  	v8 =	vadd.s32 v0, v14  }
0x1a7: {  	s25 =	simm.s32 $0x0;
	v7 =	vld [tilespmem:s7+$0x6410]  }
0x1a8: {  	v4 =	vmov s25;
	v10 =	vld [tilespmem:s22+$0xFFFFFF90]  }
0x1a9: {  	v18 =	vand.u32 $0x7E, v4;
	v5 =	vld [tilespmem:s7+$0x6420];
	v6 =	vadd.f32 v6, v9  }
0x1aa: {  	s30 =	simm.s32 $0x3;
	v11 =	vadd.s32 v0, v18;
	v4 =	vld [tilespmem:s7+$0x6430];
	s7 =	simm.s32 $0xF6F0  }
0x1ab: {  	v12 =	vld [tilespmem:s7+$0xFFFFFFD0];
	[tilespmem:v8+s21+$0x0] =	vst.idx.msk $0xffff, v6;
	v6 =	vmov s30  }
0x1ac: {  	v6 =	vand.u32 $0x7F, v6;
	v13 =	vld [tilespmem:s22+$0xFFFFFFE0]  }
0x1ad: {  	v8 =	vadd.f32 v10, v9;
	v10 =	vadd.s32 v0, v6  }
0x1ae: {  	v15 =	vadd.s32 v1, v14;
	s20 =	simm.s32 $0x2  }
0x1af: {  	[tilespmem:v11+s21+$0x0] =	vst.idx.msk $0xffff, v8;
	v8 =	vmov s20;
	v11 =	vld [tilespmem:s7+$0xFFFFFF90]  }
0x1b0: {  	v12 =	vadd.f32 v12, v9;
	v8 =	vand.u32 $0x7E, v8;
	v16 =	vld [tilespmem:s22+$0xFFFFFFA0]  }
0x1b1: {  	s19 =	simm.s32 $0xF770;
	s24 =	simm.s32 $0x5;
	v17 =	vadd.s32 v0, v8;
	v13 =	vadd.f32 v13, v7  }
0x1b2: {  	v19 =	vld [tilespmem:s19+$0xFFFFFFD0];
	[tilespmem:v10+s21+$0x0] =	vst.idx.msk $0xffff, v12;
	v12 =	vadd.s32 v1, v18;
	v10 =	vmov s24  }
0x1b3: {  	[tilespmem:v15+s21+$0x0] =	vst.idx.msk $0xffff, v13;
	v10 =	vand.u32 $0x7F, v10;
	v13 =	vld [tilespmem:s7+$0xFFFFFFE0]  }
0x1b4: {  	v11 =	vadd.f32 v11, v9;
	v15 =	vadd.s32 v0, v10;
	v20 =	vld [tilespmem:s22+$0xFFFFFFF0]  }
0x1b5: {  	s25 =	simm.s32 $0x4;
	v21 =	vadd.s32 v1, v6;
	v16 =	vadd.f32 v16, v7  }
0x1b6: {  	v22 =	vadd.s32 v2, v14;
	[tilespmem:v17+s21+$0x0] =	vst.idx.msk $0xffff, v11;
	v11 =	vmov s25;
	v17 =	vld [tilespmem:s19+$0xFFFFFF90]  }
0x1b7: {  	v11 =	vand.u32 $0x7E, v11;
	[tilespmem:v12+s21+$0x0] =	vst.idx.msk $0xffff, v16;
	v12 =	vadd.f32 v19, v9;
	v16 =	vld [tilespmem:s7+$0xFFFFFFA0]  }
0x1b8: {  	s20 =	simm.s32 $0xF7F0;
	s24 =	simm.s32 $0x7;
	v19 =	vadd.s32 v0, v11;
	v13 =	vadd.f32 v13, v7;
	v23 =	vld [tilespmem:s22+$0xFFFFFFB0]  }
0x1b9: {  	v24 =	vld [tilespmem:s20+$0xFFFFFFD0];
	[tilespmem:v15+s21+$0x0] =	vst.idx.msk $0xffff, v12;
	v15 =	vadd.s32 v1, v8;
	v20 =	vadd.f32 v20, v5;
	v12 =	vmov s24  }
0x1ba: {  	[tilespmem:v21+s21+$0x0] =	vst.idx.msk $0xffff, v13;
	v21 =	vadd.s32 v2, v18;
	v12 =	vand.u32 $0x7F, v12;
	v25 =	vld [tilespmem:s19+$0xFFFFFFE0]  }
0x1bb: {  	v13 =	vadd.f32 v17, v9;
	[tilespmem:v22+s21+$0x0] =	vst.idx.msk $0xffff, v20;
	v17 =	vadd.s32 v0, v12;
	v20 =	vld [tilespmem:s7+$0xFFFFFFF0]  }
0x1bc: {  	s30 =	simm.s32 $0x6;
	v26 =	vadd.s32 v1, v10;
	v16 =	vadd.f32 v16, v7;
	v27 =	vld [tilespmem:s22+$0x0]  }
0x1bd: {  	v28 =	vadd.s32 v2, v6;
	[tilespmem:v19+s21+$0x0] =	vst.idx.msk $0xffff, v13;
	v13 =	vmov s30;
	v19 =	vadd.f32 v23, v5;
	v23 =	vld [tilespmem:s20+$0xFFFFFF90]  }
0x1be: {  	v30 =	vadd.s32 v3, v14;
	v13 =	vand.u32 $0x7E, v13;
	v29 =	vld [tilespmem:s19+$0xFFFFFFA0];
	[tilespmem:v15+s21+$0x0] =	vst.idx.msk $0xffff, v16;
	v16 =	vadd.f32 v24, v9  }
0x1bf: {  	[tilespmem:v21+s21+$0x0] =	vst.idx.msk $0xffff, v19;
	v21 =	vadd.s32 v0, v13;
	v14 =	vadd.f32 v25, v7;
	v15 =	vld [tilespmem:s7+$0xFFFFFFB0]  }
0x1c0: {  	s25 =	simm.s32 $0x9;
	s24 =	simm.s32 $0xF870;
	v19 =	vadd.s32 v1, v11;
	[tilespmem:v17+s21+$0x0] =	vst.idx.msk $0xffff, v16;
	v20 =	vadd.f32 v20, v5;
	v16 =	vld [tilespmem:s22+$0xFFFFFFC0]  }
0x1c1: {  	v22 =	vld [tilespmem:s24+$0xFFFFFFD0];
	v24 =	vmov s25;
	v17 =	vadd.s32 v2, v8;
	[tilespmem:v26+s21+$0x0] =	vst.idx.msk $0xffff, v14;
	v27 =	vadd.f32 v27, v4  }
0x1c2: {  	v18 =	vadd.s32 v3, v18;
	v14 =	vand.u32 $0x7F, v24;
	v26 =	vadd.f32 v23, v9;
	v23 =	vld [tilespmem:s20+$0xFFFFFFE0];
	[tilespmem:v28+s21+$0x0] =	vst.idx.msk $0xffff, v20  }
0x1c3: {  	s29 =	simm.s32 $0xA;
	s25 =	simm.s32 $0x8;
	s22 =	simm.s32 $0xF870;
	v24 =	vadd.s32 v0, v14;
	v25 =	vadd.f32 v29, v7;
	v20 =	vld [tilespmem:s19+$0xFFFFFFF0];
	[tilespmem:v30+s21+$0x0] =	vst.idx.msk $0xffff, v27  }
.LBB2_15:
0x1c4: {  	p0 =	slt.u32 s29, $0x7E;
	[tilespmem:v21+s21+$0x0] =	vst.idx.msk $0xffff, v26;
	v26 =	vadd.s32 v1, v12;
	v15 =	vadd.f32 v15, v5;
	v27 =	vld [tilespmem:s7+$0x0];
	v28 =	vmov v11  }
0x1c5: {  	v21 =	vmov s25;
	v11 =	vmovc v13;
	s25 =	smov.u32 s29;
	v29 =	vld [tilespmem:s24+$0xFFFFFF90];
	[tilespmem:v19+s21+$0x0] =	vst.idx.msk $0xffff, v25;
	v25 =	vadd.s32 v2, v10;
	v16 =	vadd.f32 v16, v4  }
0x1c6: {  	v31 =	vadd.s32 v3, v6;
	v13 =	vand.u32 $0x7E, v21;
	v19 =	vadd.f32 v22, v9;
	v30 =	vld [tilespmem:s20+$0xFFFFFFA0];
	[tilespmem:v17+s21+$0x0] =	vst.idx.msk $0xffff, v15  }
.Ltmp6:
0x1c7: {  	v6 =	vmov v10;
	v21 =	vadd.s32 v0, v13;
	v17 =	vadd.f32 v23, v7;
	v15 =	vld [tilespmem:s19+$0xFFFFFFB0];
	[tilespmem:v18+s21+$0x0] =	vst.idx.msk $0xffff, v16;
	(pc) =	sbr.rel @p0 .LBB2_15-.Ltmp6, $4  }
0x1c8: {  	s30 =	sadd.s32 $0x1, s29;
	s24 =	sadd.s32 $0x80, s24;
	v10 =	vmov v12;
	[tilespmem:v24+s21+$0x0] =	vst.idx.msk $0xffff, v19;
	v19 =	vadd.s32 v1, v11;
	v18 =	vadd.f32 v20, v5;
	v16 =	vld [tilespmem:s7+$0xFFFFFFC0];
	s7 =	smov.u32 s19  }
0x1c9: {  	v12 =	vmovc v14;
	v20 =	vmov s30;
	s19 =	smov.u32 s20;
	s20 =	smov.u32 s22;
	s22 =	smov.u32 s24;
	v22 =	vld [tilespmem:s24+$0xFFFFFFD0];
	[tilespmem:v26+s21+$0x0] =	vst.idx.msk $0xffff, v17;
	v17 =	vadd.s32 v2, v28;
	v27 =	vadd.f32 v27, v4  }
0x1ca: {  	v14 =	vand.u32 $0x7F, v20;
	v26 =	vadd.f32 v29, v9;
	v23 =	vld [tilespmem:s20+$0xFFFFFFE0];
	[tilespmem:v25+s21+$0x0] =	vst.idx.msk $0xffff, v18;
	v18 =	vadd.s32 v3, v8  }
0x1cb: {  	s29 =	sadd.s32 $0x2, s29;
	v24 =	vadd.s32 v0, v14;
	v8 =	vmov v28;
	v25 =	vadd.f32 v30, v7;
	v20 =	vld [tilespmem:s19+$0xFFFFFFF0];
	[tilespmem:v31+s21+$0x0] =	vst.idx.msk $0xffff, v27  }
0x1cc: {  	v27 =	vmov s25;
	v28 =	vld [tilespmem:s24+$0xFFFFFF90]  }
0x1cd: {  	v27 =	vand.u32 $0x7E, v27  }
0x1ce: {  	v29 =	vadd.s32 v0, v27;
	_ =	sdelay $0x1  }
0x1cf: {  	v22 =	vadd.f32 v22, v9  }
0x1d0: {  	[tilespmem:v21+s21+$0x0] =	vst.idx.msk $0xffff, v26;
	v57 =	vadd.f32 v28, v9  }
0x1d1: {  	v21 =	vld [tilespmem:s20+$0xFFFFFFA0];
	[tilespmem:v24+s21+$0x0] =	vst.idx.msk $0xffff, v22  }
0x1d2: {  	v58 =	vadd.s32 v1, v12;
	v24 =	vld [tilespmem:s22+$0xFFFFFFE0];
	[tilespmem:v29+s21+$0x0] =	vst.idx.msk $0xffff, v57  }
0x1d3: {  	v59 =	vadd.s32 v1, v13;
	v60 =	vld [tilespmem:s22+$0xFFFFFFA0]  }
0x1d4: {  	v61 =	vadd.s32 v1, v14  }
0x1d5: {  	v62 =	vadd.s32 v1, v27;
	v23 =	vadd.f32 v23, v7  }
0x1d6: {  	[tilespmem:v19+s21+$0x0] =	vst.idx.msk $0xffff, v25;
	v63 =	vadd.f32 v21, v7  }
0x1d7: {  	v30 =	vld [tilespmem:s19+$0xFFFFFFB0];
	[tilespmem:v58+s21+$0x0] =	vst.idx.msk $0xffff, v23;
	v31 =	vadd.f32 v24, v7  }
0x1d8: {  	v32 =	vadd.s32 v2, v10;
	v33 =	vld [tilespmem:s20+$0xFFFFFFF0];
	[tilespmem:v59+s21+$0x0] =	vst.idx.msk $0xffff, v63;
	v34 =	vadd.f32 v60, v7  }
0x1d9: {  	v35 =	vadd.f32 v15, v5;
	v36 =	vadd.s32 v2, v11;
	v19 =	vld [tilespmem:s20+$0xFFFFFFB0];
	[tilespmem:v61+s21+$0x0] =	vst.idx.msk $0xffff, v31  }
0x1da: {  	v37 =	vadd.s32 v2, v12;
	v16 =	vadd.f32 v16, v4;
	v38 =	vld [tilespmem:s22+$0xFFFFFFF0];
	[tilespmem:v62+s21+$0x0] =	vst.idx.msk $0xffff, v34  }
0x1db: {  	v40 =	vadd.s32 v2, v13;
	[tilespmem:v17+s21+$0x0] =	vst.idx.msk $0xffff, v35;
	v39 =	vadd.f32 v20, v5;
	v41 =	vld [tilespmem:s22+$0xFFFFFFB0]  }
0x1dc: {  	v42 =	vld [tilespmem:s7+$0x0];
	v44 =	vadd.s32 v2, v14;
	[tilespmem:v18+s21+$0x0] =	vst.idx.msk $0xffff, v16;
	v43 =	vadd.f32 v30, v5  }
0x1dd: {  	v47 =	vadd.s32 v2, v27;
	v45 =	vld [tilespmem:s7+$0xFFFFFFC0];
	[tilespmem:v32+s21+$0x0] =	vst.idx.msk $0xffff, v39;
	v46 =	vadd.f32 v33, v5  }
0x1de: {  	v6 =	vadd.s32 v3, v6;
	v48 =	vld [tilespmem:s19+$0x0];
	[tilespmem:v36+s21+$0x0] =	vst.idx.msk $0xffff, v43;
	v49 =	vadd.f32 v19, v5  }
0x1df: {  	v8 =	vadd.s32 v3, v8;
	v16 =	vld [tilespmem:s19+$0xFFFFFFC0];
	[tilespmem:v37+s21+$0x0] =	vst.idx.msk $0xffff, v46;
	v50 =	vadd.f32 v38, v5  }
0x1e0: {  	v51 =	vadd.s32 v3, v10;
	v52 =	vld [tilespmem:s20+$0x0];
	[tilespmem:v40+s21+$0x0] =	vst.idx.msk $0xffff, v49;
	v5 =	vadd.f32 v41, v5  }
0x1e1: {  	v54 =	vadd.s32 v3, v11;
	v53 =	vadd.f32 v42, v4;
	v15 =	vld [tilespmem:s20+$0xFFFFFFC0];
	[tilespmem:v44+s21+$0x0] =	vst.idx.msk $0xffff, v50  }
0x1e2: {  	v56 =	vadd.s32 v3, v12;
	v55 =	vadd.f32 v45, v4;
	v57 =	vld [tilespmem:s22+$0x0];
	[tilespmem:v47+s21+$0x0] =	vst.idx.msk $0xffff, v5  }
0x1e3: {  	v58 =	vadd.s32 v3, v13;
	[tilespmem:v6+s21+$0x0] =	vst.idx.msk $0xffff, v53;
	v5 =	vadd.f32 v48, v4;
	v59 =	vld [tilespmem:s22+$0xFFFFFFC0]  }
0x1e4: {  	[tilespmem:v8+s21+$0x0] =	vst.idx.msk $0xffff, v55;
	v61 =	vadd.s32 v3, v14;
	v60 =	vadd.f32 v16, v4  }
0x1e5: {  	v62 =	vadd.s32 v3, v27;
	[tilespmem:v51+s21+$0x0] =	vst.idx.msk $0xffff, v5;
	v5 =	vadd.f32 v52, v4  }
0x1e6: {  	[tilespmem:v54+s21+$0x0] =	vst.idx.msk $0xffff, v60;
	v63 =	vadd.f32 v15, v4  }
0x1e7: {  	s12 =	sshll.u32 s12, $0x12;
	[tilespmem:v56+s21+$0x0] =	vst.idx.msk $0xffff, v5;
	v5 =	vadd.f32 v57, v4  }
0x1e8: {  	s7 =	sor.u32 s4, s12;
	[tilespmem:v58+s21+$0x0] =	vst.idx.msk $0xffff, v63;
	v4 =	vadd.f32 v59, v4  }
0x1e9: {  	s7 =	sshrl.u32 s7, $0x3;
	[tilespmem:v61+s21+$0x0] =	vst.idx.msk $0xffff, v5  }
0x1ea: {  	s12 =	sadd.s32 s2, s7;
	s19 =	simm.s32 $0x19C00;
	[tilespmem:v62+s21+$0x0] =	vst.idx.msk $0xffff, v4  }
0x1eb: {  	[hbm4b:s12+s3] =	stream.linear.scatter [tilespmem:s19], [sflag:$0x9], $0x80, $0x38;
	[tilespmem:$0x1E000] =	vst v63  }
0x1ec: {  	s20 =	simm.s32 $0x19C88;
	s22 =	sadd.s32 $0x10, s12  }
0x1ed: {  	[hbm4b:s22+s3] =	stream.linear.scatter [tilespmem:s20], [sflag:$0x9], $0x80, $0x38;
	[tilespmem:$0x1E000] =	vst v63  }
0x1ee: {  	s24 =	simm.s32 $0x19D10;
	s29 =	simm.s32 $0x19D98;
	s25 =	sadd.s32 $0x20, s12  }
0x1ef: {  	[hbm4b:s25+s3] =	stream.linear.scatter [tilespmem:s24], [sflag:$0x9], $0x80, $0x38;
	[tilespmem:$0x1E000] =	vst v63  }
0x1f0: {  	s7 =	simm.s32 $0x440;
	s30 =	sadd.s32 $0x30, s12;
	s19 =	simm.s32 $0x2200  }
0x1f1: {  	[hbm4b:s30+s3] =	stream.linear.scatter [tilespmem:s29], [sflag:$0x9], $0x80, $0x38;
	[tilespmem:$0x1E000] =	vst v63  }
0x1f2: {  	s20 =	simm.s32 $0x19E20;
	s22 =	sadd.s32 $0x40, s12;
	s24 =	simm.s32 $0x19EA8  }
0x1f3: {  	[hbm4b:s22+s3] =	stream.linear.scatter [tilespmem:s20], [sflag:$0x9], $0x80, $0x38;
	[tilespmem:$0x1E000] =	vst v63  }
0x1f4: {  	s25 =	sadd.s32 $0x50, s12;
	s29 =	simm.s32 $0x19F30;
	s30 =	sadd.s32 $0x60, s12  }
0x1f5: {  	[hbm4b:s25+s3] =	stream.linear.scatter [tilespmem:s24], [sflag:$0x9], $0x80, $0x38;
	[tilespmem:$0x1E000] =	vst v63  }
0x1f6: {  	s20 =	simm.s32 $0x19FB8;
	s22 =	sadd.s32 $0x70, s12;
	s12 =	sadd.s32 $0x1000, s12  }
0x1f7: {  	[hbm4b:s30+s3] =	stream.linear.scatter [tilespmem:s29], [sflag:$0x9], $0x80, $0x38;
	[tilespmem:$0x1E000] =	vst v63  }
.LBB2_17:
0x1f8: {  	[hbm4b:s22+s3] =	stream.linear.scatter [tilespmem:s20], [sflag:$0x9], $0x80, $0x38;
	[tilespmem:$0x1E000] =	vst v63  }
0x1f9: {  	s20 =	smov.u32 s7;
	s7 =	smov.u32 s19  }
0x1fa: {  	s24 =	sadd.s32 $0x1100, s19;
	s7 =	sshra.s32 s7, $0x2;
	s22 =	sadd.s32 $0x19C00, s20  }
0x1fb: {  	[hbm4b:s12+s3] =	stream.linear.scatter [tilespmem:s22], [sflag:$0x9], $0x80, $0x38;
	[tilespmem:$0x1E000] =	vst v63  }
0x1fc: {  	p0 =	sne.s32 s19, $0x7700;
	s19 =	sadd.s32 $0x19C88, s20;
	s22 =	sadd.s32 $0x10, s12  }
0x1fd: {  	[hbm4b:s22+s3] =	stream.linear.scatter [tilespmem:s19], [sflag:$0x9], $0x80, $0x38;
	[tilespmem:$0x1E000] =	vst v63  }
0x1fe: {  	s19 =	sadd.s32 $0x19D10, s20;
	s22 =	sadd.s32 $0x20, s12  }
0x1ff: {  	[hbm4b:s22+s3] =	stream.linear.scatter [tilespmem:s19], [sflag:$0x9], $0x80, $0x38;
	[tilespmem:$0x1E000] =	vst v63  }
0x200: {  	s19 =	sadd.s32 $0x19D98, s20;
	s22 =	sadd.s32 $0x30, s12  }
0x201: {  	[hbm4b:s22+s3] =	stream.linear.scatter [tilespmem:s19], [sflag:$0x9], $0x80, $0x38;
	[tilespmem:$0x1E000] =	vst v63  }
0x202: {  	s19 =	sadd.s32 $0x19E20, s20;
	s22 =	sadd.s32 $0x40, s12  }
0x203: {  	[hbm4b:s22+s3] =	stream.linear.scatter [tilespmem:s19], [sflag:$0x9], $0x80, $0x38;
	[tilespmem:$0x1E000] =	vst v63  }
.Ltmp7:
0x204: {  	s19 =	sadd.s32 $0x19EA8, s20;
	s22 =	sadd.s32 $0x50, s12;
	(pc) =	sbr.rel @p0 .LBB2_17-.Ltmp7, $4  }
0x205: {  	[hbm4b:s22+s3] =	stream.linear.scatter [tilespmem:s19], [sflag:$0x9], $0x80, $0x38;
	[tilespmem:$0x1E000] =	vst v63  }
0x206: {  	s19 =	sadd.s32 $0x19F30, s20;
	s22 =	sadd.s32 $0x60, s12;
	s20 =	sadd.s32 $0x19FB8, s20  }
0x207: {  	[hbm4b:s22+s3] =	stream.linear.scatter [tilespmem:s19], [sflag:$0x9], $0x80, $0x38;
	[tilespmem:$0x1E000] =	vst v63  }
0x208: {  	s22 =	sadd.s32 $0x70, s12;
	s12 =	sadd.s32 $0x1000, s12;
	s19 =	smov.u32 s24  }
0x209: {  	[hbm4b:s22+s3] =	stream.linear.scatter [tilespmem:s20], [sflag:$0x9], $0x80, $0x38;
	[tilespmem:$0x1E000] =	vst v63  }
0x20a: {  	s19 =	sadd.s32 $0x19C00, s7  }
0x20b: {  	[hbm4b:s12+s3] =	stream.linear.scatter [tilespmem:s19], [sflag:$0x9], $0x80, $0x38;
	[tilespmem:$0x1E000] =	vst v63  }
0x20c: {  	s25 =	sadd.s32 $0x19C88, s7;
	s30 =	sadd.s32 $0x10, s12  }
0x20d: {  	[hbm4b:s30+s3] =	stream.linear.scatter [tilespmem:s25], [sflag:$0x9], $0x80, $0x38;
	[tilespmem:$0x1E000] =	vst v63  }
0x20e: {  	s22 =	sadd.s32 $0x19D10, s7;
	s24 =	sadd.s32 $0x20, s12  }
0x20f: {  	[hbm4b:s24+s3] =	stream.linear.scatter [tilespmem:s22], [sflag:$0x9], $0x80, $0x38;
	[tilespmem:$0x1E000] =	vst v63  }
0x210: {  	s25 =	sadd.s32 $0x19D98, s7;
	s30 =	sadd.s32 $0x30, s12  }
0x211: {  	[hbm4b:s30+s3] =	stream.linear.scatter [tilespmem:s25], [sflag:$0x9], $0x80, $0x38;
	[tilespmem:$0x1E000] =	vst v63  }
0x212: {  	s22 =	sadd.s32 $0x19E20, s7;
	s24 =	sadd.s32 $0x40, s12  }
0x213: {  	[hbm4b:s24+s3] =	stream.linear.scatter [tilespmem:s22], [sflag:$0x9], $0x80, $0x38;
	[tilespmem:$0x1E000] =	vst v63  }
0x214: {  	s25 =	sadd.s32 $0x19EA8, s7;
	s30 =	sadd.s32 $0x50, s12  }
0x215: {  	[hbm4b:s30+s3] =	stream.linear.scatter [tilespmem:s25], [sflag:$0x9], $0x80, $0x38;
	[tilespmem:$0x1E000] =	vst v63  }
0x216: {  	s22 =	sadd.s32 $0x19F30, s7;
	s24 =	sadd.s32 $0x60, s12  }
0x217: {  	[hbm4b:s24+s3] =	stream.linear.scatter [tilespmem:s22], [sflag:$0x9], $0x80, $0x38;
	[tilespmem:$0x1E000] =	vst v63  }
0x218: {  	s25 =	sadd.s32 $0x19FB8, s7;
	s30 =	sadd.s32 $0x70, s12;
	s12 =	smul.u32 $0xA00, s16  }
0x219: {  	[hbm4b:s30+s3] =	stream.linear.scatter [tilespmem:s25], [sflag:$0x9], $0x80, $0x38;
	[tilespmem:$0x1E000] =	vst v63  }
0x21a: {  	s19 =	sadd.s32 $0xE00, s12;
	_ =	swait.ge [sflag:s23], $0x2000  }
0x21b: {  	s7 =	sand.u32 $0x7FE00, s19;
	[sflag:s23] =	ssyncset.done $0x0  }
0x21c: {  	s20 =	simm.s32 $0xD600;
	s7 =	sshrl.u32 s7, $0x2;
	[sflag:s23] =	ssyncadd.s32 $0xFFFFE000  }
0x21d: {  	[tilespmem:s20], [sflag:$0x3] =	stream.indirect.gather [hbm4b:s5+s18], $0x40, s7, s18, $0xb8;
	[tilespmem:$0x1E000] =	vst v63  }
0x21e: {  	s11 =	sadd.s32 $0x4, s11;
	_ =	swait.ge [sflag:s28], $0x2000  }
0x21f: {  	s22 =	sshll.u32 s11, $0x6;
	[sflag:s28] =	ssyncset.done $0x0  }
0x220: {  	s7 =	sand.u32 $0x3FFFFFC0, s22;
	[sflag:s28] =	ssyncadd.s32 $0xFFFFE000  }
0x221: {  	s24 =	simm.s32 $0x1;
	s22 =	simm.s32 $0x11670;
	v9 =	vld [tilespmem:s7+$0x6400]  }
0x222: {  	v4 =	vmov s24;
	v6 =	vld [tilespmem:s22+$0xFFFFFFD0]  }
0x223: {  	v14 =	vand.u32 $0x7F, v4  }
0x224: {  	v8 =	vadd.s32 v0, v14  }
0x225: {  	s25 =	simm.s32 $0x0;
	v7 =	vld [tilespmem:s7+$0x6410]  }
0x226: {  	v4 =	vmov s25;
	v10 =	vld [tilespmem:s22+$0xFFFFFF90]  }
0x227: {  	v18 =	vand.u32 $0x7E, v4;
	v5 =	vld [tilespmem:s7+$0x6420];
	v6 =	vadd.f32 v6, v9  }
0x228: {  	s30 =	simm.s32 $0x3;
	v11 =	vadd.s32 v0, v18;
	v4 =	vld [tilespmem:s7+$0x6430];
	s7 =	simm.s32 $0x116F0  }
0x229: {  	v12 =	vld [tilespmem:s7+$0xFFFFFFD0];
	[tilespmem:v8+s6+$0x0] =	vst.idx.msk $0xffff, v6;
	v6 =	vmov s30  }
0x22a: {  	v6 =	vand.u32 $0x7F, v6;
	v13 =	vld [tilespmem:s22+$0xFFFFFFE0]  }
0x22b: {  	v8 =	vadd.f32 v10, v9;
	v10 =	vadd.s32 v0, v6  }
0x22c: {  	v15 =	vadd.s32 v1, v14;
	s20 =	simm.s32 $0x2  }
0x22d: {  	[tilespmem:v11+s6+$0x0] =	vst.idx.msk $0xffff, v8;
	v8 =	vmov s20;
	v11 =	vld [tilespmem:s7+$0xFFFFFF90]  }
0x22e: {  	v12 =	vadd.f32 v12, v9;
	v8 =	vand.u32 $0x7E, v8;
	v16 =	vld [tilespmem:s22+$0xFFFFFFA0]  }
0x22f: {  	s24 =	simm.s32 $0x5;
	s19 =	simm.s32 $0x11770;
	v17 =	vadd.s32 v0, v8;
	v13 =	vadd.f32 v13, v7  }
0x230: {  	v19 =	vld [tilespmem:s19+$0xFFFFFFD0];
	[tilespmem:v10+s6+$0x0] =	vst.idx.msk $0xffff, v12;
	v12 =	vadd.s32 v1, v18;
	v10 =	vmov s24  }
0x231: {  	[tilespmem:v15+s6+$0x0] =	vst.idx.msk $0xffff, v13;
	v10 =	vand.u32 $0x7F, v10;
	v13 =	vld [tilespmem:s7+$0xFFFFFFE0]  }
0x232: {  	v11 =	vadd.f32 v11, v9;
	v15 =	vadd.s32 v0, v10;
	v20 =	vld [tilespmem:s22+$0xFFFFFFF0]  }
0x233: {  	s25 =	simm.s32 $0x4;
	v21 =	vadd.s32 v1, v6;
	v16 =	vadd.f32 v16, v7  }
0x234: {  	v22 =	vadd.s32 v2, v14;
	[tilespmem:v17+s6+$0x0] =	vst.idx.msk $0xffff, v11;
	v11 =	vmov s25;
	v17 =	vld [tilespmem:s19+$0xFFFFFF90]  }
0x235: {  	v11 =	vand.u32 $0x7E, v11;
	[tilespmem:v12+s6+$0x0] =	vst.idx.msk $0xffff, v16;
	v12 =	vadd.f32 v19, v9;
	v16 =	vld [tilespmem:s7+$0xFFFFFFA0]  }
0x236: {  	s20 =	simm.s32 $0x117F0;
	s24 =	simm.s32 $0x7;
	v19 =	vadd.s32 v0, v11;
	v13 =	vadd.f32 v13, v7;
	v23 =	vld [tilespmem:s22+$0xFFFFFFB0]  }
0x237: {  	v24 =	vld [tilespmem:s20+$0xFFFFFFD0];
	[tilespmem:v15+s6+$0x0] =	vst.idx.msk $0xffff, v12;
	v15 =	vadd.s32 v1, v8;
	v20 =	vadd.f32 v20, v5;
	v12 =	vmov s24  }
0x238: {  	[tilespmem:v21+s6+$0x0] =	vst.idx.msk $0xffff, v13;
	v21 =	vadd.s32 v2, v18;
	v12 =	vand.u32 $0x7F, v12;
	v25 =	vld [tilespmem:s19+$0xFFFFFFE0]  }
0x239: {  	v13 =	vadd.f32 v17, v9;
	[tilespmem:v22+s6+$0x0] =	vst.idx.msk $0xffff, v20;
	v17 =	vadd.s32 v0, v12;
	v20 =	vld [tilespmem:s7+$0xFFFFFFF0]  }
0x23a: {  	s30 =	simm.s32 $0x6;
	v26 =	vadd.s32 v1, v10;
	v16 =	vadd.f32 v16, v7;
	v27 =	vld [tilespmem:s22+$0x0]  }
0x23b: {  	v28 =	vadd.s32 v2, v6;
	[tilespmem:v19+s6+$0x0] =	vst.idx.msk $0xffff, v13;
	v13 =	vmov s30;
	v19 =	vadd.f32 v23, v5;
	v23 =	vld [tilespmem:s20+$0xFFFFFF90]  }
0x23c: {  	v30 =	vadd.s32 v3, v14;
	v13 =	vand.u32 $0x7E, v13;
	v29 =	vld [tilespmem:s19+$0xFFFFFFA0];
	[tilespmem:v15+s6+$0x0] =	vst.idx.msk $0xffff, v16;
	v16 =	vadd.f32 v24, v9  }
0x23d: {  	[tilespmem:v21+s6+$0x0] =	vst.idx.msk $0xffff, v19;
	v21 =	vadd.s32 v0, v13;
	v14 =	vadd.f32 v25, v7;
	v15 =	vld [tilespmem:s7+$0xFFFFFFB0]  }
0x23e: {  	s25 =	simm.s32 $0x9;
	s24 =	simm.s32 $0x11870;
	v19 =	vadd.s32 v1, v11;
	[tilespmem:v17+s6+$0x0] =	vst.idx.msk $0xffff, v16;
	v20 =	vadd.f32 v20, v5;
	v16 =	vld [tilespmem:s22+$0xFFFFFFC0]  }
0x23f: {  	v22 =	vld [tilespmem:s24+$0xFFFFFFD0];
	v24 =	vmov s25;
	v17 =	vadd.s32 v2, v8;
	[tilespmem:v26+s6+$0x0] =	vst.idx.msk $0xffff, v14;
	v27 =	vadd.f32 v27, v4  }
0x240: {  	v18 =	vadd.s32 v3, v18;
	v14 =	vand.u32 $0x7F, v24;
	v26 =	vadd.f32 v23, v9;
	v23 =	vld [tilespmem:s20+$0xFFFFFFE0];
	[tilespmem:v28+s6+$0x0] =	vst.idx.msk $0xffff, v20  }
0x241: {  	s29 =	simm.s32 $0xA;
	s25 =	simm.s32 $0x8;
	s22 =	simm.s32 $0x11870;
	v24 =	vadd.s32 v0, v14;
	v25 =	vadd.f32 v29, v7;
	v20 =	vld [tilespmem:s19+$0xFFFFFFF0];
	[tilespmem:v30+s6+$0x0] =	vst.idx.msk $0xffff, v27  }
.LBB2_19:
0x242: {  	p0 =	slt.u32 s29, $0x7E;
	[tilespmem:v21+s6+$0x0] =	vst.idx.msk $0xffff, v26;
	v26 =	vadd.s32 v1, v12;
	v15 =	vadd.f32 v15, v5;
	v27 =	vld [tilespmem:s7+$0x0];
	v28 =	vmov v11  }
0x243: {  	v21 =	vmov s25;
	v11 =	vmovc v13;
	s25 =	smov.u32 s29;
	v29 =	vld [tilespmem:s24+$0xFFFFFF90];
	[tilespmem:v19+s6+$0x0] =	vst.idx.msk $0xffff, v25;
	v25 =	vadd.s32 v2, v10;
	v16 =	vadd.f32 v16, v4  }
0x244: {  	v31 =	vadd.s32 v3, v6;
	v13 =	vand.u32 $0x7E, v21;
	v19 =	vadd.f32 v22, v9;
	v30 =	vld [tilespmem:s20+$0xFFFFFFA0];
	[tilespmem:v17+s6+$0x0] =	vst.idx.msk $0xffff, v15  }
.Ltmp8:
0x245: {  	v6 =	vmov v10;
	v21 =	vadd.s32 v0, v13;
	v17 =	vadd.f32 v23, v7;
	v15 =	vld [tilespmem:s19+$0xFFFFFFB0];
	[tilespmem:v18+s6+$0x0] =	vst.idx.msk $0xffff, v16;
	(pc) =	sbr.rel @p0 .LBB2_19-.Ltmp8, $4  }
0x246: {  	s30 =	sadd.s32 $0x1, s29;
	s24 =	sadd.s32 $0x80, s24;
	v10 =	vmov v12;
	[tilespmem:v24+s6+$0x0] =	vst.idx.msk $0xffff, v19;
	v19 =	vadd.s32 v1, v11;
	v18 =	vadd.f32 v20, v5;
	v16 =	vld [tilespmem:s7+$0xFFFFFFC0];
	s7 =	smov.u32 s19  }
0x247: {  	v12 =	vmovc v14;
	v20 =	vmov s30;
	s19 =	smov.u32 s20;
	s20 =	smov.u32 s22;
	s22 =	smov.u32 s24;
	v22 =	vld [tilespmem:s24+$0xFFFFFFD0];
	[tilespmem:v26+s6+$0x0] =	vst.idx.msk $0xffff, v17;
	v17 =	vadd.s32 v2, v28;
	v27 =	vadd.f32 v27, v4  }
0x248: {  	v14 =	vand.u32 $0x7F, v20;
	v26 =	vadd.f32 v29, v9;
	v23 =	vld [tilespmem:s20+$0xFFFFFFE0];
	[tilespmem:v25+s6+$0x0] =	vst.idx.msk $0xffff, v18;
	v18 =	vadd.s32 v3, v8  }
0x249: {  	s29 =	sadd.s32 $0x2, s29;
	v24 =	vadd.s32 v0, v14;
	v8 =	vmov v28;
	v25 =	vadd.f32 v30, v7;
	v20 =	vld [tilespmem:s19+$0xFFFFFFF0];
	[tilespmem:v31+s6+$0x0] =	vst.idx.msk $0xffff, v27  }
0x24a: {  	v27 =	vmov s25;
	v28 =	vld [tilespmem:s24+$0xFFFFFF90]  }
0x24b: {  	v27 =	vand.u32 $0x7E, v27  }
0x24c: {  	v29 =	vadd.s32 v0, v27;
	_ =	sdelay $0x1  }
0x24d: {  	v22 =	vadd.f32 v22, v9  }
0x24e: {  	[tilespmem:v21+s6+$0x0] =	vst.idx.msk $0xffff, v26;
	v57 =	vadd.f32 v28, v9  }
0x24f: {  	v21 =	vld [tilespmem:s20+$0xFFFFFFA0];
	[tilespmem:v24+s6+$0x0] =	vst.idx.msk $0xffff, v22  }
0x250: {  	v58 =	vadd.s32 v1, v12;
	v24 =	vld [tilespmem:s22+$0xFFFFFFE0];
	[tilespmem:v29+s6+$0x0] =	vst.idx.msk $0xffff, v57  }
0x251: {  	v59 =	vadd.s32 v1, v13;
	v60 =	vld [tilespmem:s22+$0xFFFFFFA0]  }
0x252: {  	v61 =	vadd.s32 v1, v14  }
0x253: {  	v62 =	vadd.s32 v1, v27;
	v23 =	vadd.f32 v23, v7  }
0x254: {  	[tilespmem:v19+s6+$0x0] =	vst.idx.msk $0xffff, v25;
	v63 =	vadd.f32 v21, v7  }
0x255: {  	v30 =	vld [tilespmem:s19+$0xFFFFFFB0];
	[tilespmem:v58+s6+$0x0] =	vst.idx.msk $0xffff, v23;
	v31 =	vadd.f32 v24, v7  }
0x256: {  	v32 =	vadd.s32 v2, v10;
	v33 =	vld [tilespmem:s20+$0xFFFFFFF0];
	[tilespmem:v59+s6+$0x0] =	vst.idx.msk $0xffff, v63;
	v34 =	vadd.f32 v60, v7  }
0x257: {  	v35 =	vadd.f32 v15, v5;
	v36 =	vadd.s32 v2, v11;
	v19 =	vld [tilespmem:s20+$0xFFFFFFB0];
	[tilespmem:v61+s6+$0x0] =	vst.idx.msk $0xffff, v31  }
0x258: {  	v37 =	vadd.s32 v2, v12;
	v16 =	vadd.f32 v16, v4;
	v38 =	vld [tilespmem:s22+$0xFFFFFFF0];
	[tilespmem:v62+s6+$0x0] =	vst.idx.msk $0xffff, v34  }
0x259: {  	v40 =	vadd.s32 v2, v13;
	[tilespmem:v17+s6+$0x0] =	vst.idx.msk $0xffff, v35;
	v39 =	vadd.f32 v20, v5;
	v41 =	vld [tilespmem:s22+$0xFFFFFFB0]  }
0x25a: {  	v42 =	vld [tilespmem:s7+$0x0];
	v44 =	vadd.s32 v2, v14;
	[tilespmem:v18+s6+$0x0] =	vst.idx.msk $0xffff, v16;
	v43 =	vadd.f32 v30, v5  }
0x25b: {  	v47 =	vadd.s32 v2, v27;
	v45 =	vld [tilespmem:s7+$0xFFFFFFC0];
	[tilespmem:v32+s6+$0x0] =	vst.idx.msk $0xffff, v39;
	v46 =	vadd.f32 v33, v5  }
0x25c: {  	v6 =	vadd.s32 v3, v6;
	v48 =	vld [tilespmem:s19+$0x0];
	[tilespmem:v36+s6+$0x0] =	vst.idx.msk $0xffff, v43;
	v49 =	vadd.f32 v19, v5  }
0x25d: {  	v8 =	vadd.s32 v3, v8;
	v16 =	vld [tilespmem:s19+$0xFFFFFFC0];
	[tilespmem:v37+s6+$0x0] =	vst.idx.msk $0xffff, v46;
	v50 =	vadd.f32 v38, v5  }
0x25e: {  	v51 =	vadd.s32 v3, v10;
	v52 =	vld [tilespmem:s20+$0x0];
	[tilespmem:v40+s6+$0x0] =	vst.idx.msk $0xffff, v49;
	v5 =	vadd.f32 v41, v5  }
0x25f: {  	v54 =	vadd.s32 v3, v11;
	v53 =	vadd.f32 v42, v4;
	v15 =	vld [tilespmem:s20+$0xFFFFFFC0];
	[tilespmem:v44+s6+$0x0] =	vst.idx.msk $0xffff, v50  }
0x260: {  	v56 =	vadd.s32 v3, v12;
	v55 =	vadd.f32 v45, v4;
	v57 =	vld [tilespmem:s22+$0x0];
	[tilespmem:v47+s6+$0x0] =	vst.idx.msk $0xffff, v5  }
0x261: {  	v58 =	vadd.s32 v3, v13;
	[tilespmem:v6+s6+$0x0] =	vst.idx.msk $0xffff, v53;
	v5 =	vadd.f32 v48, v4;
	v59 =	vld [tilespmem:s22+$0xFFFFFFC0]  }
0x262: {  	[tilespmem:v8+s6+$0x0] =	vst.idx.msk $0xffff, v55;
	v61 =	vadd.s32 v3, v14;
	v60 =	vadd.f32 v16, v4  }
0x263: {  	v62 =	vadd.s32 v3, v27;
	[tilespmem:v51+s6+$0x0] =	vst.idx.msk $0xffff, v5;
	v5 =	vadd.f32 v52, v4  }
0x264: {  	[tilespmem:v54+s6+$0x0] =	vst.idx.msk $0xffff, v60;
	v63 =	vadd.f32 v15, v4  }
0x265: {  	s11 =	sshll.u32 s11, $0x12;
	[tilespmem:v56+s6+$0x0] =	vst.idx.msk $0xffff, v5;
	v5 =	vadd.f32 v57, v4  }
0x266: {  	s7 =	sor.u32 s4, s11;
	[tilespmem:v58+s6+$0x0] =	vst.idx.msk $0xffff, v63;
	v4 =	vadd.f32 v59, v4  }
0x267: {  	s7 =	sshrl.u32 s7, $0x3;
	[tilespmem:v61+s6+$0x0] =	vst.idx.msk $0xffff, v5  }
0x268: {  	s11 =	sadd.s32 s2, s7;
	s19 =	simm.s32 $0x1BE00;
	[tilespmem:v62+s6+$0x0] =	vst.idx.msk $0xffff, v4  }
0x269: {  	[hbm4b:s11+s3] =	stream.linear.scatter [tilespmem:s19], [sflag:$0xA], $0x80, $0x38;
	[tilespmem:$0x1E000] =	vst v63  }
0x26a: {  	s20 =	simm.s32 $0x1BE88;
	s22 =	sadd.s32 $0x10, s11  }
0x26b: {  	[hbm4b:s22+s3] =	stream.linear.scatter [tilespmem:s20], [sflag:$0xA], $0x80, $0x38;
	[tilespmem:$0x1E000] =	vst v63  }
0x26c: {  	s24 =	simm.s32 $0x1BF10;
	s29 =	simm.s32 $0x1BF98;
	s25 =	sadd.s32 $0x20, s11  }
0x26d: {  	[hbm4b:s25+s3] =	stream.linear.scatter [tilespmem:s24], [sflag:$0xA], $0x80, $0x38;
	[tilespmem:$0x1E000] =	vst v63  }
0x26e: {  	s7 =	simm.s32 $0x440;
	s30 =	sadd.s32 $0x30, s11;
	s19 =	simm.s32 $0x2200  }
0x26f: {  	[hbm4b:s30+s3] =	stream.linear.scatter [tilespmem:s29], [sflag:$0xA], $0x80, $0x38;
	[tilespmem:$0x1E000] =	vst v63  }
0x270: {  	s20 =	simm.s32 $0x1C020;
	s22 =	sadd.s32 $0x40, s11;
	s24 =	simm.s32 $0x1C0A8  }
0x271: {  	[hbm4b:s22+s3] =	stream.linear.scatter [tilespmem:s20], [sflag:$0xA], $0x80, $0x38;
	[tilespmem:$0x1E000] =	vst v63  }
0x272: {  	s25 =	sadd.s32 $0x50, s11;
	s29 =	simm.s32 $0x1C130;
	s30 =	sadd.s32 $0x60, s11  }
0x273: {  	[hbm4b:s25+s3] =	stream.linear.scatter [tilespmem:s24], [sflag:$0xA], $0x80, $0x38;
	[tilespmem:$0x1E000] =	vst v63  }
0x274: {  	s20 =	simm.s32 $0x1C1B8;
	s22 =	sadd.s32 $0x70, s11;
	s11 =	sadd.s32 $0x1000, s11  }
0x275: {  	[hbm4b:s30+s3] =	stream.linear.scatter [tilespmem:s29], [sflag:$0xA], $0x80, $0x38;
	[tilespmem:$0x1E000] =	vst v63  }
.LBB2_21:
0x276: {  	[hbm4b:s22+s3] =	stream.linear.scatter [tilespmem:s20], [sflag:$0xA], $0x80, $0x38;
	[tilespmem:$0x1E000] =	vst v63  }
0x277: {  	s20 =	smov.u32 s7;
	s7 =	smov.u32 s19  }
0x278: {  	s24 =	sadd.s32 $0x1100, s19;
	s7 =	sshra.s32 s7, $0x2;
	s22 =	sadd.s32 $0x1BE00, s20  }
0x279: {  	[hbm4b:s11+s3] =	stream.linear.scatter [tilespmem:s22], [sflag:$0xA], $0x80, $0x38;
	[tilespmem:$0x1E000] =	vst v63  }
0x27a: {  	p0 =	sne.s32 s19, $0x7700;
	s19 =	sadd.s32 $0x1BE88, s20;
	s22 =	sadd.s32 $0x10, s11  }
0x27b: {  	[hbm4b:s22+s3] =	stream.linear.scatter [tilespmem:s19], [sflag:$0xA], $0x80, $0x38;
	[tilespmem:$0x1E000] =	vst v63  }
0x27c: {  	s19 =	sadd.s32 $0x1BF10, s20;
	s22 =	sadd.s32 $0x20, s11  }
0x27d: {  	[hbm4b:s22+s3] =	stream.linear.scatter [tilespmem:s19], [sflag:$0xA], $0x80, $0x38;
	[tilespmem:$0x1E000] =	vst v63  }
0x27e: {  	s19 =	sadd.s32 $0x1BF98, s20;
	s22 =	sadd.s32 $0x30, s11  }
0x27f: {  	[hbm4b:s22+s3] =	stream.linear.scatter [tilespmem:s19], [sflag:$0xA], $0x80, $0x38;
	[tilespmem:$0x1E000] =	vst v63  }
0x280: {  	s19 =	sadd.s32 $0x1C020, s20;
	s22 =	sadd.s32 $0x40, s11  }
0x281: {  	[hbm4b:s22+s3] =	stream.linear.scatter [tilespmem:s19], [sflag:$0xA], $0x80, $0x38;
	[tilespmem:$0x1E000] =	vst v63  }
.Ltmp9:
0x282: {  	s19 =	sadd.s32 $0x1C0A8, s20;
	s22 =	sadd.s32 $0x50, s11;
	(pc) =	sbr.rel @p0 .LBB2_21-.Ltmp9, $4  }
0x283: {  	[hbm4b:s22+s3] =	stream.linear.scatter [tilespmem:s19], [sflag:$0xA], $0x80, $0x38;
	[tilespmem:$0x1E000] =	vst v63  }
0x284: {  	s19 =	sadd.s32 $0x1C130, s20;
	s22 =	sadd.s32 $0x60, s11;
	s20 =	sadd.s32 $0x1C1B8, s20  }
0x285: {  	[hbm4b:s22+s3] =	stream.linear.scatter [tilespmem:s19], [sflag:$0xA], $0x80, $0x38;
	[tilespmem:$0x1E000] =	vst v63  }
0x286: {  	s22 =	sadd.s32 $0x70, s11;
	s11 =	sadd.s32 $0x1000, s11;
	s19 =	smov.u32 s24  }
0x287: {  	[hbm4b:s22+s3] =	stream.linear.scatter [tilespmem:s20], [sflag:$0xA], $0x80, $0x38;
	[tilespmem:$0x1E000] =	vst v63  }
0x288: {  	s19 =	sadd.s32 $0x1BE00, s7  }
0x289: {  	[hbm4b:s11+s3] =	stream.linear.scatter [tilespmem:s19], [sflag:$0xA], $0x80, $0x38;
	[tilespmem:$0x1E000] =	vst v63  }
0x28a: {  	s29 =	sadd.s32 $0x1BE88, s7;
	s30 =	sadd.s32 $0x10, s11  }
0x28b: {  	[hbm4b:s30+s3] =	stream.linear.scatter [tilespmem:s29], [sflag:$0xA], $0x80, $0x38;
	[tilespmem:$0x1E000] =	vst v63  }
0x28c: {  	s20 =	sadd.s32 $0x1BF10, s7;
	s22 =	sadd.s32 $0x20, s11  }
0x28d: {  	[hbm4b:s22+s3] =	stream.linear.scatter [tilespmem:s20], [sflag:$0xA], $0x80, $0x38;
	[tilespmem:$0x1E000] =	vst v63  }
0x28e: {  	s24 =	sadd.s32 $0x1BF98, s7;
	s25 =	sadd.s32 $0x30, s11  }
0x28f: {  	[hbm4b:s25+s3] =	stream.linear.scatter [tilespmem:s24], [sflag:$0xA], $0x80, $0x38;
	[tilespmem:$0x1E000] =	vst v63  }
0x290: {  	s29 =	sadd.s32 $0x1C020, s7;
	s30 =	sadd.s32 $0x40, s11  }
0x291: {  	[hbm4b:s30+s3] =	stream.linear.scatter [tilespmem:s29], [sflag:$0xA], $0x80, $0x38;
	[tilespmem:$0x1E000] =	vst v63  }
0x292: {  	s20 =	sadd.s32 $0x1C0A8, s7;
	s22 =	sadd.s32 $0x50, s11  }
0x293: {  	[hbm4b:s22+s3] =	stream.linear.scatter [tilespmem:s20], [sflag:$0xA], $0x80, $0x38;
	[tilespmem:$0x1E000] =	vst v63  }
0x294: {  	s24 =	sadd.s32 $0x1C130, s7;
	s25 =	sadd.s32 $0x60, s11  }
0x295: {  	[hbm4b:s25+s3] =	stream.linear.scatter [tilespmem:s24], [sflag:$0xA], $0x80, $0x38;
	[tilespmem:$0x1E000] =	vst v63  }
0x296: {  	s19 =	sadd.s32 $0x1000, s12;
	s29 =	sadd.s32 $0x1C1B8, s7;
	s30 =	sadd.s32 $0x70, s11  }
0x297: {  	[hbm4b:s30+s3] =	stream.linear.scatter [tilespmem:s29], [sflag:$0xA], $0x80, $0x38;
	[tilespmem:$0x1E000] =	vst v63  }
0x298: {  	s7 =	sand.u32 $0x7F000, s19;
	s20 =	sand.u32 $0xE00, s12;
	_ =	swait.ge [sflag:s8], $0x2000  }
0x299: {  	s22 =	simm.s32 $0xF600;
	s7 =	sor.u32 s20, s7;
	[sflag:s8] =	ssyncset.done $0x0  }
0x29a: {  	s7 =	sshrl.u32 s7, $0x2;
	s24 =	simm.s32 $0x1;
	[sflag:s8] =	ssyncadd.s32 $0xFFFFE000  }
0x29b: {  	[tilespmem:s22], [sflag:$0x4] =	stream.indirect.gather [hbm4b:s5+s18], $0x40, s7, s18, $0xb8;
	[tilespmem:$0x1E000] =	vst v63  }
0x29c: {  	_ =	swait.ge [sflag:s24], $0x2000  }
0x29d: {  	s25 =	sshll.u32 s9, $0x6;
	[sflag:s24] =	ssyncset.done $0x0  }
0x29e: {  	s7 =	sand.u32 $0x3FFFFFC0, s25;
	[sflag:s24] =	ssyncadd.s32 $0xFFFFE000  }
0x29f: {  	s20 =	simm.s32 $0x9640;
	s29 =	simm.s32 $0x1;
	v9 =	vld [tilespmem:s7+$0x6400]  }
0x2a0: {  	v4 =	vmov s29;
	v6 =	vld [tilespmem:s20+$0x0]  }
0x2a1: {  	v14 =	vand.u32 $0x7F, v4  }
0x2a2: {  	v8 =	vadd.s32 v0, v14  }
0x2a3: {  	s30 =	simm.s32 $0x0;
	v7 =	vld [tilespmem:s7+$0x6410]  }
0x2a4: {  	v4 =	vmov s30;
	v10 =	vld [tilespmem:s20+$0xFFFFFFC0]  }
0x2a5: {  	v18 =	vand.u32 $0x7E, v4;
	v5 =	vld [tilespmem:s7+$0x6420];
	v6 =	vadd.f32 v6, v9  }
0x2a6: {  	s19 =	simm.s32 $0x3;
	v11 =	vadd.s32 v0, v18;
	v4 =	vld [tilespmem:s7+$0x6430];
	s7 =	simm.s32 $0x96C0  }
0x2a7: {  	v12 =	vld [tilespmem:s7+$0x0];
	[tilespmem:v8+s26+$0x0] =	vst.idx.msk $0xffff, v6;
	v6 =	vmov s19  }
0x2a8: {  	v6 =	vand.u32 $0x7F, v6;
	v13 =	vld [tilespmem:s20+$0x10]  }
0x2a9: {  	v8 =	vadd.f32 v10, v9;
	v10 =	vadd.s32 v0, v6  }
0x2aa: {  	v15 =	vadd.s32 v1, v14;
	s22 =	simm.s32 $0x2  }
0x2ab: {  	[tilespmem:v11+s26+$0x0] =	vst.idx.msk $0xffff, v8;
	v8 =	vmov s22;
	v11 =	vld [tilespmem:s7+$0xFFFFFFC0]  }
0x2ac: {  	v12 =	vadd.f32 v12, v9;
	v8 =	vand.u32 $0x7E, v8;
	v16 =	vld [tilespmem:s20+$0xFFFFFFD0]  }
0x2ad: {  	s11 =	simm.s32 $0x9740;
	s24 =	simm.s32 $0x5;
	v17 =	vadd.s32 v0, v8;
	v13 =	vadd.f32 v13, v7  }
0x2ae: {  	v19 =	vld [tilespmem:s11+$0x0];
	[tilespmem:v10+s26+$0x0] =	vst.idx.msk $0xffff, v12;
	v12 =	vadd.s32 v1, v18;
	v10 =	vmov s24  }
0x2af: {  	[tilespmem:v15+s26+$0x0] =	vst.idx.msk $0xffff, v13;
	v10 =	vand.u32 $0x7F, v10;
	v13 =	vld [tilespmem:s7+$0x10]  }
0x2b0: {  	v11 =	vadd.f32 v11, v9;
	v15 =	vadd.s32 v0, v10;
	v20 =	vld [tilespmem:s20+$0x20]  }
0x2b1: {  	s25 =	simm.s32 $0x4;
	v21 =	vadd.s32 v1, v6;
	v16 =	vadd.f32 v16, v7  }
0x2b2: {  	v22 =	vadd.s32 v2, v14;
	[tilespmem:v17+s26+$0x0] =	vst.idx.msk $0xffff, v11;
	v11 =	vmov s25;
	v17 =	vld [tilespmem:s11+$0xFFFFFFC0]  }
0x2b3: {  	v11 =	vand.u32 $0x7E, v11;
	[tilespmem:v12+s26+$0x0] =	vst.idx.msk $0xffff, v16;
	v12 =	vadd.f32 v19, v9;
	v16 =	vld [tilespmem:s7+$0xFFFFFFD0]  }
0x2b4: {  	s29 =	simm.s32 $0x7;
	s19 =	simm.s32 $0x97C0;
	v19 =	vadd.s32 v0, v11;
	v13 =	vadd.f32 v13, v7;
	v23 =	vld [tilespmem:s20+$0xFFFFFFE0]  }
0x2b5: {  	v24 =	vld [tilespmem:s19+$0x0];
	[tilespmem:v15+s26+$0x0] =	vst.idx.msk $0xffff, v12;
	v15 =	vadd.s32 v1, v8;
	v20 =	vadd.f32 v20, v5;
	v12 =	vmov s29  }
0x2b6: {  	[tilespmem:v21+s26+$0x0] =	vst.idx.msk $0xffff, v13;
	v21 =	vadd.s32 v2, v18;
	v12 =	vand.u32 $0x7F, v12;
	v25 =	vld [tilespmem:s11+$0x10]  }
0x2b7: {  	v13 =	vadd.f32 v17, v9;
	[tilespmem:v22+s26+$0x0] =	vst.idx.msk $0xffff, v20;
	v17 =	vadd.s32 v0, v12;
	v20 =	vld [tilespmem:s7+$0x20]  }
0x2b8: {  	s30 =	simm.s32 $0x6;
	v26 =	vadd.s32 v1, v10;
	v16 =	vadd.f32 v16, v7;
	v27 =	vld [tilespmem:s20+$0x30]  }
0x2b9: {  	v28 =	vadd.s32 v2, v6;
	[tilespmem:v19+s26+$0x0] =	vst.idx.msk $0xffff, v13;
	v13 =	vmov s30;
	v19 =	vadd.f32 v23, v5;
	v23 =	vld [tilespmem:s19+$0xFFFFFFC0]  }
0x2ba: {  	v30 =	vadd.s32 v3, v14;
	v13 =	vand.u32 $0x7E, v13;
	v29 =	vld [tilespmem:s11+$0xFFFFFFD0];
	[tilespmem:v15+s26+$0x0] =	vst.idx.msk $0xffff, v16;
	v16 =	vadd.f32 v24, v9  }
0x2bb: {  	[tilespmem:v21+s26+$0x0] =	vst.idx.msk $0xffff, v19;
	v21 =	vadd.s32 v0, v13;
	v14 =	vadd.f32 v25, v7;
	v15 =	vld [tilespmem:s7+$0xFFFFFFE0]  }
0x2bc: {  	s22 =	simm.s32 $0x9840;
	s24 =	simm.s32 $0x9;
	v19 =	vadd.s32 v1, v11;
	[tilespmem:v17+s26+$0x0] =	vst.idx.msk $0xffff, v16;
	v20 =	vadd.f32 v20, v5;
	v16 =	vld [tilespmem:s20+$0xFFFFFFF0]  }
0x2bd: {  	v22 =	vld [tilespmem:s22+$0x0];
	v24 =	vmov s24;
	v17 =	vadd.s32 v2, v8;
	[tilespmem:v26+s26+$0x0] =	vst.idx.msk $0xffff, v14;
	v27 =	vadd.f32 v27, v4  }
0x2be: {  	v18 =	vadd.s32 v3, v18;
	v14 =	vand.u32 $0x7F, v24;
	v26 =	vadd.f32 v23, v9;
	v23 =	vld [tilespmem:s19+$0x10];
	[tilespmem:v28+s26+$0x0] =	vst.idx.msk $0xffff, v20  }
0x2bf: {  	s25 =	simm.s32 $0x8;
	s24 =	simm.s32 $0xA;
	s20 =	simm.s32 $0x9840;
	v24 =	vadd.s32 v0, v14;
	v25 =	vadd.f32 v29, v7;
	v20 =	vld [tilespmem:s11+$0x20];
	[tilespmem:v30+s26+$0x0] =	vst.idx.msk $0xffff, v27  }
.LBB2_23:
0x2c0: {  	p0 =	slt.u32 s24, $0x7E;
	[tilespmem:v21+s26+$0x0] =	vst.idx.msk $0xffff, v26;
	v26 =	vadd.s32 v1, v12;
	v15 =	vadd.f32 v15, v5;
	v27 =	vld [tilespmem:s7+$0x30];
	v28 =	vmov v11  }
0x2c1: {  	v21 =	vmov s25;
	v11 =	vmovc v13;
	s25 =	smov.u32 s24;
	v29 =	vld [tilespmem:s22+$0xFFFFFFC0];
	[tilespmem:v19+s26+$0x0] =	vst.idx.msk $0xffff, v25;
	v25 =	vadd.s32 v2, v10;
	v16 =	vadd.f32 v16, v4  }
0x2c2: {  	v31 =	vadd.s32 v3, v6;
	v13 =	vand.u32 $0x7E, v21;
	v19 =	vadd.f32 v22, v9;
	v30 =	vld [tilespmem:s19+$0xFFFFFFD0];
	[tilespmem:v17+s26+$0x0] =	vst.idx.msk $0xffff, v15  }
.Ltmp10:
0x2c3: {  	v6 =	vmov v10;
	v21 =	vadd.s32 v0, v13;
	v17 =	vadd.f32 v23, v7;
	v15 =	vld [tilespmem:s11+$0xFFFFFFE0];
	[tilespmem:v18+s26+$0x0] =	vst.idx.msk $0xffff, v16;
	(pc) =	sbr.rel @p0 .LBB2_23-.Ltmp10, $4  }
0x2c4: {  	s29 =	sadd.s32 $0x1, s24;
	s22 =	sadd.s32 $0x80, s22;
	v10 =	vmov v12;
	[tilespmem:v24+s26+$0x0] =	vst.idx.msk $0xffff, v19;
	v19 =	vadd.s32 v1, v11;
	v18 =	vadd.f32 v20, v5;
	v16 =	vld [tilespmem:s7+$0xFFFFFFF0];
	s7 =	smov.u32 s11  }
0x2c5: {  	v12 =	vmovc v14;
	v20 =	vmov s29;
	s11 =	smov.u32 s19;
	s19 =	smov.u32 s20;
	s20 =	smov.u32 s22;
	v22 =	vld [tilespmem:s22+$0x0];
	[tilespmem:v26+s26+$0x0] =	vst.idx.msk $0xffff, v17;
	v17 =	vadd.s32 v2, v28;
	v27 =	vadd.f32 v27, v4  }
0x2c6: {  	v14 =	vand.u32 $0x7F, v20;
	v26 =	vadd.f32 v29, v9;
	v23 =	vld [tilespmem:s19+$0x10];
	[tilespmem:v25+s26+$0x0] =	vst.idx.msk $0xffff, v18;
	v18 =	vadd.s32 v3, v8  }
0x2c7: {  	s24 =	sadd.s32 $0x2, s24;
	v24 =	vadd.s32 v0, v14;
	v8 =	vmov v28;
	v25 =	vadd.f32 v30, v7;
	v20 =	vld [tilespmem:s11+$0x20];
	[tilespmem:v31+s26+$0x0] =	vst.idx.msk $0xffff, v27  }
0x2c8: {  	v27 =	vmov s25;
	v28 =	vld [tilespmem:s22+$0xFFFFFFC0]  }
0x2c9: {  	v27 =	vand.u32 $0x7E, v27  }
0x2ca: {  	v29 =	vadd.s32 v0, v27;
	_ =	sdelay $0x1  }
0x2cb: {  	v22 =	vadd.f32 v22, v9  }
0x2cc: {  	[tilespmem:v21+s26+$0x0] =	vst.idx.msk $0xffff, v26;
	v57 =	vadd.f32 v28, v9  }
0x2cd: {  	v21 =	vld [tilespmem:s19+$0xFFFFFFD0];
	[tilespmem:v24+s26+$0x0] =	vst.idx.msk $0xffff, v22  }
0x2ce: {  	v58 =	vadd.s32 v1, v12;
	v24 =	vld [tilespmem:s20+$0x10];
	[tilespmem:v29+s26+$0x0] =	vst.idx.msk $0xffff, v57  }
0x2cf: {  	v59 =	vadd.s32 v1, v13;
	v60 =	vld [tilespmem:s20+$0xFFFFFFD0]  }
0x2d0: {  	v61 =	vadd.s32 v1, v14  }
0x2d1: {  	v62 =	vadd.s32 v1, v27;
	v23 =	vadd.f32 v23, v7  }
0x2d2: {  	[tilespmem:v19+s26+$0x0] =	vst.idx.msk $0xffff, v25;
	v63 =	vadd.f32 v21, v7  }
0x2d3: {  	v30 =	vld [tilespmem:s11+$0xFFFFFFE0];
	[tilespmem:v58+s26+$0x0] =	vst.idx.msk $0xffff, v23;
	v31 =	vadd.f32 v24, v7  }
0x2d4: {  	v32 =	vadd.s32 v2, v10;
	v33 =	vld [tilespmem:s19+$0x20];
	[tilespmem:v59+s26+$0x0] =	vst.idx.msk $0xffff, v63;
	v34 =	vadd.f32 v60, v7  }
0x2d5: {  	v35 =	vadd.f32 v15, v5;
	v36 =	vadd.s32 v2, v11;
	v19 =	vld [tilespmem:s19+$0xFFFFFFE0];
	[tilespmem:v61+s26+$0x0] =	vst.idx.msk $0xffff, v31  }
0x2d6: {  	v37 =	vadd.s32 v2, v12;
	v16 =	vadd.f32 v16, v4;
	v38 =	vld [tilespmem:s20+$0x20];
	[tilespmem:v62+s26+$0x0] =	vst.idx.msk $0xffff, v34  }
0x2d7: {  	v40 =	vadd.s32 v2, v13;
	[tilespmem:v17+s26+$0x0] =	vst.idx.msk $0xffff, v35;
	v39 =	vadd.f32 v20, v5;
	v41 =	vld [tilespmem:s20+$0xFFFFFFE0]  }
0x2d8: {  	v42 =	vld [tilespmem:s7+$0x30];
	v44 =	vadd.s32 v2, v14;
	[tilespmem:v18+s26+$0x0] =	vst.idx.msk $0xffff, v16;
	v43 =	vadd.f32 v30, v5  }
0x2d9: {  	v47 =	vadd.s32 v2, v27;
	v45 =	vld [tilespmem:s7+$0xFFFFFFF0];
	[tilespmem:v32+s26+$0x0] =	vst.idx.msk $0xffff, v39;
	v46 =	vadd.f32 v33, v5  }
0x2da: {  	v6 =	vadd.s32 v3, v6;
	v48 =	vld [tilespmem:s11+$0x30];
	[tilespmem:v36+s26+$0x0] =	vst.idx.msk $0xffff, v43;
	v49 =	vadd.f32 v19, v5  }
0x2db: {  	v8 =	vadd.s32 v3, v8;
	v16 =	vld [tilespmem:s11+$0xFFFFFFF0];
	[tilespmem:v37+s26+$0x0] =	vst.idx.msk $0xffff, v46;
	v50 =	vadd.f32 v38, v5  }
0x2dc: {  	v51 =	vadd.s32 v3, v10;
	v52 =	vld [tilespmem:s19+$0x30];
	[tilespmem:v40+s26+$0x0] =	vst.idx.msk $0xffff, v49;
	v5 =	vadd.f32 v41, v5  }
0x2dd: {  	v54 =	vadd.s32 v3, v11;
	v53 =	vadd.f32 v42, v4;
	v15 =	vld [tilespmem:s19+$0xFFFFFFF0];
	[tilespmem:v44+s26+$0x0] =	vst.idx.msk $0xffff, v50  }
0x2de: {  	v56 =	vadd.s32 v3, v12;
	v55 =	vadd.f32 v45, v4;
	v57 =	vld [tilespmem:s20+$0x30];
	[tilespmem:v47+s26+$0x0] =	vst.idx.msk $0xffff, v5  }
0x2df: {  	v58 =	vadd.s32 v3, v13;
	[tilespmem:v6+s26+$0x0] =	vst.idx.msk $0xffff, v53;
	v5 =	vadd.f32 v48, v4;
	v59 =	vld [tilespmem:s20+$0xFFFFFFF0]  }
0x2e0: {  	[tilespmem:v8+s26+$0x0] =	vst.idx.msk $0xffff, v55;
	v61 =	vadd.s32 v3, v14;
	v60 =	vadd.f32 v16, v4  }
0x2e1: {  	v62 =	vadd.s32 v3, v27;
	[tilespmem:v51+s26+$0x0] =	vst.idx.msk $0xffff, v5;
	v5 =	vadd.f32 v52, v4  }
0x2e2: {  	[tilespmem:v54+s26+$0x0] =	vst.idx.msk $0xffff, v60;
	v63 =	vadd.f32 v15, v4  }
0x2e3: {  	s20 =	sshll.u32 s9, $0x12;
	[tilespmem:v56+s26+$0x0] =	vst.idx.msk $0xffff, v5;
	v5 =	vadd.f32 v57, v4  }
0x2e4: {  	[tilespmem:v58+s26+$0x0] =	vst.idx.msk $0xffff, v63;
	s7 =	sor.u32 s4, s20;
	v4 =	vadd.f32 v59, v4  }
0x2e5: {  	s7 =	sshrl.u32 s7, $0x3;
	[tilespmem:v61+s26+$0x0] =	vst.idx.msk $0xffff, v5  }
0x2e6: {  	s22 =	simm.s32 $0x13600;
	s9 =	sadd.s32 s2, s7;
	[tilespmem:v62+s26+$0x0] =	vst.idx.msk $0xffff, v4  }
0x2e7: {  	[hbm4b:s9+s3] =	stream.linear.scatter [tilespmem:s22], [sflag:$0x6], $0x80, $0x38;
	[tilespmem:$0x1E000] =	vst v63  }
0x2e8: {  	s24 =	simm.s32 $0x13688;
	s25 =	sadd.s32 $0x10, s9  }
0x2e9: {  	[hbm4b:s25+s3] =	stream.linear.scatter [tilespmem:s24], [sflag:$0x6], $0x80, $0x38;
	[tilespmem:$0x1E000] =	vst v63  }
0x2ea: {  	s29 =	simm.s32 $0x13710;
	s11 =	simm.s32 $0x13798;
	s30 =	sadd.s32 $0x20, s9  }
0x2eb: {  	[hbm4b:s30+s3] =	stream.linear.scatter [tilespmem:s29], [sflag:$0x6], $0x80, $0x38;
	[tilespmem:$0x1E000] =	vst v63  }
0x2ec: {  	s20 =	simm.s32 $0x13820;
	s7 =	simm.s32 $0x440;
	s19 =	sadd.s32 $0x30, s9  }
0x2ed: {  	[hbm4b:s19+s3] =	stream.linear.scatter [tilespmem:s11], [sflag:$0x6], $0x80, $0x38;
	[tilespmem:$0x1E000] =	vst v63  }
0x2ee: {  	s22 =	sadd.s32 $0x40, s9;
	s24 =	simm.s32 $0x138A8;
	s25 =	sadd.s32 $0x50, s9  }
0x2ef: {  	[hbm4b:s22+s3] =	stream.linear.scatter [tilespmem:s20], [sflag:$0x6], $0x80, $0x38;
	[tilespmem:$0x1E000] =	vst v63  }
0x2f0: {  	s29 =	simm.s32 $0x13930;
	s30 =	sadd.s32 $0x60, s9;
	s11 =	simm.s32 $0x2200  }
0x2f1: {  	[hbm4b:s25+s3] =	stream.linear.scatter [tilespmem:s24], [sflag:$0x6], $0x80, $0x38;
	[tilespmem:$0x1E000] =	vst v63  }
0x2f2: {  	s19 =	simm.s32 $0x139B8;
	s20 =	sadd.s32 $0x70, s9;
	s9 =	sadd.s32 $0x1000, s9  }
0x2f3: {  	[hbm4b:s30+s3] =	stream.linear.scatter [tilespmem:s29], [sflag:$0x6], $0x80, $0x38;
	[tilespmem:$0x1E000] =	vst v63  }
.LBB2_25:
0x2f4: {  	[hbm4b:s20+s3] =	stream.linear.scatter [tilespmem:s19], [sflag:$0x6], $0x80, $0x38;
	[tilespmem:$0x1E000] =	vst v63  }
0x2f5: {  	s19 =	smov.u32 s7;
	s7 =	smov.u32 s11  }
0x2f6: {  	s22 =	sadd.s32 $0x1100, s11;
	s7 =	sshra.s32 s7, $0x2;
	s20 =	sadd.s32 $0x13600, s19  }
0x2f7: {  	[hbm4b:s9+s3] =	stream.linear.scatter [tilespmem:s20], [sflag:$0x6], $0x80, $0x38;
	[tilespmem:$0x1E000] =	vst v63  }
0x2f8: {  	p0 =	sne.s32 s11, $0x7700;
	s11 =	sadd.s32 $0x13688, s19;
	s20 =	sadd.s32 $0x10, s9  }
0x2f9: {  	[hbm4b:s20+s3] =	stream.linear.scatter [tilespmem:s11], [sflag:$0x6], $0x80, $0x38;
	[tilespmem:$0x1E000] =	vst v63  }
0x2fa: {  	s11 =	sadd.s32 $0x13710, s19;
	s20 =	sadd.s32 $0x20, s9  }
0x2fb: {  	[hbm4b:s20+s3] =	stream.linear.scatter [tilespmem:s11], [sflag:$0x6], $0x80, $0x38;
	[tilespmem:$0x1E000] =	vst v63  }
0x2fc: {  	s11 =	sadd.s32 $0x13798, s19;
	s20 =	sadd.s32 $0x30, s9  }
0x2fd: {  	[hbm4b:s20+s3] =	stream.linear.scatter [tilespmem:s11], [sflag:$0x6], $0x80, $0x38;
	[tilespmem:$0x1E000] =	vst v63  }
0x2fe: {  	s11 =	sadd.s32 $0x13820, s19;
	s20 =	sadd.s32 $0x40, s9  }
0x2ff: {  	[hbm4b:s20+s3] =	stream.linear.scatter [tilespmem:s11], [sflag:$0x6], $0x80, $0x38;
	[tilespmem:$0x1E000] =	vst v63  }
.Ltmp11:
0x300: {  	s11 =	sadd.s32 $0x138A8, s19;
	s20 =	sadd.s32 $0x50, s9;
	(pc) =	sbr.rel @p0 .LBB2_25-.Ltmp11, $4  }
0x301: {  	[hbm4b:s20+s3] =	stream.linear.scatter [tilespmem:s11], [sflag:$0x6], $0x80, $0x38;
	[tilespmem:$0x1E000] =	vst v63  }
0x302: {  	s11 =	sadd.s32 $0x13930, s19;
	s20 =	sadd.s32 $0x60, s9;
	s19 =	sadd.s32 $0x139B8, s19  }
0x303: {  	[hbm4b:s20+s3] =	stream.linear.scatter [tilespmem:s11], [sflag:$0x6], $0x80, $0x38;
	[tilespmem:$0x1E000] =	vst v63  }
0x304: {  	s20 =	sadd.s32 $0x70, s9;
	s9 =	sadd.s32 $0x1000, s9;
	s11 =	smov.u32 s22  }
0x305: {  	[hbm4b:s20+s3] =	stream.linear.scatter [tilespmem:s19], [sflag:$0x6], $0x80, $0x38;
	[tilespmem:$0x1E000] =	vst v63  }
0x306: {  	s11 =	sadd.s32 $0x13600, s7  }
0x307: {  	[hbm4b:s9+s3] =	stream.linear.scatter [tilespmem:s11], [sflag:$0x6], $0x80, $0x38;
	[tilespmem:$0x1E000] =	vst v63  }
0x308: {  	s20 =	sadd.s32 $0x13688, s7;
	s22 =	sadd.s32 $0x10, s9  }
0x309: {  	[hbm4b:s22+s3] =	stream.linear.scatter [tilespmem:s20], [sflag:$0x6], $0x80, $0x38;
	[tilespmem:$0x1E000] =	vst v63  }
0x30a: {  	s24 =	sadd.s32 $0x13710, s7;
	s25 =	sadd.s32 $0x20, s9  }
0x30b: {  	[hbm4b:s25+s3] =	stream.linear.scatter [tilespmem:s24], [sflag:$0x6], $0x80, $0x38;
	[tilespmem:$0x1E000] =	vst v63  }
0x30c: {  	s29 =	sadd.s32 $0x13798, s7;
	s30 =	sadd.s32 $0x30, s9  }
0x30d: {  	[hbm4b:s30+s3] =	stream.linear.scatter [tilespmem:s29], [sflag:$0x6], $0x80, $0x38;
	[tilespmem:$0x1E000] =	vst v63  }
0x30e: {  	s20 =	sadd.s32 $0x13820, s7;
	s22 =	sadd.s32 $0x40, s9  }
0x30f: {  	[hbm4b:s22+s3] =	stream.linear.scatter [tilespmem:s20], [sflag:$0x6], $0x80, $0x38;
	[tilespmem:$0x1E000] =	vst v63  }
0x310: {  	s24 =	sadd.s32 $0x138A8, s7;
	s25 =	sadd.s32 $0x50, s9  }
0x311: {  	[hbm4b:s25+s3] =	stream.linear.scatter [tilespmem:s24], [sflag:$0x6], $0x80, $0x38;
	[tilespmem:$0x1E000] =	vst v63  }
0x312: {  	s29 =	sadd.s32 $0x13930, s7;
	s30 =	sadd.s32 $0x60, s9  }
0x313: {  	[hbm4b:s30+s3] =	stream.linear.scatter [tilespmem:s29], [sflag:$0x6], $0x80, $0x38;
	[tilespmem:$0x1E000] =	vst v63  }
0x314: {  	s19 =	sadd.s32 $0x139B8, s7;
	s20 =	sadd.s32 $0x70, s9;
	s22 =	sadd.s32 $0x1200, s12  }
0x315: {  	[hbm4b:s20+s3] =	stream.linear.scatter [tilespmem:s19], [sflag:$0x6], $0x80, $0x38;
	[tilespmem:$0x1E000] =	vst v63  }
0x316: {  	s7 =	sand.u32 $0x7FE00, s22;
	_ =	swait.ge [sflag:s13], $0x2000  }
0x317: {  	s7 =	sshrl.u32 s7, $0x2;
	[sflag:s13] =	ssyncset.done $0x0  }
0x318: {  	s24 =	simm.s32 $0x11600;
	s25 =	simm.s32 $0x2;
	[sflag:s13] =	ssyncadd.s32 $0xFFFFE000  }
0x319: {  	[tilespmem:s24], [sflag:$0x5] =	stream.indirect.gather [hbm4b:s5+s18], $0x40, s7, s18, $0xb8;
	[tilespmem:$0x1E000] =	vst v63  }
0x31a: {  	_ =	swait.ge [sflag:s25], $0x2000  }
0x31b: {  	s29 =	sshll.u32 s10, $0x6;
	[sflag:s25] =	ssyncset.done $0x0  }
0x31c: {  	s7 =	sand.u32 $0x3FFFFFC0, s29;
	[sflag:s25] =	ssyncadd.s32 $0xFFFFE000  }
0x31d: {  	s12 =	simm.s32 $0xB670;
	s30 =	simm.s32 $0x1;
	v9 =	vld [tilespmem:s7+$0x6400]  }
0x31e: {  	v4 =	vmov s30;
	v6 =	vld [tilespmem:s12+$0xFFFFFFD0]  }
0x31f: {  	v14 =	vand.u32 $0x7F, v4  }
0x320: {  	v8 =	vadd.s32 v0, v14  }
0x321: {  	s11 =	simm.s32 $0x0;
	v7 =	vld [tilespmem:s7+$0x6410]  }
0x322: {  	v4 =	vmov s11;
	v10 =	vld [tilespmem:s12+$0xFFFFFF90]  }
0x323: {  	v18 =	vand.u32 $0x7E, v4;
	v5 =	vld [tilespmem:s7+$0x6420];
	v6 =	vadd.f32 v6, v9  }
0x324: {  	s19 =	simm.s32 $0x3;
	v11 =	vadd.s32 v0, v18;
	v4 =	vld [tilespmem:s7+$0x6430];
	s7 =	simm.s32 $0xB6F0  }
0x325: {  	v12 =	vld [tilespmem:s7+$0xFFFFFFD0];
	[tilespmem:v8+s31+$0x0] =	vst.idx.msk $0xffff, v6;
	v6 =	vmov s19  }
0x326: {  	v6 =	vand.u32 $0x7F, v6;
	v13 =	vld [tilespmem:s12+$0xFFFFFFE0]  }
0x327: {  	v8 =	vadd.f32 v10, v9;
	v10 =	vadd.s32 v0, v6  }
0x328: {  	s20 =	simm.s32 $0x2;
	v15 =	vadd.s32 v1, v14  }
0x329: {  	[tilespmem:v11+s31+$0x0] =	vst.idx.msk $0xffff, v8;
	v8 =	vmov s20;
	v11 =	vld [tilespmem:s7+$0xFFFFFF90]  }
0x32a: {  	v12 =	vadd.f32 v12, v9;
	v8 =	vand.u32 $0x7E, v8;
	v16 =	vld [tilespmem:s12+$0xFFFFFFA0]  }
0x32b: {  	s9 =	simm.s32 $0xB770;
	s22 =	simm.s32 $0x5;
	v17 =	vadd.s32 v0, v8;
	v13 =	vadd.f32 v13, v7  }
0x32c: {  	v19 =	vld [tilespmem:s9+$0xFFFFFFD0];
	[tilespmem:v10+s31+$0x0] =	vst.idx.msk $0xffff, v12;
	v12 =	vadd.s32 v1, v18;
	v10 =	vmov s22  }
0x32d: {  	[tilespmem:v15+s31+$0x0] =	vst.idx.msk $0xffff, v13;
	v10 =	vand.u32 $0x7F, v10;
	v13 =	vld [tilespmem:s7+$0xFFFFFFE0]  }
0x32e: {  	v11 =	vadd.f32 v11, v9;
	v15 =	vadd.s32 v0, v10;
	v20 =	vld [tilespmem:s12+$0xFFFFFFF0]  }
0x32f: {  	s24 =	simm.s32 $0x4;
	v21 =	vadd.s32 v1, v6;
	v16 =	vadd.f32 v16, v7  }
0x330: {  	v22 =	vadd.s32 v2, v14;
	[tilespmem:v17+s31+$0x0] =	vst.idx.msk $0xffff, v11;
	v11 =	vmov s24;
	v17 =	vld [tilespmem:s9+$0xFFFFFF90]  }
0x331: {  	v11 =	vand.u32 $0x7E, v11;
	[tilespmem:v12+s31+$0x0] =	vst.idx.msk $0xffff, v16;
	v12 =	vadd.f32 v19, v9;
	v16 =	vld [tilespmem:s7+$0xFFFFFFA0]  }
0x332: {  	s11 =	simm.s32 $0xB7F0;
	s25 =	simm.s32 $0x7;
	v19 =	vadd.s32 v0, v11;
	v13 =	vadd.f32 v13, v7;
	v23 =	vld [tilespmem:s12+$0xFFFFFFB0]  }
0x333: {  	v24 =	vld [tilespmem:s11+$0xFFFFFFD0];
	[tilespmem:v15+s31+$0x0] =	vst.idx.msk $0xffff, v12;
	v15 =	vadd.s32 v1, v8;
	v20 =	vadd.f32 v20, v5;
	v12 =	vmov s25  }
0x334: {  	[tilespmem:v21+s31+$0x0] =	vst.idx.msk $0xffff, v13;
	v21 =	vadd.s32 v2, v18;
	v12 =	vand.u32 $0x7F, v12;
	v25 =	vld [tilespmem:s9+$0xFFFFFFE0]  }
0x335: {  	v13 =	vadd.f32 v17, v9;
	[tilespmem:v22+s31+$0x0] =	vst.idx.msk $0xffff, v20;
	v17 =	vadd.s32 v0, v12;
	v20 =	vld [tilespmem:s7+$0xFFFFFFF0]  }
0x336: {  	s29 =	simm.s32 $0x6;
	v26 =	vadd.s32 v1, v10;
	v16 =	vadd.f32 v16, v7;
	v27 =	vld [tilespmem:s12+$0x0]  }
0x337: {  	v28 =	vadd.s32 v2, v6;
	[tilespmem:v19+s31+$0x0] =	vst.idx.msk $0xffff, v13;
	v13 =	vmov s29;
	v19 =	vadd.f32 v23, v5;
	v23 =	vld [tilespmem:s11+$0xFFFFFF90]  }
0x338: {  	v30 =	vadd.s32 v3, v14;
	v13 =	vand.u32 $0x7E, v13;
	v29 =	vld [tilespmem:s9+$0xFFFFFFA0];
	[tilespmem:v15+s31+$0x0] =	vst.idx.msk $0xffff, v16;
	v16 =	vadd.f32 v24, v9  }
0x339: {  	[tilespmem:v21+s31+$0x0] =	vst.idx.msk $0xffff, v19;
	v21 =	vadd.s32 v0, v13;
	v14 =	vadd.f32 v25, v7;
	v15 =	vld [tilespmem:s7+$0xFFFFFFB0]  }
0x33a: {  	s30 =	simm.s32 $0x9;
	s19 =	simm.s32 $0xB870;
	v19 =	vadd.s32 v1, v11;
	[tilespmem:v17+s31+$0x0] =	vst.idx.msk $0xffff, v16;
	v20 =	vadd.f32 v20, v5;
	v16 =	vld [tilespmem:s12+$0xFFFFFFC0]  }
0x33b: {  	v22 =	vld [tilespmem:s19+$0xFFFFFFD0];
	v24 =	vmov s30;
	v17 =	vadd.s32 v2, v8;
	[tilespmem:v26+s31+$0x0] =	vst.idx.msk $0xffff, v14;
	v27 =	vadd.f32 v27, v4  }
0x33c: {  	v18 =	vadd.s32 v3, v18;
	v14 =	vand.u32 $0x7F, v24;
	v26 =	vadd.f32 v23, v9;
	v23 =	vld [tilespmem:s11+$0xFFFFFFE0];
	[tilespmem:v28+s31+$0x0] =	vst.idx.msk $0xffff, v20  }
0x33d: {  	s20 =	simm.s32 $0xA;
	s22 =	simm.s32 $0x8;
	s12 =	simm.s32 $0xB870;
	v24 =	vadd.s32 v0, v14;
	v25 =	vadd.f32 v29, v7;
	v20 =	vld [tilespmem:s9+$0xFFFFFFF0];
	[tilespmem:v30+s31+$0x0] =	vst.idx.msk $0xffff, v27  }
.LBB2_27:
0x33e: {  	p0 =	slt.u32 s20, $0x7E;
	[tilespmem:v21+s31+$0x0] =	vst.idx.msk $0xffff, v26;
	v26 =	vadd.s32 v1, v12;
	v15 =	vadd.f32 v15, v5;
	v27 =	vld [tilespmem:s7+$0x0];
	v28 =	vmov v11  }
0x33f: {  	v21 =	vmov s22;
	v11 =	vmovc v13;
	s22 =	smov.u32 s20;
	v29 =	vld [tilespmem:s19+$0xFFFFFF90];
	[tilespmem:v19+s31+$0x0] =	vst.idx.msk $0xffff, v25;
	v25 =	vadd.s32 v2, v10;
	v16 =	vadd.f32 v16, v4  }
0x340: {  	v31 =	vadd.s32 v3, v6;
	v13 =	vand.u32 $0x7E, v21;
	v19 =	vadd.f32 v22, v9;
	v30 =	vld [tilespmem:s11+$0xFFFFFFA0];
	[tilespmem:v17+s31+$0x0] =	vst.idx.msk $0xffff, v15  }
.Ltmp12:
0x341: {  	v6 =	vmov v10;
	v21 =	vadd.s32 v0, v13;
	v17 =	vadd.f32 v23, v7;
	v15 =	vld [tilespmem:s9+$0xFFFFFFB0];
	[tilespmem:v18+s31+$0x0] =	vst.idx.msk $0xffff, v16;
	(pc) =	sbr.rel @p0 .LBB2_27-.Ltmp12, $4  }
0x342: {  	s24 =	sadd.s32 $0x1, s20;
	s19 =	sadd.s32 $0x80, s19;
	v10 =	vmov v12;
	[tilespmem:v24+s31+$0x0] =	vst.idx.msk $0xffff, v19;
	v19 =	vadd.s32 v1, v11;
	v18 =	vadd.f32 v20, v5;
	v16 =	vld [tilespmem:s7+$0xFFFFFFC0];
	s7 =	smov.u32 s9  }
0x343: {  	v12 =	vmovc v14;
	v20 =	vmov s24;
	s9 =	smov.u32 s11;
	s11 =	smov.u32 s12;
	s12 =	smov.u32 s19;
	v22 =	vld [tilespmem:s19+$0xFFFFFFD0];
	[tilespmem:v26+s31+$0x0] =	vst.idx.msk $0xffff, v17;
	v17 =	vadd.s32 v2, v28;
	v27 =	vadd.f32 v27, v4  }
0x344: {  	v14 =	vand.u32 $0x7F, v20;
	v26 =	vadd.f32 v29, v9;
	v23 =	vld [tilespmem:s11+$0xFFFFFFE0];
	[tilespmem:v25+s31+$0x0] =	vst.idx.msk $0xffff, v18;
	v18 =	vadd.s32 v3, v8  }
0x345: {  	s20 =	sadd.s32 $0x2, s20;
	v24 =	vadd.s32 v0, v14;
	v8 =	vmov v28;
	v25 =	vadd.f32 v30, v7;
	v20 =	vld [tilespmem:s9+$0xFFFFFFF0];
	[tilespmem:v31+s31+$0x0] =	vst.idx.msk $0xffff, v27  }
0x346: {  	v27 =	vmov s22;
	v28 =	vld [tilespmem:s19+$0xFFFFFF90]  }
0x347: {  	v27 =	vand.u32 $0x7E, v27  }
0x348: {  	v29 =	vadd.s32 v0, v27;
	_ =	sdelay $0x1  }
0x349: {  	v22 =	vadd.f32 v22, v9  }
0x34a: {  	[tilespmem:v21+s31+$0x0] =	vst.idx.msk $0xffff, v26;
	v57 =	vadd.f32 v28, v9  }
0x34b: {  	v21 =	vld [tilespmem:s11+$0xFFFFFFA0];
	[tilespmem:v24+s31+$0x0] =	vst.idx.msk $0xffff, v22  }
0x34c: {  	v58 =	vadd.s32 v1, v12;
	v24 =	vld [tilespmem:s12+$0xFFFFFFE0];
	[tilespmem:v29+s31+$0x0] =	vst.idx.msk $0xffff, v57  }
0x34d: {  	v59 =	vadd.s32 v1, v13;
	v60 =	vld [tilespmem:s12+$0xFFFFFFA0]  }
0x34e: {  	v61 =	vadd.s32 v1, v14  }
0x34f: {  	v62 =	vadd.s32 v1, v27;
	v23 =	vadd.f32 v23, v7  }
0x350: {  	[tilespmem:v19+s31+$0x0] =	vst.idx.msk $0xffff, v25;
	v63 =	vadd.f32 v21, v7  }
0x351: {  	v30 =	vld [tilespmem:s9+$0xFFFFFFB0];
	[tilespmem:v58+s31+$0x0] =	vst.idx.msk $0xffff, v23;
	v31 =	vadd.f32 v24, v7  }
0x352: {  	v32 =	vadd.s32 v2, v10;
	v33 =	vld [tilespmem:s11+$0xFFFFFFF0];
	[tilespmem:v59+s31+$0x0] =	vst.idx.msk $0xffff, v63;
	v34 =	vadd.f32 v60, v7  }
0x353: {  	v35 =	vadd.f32 v15, v5;
	v36 =	vadd.s32 v2, v11;
	v19 =	vld [tilespmem:s11+$0xFFFFFFB0];
	[tilespmem:v61+s31+$0x0] =	vst.idx.msk $0xffff, v31  }
0x354: {  	v37 =	vadd.s32 v2, v12;
	v16 =	vadd.f32 v16, v4;
	v38 =	vld [tilespmem:s12+$0xFFFFFFF0];
	[tilespmem:v62+s31+$0x0] =	vst.idx.msk $0xffff, v34  }
0x355: {  	v40 =	vadd.s32 v2, v13;
	[tilespmem:v17+s31+$0x0] =	vst.idx.msk $0xffff, v35;
	v39 =	vadd.f32 v20, v5;
	v41 =	vld [tilespmem:s12+$0xFFFFFFB0]  }
0x356: {  	v42 =	vld [tilespmem:s7+$0x0];
	v44 =	vadd.s32 v2, v14;
	[tilespmem:v18+s31+$0x0] =	vst.idx.msk $0xffff, v16;
	v43 =	vadd.f32 v30, v5  }
0x357: {  	v47 =	vadd.s32 v2, v27;
	v45 =	vld [tilespmem:s7+$0xFFFFFFC0];
	[tilespmem:v32+s31+$0x0] =	vst.idx.msk $0xffff, v39;
	v46 =	vadd.f32 v33, v5  }
0x358: {  	v6 =	vadd.s32 v3, v6;
	v48 =	vld [tilespmem:s9+$0x0];
	[tilespmem:v36+s31+$0x0] =	vst.idx.msk $0xffff, v43;
	v49 =	vadd.f32 v19, v5  }
0x359: {  	v8 =	vadd.s32 v3, v8;
	v16 =	vld [tilespmem:s9+$0xFFFFFFC0];
	[tilespmem:v37+s31+$0x0] =	vst.idx.msk $0xffff, v46;
	v50 =	vadd.f32 v38, v5  }
0x35a: {  	v51 =	vadd.s32 v3, v10;
	v52 =	vld [tilespmem:s11+$0x0];
	[tilespmem:v40+s31+$0x0] =	vst.idx.msk $0xffff, v49;
	v5 =	vadd.f32 v41, v5  }
0x35b: {  	v54 =	vadd.s32 v3, v11;
	v53 =	vadd.f32 v42, v4;
	v15 =	vld [tilespmem:s11+$0xFFFFFFC0];
	[tilespmem:v44+s31+$0x0] =	vst.idx.msk $0xffff, v50  }
0x35c: {  	v56 =	vadd.s32 v3, v12;
	v55 =	vadd.f32 v45, v4;
	v57 =	vld [tilespmem:s12+$0x0];
	[tilespmem:v47+s31+$0x0] =	vst.idx.msk $0xffff, v5  }
0x35d: {  	v58 =	vadd.s32 v3, v13;
	[tilespmem:v6+s31+$0x0] =	vst.idx.msk $0xffff, v53;
	v5 =	vadd.f32 v48, v4;
	v59 =	vld [tilespmem:s12+$0xFFFFFFC0]  }
0x35e: {  	[tilespmem:v8+s31+$0x0] =	vst.idx.msk $0xffff, v55;
	v61 =	vadd.s32 v3, v14;
	v60 =	vadd.f32 v16, v4  }
0x35f: {  	v62 =	vadd.s32 v3, v27;
	[tilespmem:v51+s31+$0x0] =	vst.idx.msk $0xffff, v5;
	v5 =	vadd.f32 v52, v4  }
0x360: {  	[tilespmem:v54+s31+$0x0] =	vst.idx.msk $0xffff, v60;
	v63 =	vadd.f32 v15, v4  }
0x361: {  	s24 =	sshll.u32 s10, $0x12;
	[tilespmem:v56+s31+$0x0] =	vst.idx.msk $0xffff, v5;
	v5 =	vadd.f32 v57, v4  }
0x362: {  	s7 =	sor.u32 s4, s24;
	[tilespmem:v58+s31+$0x0] =	vst.idx.msk $0xffff, v63;
	v4 =	vadd.f32 v59, v4  }
0x363: {  	s7 =	sshrl.u32 s7, $0x3;
	[tilespmem:v61+s31+$0x0] =	vst.idx.msk $0xffff, v5  }
0x364: {  	s25 =	simm.s32 $0x15800;
	s9 =	sadd.s32 s2, s7;
	[tilespmem:v62+s31+$0x0] =	vst.idx.msk $0xffff, v4  }
0x365: {  	[hbm4b:s9+s3] =	stream.linear.scatter [tilespmem:s25], [sflag:$0x7], $0x80, $0x38;
	[tilespmem:$0x1E000] =	vst v63  }
0x366: {  	s29 =	simm.s32 $0x15888;
	s30 =	sadd.s32 $0x10, s9  }
0x367: {  	[hbm4b:s30+s3] =	stream.linear.scatter [tilespmem:s29], [sflag:$0x7], $0x80, $0x38;
	[tilespmem:$0x1E000] =	vst v63  }
0x368: {  	s10 =	simm.s32 $0x15910;
	s20 =	simm.s32 $0x15A20;
	s11 =	sadd.s32 $0x20, s9  }
0x369: {  	[hbm4b:s11+s3] =	stream.linear.scatter [tilespmem:s10], [sflag:$0x7], $0x80, $0x38;
	[tilespmem:$0x1E000] =	vst v63  }
0x36a: {  	s24 =	simm.s32 $0x15AA8;
	s19 =	sadd.s32 $0x30, s9;
	s12 =	simm.s32 $0x15998  }
0x36b: {  	[hbm4b:s19+s3] =	stream.linear.scatter [tilespmem:s12], [sflag:$0x7], $0x80, $0x38;
	[tilespmem:$0x1E000] =	vst v63  }
0x36c: {  	s7 =	simm.s32 $0x440;
	s22 =	sadd.s32 $0x40, s9;
	s25 =	sadd.s32 $0x50, s9  }
0x36d: {  	[hbm4b:s22+s3] =	stream.linear.scatter [tilespmem:s20], [sflag:$0x7], $0x80, $0x38;
	[tilespmem:$0x1E000] =	vst v63  }
0x36e: {  	s29 =	simm.s32 $0x15B30;
	s30 =	sadd.s32 $0x60, s9;
	s10 =	simm.s32 $0x2200  }
0x36f: {  	[hbm4b:s25+s3] =	stream.linear.scatter [tilespmem:s24], [sflag:$0x7], $0x80, $0x38;
	[tilespmem:$0x1E000] =	vst v63  }
0x370: {  	s11 =	simm.s32 $0x15BB8;
	s12 =	sadd.s32 $0x70, s9;
	s9 =	sadd.s32 $0x1000, s9  }
0x371: {  	[hbm4b:s30+s3] =	stream.linear.scatter [tilespmem:s29], [sflag:$0x7], $0x80, $0x38;
	[tilespmem:$0x1E000] =	vst v63  }
.LBB2_29:
0x372: {  	[hbm4b:s12+s3] =	stream.linear.scatter [tilespmem:s11], [sflag:$0x7], $0x80, $0x38;
	[tilespmem:$0x1E000] =	vst v63  }
0x373: {  	s11 =	smov.u32 s7;
	s7 =	smov.u32 s10  }
0x374: {  	s19 =	sadd.s32 $0x1100, s10;
	s7 =	sshra.s32 s7, $0x2;
	s12 =	sadd.s32 $0x15800, s11  }
0x375: {  	[hbm4b:s9+s3] =	stream.linear.scatter [tilespmem:s12], [sflag:$0x7], $0x80, $0x38;
	[tilespmem:$0x1E000] =	vst v63  }
0x376: {  	p0 =	sne.s32 s10, $0x7700;
	s10 =	sadd.s32 $0x15888, s11;
	s12 =	sadd.s32 $0x10, s9  }
0x377: {  	[hbm4b:s12+s3] =	stream.linear.scatter [tilespmem:s10], [sflag:$0x7], $0x80, $0x38;
	[tilespmem:$0x1E000] =	vst v63  }
0x378: {  	s10 =	sadd.s32 $0x15910, s11;
	s12 =	sadd.s32 $0x20, s9  }
0x379: {  	[hbm4b:s12+s3] =	stream.linear.scatter [tilespmem:s10], [sflag:$0x7], $0x80, $0x38;
	[tilespmem:$0x1E000] =	vst v63  }
0x37a: {  	s10 =	sadd.s32 $0x15998, s11;
	s12 =	sadd.s32 $0x30, s9  }
0x37b: {  	[hbm4b:s12+s3] =	stream.linear.scatter [tilespmem:s10], [sflag:$0x7], $0x80, $0x38;
	[tilespmem:$0x1E000] =	vst v63  }
0x37c: {  	s10 =	sadd.s32 $0x15A20, s11;
	s12 =	sadd.s32 $0x40, s9  }
0x37d: {  	[hbm4b:s12+s3] =	stream.linear.scatter [tilespmem:s10], [sflag:$0x7], $0x80, $0x38;
	[tilespmem:$0x1E000] =	vst v63  }
.Ltmp13:
0x37e: {  	s10 =	sadd.s32 $0x15AA8, s11;
	s12 =	sadd.s32 $0x50, s9;
	(pc) =	sbr.rel @p0 .LBB2_29-.Ltmp13, $4  }
0x37f: {  	[hbm4b:s12+s3] =	stream.linear.scatter [tilespmem:s10], [sflag:$0x7], $0x80, $0x38;
	[tilespmem:$0x1E000] =	vst v63  }
0x380: {  	s10 =	sadd.s32 $0x15B30, s11;
	s12 =	sadd.s32 $0x60, s9;
	s11 =	sadd.s32 $0x15BB8, s11  }
0x381: {  	[hbm4b:s12+s3] =	stream.linear.scatter [tilespmem:s10], [sflag:$0x7], $0x80, $0x38;
	[tilespmem:$0x1E000] =	vst v63  }
0x382: {  	s12 =	sadd.s32 $0x70, s9;
	s9 =	sadd.s32 $0x1000, s9;
	s10 =	smov.u32 s19  }
0x383: {  	[hbm4b:s12+s3] =	stream.linear.scatter [tilespmem:s11], [sflag:$0x7], $0x80, $0x38;
	[tilespmem:$0x1E000] =	vst v63  }
0x384: {  	s10 =	sadd.s32 $0x15800, s7  }
0x385: {  	[hbm4b:s9+s3] =	stream.linear.scatter [tilespmem:s10], [sflag:$0x7], $0x80, $0x38;
	[tilespmem:$0x1E000] =	vst v63  }
0x386: {  	s20 =	sadd.s32 $0x15888, s7;
	s22 =	sadd.s32 $0x10, s9  }
0x387: {  	[hbm4b:s22+s3] =	stream.linear.scatter [tilespmem:s20], [sflag:$0x7], $0x80, $0x38;
	[tilespmem:$0x1E000] =	vst v63  }
0x388: {  	s24 =	sadd.s32 $0x15910, s7;
	s25 =	sadd.s32 $0x20, s9  }
0x389: {  	[hbm4b:s25+s3] =	stream.linear.scatter [tilespmem:s24], [sflag:$0x7], $0x80, $0x38;
	[tilespmem:$0x1E000] =	vst v63  }
0x38a: {  	s29 =	sadd.s32 $0x15998, s7;
	s30 =	sadd.s32 $0x30, s9  }
0x38b: {  	[hbm4b:s30+s3] =	stream.linear.scatter [tilespmem:s29], [sflag:$0x7], $0x80, $0x38;
	[tilespmem:$0x1E000] =	vst v63  }
0x38c: {  	s12 =	sadd.s32 $0x15A20, s7;
	s19 =	sadd.s32 $0x40, s9;
	s16 =	sadd.s32 $0x1, s16  }
0x38d: {  	[hbm4b:s19+s3] =	stream.linear.scatter [tilespmem:s12], [sflag:$0x7], $0x80, $0x38;
	[tilespmem:$0x1E000] =	vst v63  }
0x38e: {  	p0 =	sne.s32 s16, $0x27;
	s20 =	sadd.s32 $0x15AA8, s7;
	s22 =	sadd.s32 $0x50, s9  }
0x38f: {  	[hbm4b:s22+s3] =	stream.linear.scatter [tilespmem:s20], [sflag:$0x7], $0x80, $0x38;
	[tilespmem:$0x1E000] =	vst v63  }
.Ltmp14:
0x390: {  	_ = 	snop;
	(pc) =	sbr.rel @p0 .LBB2_10-.Ltmp14, $4  }
0x391: {  	s24 =	sadd.s32 $0x15B30, s7;
	s25 =	sadd.s32 $0x60, s9  }
0x392: {  	[hbm4b:s25+s3] =	stream.linear.scatter [tilespmem:s24], [sflag:$0x7], $0x80, $0x38;
	[tilespmem:$0x1E000] =	vst v63  }
0x393: {  	s29 =	sadd.s32 $0x15BB8, s7;
	s30 =	sadd.s32 $0x70, s9  }
0x394: {  	[hbm4b:s30+s3] =	stream.linear.scatter [tilespmem:s29], [sflag:$0x7], $0x80, $0x38;
	[tilespmem:$0x1E000] =	vst v63  }
0x395: {  	_ =	swait.ge [sflag:s0], $0x2000  }
0x396: {  	[sflag:s0] =	ssyncset.done $0x0  }
0x397: {  	[sflag:s0] =	ssyncadd.s32 $0xFFFFE000  }
0x398: {  	_ =	swait.ge [sflag:s1], $0x2000  }
0x399: {  	[sflag:s1] =	ssyncset.done $0x0  }
0x39a: {  	[sflag:s1] =	ssyncadd.s32 $0xFFFFE000  }
0x39b: {  	s11 =	simm.s32 $0xD670;
	s7 =	simm.s32 $0x1;
	v9 =	vld [tilespmem:$0x9540]  }
0x39c: {  	v4 =	vmov s7;
	v6 =	vld [tilespmem:s11+$0xFFFFFFD0]  }
0x39d: {  	v14 =	vand.u32 $0x7F, v4  }
0x39e: {  	v8 =	vadd.s32 v0, v14  }
0x39f: {  	s24 =	simm.s32 $0x0;
	v7 =	vld [tilespmem:$0x9550]  }
0x3a0: {  	v4 =	vmov s24;
	v10 =	vld [tilespmem:s11+$0xFFFFFF90]  }
0x3a1: {  	v18 =	vand.u32 $0x7E, v4;
	v5 =	vld [tilespmem:$0x9560];
	v6 =	vadd.f32 v6, v9  }
0x3a2: {  	s9 =	simm.s32 $0x3;
	s7 =	simm.s32 $0xD6F0;
	v11 =	vadd.s32 v0, v18;
	v4 =	vld [tilespmem:$0x9570]  }
0x3a3: {  	v12 =	vld [tilespmem:s7+$0xFFFFFFD0];
	[tilespmem:v8+s14+$0x0] =	vst.idx.msk $0xffff, v6;
	v6 =	vmov s9  }
0x3a4: {  	v6 =	vand.u32 $0x7F, v6;
	v13 =	vld [tilespmem:s11+$0xFFFFFFE0]  }
0x3a5: {  	v8 =	vadd.f32 v10, v9;
	v10 =	vadd.s32 v0, v6  }
0x3a6: {  	s25 =	simm.s32 $0x2;
	v15 =	vadd.s32 v1, v14  }
0x3a7: {  	[tilespmem:v11+s14+$0x0] =	vst.idx.msk $0xffff, v8;
	v8 =	vmov s25;
	v11 =	vld [tilespmem:s7+$0xFFFFFF90]  }
0x3a8: {  	v12 =	vadd.f32 v12, v9;
	v8 =	vand.u32 $0x7E, v8;
	v16 =	vld [tilespmem:s11+$0xFFFFFFA0]  }
0x3a9: {  	s10 =	simm.s32 $0x5;
	s9 =	simm.s32 $0xD770;
	v17 =	vadd.s32 v0, v8;
	v13 =	vadd.f32 v13, v7  }
0x3aa: {  	v19 =	vld [tilespmem:s9+$0xFFFFFFD0];
	[tilespmem:v10+s14+$0x0] =	vst.idx.msk $0xffff, v12;
	v12 =	vadd.s32 v1, v18;
	v10 =	vmov s10  }
0x3ab: {  	[tilespmem:v15+s14+$0x0] =	vst.idx.msk $0xffff, v13;
	v10 =	vand.u32 $0x7F, v10;
	v13 =	vld [tilespmem:s7+$0xFFFFFFE0]  }
0x3ac: {  	v11 =	vadd.f32 v11, v9;
	v15 =	vadd.s32 v0, v10;
	v20 =	vld [tilespmem:s11+$0xFFFFFFF0]  }
0x3ad: {  	s29 =	simm.s32 $0x4;
	v21 =	vadd.s32 v1, v6;
	v16 =	vadd.f32 v16, v7  }
0x3ae: {  	v22 =	vadd.s32 v2, v14;
	[tilespmem:v17+s14+$0x0] =	vst.idx.msk $0xffff, v11;
	v11 =	vmov s29;
	v17 =	vld [tilespmem:s9+$0xFFFFFF90]  }
0x3af: {  	v11 =	vand.u32 $0x7E, v11;
	[tilespmem:v12+s14+$0x0] =	vst.idx.msk $0xffff, v16;
	v12 =	vadd.f32 v19, v9;
	v16 =	vld [tilespmem:s7+$0xFFFFFFA0]  }
0x3b0: {  	s12 =	simm.s32 $0x7;
	s10 =	simm.s32 $0xD7F0;
	v19 =	vadd.s32 v0, v11;
	v13 =	vadd.f32 v13, v7;
	v23 =	vld [tilespmem:s11+$0xFFFFFFB0]  }
0x3b1: {  	v24 =	vld [tilespmem:s10+$0xFFFFFFD0];
	[tilespmem:v15+s14+$0x0] =	vst.idx.msk $0xffff, v12;
	v15 =	vadd.s32 v1, v8;
	v20 =	vadd.f32 v20, v5;
	v12 =	vmov s12  }
0x3b2: {  	[tilespmem:v21+s14+$0x0] =	vst.idx.msk $0xffff, v13;
	v21 =	vadd.s32 v2, v18;
	v12 =	vand.u32 $0x7F, v12;
	v25 =	vld [tilespmem:s9+$0xFFFFFFE0]  }
0x3b3: {  	v13 =	vadd.f32 v17, v9;
	[tilespmem:v22+s14+$0x0] =	vst.idx.msk $0xffff, v20;
	v17 =	vadd.s32 v0, v12;
	v20 =	vld [tilespmem:s7+$0xFFFFFFF0]  }
0x3b4: {  	s30 =	simm.s32 $0x6;
	v26 =	vadd.s32 v1, v10;
	v16 =	vadd.f32 v16, v7;
	v27 =	vld [tilespmem:s11+$0x0]  }
0x3b5: {  	v28 =	vadd.s32 v2, v6;
	[tilespmem:v19+s14+$0x0] =	vst.idx.msk $0xffff, v13;
	v13 =	vmov s30;
	v19 =	vadd.f32 v23, v5;
	v23 =	vld [tilespmem:s10+$0xFFFFFF90]  }
0x3b6: {  	v30 =	vadd.s32 v3, v14;
	v13 =	vand.u32 $0x7E, v13;
	v29 =	vld [tilespmem:s9+$0xFFFFFFA0];
	[tilespmem:v15+s14+$0x0] =	vst.idx.msk $0xffff, v16;
	v16 =	vadd.f32 v24, v9  }
0x3b7: {  	[tilespmem:v21+s14+$0x0] =	vst.idx.msk $0xffff, v19;
	v21 =	vadd.s32 v0, v13;
	v14 =	vadd.f32 v25, v7;
	v15 =	vld [tilespmem:s7+$0xFFFFFFB0]  }
0x3b8: {  	s16 =	simm.s32 $0x9;
	s12 =	simm.s32 $0xD870;
	v19 =	vadd.s32 v1, v11;
	[tilespmem:v17+s14+$0x0] =	vst.idx.msk $0xffff, v16;
	v20 =	vadd.f32 v20, v5;
	v16 =	vld [tilespmem:s11+$0xFFFFFFC0]  }
0x3b9: {  	v22 =	vld [tilespmem:s12+$0xFFFFFFD0];
	v24 =	vmov s16;
	v17 =	vadd.s32 v2, v8;
	[tilespmem:v26+s14+$0x0] =	vst.idx.msk $0xffff, v14;
	v27 =	vadd.f32 v27, v4  }
0x3ba: {  	v18 =	vadd.s32 v3, v18;
	v14 =	vand.u32 $0x7F, v24;
	v26 =	vadd.f32 v23, v9;
	v23 =	vld [tilespmem:s10+$0xFFFFFFE0];
	[tilespmem:v28+s14+$0x0] =	vst.idx.msk $0xffff, v20  }
0x3bb: {  	s19 =	simm.s32 $0x8;
	s16 =	simm.s32 $0xA;
	s11 =	simm.s32 $0xD870;
	v24 =	vadd.s32 v0, v14;
	v25 =	vadd.f32 v29, v7;
	v20 =	vld [tilespmem:s9+$0xFFFFFFF0];
	[tilespmem:v30+s14+$0x0] =	vst.idx.msk $0xffff, v27  }
.LBB2_32:
0x3bc: {  	p0 =	slt.u32 s16, $0x7E;
	[tilespmem:v21+s14+$0x0] =	vst.idx.msk $0xffff, v26;
	v26 =	vadd.s32 v1, v12;
	v15 =	vadd.f32 v15, v5;
	v27 =	vld [tilespmem:s7+$0x0];
	v28 =	vmov v11  }
0x3bd: {  	v21 =	vmov s19;
	v11 =	vmovc v13;
	s19 =	smov.u32 s16;
	v29 =	vld [tilespmem:s12+$0xFFFFFF90];
	[tilespmem:v19+s14+$0x0] =	vst.idx.msk $0xffff, v25;
	v25 =	vadd.s32 v2, v10;
	v16 =	vadd.f32 v16, v4  }
0x3be: {  	v31 =	vadd.s32 v3, v6;
	v13 =	vand.u32 $0x7E, v21;
	v19 =	vadd.f32 v22, v9;
	v30 =	vld [tilespmem:s10+$0xFFFFFFA0];
	[tilespmem:v17+s14+$0x0] =	vst.idx.msk $0xffff, v15  }
.Ltmp15:
0x3bf: {  	v6 =	vmov v10;
	v21 =	vadd.s32 v0, v13;
	v17 =	vadd.f32 v23, v7;
	v15 =	vld [tilespmem:s9+$0xFFFFFFB0];
	[tilespmem:v18+s14+$0x0] =	vst.idx.msk $0xffff, v16;
	(pc) =	sbr.rel @p0 .LBB2_32-.Ltmp15, $4  }
0x3c0: {  	s20 =	sadd.s32 $0x1, s16;
	s12 =	sadd.s32 $0x80, s12;
	v10 =	vmov v12;
	[tilespmem:v24+s14+$0x0] =	vst.idx.msk $0xffff, v19;
	v19 =	vadd.s32 v1, v11;
	v18 =	vadd.f32 v20, v5;
	v16 =	vld [tilespmem:s7+$0xFFFFFFC0];
	s7 =	smov.u32 s9  }
0x3c1: {  	v12 =	vmovc v14;
	v20 =	vmov s20;
	s9 =	smov.u32 s10;
	s10 =	smov.u32 s11;
	s11 =	smov.u32 s12;
	v22 =	vld [tilespmem:s12+$0xFFFFFFD0];
	[tilespmem:v26+s14+$0x0] =	vst.idx.msk $0xffff, v17;
	v17 =	vadd.s32 v2, v28;
	v27 =	vadd.f32 v27, v4  }
0x3c2: {  	v14 =	vand.u32 $0x7F, v20;
	v26 =	vadd.f32 v29, v9;
	v23 =	vld [tilespmem:s10+$0xFFFFFFE0];
	[tilespmem:v25+s14+$0x0] =	vst.idx.msk $0xffff, v18;
	v18 =	vadd.s32 v3, v8  }
0x3c3: {  	s16 =	sadd.s32 $0x2, s16;
	v24 =	vadd.s32 v0, v14;
	v8 =	vmov v28;
	v25 =	vadd.f32 v30, v7;
	v20 =	vld [tilespmem:s9+$0xFFFFFFF0];
	[tilespmem:v31+s14+$0x0] =	vst.idx.msk $0xffff, v27  }
0x3c4: {  	v27 =	vmov s19;
	v28 =	vld [tilespmem:s12+$0xFFFFFF90]  }
0x3c5: {  	v27 =	vand.u32 $0x7E, v27  }
0x3c6: {  	v29 =	vadd.s32 v0, v27;
	_ =	sdelay $0x1  }
0x3c7: {  	v22 =	vadd.f32 v22, v9  }
0x3c8: {  	[tilespmem:v21+s14+$0x0] =	vst.idx.msk $0xffff, v26;
	v57 =	vadd.f32 v28, v9  }
0x3c9: {  	v21 =	vld [tilespmem:s10+$0xFFFFFFA0];
	[tilespmem:v24+s14+$0x0] =	vst.idx.msk $0xffff, v22  }
0x3ca: {  	v58 =	vadd.s32 v1, v12;
	v24 =	vld [tilespmem:s11+$0xFFFFFFE0];
	[tilespmem:v29+s14+$0x0] =	vst.idx.msk $0xffff, v57  }
0x3cb: {  	v59 =	vadd.s32 v1, v13;
	v60 =	vld [tilespmem:s11+$0xFFFFFFA0]  }
0x3cc: {  	v61 =	vadd.s32 v1, v14  }
0x3cd: {  	v62 =	vadd.s32 v1, v27;
	v23 =	vadd.f32 v23, v7  }
0x3ce: {  	[tilespmem:v19+s14+$0x0] =	vst.idx.msk $0xffff, v25;
	v63 =	vadd.f32 v21, v7  }
0x3cf: {  	v30 =	vld [tilespmem:s9+$0xFFFFFFB0];
	[tilespmem:v58+s14+$0x0] =	vst.idx.msk $0xffff, v23;
	v31 =	vadd.f32 v24, v7  }
0x3d0: {  	v32 =	vadd.s32 v2, v10;
	v33 =	vld [tilespmem:s10+$0xFFFFFFF0];
	[tilespmem:v59+s14+$0x0] =	vst.idx.msk $0xffff, v63;
	v34 =	vadd.f32 v60, v7  }
0x3d1: {  	v35 =	vadd.f32 v15, v5;
	v36 =	vadd.s32 v2, v11;
	v19 =	vld [tilespmem:s10+$0xFFFFFFB0];
	[tilespmem:v61+s14+$0x0] =	vst.idx.msk $0xffff, v31  }
0x3d2: {  	v37 =	vadd.s32 v2, v12;
	v16 =	vadd.f32 v16, v4;
	v38 =	vld [tilespmem:s11+$0xFFFFFFF0];
	[tilespmem:v62+s14+$0x0] =	vst.idx.msk $0xffff, v34  }
0x3d3: {  	v40 =	vadd.s32 v2, v13;
	[tilespmem:v17+s14+$0x0] =	vst.idx.msk $0xffff, v35;
	v39 =	vadd.f32 v20, v5;
	v41 =	vld [tilespmem:s11+$0xFFFFFFB0]  }
0x3d4: {  	v42 =	vld [tilespmem:s7+$0x0];
	v44 =	vadd.s32 v2, v14;
	[tilespmem:v18+s14+$0x0] =	vst.idx.msk $0xffff, v16;
	v43 =	vadd.f32 v30, v5  }
0x3d5: {  	v47 =	vadd.s32 v2, v27;
	v45 =	vld [tilespmem:s7+$0xFFFFFFC0];
	[tilespmem:v32+s14+$0x0] =	vst.idx.msk $0xffff, v39;
	v46 =	vadd.f32 v33, v5  }
0x3d6: {  	v6 =	vadd.s32 v3, v6;
	v48 =	vld [tilespmem:s9+$0x0];
	[tilespmem:v36+s14+$0x0] =	vst.idx.msk $0xffff, v43;
	v49 =	vadd.f32 v19, v5  }
0x3d7: {  	v8 =	vadd.s32 v3, v8;
	v16 =	vld [tilespmem:s9+$0xFFFFFFC0];
	[tilespmem:v37+s14+$0x0] =	vst.idx.msk $0xffff, v46;
	v50 =	vadd.f32 v38, v5  }
0x3d8: {  	v51 =	vadd.s32 v3, v10;
	v52 =	vld [tilespmem:s10+$0x0];
	[tilespmem:v40+s14+$0x0] =	vst.idx.msk $0xffff, v49;
	v5 =	vadd.f32 v41, v5  }
0x3d9: {  	v54 =	vadd.s32 v3, v11;
	v53 =	vadd.f32 v42, v4;
	v15 =	vld [tilespmem:s10+$0xFFFFFFC0];
	[tilespmem:v44+s14+$0x0] =	vst.idx.msk $0xffff, v50  }
0x3da: {  	v56 =	vadd.s32 v3, v12;
	v55 =	vadd.f32 v45, v4;
	v57 =	vld [tilespmem:s11+$0x0];
	[tilespmem:v47+s14+$0x0] =	vst.idx.msk $0xffff, v5  }
0x3db: {  	v58 =	vadd.s32 v3, v13;
	[tilespmem:v6+s14+$0x0] =	vst.idx.msk $0xffff, v53;
	v5 =	vadd.f32 v48, v4;
	v59 =	vld [tilespmem:s11+$0xFFFFFFC0]  }
0x3dc: {  	[tilespmem:v8+s14+$0x0] =	vst.idx.msk $0xffff, v55;
	v61 =	vadd.s32 v3, v14;
	v60 =	vadd.f32 v16, v4  }
0x3dd: {  	v62 =	vadd.s32 v3, v27;
	[tilespmem:v51+s14+$0x0] =	vst.idx.msk $0xffff, v5;
	v5 =	vadd.f32 v52, v4  }
0x3de: {  	[tilespmem:v54+s14+$0x0] =	vst.idx.msk $0xffff, v60;
	v63 =	vadd.f32 v15, v4  }
0x3df: {  	[tilespmem:v56+s14+$0x0] =	vst.idx.msk $0xffff, v5;
	v5 =	vadd.f32 v57, v4  }
0x3e0: {  	[tilespmem:v58+s14+$0x0] =	vst.idx.msk $0xffff, v63;
	v4 =	vadd.f32 v59, v4  }
0x3e1: {  	[tilespmem:v61+s14+$0x0] =	vst.idx.msk $0xffff, v5  }
0x3e2: {  	[tilespmem:v62+s14+$0x0] =	vst.idx.msk $0xffff, v4  }
0x3e3: {  	s25 =	simm.s32 $0x17A00;
	s16 =	rddreg [dreg:$0x8]  }
0x3e4: {  	[hbm4b:s16+s3] =	stream.linear.scatter [tilespmem:s25], [sflag:$0x8], $0x80, $0x38;
	[tilespmem:$0x1E000] =	vst v63  }
0x3e5: {  	s29 =	simm.s32 $0x17A88;
	s30 =	sadd.s32 $0x10, s16  }
0x3e6: {  	[hbm4b:s30+s3] =	stream.linear.scatter [tilespmem:s29], [sflag:$0x8], $0x80, $0x38;
	[tilespmem:$0x1E000] =	vst v63  }
0x3e7: {  	s12 =	simm.s32 $0x17B98;
	s10 =	simm.s32 $0x17B10;
	s11 =	sadd.s32 $0x20, s16  }
0x3e8: {  	[hbm4b:s11+s3] =	stream.linear.scatter [tilespmem:s10], [sflag:$0x8], $0x80, $0x38;
	[tilespmem:$0x1E000] =	vst v63  }
0x3e9: {  	s20 =	simm.s32 $0x17C20;
	s24 =	simm.s32 $0x17CA8;
	s19 =	sadd.s32 $0x30, s16  }
0x3ea: {  	[hbm4b:s19+s3] =	stream.linear.scatter [tilespmem:s12], [sflag:$0x8], $0x80, $0x38;
	[tilespmem:$0x1E000] =	vst v63  }
0x3eb: {  	s7 =	simm.s32 $0x440;
	s22 =	sadd.s32 $0x40, s16;
	s25 =	sadd.s32 $0x50, s16  }
0x3ec: {  	[hbm4b:s22+s3] =	stream.linear.scatter [tilespmem:s20], [sflag:$0x8], $0x80, $0x38;
	[tilespmem:$0x1E000] =	vst v63  }
0x3ed: {  	s9 =	sadd.s32 $0x1000, s16;
	s29 =	simm.s32 $0x17D30;
	s30 =	sadd.s32 $0x60, s16  }
0x3ee: {  	[hbm4b:s25+s3] =	stream.linear.scatter [tilespmem:s24], [sflag:$0x8], $0x80, $0x38;
	[tilespmem:$0x1E000] =	vst v63  }
0x3ef: {  	s10 =	simm.s32 $0x2200;
	s11 =	simm.s32 $0x17DB8;
	s12 =	sadd.s32 $0x70, s16  }
0x3f0: {  	[hbm4b:s30+s3] =	stream.linear.scatter [tilespmem:s29], [sflag:$0x8], $0x80, $0x38;
	[tilespmem:$0x1E000] =	vst v63  }
.LBB2_34:
0x3f1: {  	[hbm4b:s12+s3] =	stream.linear.scatter [tilespmem:s11], [sflag:$0x8], $0x80, $0x38;
	[tilespmem:$0x1E000] =	vst v63  }
0x3f2: {  	s11 =	smov.u32 s7;
	s7 =	smov.u32 s10  }
0x3f3: {  	s16 =	sadd.s32 $0x1100, s10;
	s7 =	sshra.s32 s7, $0x2;
	s12 =	sadd.s32 $0x17A00, s11  }
0x3f4: {  	[hbm4b:s9+s3] =	stream.linear.scatter [tilespmem:s12], [sflag:$0x8], $0x80, $0x38;
	[tilespmem:$0x1E000] =	vst v63  }
0x3f5: {  	p0 =	sne.s32 s10, $0x7700;
	s10 =	sadd.s32 $0x17A88, s11;
	s12 =	sadd.s32 $0x10, s9  }
0x3f6: {  	[hbm4b:s12+s3] =	stream.linear.scatter [tilespmem:s10], [sflag:$0x8], $0x80, $0x38;
	[tilespmem:$0x1E000] =	vst v63  }
0x3f7: {  	s10 =	sadd.s32 $0x17B10, s11;
	s12 =	sadd.s32 $0x20, s9  }
0x3f8: {  	[hbm4b:s12+s3] =	stream.linear.scatter [tilespmem:s10], [sflag:$0x8], $0x80, $0x38;
	[tilespmem:$0x1E000] =	vst v63  }
0x3f9: {  	s10 =	sadd.s32 $0x17B98, s11;
	s12 =	sadd.s32 $0x30, s9  }
0x3fa: {  	[hbm4b:s12+s3] =	stream.linear.scatter [tilespmem:s10], [sflag:$0x8], $0x80, $0x38;
	[tilespmem:$0x1E000] =	vst v63  }
0x3fb: {  	s10 =	sadd.s32 $0x17C20, s11;
	s12 =	sadd.s32 $0x40, s9  }
0x3fc: {  	[hbm4b:s12+s3] =	stream.linear.scatter [tilespmem:s10], [sflag:$0x8], $0x80, $0x38;
	[tilespmem:$0x1E000] =	vst v63  }
.Ltmp16:
0x3fd: {  	s10 =	sadd.s32 $0x17CA8, s11;
	s12 =	sadd.s32 $0x50, s9;
	(pc) =	sbr.rel @p0 .LBB2_34-.Ltmp16, $4  }
0x3fe: {  	[hbm4b:s12+s3] =	stream.linear.scatter [tilespmem:s10], [sflag:$0x8], $0x80, $0x38;
	[tilespmem:$0x1E000] =	vst v63  }
0x3ff: {  	s10 =	sadd.s32 $0x17D30, s11;
	s12 =	sadd.s32 $0x60, s9;
	s11 =	sadd.s32 $0x17DB8, s11  }
0x400: {  	[hbm4b:s12+s3] =	stream.linear.scatter [tilespmem:s10], [sflag:$0x8], $0x80, $0x38;
	[tilespmem:$0x1E000] =	vst v63  }
0x401: {  	s12 =	sadd.s32 $0x70, s9;
	s9 =	sadd.s32 $0x1000, s9;
	s10 =	smov.u32 s16  }
0x402: {  	[hbm4b:s12+s3] =	stream.linear.scatter [tilespmem:s11], [sflag:$0x8], $0x80, $0x38;
	[tilespmem:$0x1E000] =	vst v63  }
0x403: {  	s10 =	sadd.s32 $0x17A00, s7  }
0x404: {  	[hbm4b:s9+s3] =	stream.linear.scatter [tilespmem:s10], [sflag:$0x8], $0x80, $0x38;
	[tilespmem:$0x1E000] =	vst v63  }
0x405: {  	s29 =	sadd.s32 $0x17A88, s7;
	s30 =	sadd.s32 $0x10, s9  }
0x406: {  	[hbm4b:s30+s3] =	stream.linear.scatter [tilespmem:s29], [sflag:$0x8], $0x80, $0x38;
	[tilespmem:$0x1E000] =	vst v63  }
0x407: {  	s11 =	sadd.s32 $0x17B10, s7;
	s12 =	sadd.s32 $0x20, s9  }
0x408: {  	[hbm4b:s12+s3] =	stream.linear.scatter [tilespmem:s11], [sflag:$0x8], $0x80, $0x38;
	[tilespmem:$0x1E000] =	vst v63  }
0x409: {  	s16 =	sadd.s32 $0x17B98, s7;
	s19 =	sadd.s32 $0x30, s9  }
0x40a: {  	[hbm4b:s19+s3] =	stream.linear.scatter [tilespmem:s16], [sflag:$0x8], $0x80, $0x38;
	[tilespmem:$0x1E000] =	vst v63  }
0x40b: {  	s20 =	sadd.s32 $0x17C20, s7;
	s22 =	sadd.s32 $0x40, s9  }
0x40c: {  	[hbm4b:s22+s3] =	stream.linear.scatter [tilespmem:s20], [sflag:$0x8], $0x80, $0x38;
	[tilespmem:$0x1E000] =	vst v63  }
0x40d: {  	s24 =	sadd.s32 $0x17CA8, s7;
	s25 =	sadd.s32 $0x50, s9  }
0x40e: {  	[hbm4b:s25+s3] =	stream.linear.scatter [tilespmem:s24], [sflag:$0x8], $0x80, $0x38;
	[tilespmem:$0x1E000] =	vst v63  }
0x40f: {  	s29 =	sadd.s32 $0x17D30, s7;
	s30 =	sadd.s32 $0x60, s9  }
0x410: {  	[hbm4b:s30+s3] =	stream.linear.scatter [tilespmem:s29], [sflag:$0x8], $0x80, $0x38;
	[tilespmem:$0x1E000] =	vst v63  }
0x411: {  	s11 =	sadd.s32 $0x17DB8, s7;
	s12 =	sadd.s32 $0x70, s9  }
0x412: {  	[hbm4b:s12+s3] =	stream.linear.scatter [tilespmem:s11], [sflag:$0x8], $0x80, $0x38;
	[tilespmem:$0x1E000] =	vst v63  }
0x413: {  	_ =	swait.ge [sflag:s15], $0x2000  }
0x414: {  	[sflag:s15] =	ssyncset.done $0x0  }
0x415: {  	[sflag:s15] =	ssyncadd.s32 $0xFFFFE000  }
0x416: {  	_ =	swait.ge [sflag:s17], $0x2000  }
0x417: {  	[sflag:s17] =	ssyncset.done $0x0  }
0x418: {  	[sflag:s17] =	ssyncadd.s32 $0xFFFFE000  }
0x419: {  	s16 =	simm.s32 $0x1;
	s11 =	simm.s32 $0xF670;
	v9 =	vld [tilespmem:$0x9580]  }
0x41a: {  	v4 =	vmov s16;
	v6 =	vld [tilespmem:s11+$0xFFFFFFD0]  }
0x41b: {  	v14 =	vand.u32 $0x7F, v4  }
0x41c: {  	v8 =	vadd.s32 v0, v14  }
0x41d: {  	s19 =	simm.s32 $0x0;
	v7 =	vld [tilespmem:$0x9590]  }
0x41e: {  	v4 =	vmov s19;
	v10 =	vld [tilespmem:s11+$0xFFFFFF90]  }
0x41f: {  	v18 =	vand.u32 $0x7E, v4;
	v5 =	vld [tilespmem:$0x95A0];
	v6 =	vadd.f32 v6, v9  }
0x420: {  	s7 =	simm.s32 $0xF6F0;
	s20 =	simm.s32 $0x3;
	v11 =	vadd.s32 v0, v18;
	v4 =	vld [tilespmem:$0x95B0]  }
0x421: {  	v12 =	vld [tilespmem:s7+$0xFFFFFFD0];
	[tilespmem:v8+s21+$0x0] =	vst.idx.msk $0xffff, v6;
	v6 =	vmov s20  }
0x422: {  	v6 =	vand.u32 $0x7F, v6;
	v13 =	vld [tilespmem:s11+$0xFFFFFFE0]  }
0x423: {  	v8 =	vadd.f32 v10, v9;
	v10 =	vadd.s32 v0, v6  }
0x424: {  	s22 =	simm.s32 $0x2;
	v15 =	vadd.s32 v1, v14  }
0x425: {  	[tilespmem:v11+s21+$0x0] =	vst.idx.msk $0xffff, v8;
	v8 =	vmov s22;
	v11 =	vld [tilespmem:s7+$0xFFFFFF90]  }
0x426: {  	v12 =	vadd.f32 v12, v9;
	v8 =	vand.u32 $0x7E, v8;
	v16 =	vld [tilespmem:s11+$0xFFFFFFA0]  }
0x427: {  	s9 =	simm.s32 $0xF770;
	s24 =	simm.s32 $0x5;
	v17 =	vadd.s32 v0, v8;
	v13 =	vadd.f32 v13, v7  }
0x428: {  	v19 =	vld [tilespmem:s9+$0xFFFFFFD0];
	[tilespmem:v10+s21+$0x0] =	vst.idx.msk $0xffff, v12;
	v12 =	vadd.s32 v1, v18;
	v10 =	vmov s24  }
0x429: {  	[tilespmem:v15+s21+$0x0] =	vst.idx.msk $0xffff, v13;
	v10 =	vand.u32 $0x7F, v10;
	v13 =	vld [tilespmem:s7+$0xFFFFFFE0]  }
0x42a: {  	v11 =	vadd.f32 v11, v9;
	v15 =	vadd.s32 v0, v10;
	v20 =	vld [tilespmem:s11+$0xFFFFFFF0]  }
0x42b: {  	s25 =	simm.s32 $0x4;
	v21 =	vadd.s32 v1, v6;
	v16 =	vadd.f32 v16, v7  }
0x42c: {  	v22 =	vadd.s32 v2, v14;
	[tilespmem:v17+s21+$0x0] =	vst.idx.msk $0xffff, v11;
	v11 =	vmov s25;
	v17 =	vld [tilespmem:s9+$0xFFFFFF90]  }
0x42d: {  	v11 =	vand.u32 $0x7E, v11;
	[tilespmem:v12+s21+$0x0] =	vst.idx.msk $0xffff, v16;
	v12 =	vadd.f32 v19, v9;
	v16 =	vld [tilespmem:s7+$0xFFFFFFA0]  }
0x42e: {  	s10 =	simm.s32 $0xF7F0;
	s29 =	simm.s32 $0x7;
	v19 =	vadd.s32 v0, v11;
	v13 =	vadd.f32 v13, v7;
	v23 =	vld [tilespmem:s11+$0xFFFFFFB0]  }
0x42f: {  	v24 =	vld [tilespmem:s10+$0xFFFFFFD0];
	[tilespmem:v15+s21+$0x0] =	vst.idx.msk $0xffff, v12;
	v15 =	vadd.s32 v1, v8;
	v20 =	vadd.f32 v20, v5;
	v12 =	vmov s29  }
0x430: {  	[tilespmem:v21+s21+$0x0] =	vst.idx.msk $0xffff, v13;
	v21 =	vadd.s32 v2, v18;
	v12 =	vand.u32 $0x7F, v12;
	v25 =	vld [tilespmem:s9+$0xFFFFFFE0]  }
0x431: {  	v13 =	vadd.f32 v17, v9;
	[tilespmem:v22+s21+$0x0] =	vst.idx.msk $0xffff, v20;
	v17 =	vadd.s32 v0, v12;
	v20 =	vld [tilespmem:s7+$0xFFFFFFF0]  }
0x432: {  	s30 =	simm.s32 $0x6;
	v26 =	vadd.s32 v1, v10;
	v16 =	vadd.f32 v16, v7;
	v27 =	vld [tilespmem:s11+$0x0]  }
0x433: {  	v28 =	vadd.s32 v2, v6;
	[tilespmem:v19+s21+$0x0] =	vst.idx.msk $0xffff, v13;
	v13 =	vmov s30;
	v19 =	vadd.f32 v23, v5;
	v23 =	vld [tilespmem:s10+$0xFFFFFF90]  }
0x434: {  	v30 =	vadd.s32 v3, v14;
	v13 =	vand.u32 $0x7E, v13;
	v29 =	vld [tilespmem:s9+$0xFFFFFFA0];
	[tilespmem:v15+s21+$0x0] =	vst.idx.msk $0xffff, v16;
	v16 =	vadd.f32 v24, v9  }
0x435: {  	[tilespmem:v21+s21+$0x0] =	vst.idx.msk $0xffff, v19;
	v21 =	vadd.s32 v0, v13;
	v14 =	vadd.f32 v25, v7;
	v15 =	vld [tilespmem:s7+$0xFFFFFFB0]  }
0x436: {  	s16 =	simm.s32 $0x9;
	s12 =	simm.s32 $0xF870;
	v19 =	vadd.s32 v1, v11;
	[tilespmem:v17+s21+$0x0] =	vst.idx.msk $0xffff, v16;
	v20 =	vadd.f32 v20, v5;
	v16 =	vld [tilespmem:s11+$0xFFFFFFC0]  }
0x437: {  	v22 =	vld [tilespmem:s12+$0xFFFFFFD0];
	v24 =	vmov s16;
	v17 =	vadd.s32 v2, v8;
	[tilespmem:v26+s21+$0x0] =	vst.idx.msk $0xffff, v14;
	v27 =	vadd.f32 v27, v4  }
0x438: {  	v18 =	vadd.s32 v3, v18;
	v14 =	vand.u32 $0x7F, v24;
	v26 =	vadd.f32 v23, v9;
	v23 =	vld [tilespmem:s10+$0xFFFFFFE0];
	[tilespmem:v28+s21+$0x0] =	vst.idx.msk $0xffff, v20  }
0x439: {  	s19 =	simm.s32 $0x8;
	s16 =	simm.s32 $0xA;
	s11 =	simm.s32 $0xF870;
	v24 =	vadd.s32 v0, v14;
	v25 =	vadd.f32 v29, v7;
	v20 =	vld [tilespmem:s9+$0xFFFFFFF0];
	[tilespmem:v30+s21+$0x0] =	vst.idx.msk $0xffff, v27  }
.LBB2_36:
0x43a: {  	p0 =	slt.u32 s16, $0x7E;
	[tilespmem:v21+s21+$0x0] =	vst.idx.msk $0xffff, v26;
	v26 =	vadd.s32 v1, v12;
	v15 =	vadd.f32 v15, v5;
	v27 =	vld [tilespmem:s7+$0x0];
	v28 =	vmov v11  }
0x43b: {  	v21 =	vmov s19;
	v11 =	vmovc v13;
	s19 =	smov.u32 s16;
	v29 =	vld [tilespmem:s12+$0xFFFFFF90];
	[tilespmem:v19+s21+$0x0] =	vst.idx.msk $0xffff, v25;
	v25 =	vadd.s32 v2, v10;
	v16 =	vadd.f32 v16, v4  }
0x43c: {  	v31 =	vadd.s32 v3, v6;
	v13 =	vand.u32 $0x7E, v21;
	v19 =	vadd.f32 v22, v9;
	v30 =	vld [tilespmem:s10+$0xFFFFFFA0];
	[tilespmem:v17+s21+$0x0] =	vst.idx.msk $0xffff, v15  }
.Ltmp17:
0x43d: {  	v6 =	vmov v10;
	v21 =	vadd.s32 v0, v13;
	v17 =	vadd.f32 v23, v7;
	v15 =	vld [tilespmem:s9+$0xFFFFFFB0];
	[tilespmem:v18+s21+$0x0] =	vst.idx.msk $0xffff, v16;
	(pc) =	sbr.rel @p0 .LBB2_36-.Ltmp17, $4  }
0x43e: {  	s20 =	sadd.s32 $0x1, s16;
	s12 =	sadd.s32 $0x80, s12;
	v10 =	vmov v12;
	[tilespmem:v24+s21+$0x0] =	vst.idx.msk $0xffff, v19;
	v19 =	vadd.s32 v1, v11;
	v18 =	vadd.f32 v20, v5;
	v16 =	vld [tilespmem:s7+$0xFFFFFFC0];
	s7 =	smov.u32 s9  }
0x43f: {  	v12 =	vmovc v14;
	v20 =	vmov s20;
	s9 =	smov.u32 s10;
	s10 =	smov.u32 s11;
	s11 =	smov.u32 s12;
	v22 =	vld [tilespmem:s12+$0xFFFFFFD0];
	[tilespmem:v26+s21+$0x0] =	vst.idx.msk $0xffff, v17;
	v17 =	vadd.s32 v2, v28;
	v27 =	vadd.f32 v27, v4  }
0x440: {  	v14 =	vand.u32 $0x7F, v20;
	v26 =	vadd.f32 v29, v9;
	v23 =	vld [tilespmem:s10+$0xFFFFFFE0];
	[tilespmem:v25+s21+$0x0] =	vst.idx.msk $0xffff, v18;
	v18 =	vadd.s32 v3, v8  }
0x441: {  	s16 =	sadd.s32 $0x2, s16;
	v24 =	vadd.s32 v0, v14;
	v8 =	vmov v28;
	v25 =	vadd.f32 v30, v7;
	v20 =	vld [tilespmem:s9+$0xFFFFFFF0];
	[tilespmem:v31+s21+$0x0] =	vst.idx.msk $0xffff, v27  }
0x442: {  	v27 =	vmov s19;
	v28 =	vld [tilespmem:s12+$0xFFFFFF90]  }
0x443: {  	v27 =	vand.u32 $0x7E, v27  }
0x444: {  	v29 =	vadd.s32 v0, v27;
	_ =	sdelay $0x1  }
0x445: {  	v22 =	vadd.f32 v22, v9  }
0x446: {  	[tilespmem:v21+s21+$0x0] =	vst.idx.msk $0xffff, v26;
	v57 =	vadd.f32 v28, v9  }
0x447: {  	v21 =	vld [tilespmem:s10+$0xFFFFFFA0];
	[tilespmem:v24+s21+$0x0] =	vst.idx.msk $0xffff, v22  }
0x448: {  	v58 =	vadd.s32 v1, v12;
	v24 =	vld [tilespmem:s11+$0xFFFFFFE0];
	[tilespmem:v29+s21+$0x0] =	vst.idx.msk $0xffff, v57  }
0x449: {  	v59 =	vadd.s32 v1, v13;
	v60 =	vld [tilespmem:s11+$0xFFFFFFA0]  }
0x44a: {  	v61 =	vadd.s32 v1, v14  }
0x44b: {  	v62 =	vadd.s32 v1, v27;
	v23 =	vadd.f32 v23, v7  }
0x44c: {  	[tilespmem:v19+s21+$0x0] =	vst.idx.msk $0xffff, v25;
	v63 =	vadd.f32 v21, v7  }
0x44d: {  	v30 =	vld [tilespmem:s9+$0xFFFFFFB0];
	[tilespmem:v58+s21+$0x0] =	vst.idx.msk $0xffff, v23;
	v31 =	vadd.f32 v24, v7  }
0x44e: {  	v32 =	vadd.s32 v2, v10;
	v33 =	vld [tilespmem:s10+$0xFFFFFFF0];
	[tilespmem:v59+s21+$0x0] =	vst.idx.msk $0xffff, v63;
	v34 =	vadd.f32 v60, v7  }
0x44f: {  	v35 =	vadd.f32 v15, v5;
	v36 =	vadd.s32 v2, v11;
	v19 =	vld [tilespmem:s10+$0xFFFFFFB0];
	[tilespmem:v61+s21+$0x0] =	vst.idx.msk $0xffff, v31  }
0x450: {  	v37 =	vadd.s32 v2, v12;
	v16 =	vadd.f32 v16, v4;
	v38 =	vld [tilespmem:s11+$0xFFFFFFF0];
	[tilespmem:v62+s21+$0x0] =	vst.idx.msk $0xffff, v34  }
0x451: {  	v40 =	vadd.s32 v2, v13;
	[tilespmem:v17+s21+$0x0] =	vst.idx.msk $0xffff, v35;
	v39 =	vadd.f32 v20, v5;
	v41 =	vld [tilespmem:s11+$0xFFFFFFB0]  }
0x452: {  	v42 =	vld [tilespmem:s7+$0x0];
	v44 =	vadd.s32 v2, v14;
	[tilespmem:v18+s21+$0x0] =	vst.idx.msk $0xffff, v16;
	v43 =	vadd.f32 v30, v5  }
0x453: {  	v47 =	vadd.s32 v2, v27;
	v45 =	vld [tilespmem:s7+$0xFFFFFFC0];
	[tilespmem:v32+s21+$0x0] =	vst.idx.msk $0xffff, v39;
	v46 =	vadd.f32 v33, v5  }
0x454: {  	v6 =	vadd.s32 v3, v6;
	v48 =	vld [tilespmem:s9+$0x0];
	[tilespmem:v36+s21+$0x0] =	vst.idx.msk $0xffff, v43;
	v49 =	vadd.f32 v19, v5  }
0x455: {  	v8 =	vadd.s32 v3, v8;
	v16 =	vld [tilespmem:s9+$0xFFFFFFC0];
	[tilespmem:v37+s21+$0x0] =	vst.idx.msk $0xffff, v46;
	v50 =	vadd.f32 v38, v5  }
0x456: {  	v51 =	vadd.s32 v3, v10;
	v52 =	vld [tilespmem:s10+$0x0];
	[tilespmem:v40+s21+$0x0] =	vst.idx.msk $0xffff, v49;
	v5 =	vadd.f32 v41, v5  }
0x457: {  	v54 =	vadd.s32 v3, v11;
	v53 =	vadd.f32 v42, v4;
	v15 =	vld [tilespmem:s10+$0xFFFFFFC0];
	[tilespmem:v44+s21+$0x0] =	vst.idx.msk $0xffff, v50  }
0x458: {  	v56 =	vadd.s32 v3, v12;
	v55 =	vadd.f32 v45, v4;
	v57 =	vld [tilespmem:s11+$0x0];
	[tilespmem:v47+s21+$0x0] =	vst.idx.msk $0xffff, v5  }
0x459: {  	v58 =	vadd.s32 v3, v13;
	[tilespmem:v6+s21+$0x0] =	vst.idx.msk $0xffff, v53;
	v5 =	vadd.f32 v48, v4;
	v59 =	vld [tilespmem:s11+$0xFFFFFFC0]  }
0x45a: {  	[tilespmem:v8+s21+$0x0] =	vst.idx.msk $0xffff, v55;
	v61 =	vadd.s32 v3, v14;
	v60 =	vadd.f32 v16, v4  }
0x45b: {  	v62 =	vadd.s32 v3, v27;
	[tilespmem:v51+s21+$0x0] =	vst.idx.msk $0xffff, v5;
	v5 =	vadd.f32 v52, v4  }
0x45c: {  	[tilespmem:v54+s21+$0x0] =	vst.idx.msk $0xffff, v60;
	v63 =	vadd.f32 v15, v4  }
0x45d: {  	[tilespmem:v56+s21+$0x0] =	vst.idx.msk $0xffff, v5;
	v5 =	vadd.f32 v57, v4  }
0x45e: {  	[tilespmem:v58+s21+$0x0] =	vst.idx.msk $0xffff, v63;
	v4 =	vadd.f32 v59, v4  }
0x45f: {  	[tilespmem:v61+s21+$0x0] =	vst.idx.msk $0xffff, v5  }
0x460: {  	[tilespmem:v62+s21+$0x0] =	vst.idx.msk $0xffff, v4  }
0x461: {  	s25 =	simm.s32 $0x19C00;
	s16 =	rddreg [dreg:$0x9]  }
0x462: {  	[hbm4b:s16+s3] =	stream.linear.scatter [tilespmem:s25], [sflag:$0x9], $0x80, $0x38;
	[tilespmem:$0x1E000] =	vst v63  }
0x463: {  	s29 =	simm.s32 $0x19C88;
	s30 =	sadd.s32 $0x10, s16  }
0x464: {  	[hbm4b:s30+s3] =	stream.linear.scatter [tilespmem:s29], [sflag:$0x9], $0x80, $0x38;
	[tilespmem:$0x1E000] =	vst v63  }
0x465: {  	s12 =	simm.s32 $0x19D98;
	s10 =	simm.s32 $0x19D10;
	s11 =	sadd.s32 $0x20, s16  }
0x466: {  	[hbm4b:s11+s3] =	stream.linear.scatter [tilespmem:s10], [sflag:$0x9], $0x80, $0x38;
	[tilespmem:$0x1E000] =	vst v63  }
0x467: {  	s20 =	simm.s32 $0x19E20;
	s24 =	simm.s32 $0x19EA8;
	s19 =	sadd.s32 $0x30, s16  }
0x468: {  	[hbm4b:s19+s3] =	stream.linear.scatter [tilespmem:s12], [sflag:$0x9], $0x80, $0x38;
	[tilespmem:$0x1E000] =	vst v63  }
0x469: {  	s7 =	simm.s32 $0x440;
	s22 =	sadd.s32 $0x40, s16;
	s25 =	sadd.s32 $0x50, s16  }
0x46a: {  	[hbm4b:s22+s3] =	stream.linear.scatter [tilespmem:s20], [sflag:$0x9], $0x80, $0x38;
	[tilespmem:$0x1E000] =	vst v63  }
0x46b: {  	s9 =	sadd.s32 $0x1000, s16;
	s29 =	simm.s32 $0x19F30;
	s30 =	sadd.s32 $0x60, s16  }
0x46c: {  	[hbm4b:s25+s3] =	stream.linear.scatter [tilespmem:s24], [sflag:$0x9], $0x80, $0x38;
	[tilespmem:$0x1E000] =	vst v63  }
0x46d: {  	s10 =	simm.s32 $0x2200;
	s11 =	simm.s32 $0x19FB8;
	s12 =	sadd.s32 $0x70, s16  }
0x46e: {  	[hbm4b:s30+s3] =	stream.linear.scatter [tilespmem:s29], [sflag:$0x9], $0x80, $0x38;
	[tilespmem:$0x1E000] =	vst v63  }
.LBB2_38:
0x46f: {  	[hbm4b:s12+s3] =	stream.linear.scatter [tilespmem:s11], [sflag:$0x9], $0x80, $0x38;
	[tilespmem:$0x1E000] =	vst v63  }
0x470: {  	s11 =	smov.u32 s7;
	s7 =	smov.u32 s10  }
0x471: {  	s16 =	sadd.s32 $0x1100, s10;
	s7 =	sshra.s32 s7, $0x2;
	s12 =	sadd.s32 $0x19C00, s11  }
0x472: {  	[hbm4b:s9+s3] =	stream.linear.scatter [tilespmem:s12], [sflag:$0x9], $0x80, $0x38;
	[tilespmem:$0x1E000] =	vst v63  }
0x473: {  	p0 =	sne.s32 s10, $0x7700;
	s10 =	sadd.s32 $0x19C88, s11;
	s12 =	sadd.s32 $0x10, s9  }
0x474: {  	[hbm4b:s12+s3] =	stream.linear.scatter [tilespmem:s10], [sflag:$0x9], $0x80, $0x38;
	[tilespmem:$0x1E000] =	vst v63  }
0x475: {  	s10 =	sadd.s32 $0x19D10, s11;
	s12 =	sadd.s32 $0x20, s9  }
0x476: {  	[hbm4b:s12+s3] =	stream.linear.scatter [tilespmem:s10], [sflag:$0x9], $0x80, $0x38;
	[tilespmem:$0x1E000] =	vst v63  }
0x477: {  	s10 =	sadd.s32 $0x19D98, s11;
	s12 =	sadd.s32 $0x30, s9  }
0x478: {  	[hbm4b:s12+s3] =	stream.linear.scatter [tilespmem:s10], [sflag:$0x9], $0x80, $0x38;
	[tilespmem:$0x1E000] =	vst v63  }
0x479: {  	s10 =	sadd.s32 $0x19E20, s11;
	s12 =	sadd.s32 $0x40, s9  }
0x47a: {  	[hbm4b:s12+s3] =	stream.linear.scatter [tilespmem:s10], [sflag:$0x9], $0x80, $0x38;
	[tilespmem:$0x1E000] =	vst v63  }
.Ltmp18:
0x47b: {  	s10 =	sadd.s32 $0x19EA8, s11;
	s12 =	sadd.s32 $0x50, s9;
	(pc) =	sbr.rel @p0 .LBB2_38-.Ltmp18, $4  }
0x47c: {  	[hbm4b:s12+s3] =	stream.linear.scatter [tilespmem:s10], [sflag:$0x9], $0x80, $0x38;
	[tilespmem:$0x1E000] =	vst v63  }
0x47d: {  	s10 =	sadd.s32 $0x19F30, s11;
	s12 =	sadd.s32 $0x60, s9;
	s11 =	sadd.s32 $0x19FB8, s11  }
0x47e: {  	[hbm4b:s12+s3] =	stream.linear.scatter [tilespmem:s10], [sflag:$0x9], $0x80, $0x38;
	[tilespmem:$0x1E000] =	vst v63  }
0x47f: {  	s12 =	sadd.s32 $0x70, s9;
	s9 =	sadd.s32 $0x1000, s9;
	s10 =	smov.u32 s16  }
0x480: {  	[hbm4b:s12+s3] =	stream.linear.scatter [tilespmem:s11], [sflag:$0x9], $0x80, $0x38;
	[tilespmem:$0x1E000] =	vst v63  }
0x481: {  	s10 =	sadd.s32 $0x19C00, s7  }
0x482: {  	[hbm4b:s9+s3] =	stream.linear.scatter [tilespmem:s10], [sflag:$0x9], $0x80, $0x38;
	[tilespmem:$0x1E000] =	vst v63  }
0x483: {  	s29 =	sadd.s32 $0x19C88, s7;
	s30 =	sadd.s32 $0x10, s9  }
0x484: {  	[hbm4b:s30+s3] =	stream.linear.scatter [tilespmem:s29], [sflag:$0x9], $0x80, $0x38;
	[tilespmem:$0x1E000] =	vst v63  }
0x485: {  	s11 =	sadd.s32 $0x19D10, s7;
	s12 =	sadd.s32 $0x20, s9  }
0x486: {  	[hbm4b:s12+s3] =	stream.linear.scatter [tilespmem:s11], [sflag:$0x9], $0x80, $0x38;
	[tilespmem:$0x1E000] =	vst v63  }
0x487: {  	s16 =	sadd.s32 $0x19D98, s7;
	s19 =	sadd.s32 $0x30, s9  }
0x488: {  	[hbm4b:s19+s3] =	stream.linear.scatter [tilespmem:s16], [sflag:$0x9], $0x80, $0x38;
	[tilespmem:$0x1E000] =	vst v63  }
0x489: {  	s20 =	sadd.s32 $0x19E20, s7;
	s22 =	sadd.s32 $0x40, s9  }
0x48a: {  	[hbm4b:s22+s3] =	stream.linear.scatter [tilespmem:s20], [sflag:$0x9], $0x80, $0x38;
	[tilespmem:$0x1E000] =	vst v63  }
0x48b: {  	s24 =	sadd.s32 $0x19EA8, s7;
	s25 =	sadd.s32 $0x50, s9  }
0x48c: {  	[hbm4b:s25+s3] =	stream.linear.scatter [tilespmem:s24], [sflag:$0x9], $0x80, $0x38;
	[tilespmem:$0x1E000] =	vst v63  }
0x48d: {  	s29 =	sadd.s32 $0x19F30, s7;
	s30 =	sadd.s32 $0x60, s9  }
0x48e: {  	[hbm4b:s30+s3] =	stream.linear.scatter [tilespmem:s29], [sflag:$0x9], $0x80, $0x38;
	[tilespmem:$0x1E000] =	vst v63  }
0x48f: {  	s11 =	sadd.s32 $0x19FB8, s7;
	s12 =	sadd.s32 $0x70, s9  }
0x490: {  	[hbm4b:s12+s3] =	stream.linear.scatter [tilespmem:s11], [sflag:$0x9], $0x80, $0x38;
	[tilespmem:$0x1E000] =	vst v63  }
0x491: {  	_ =	swait.ge [sflag:s23], $0x2000  }
0x492: {  	[sflag:s23] =	ssyncset.done $0x0  }
0x493: {  	[sflag:s23] =	ssyncadd.s32 $0xFFFFE000  }
0x494: {  	_ =	swait.ge [sflag:s28], $0x2000  }
0x495: {  	[sflag:s28] =	ssyncset.done $0x0  }
0x496: {  	[sflag:s28] =	ssyncadd.s32 $0xFFFFE000  }
0x497: {  	s16 =	simm.s32 $0x1;
	s11 =	simm.s32 $0x11670;
	v9 =	vld [tilespmem:$0x95C0]  }
0x498: {  	v4 =	vmov s16;
	v6 =	vld [tilespmem:s11+$0xFFFFFFD0]  }
0x499: {  	v14 =	vand.u32 $0x7F, v4  }
0x49a: {  	v8 =	vadd.s32 v0, v14  }
0x49b: {  	s19 =	simm.s32 $0x0;
	v7 =	vld [tilespmem:$0x95D0]  }
0x49c: {  	v4 =	vmov s19;
	v10 =	vld [tilespmem:s11+$0xFFFFFF90]  }
0x49d: {  	v18 =	vand.u32 $0x7E, v4;
	v5 =	vld [tilespmem:$0x95E0];
	v6 =	vadd.f32 v6, v9  }
0x49e: {  	s7 =	simm.s32 $0x116F0;
	s20 =	simm.s32 $0x3;
	v11 =	vadd.s32 v0, v18;
	v4 =	vld [tilespmem:$0x95F0]  }
0x49f: {  	v12 =	vld [tilespmem:s7+$0xFFFFFFD0];
	[tilespmem:v8+s6+$0x0] =	vst.idx.msk $0xffff, v6;
	v6 =	vmov s20  }
0x4a0: {  	v6 =	vand.u32 $0x7F, v6;
	v13 =	vld [tilespmem:s11+$0xFFFFFFE0]  }
0x4a1: {  	v8 =	vadd.f32 v10, v9;
	v10 =	vadd.s32 v0, v6  }
0x4a2: {  	s22 =	simm.s32 $0x2;
	v15 =	vadd.s32 v1, v14  }
0x4a3: {  	[tilespmem:v11+s6+$0x0] =	vst.idx.msk $0xffff, v8;
	v8 =	vmov s22;
	v11 =	vld [tilespmem:s7+$0xFFFFFF90]  }
0x4a4: {  	v12 =	vadd.f32 v12, v9;
	v8 =	vand.u32 $0x7E, v8;
	v16 =	vld [tilespmem:s11+$0xFFFFFFA0]  }
0x4a5: {  	s9 =	simm.s32 $0x11770;
	s24 =	simm.s32 $0x5;
	v17 =	vadd.s32 v0, v8;
	v13 =	vadd.f32 v13, v7  }
0x4a6: {  	v19 =	vld [tilespmem:s9+$0xFFFFFFD0];
	[tilespmem:v10+s6+$0x0] =	vst.idx.msk $0xffff, v12;
	v12 =	vadd.s32 v1, v18;
	v10 =	vmov s24  }
0x4a7: {  	[tilespmem:v15+s6+$0x0] =	vst.idx.msk $0xffff, v13;
	v10 =	vand.u32 $0x7F, v10;
	v13 =	vld [tilespmem:s7+$0xFFFFFFE0]  }
0x4a8: {  	v11 =	vadd.f32 v11, v9;
	v15 =	vadd.s32 v0, v10;
	v20 =	vld [tilespmem:s11+$0xFFFFFFF0]  }
0x4a9: {  	s25 =	simm.s32 $0x4;
	v21 =	vadd.s32 v1, v6;
	v16 =	vadd.f32 v16, v7  }
0x4aa: {  	v22 =	vadd.s32 v2, v14;
	[tilespmem:v17+s6+$0x0] =	vst.idx.msk $0xffff, v11;
	v11 =	vmov s25;
	v17 =	vld [tilespmem:s9+$0xFFFFFF90]  }
0x4ab: {  	v11 =	vand.u32 $0x7E, v11;
	[tilespmem:v12+s6+$0x0] =	vst.idx.msk $0xffff, v16;
	v12 =	vadd.f32 v19, v9;
	v16 =	vld [tilespmem:s7+$0xFFFFFFA0]  }
0x4ac: {  	s10 =	simm.s32 $0x117F0;
	s29 =	simm.s32 $0x7;
	v19 =	vadd.s32 v0, v11;
	v13 =	vadd.f32 v13, v7;
	v23 =	vld [tilespmem:s11+$0xFFFFFFB0]  }
0x4ad: {  	v24 =	vld [tilespmem:s10+$0xFFFFFFD0];
	[tilespmem:v15+s6+$0x0] =	vst.idx.msk $0xffff, v12;
	v15 =	vadd.s32 v1, v8;
	v20 =	vadd.f32 v20, v5;
	v12 =	vmov s29  }
0x4ae: {  	[tilespmem:v21+s6+$0x0] =	vst.idx.msk $0xffff, v13;
	v21 =	vadd.s32 v2, v18;
	v12 =	vand.u32 $0x7F, v12;
	v25 =	vld [tilespmem:s9+$0xFFFFFFE0]  }
0x4af: {  	v13 =	vadd.f32 v17, v9;
	[tilespmem:v22+s6+$0x0] =	vst.idx.msk $0xffff, v20;
	v17 =	vadd.s32 v0, v12;
	v20 =	vld [tilespmem:s7+$0xFFFFFFF0]  }
0x4b0: {  	s30 =	simm.s32 $0x6;
	v26 =	vadd.s32 v1, v10;
	v16 =	vadd.f32 v16, v7;
	v27 =	vld [tilespmem:s11+$0x0]  }
0x4b1: {  	v28 =	vadd.s32 v2, v6;
	[tilespmem:v19+s6+$0x0] =	vst.idx.msk $0xffff, v13;
	v13 =	vmov s30;
	v19 =	vadd.f32 v23, v5;
	v23 =	vld [tilespmem:s10+$0xFFFFFF90]  }
0x4b2: {  	v30 =	vadd.s32 v3, v14;
	v13 =	vand.u32 $0x7E, v13;
	v29 =	vld [tilespmem:s9+$0xFFFFFFA0];
	[tilespmem:v15+s6+$0x0] =	vst.idx.msk $0xffff, v16;
	v16 =	vadd.f32 v24, v9  }
0x4b3: {  	[tilespmem:v21+s6+$0x0] =	vst.idx.msk $0xffff, v19;
	v21 =	vadd.s32 v0, v13;
	v14 =	vadd.f32 v25, v7;
	v15 =	vld [tilespmem:s7+$0xFFFFFFB0]  }
0x4b4: {  	s16 =	simm.s32 $0x9;
	s12 =	simm.s32 $0x11870;
	v19 =	vadd.s32 v1, v11;
	[tilespmem:v17+s6+$0x0] =	vst.idx.msk $0xffff, v16;
	v20 =	vadd.f32 v20, v5;
	v16 =	vld [tilespmem:s11+$0xFFFFFFC0]  }
0x4b5: {  	v22 =	vld [tilespmem:s12+$0xFFFFFFD0];
	v24 =	vmov s16;
	v17 =	vadd.s32 v2, v8;
	[tilespmem:v26+s6+$0x0] =	vst.idx.msk $0xffff, v14;
	v27 =	vadd.f32 v27, v4  }
0x4b6: {  	v18 =	vadd.s32 v3, v18;
	v14 =	vand.u32 $0x7F, v24;
	v26 =	vadd.f32 v23, v9;
	v23 =	vld [tilespmem:s10+$0xFFFFFFE0];
	[tilespmem:v28+s6+$0x0] =	vst.idx.msk $0xffff, v20  }
0x4b7: {  	s19 =	simm.s32 $0x8;
	s16 =	simm.s32 $0xA;
	s11 =	simm.s32 $0x11870;
	v24 =	vadd.s32 v0, v14;
	v25 =	vadd.f32 v29, v7;
	v20 =	vld [tilespmem:s9+$0xFFFFFFF0];
	[tilespmem:v30+s6+$0x0] =	vst.idx.msk $0xffff, v27  }
.LBB2_40:
0x4b8: {  	p0 =	slt.u32 s16, $0x7E;
	[tilespmem:v21+s6+$0x0] =	vst.idx.msk $0xffff, v26;
	v26 =	vadd.s32 v1, v12;
	v15 =	vadd.f32 v15, v5;
	v27 =	vld [tilespmem:s7+$0x0];
	v28 =	vmov v11  }
0x4b9: {  	v21 =	vmov s19;
	v11 =	vmovc v13;
	s19 =	smov.u32 s16;
	v29 =	vld [tilespmem:s12+$0xFFFFFF90];
	[tilespmem:v19+s6+$0x0] =	vst.idx.msk $0xffff, v25;
	v25 =	vadd.s32 v2, v10;
	v16 =	vadd.f32 v16, v4  }
0x4ba: {  	v31 =	vadd.s32 v3, v6;
	v13 =	vand.u32 $0x7E, v21;
	v19 =	vadd.f32 v22, v9;
	v30 =	vld [tilespmem:s10+$0xFFFFFFA0];
	[tilespmem:v17+s6+$0x0] =	vst.idx.msk $0xffff, v15  }
.Ltmp19:
0x4bb: {  	v6 =	vmov v10;
	v21 =	vadd.s32 v0, v13;
	v17 =	vadd.f32 v23, v7;
	v15 =	vld [tilespmem:s9+$0xFFFFFFB0];
	[tilespmem:v18+s6+$0x0] =	vst.idx.msk $0xffff, v16;
	(pc) =	sbr.rel @p0 .LBB2_40-.Ltmp19, $4  }
0x4bc: {  	s20 =	sadd.s32 $0x1, s16;
	s12 =	sadd.s32 $0x80, s12;
	v10 =	vmov v12;
	[tilespmem:v24+s6+$0x0] =	vst.idx.msk $0xffff, v19;
	v19 =	vadd.s32 v1, v11;
	v18 =	vadd.f32 v20, v5;
	v16 =	vld [tilespmem:s7+$0xFFFFFFC0];
	s7 =	smov.u32 s9  }
0x4bd: {  	v12 =	vmovc v14;
	v20 =	vmov s20;
	s9 =	smov.u32 s10;
	s10 =	smov.u32 s11;
	s11 =	smov.u32 s12;
	v22 =	vld [tilespmem:s12+$0xFFFFFFD0];
	[tilespmem:v26+s6+$0x0] =	vst.idx.msk $0xffff, v17;
	v17 =	vadd.s32 v2, v28;
	v27 =	vadd.f32 v27, v4  }
0x4be: {  	v14 =	vand.u32 $0x7F, v20;
	v26 =	vadd.f32 v29, v9;
	v23 =	vld [tilespmem:s10+$0xFFFFFFE0];
	[tilespmem:v25+s6+$0x0] =	vst.idx.msk $0xffff, v18;
	v18 =	vadd.s32 v3, v8  }
0x4bf: {  	s16 =	sadd.s32 $0x2, s16;
	v24 =	vadd.s32 v0, v14;
	v8 =	vmov v28;
	v25 =	vadd.f32 v30, v7;
	v20 =	vld [tilespmem:s9+$0xFFFFFFF0];
	[tilespmem:v31+s6+$0x0] =	vst.idx.msk $0xffff, v27  }
0x4c0: {  	v27 =	vmov s19;
	v28 =	vld [tilespmem:s12+$0xFFFFFF90]  }
0x4c1: {  	v27 =	vand.u32 $0x7E, v27  }
0x4c2: {  	v29 =	vadd.s32 v0, v27;
	_ =	sdelay $0x1  }
0x4c3: {  	v22 =	vadd.f32 v22, v9  }
0x4c4: {  	[tilespmem:v21+s6+$0x0] =	vst.idx.msk $0xffff, v26;
	v57 =	vadd.f32 v28, v9  }
0x4c5: {  	v21 =	vld [tilespmem:s10+$0xFFFFFFA0];
	[tilespmem:v24+s6+$0x0] =	vst.idx.msk $0xffff, v22  }
0x4c6: {  	v58 =	vadd.s32 v1, v12;
	v24 =	vld [tilespmem:s11+$0xFFFFFFE0];
	[tilespmem:v29+s6+$0x0] =	vst.idx.msk $0xffff, v57  }
0x4c7: {  	v59 =	vadd.s32 v1, v13;
	v60 =	vld [tilespmem:s11+$0xFFFFFFA0]  }
0x4c8: {  	v61 =	vadd.s32 v1, v14  }
0x4c9: {  	v62 =	vadd.s32 v1, v27;
	v23 =	vadd.f32 v23, v7  }
0x4ca: {  	[tilespmem:v19+s6+$0x0] =	vst.idx.msk $0xffff, v25;
	v63 =	vadd.f32 v21, v7  }
0x4cb: {  	v30 =	vld [tilespmem:s9+$0xFFFFFFB0];
	[tilespmem:v58+s6+$0x0] =	vst.idx.msk $0xffff, v23;
	v31 =	vadd.f32 v24, v7  }
0x4cc: {  	v32 =	vadd.s32 v2, v10;
	v33 =	vld [tilespmem:s10+$0xFFFFFFF0];
	[tilespmem:v59+s6+$0x0] =	vst.idx.msk $0xffff, v63;
	v34 =	vadd.f32 v60, v7  }
0x4cd: {  	v35 =	vadd.f32 v15, v5;
	v36 =	vadd.s32 v2, v11;
	v19 =	vld [tilespmem:s10+$0xFFFFFFB0];
	[tilespmem:v61+s6+$0x0] =	vst.idx.msk $0xffff, v31  }
0x4ce: {  	v37 =	vadd.s32 v2, v12;
	v16 =	vadd.f32 v16, v4;
	v38 =	vld [tilespmem:s11+$0xFFFFFFF0];
	[tilespmem:v62+s6+$0x0] =	vst.idx.msk $0xffff, v34  }
0x4cf: {  	v40 =	vadd.s32 v2, v13;
	[tilespmem:v17+s6+$0x0] =	vst.idx.msk $0xffff, v35;
	v39 =	vadd.f32 v20, v5;
	v41 =	vld [tilespmem:s11+$0xFFFFFFB0]  }
0x4d0: {  	v42 =	vld [tilespmem:s7+$0x0];
	v44 =	vadd.s32 v2, v14;
	[tilespmem:v18+s6+$0x0] =	vst.idx.msk $0xffff, v16;
	v43 =	vadd.f32 v30, v5  }
0x4d1: {  	v47 =	vadd.s32 v2, v27;
	v45 =	vld [tilespmem:s7+$0xFFFFFFC0];
	[tilespmem:v32+s6+$0x0] =	vst.idx.msk $0xffff, v39;
	v46 =	vadd.f32 v33, v5  }
0x4d2: {  	v6 =	vadd.s32 v3, v6;
	v48 =	vld [tilespmem:s9+$0x0];
	[tilespmem:v36+s6+$0x0] =	vst.idx.msk $0xffff, v43;
	v49 =	vadd.f32 v19, v5  }
0x4d3: {  	v8 =	vadd.s32 v3, v8;
	v16 =	vld [tilespmem:s9+$0xFFFFFFC0];
	[tilespmem:v37+s6+$0x0] =	vst.idx.msk $0xffff, v46;
	v50 =	vadd.f32 v38, v5  }
0x4d4: {  	v51 =	vadd.s32 v3, v10;
	v52 =	vld [tilespmem:s10+$0x0];
	[tilespmem:v40+s6+$0x0] =	vst.idx.msk $0xffff, v49;
	v5 =	vadd.f32 v41, v5  }
0x4d5: {  	v54 =	vadd.s32 v3, v11;
	v53 =	vadd.f32 v42, v4;
	v15 =	vld [tilespmem:s10+$0xFFFFFFC0];
	[tilespmem:v44+s6+$0x0] =	vst.idx.msk $0xffff, v50  }
0x4d6: {  	v56 =	vadd.s32 v3, v12;
	v55 =	vadd.f32 v45, v4;
	v57 =	vld [tilespmem:s11+$0x0];
	[tilespmem:v47+s6+$0x0] =	vst.idx.msk $0xffff, v5  }
0x4d7: {  	v58 =	vadd.s32 v3, v13;
	[tilespmem:v6+s6+$0x0] =	vst.idx.msk $0xffff, v53;
	v5 =	vadd.f32 v48, v4;
	v59 =	vld [tilespmem:s11+$0xFFFFFFC0]  }
0x4d8: {  	[tilespmem:v8+s6+$0x0] =	vst.idx.msk $0xffff, v55;
	v61 =	vadd.s32 v3, v14;
	v60 =	vadd.f32 v16, v4  }
0x4d9: {  	v62 =	vadd.s32 v3, v27;
	[tilespmem:v51+s6+$0x0] =	vst.idx.msk $0xffff, v5;
	v5 =	vadd.f32 v52, v4  }
0x4da: {  	[tilespmem:v54+s6+$0x0] =	vst.idx.msk $0xffff, v60;
	v63 =	vadd.f32 v15, v4  }
0x4db: {  	[tilespmem:v56+s6+$0x0] =	vst.idx.msk $0xffff, v5;
	v5 =	vadd.f32 v57, v4  }
0x4dc: {  	[tilespmem:v58+s6+$0x0] =	vst.idx.msk $0xffff, v63;
	v4 =	vadd.f32 v59, v4  }
0x4dd: {  	[tilespmem:v61+s6+$0x0] =	vst.idx.msk $0xffff, v5  }
0x4de: {  	[tilespmem:v62+s6+$0x0] =	vst.idx.msk $0xffff, v4  }
0x4df: {  	s25 =	simm.s32 $0x1BE00;
	s16 =	rddreg [dreg:$0xa]  }
0x4e0: {  	[hbm4b:s16+s3] =	stream.linear.scatter [tilespmem:s25], [sflag:$0xA], $0x80, $0x38;
	[tilespmem:$0x1E000] =	vst v63  }
0x4e1: {  	s29 =	simm.s32 $0x1BE88;
	s30 =	sadd.s32 $0x10, s16  }
0x4e2: {  	[hbm4b:s30+s3] =	stream.linear.scatter [tilespmem:s29], [sflag:$0xA], $0x80, $0x38;
	[tilespmem:$0x1E000] =	vst v63  }
0x4e3: {  	s12 =	simm.s32 $0x1BF98;
	s10 =	simm.s32 $0x1BF10;
	s11 =	sadd.s32 $0x20, s16  }
0x4e4: {  	[hbm4b:s11+s3] =	stream.linear.scatter [tilespmem:s10], [sflag:$0xA], $0x80, $0x38;
	[tilespmem:$0x1E000] =	vst v63  }
0x4e5: {  	s20 =	simm.s32 $0x1C020;
	s24 =	simm.s32 $0x1C0A8;
	s19 =	sadd.s32 $0x30, s16  }
0x4e6: {  	[hbm4b:s19+s3] =	stream.linear.scatter [tilespmem:s12], [sflag:$0xA], $0x80, $0x38;
	[tilespmem:$0x1E000] =	vst v63  }
0x4e7: {  	s7 =	simm.s32 $0x440;
	s22 =	sadd.s32 $0x40, s16;
	s25 =	sadd.s32 $0x50, s16  }
0x4e8: {  	[hbm4b:s22+s3] =	stream.linear.scatter [tilespmem:s20], [sflag:$0xA], $0x80, $0x38;
	[tilespmem:$0x1E000] =	vst v63  }
0x4e9: {  	s9 =	sadd.s32 $0x1000, s16;
	s29 =	simm.s32 $0x1C130;
	s30 =	sadd.s32 $0x60, s16  }
0x4ea: {  	[hbm4b:s25+s3] =	stream.linear.scatter [tilespmem:s24], [sflag:$0xA], $0x80, $0x38;
	[tilespmem:$0x1E000] =	vst v63  }
0x4eb: {  	s10 =	simm.s32 $0x2200;
	s11 =	simm.s32 $0x1C1B8;
	s12 =	sadd.s32 $0x70, s16  }
0x4ec: {  	[hbm4b:s30+s3] =	stream.linear.scatter [tilespmem:s29], [sflag:$0xA], $0x80, $0x38;
	[tilespmem:$0x1E000] =	vst v63  }
.LBB2_42:
0x4ed: {  	[hbm4b:s12+s3] =	stream.linear.scatter [tilespmem:s11], [sflag:$0xA], $0x80, $0x38;
	[tilespmem:$0x1E000] =	vst v63  }
0x4ee: {  	s11 =	smov.u32 s7;
	s7 =	smov.u32 s10  }
0x4ef: {  	s16 =	sadd.s32 $0x1100, s10;
	s7 =	sshra.s32 s7, $0x2;
	s12 =	sadd.s32 $0x1BE00, s11  }
0x4f0: {  	[hbm4b:s9+s3] =	stream.linear.scatter [tilespmem:s12], [sflag:$0xA], $0x80, $0x38;
	[tilespmem:$0x1E000] =	vst v63  }
0x4f1: {  	p0 =	sne.s32 s10, $0x7700;
	s10 =	sadd.s32 $0x1BE88, s11;
	s12 =	sadd.s32 $0x10, s9  }
0x4f2: {  	[hbm4b:s12+s3] =	stream.linear.scatter [tilespmem:s10], [sflag:$0xA], $0x80, $0x38;
	[tilespmem:$0x1E000] =	vst v63  }
0x4f3: {  	s10 =	sadd.s32 $0x1BF10, s11;
	s12 =	sadd.s32 $0x20, s9  }
0x4f4: {  	[hbm4b:s12+s3] =	stream.linear.scatter [tilespmem:s10], [sflag:$0xA], $0x80, $0x38;
	[tilespmem:$0x1E000] =	vst v63  }
0x4f5: {  	s10 =	sadd.s32 $0x1BF98, s11;
	s12 =	sadd.s32 $0x30, s9  }
0x4f6: {  	[hbm4b:s12+s3] =	stream.linear.scatter [tilespmem:s10], [sflag:$0xA], $0x80, $0x38;
	[tilespmem:$0x1E000] =	vst v63  }
0x4f7: {  	s10 =	sadd.s32 $0x1C020, s11;
	s12 =	sadd.s32 $0x40, s9  }
0x4f8: {  	[hbm4b:s12+s3] =	stream.linear.scatter [tilespmem:s10], [sflag:$0xA], $0x80, $0x38;
	[tilespmem:$0x1E000] =	vst v63  }
.Ltmp20:
0x4f9: {  	s10 =	sadd.s32 $0x1C0A8, s11;
	s12 =	sadd.s32 $0x50, s9;
	(pc) =	sbr.rel @p0 .LBB2_42-.Ltmp20, $4  }
0x4fa: {  	[hbm4b:s12+s3] =	stream.linear.scatter [tilespmem:s10], [sflag:$0xA], $0x80, $0x38;
	[tilespmem:$0x1E000] =	vst v63  }
0x4fb: {  	s10 =	sadd.s32 $0x1C130, s11;
	s12 =	sadd.s32 $0x60, s9;
	s11 =	sadd.s32 $0x1C1B8, s11  }
0x4fc: {  	[hbm4b:s12+s3] =	stream.linear.scatter [tilespmem:s10], [sflag:$0xA], $0x80, $0x38;
	[tilespmem:$0x1E000] =	vst v63  }
0x4fd: {  	s12 =	sadd.s32 $0x70, s9;
	s9 =	sadd.s32 $0x1000, s9;
	s10 =	smov.u32 s16  }
0x4fe: {  	[hbm4b:s12+s3] =	stream.linear.scatter [tilespmem:s11], [sflag:$0xA], $0x80, $0x38;
	[tilespmem:$0x1E000] =	vst v63  }
0x4ff: {  	s10 =	sadd.s32 $0x1BE00, s7  }
0x500: {  	[hbm4b:s9+s3] =	stream.linear.scatter [tilespmem:s10], [sflag:$0xA], $0x80, $0x38;
	[tilespmem:$0x1E000] =	vst v63  }
0x501: {  	s20 =	sadd.s32 $0x1BE88, s7;
	s22 =	sadd.s32 $0x10, s9  }
0x502: {  	[hbm4b:s22+s3] =	stream.linear.scatter [tilespmem:s20], [sflag:$0xA], $0x80, $0x38;
	[tilespmem:$0x1E000] =	vst v63  }
0x503: {  	s24 =	sadd.s32 $0x1BF10, s7;
	s25 =	sadd.s32 $0x20, s9  }
0x504: {  	[hbm4b:s25+s3] =	stream.linear.scatter [tilespmem:s24], [sflag:$0xA], $0x80, $0x38;
	[tilespmem:$0x1E000] =	vst v63  }
0x505: {  	s29 =	sadd.s32 $0x1BF98, s7;
	s30 =	sadd.s32 $0x30, s9  }
0x506: {  	[hbm4b:s30+s3] =	stream.linear.scatter [tilespmem:s29], [sflag:$0xA], $0x80, $0x38;
	[tilespmem:$0x1E000] =	vst v63  }
0x507: {  	s11 =	sadd.s32 $0x1C020, s7;
	s12 =	sadd.s32 $0x40, s9  }
0x508: {  	[hbm4b:s12+s3] =	stream.linear.scatter [tilespmem:s11], [sflag:$0xA], $0x80, $0x38;
	[tilespmem:$0x1E000] =	vst v63  }
0x509: {  	s16 =	sadd.s32 $0x1C0A8, s7;
	s19 =	sadd.s32 $0x50, s9  }
0x50a: {  	[hbm4b:s19+s3] =	stream.linear.scatter [tilespmem:s16], [sflag:$0xA], $0x80, $0x38;
	[tilespmem:$0x1E000] =	vst v63  }
0x50b: {  	s20 =	sadd.s32 $0x1C130, s7;
	s22 =	sadd.s32 $0x60, s9  }
0x50c: {  	[hbm4b:s22+s3] =	stream.linear.scatter [tilespmem:s20], [sflag:$0xA], $0x80, $0x38;
	[tilespmem:$0x1E000] =	vst v63  }
0x50d: {  	s24 =	sadd.s32 $0x1C1B8, s7;
	s25 =	sadd.s32 $0x70, s9  }
0x50e: {  	[hbm4b:s25+s3] =	stream.linear.scatter [tilespmem:s24], [sflag:$0xA], $0x80, $0x38;
	[tilespmem:$0x1E000] =	vst v63  }
0x50f: {  	_ =	swait.ge [sflag:s8], $0x2000  }
0x510: {  	[sflag:s8] =	ssyncset.done $0x0  }
0x511: {  	[sflag:s8] =	ssyncadd.s32 $0xFFFFE000  }
0x512: {  	_ =	swait.ge [sflag:s13], $0x2000  }
0x513: {  	s29 =	rddreg [dreg:$0xc]  }
0x514: {  	s30 =	rddreg [dreg:$0xb];
	s9 =	sadd.s32 $0x1, s29  }
0x515: {  	p0 =	sne.s32 s9, s30  }
.Ltmp21:
0x516: {  	_ = 	snop;
	(pc) =	sbr.rel @p0 .LBB2_1-.Ltmp21, $3  }
0x517: {  	_ =	sdelay $0x1  }
0x518: {  	[sflag:s13] =	ssyncset.done $0x0  }
0x519: {  	[sflag:s13] =	ssyncadd.s32 $0xFFFFE000  }
0x51a: {  	_ =	sfence.sel $0x180000  }
0x51b: {  	[bflag:$0x0] =	sbarrier.arrive $0xFFFF  }
0x51c: {  	_ =	strace $0x90000047  }
0x51d: {  	s0 =	stileid.u32;
	[bflag:$0x2] =	sbarrier.arrive $0xFFFF  }
0x51e: {  	p0 =	sne.s32 s0, $0x0;
	s0 =	rddreg [dreg:$0x3]  }
0x51f: {  	s0 =	sadd.s32 @!p0 $0x100000, s0  }
0x520: {  	[sflag:s0] =	ssyncadd.tile.s32 @!p0 $0x1;
	_ =	shalt  }
.Lfunc_end2:
_tile_overlayer_lowered:
.L_overlay_start_2:
0x521: {  	(tag) =	ssettag $0x2  }
0x522: {  	s0 =	rddreg [dreg:$0x0];
	s2 =	stileid.u32  }
0x523: {  	s1 =	rddreg [dreg:$0x1];
	p0 =	sne.s32 s2, $0x0  }
0x524: {  	s3 =	rddreg [dreg:$0x2];
	[bflag:$0x3] =	sbarrier.arrive $0xFFFF;
	s2 =	simm.s32 @!p0 $0x1C0B  }
0x525: {  	[timem:s3], [sflag:s2] =	dma.local @!p0 [hbm:s0], s1  }
0x526: {  	s0 =	simm.s32 @!p0 $0xB  }
0x527: {  	_ =	swait.ge @!p0 [sflag:s0], s1  }
0x528: {  	s1 =	ssub.s32 @!p0 $0x0, s1;
	[sflag:s0] =	ssyncset.done @!p0 $0x0  }
0x529: {  	[sflag:s0] =	ssyncadd.s32 @!p0 s1  }
0x52a: {  	[bflag:$0x3] =	sbarrier.arrive $0xFFFF  }
0x52b: {  	_ =	shalt  }

</sc_bundles>
